<compile_context>
chip_gen: v7x
topology: tpu7x:2x2x1
jax: 0.10.2.dev20260603
libtpu: 0.0.44.dev20260713+nightly
codegen_flags: <defaults>
</compile_context>

<pallas_src>
import functools

import jax
import jax.numpy as jnp
from jax import lax
from jax.experimental import pallas as pl
from jax.experimental.pallas import tpu as pltpu
from jax.experimental.pallas import tpu_sc as plsc

N = 10000
F_IN = 128
HID = 16
C = 40
CP = 40
E = 320000

NC = 2
NS = 16
NT = NC * NS
EPT = E // NT
K = 125
NCH = EPT // K
WIN = 5
NB = NCH // WIN
GROW = WIN * K
NPAD = 10240
RPT = NPAD // NS

_MESH = plsc.VectorSubcoreMesh(core_axis_name="c", subcore_axis_name="s")
_SC_PARAMS = pltpu.CompilerParams(use_tc_tiling_on_sc=False)
_SC_PARAMS_NL = pltpu.CompilerParams(use_tc_tiling_on_sc=False,
                                     needs_layout_passes=False)



def _deg_body(e4_hbm, zeros_hbm, out_hbm, dstv, onesv, acc, sem_s):
    cid = lax.axis_index("c")
    sid = lax.axis_index("s")
    tile = cid * NS + sid
    row0 = sid * RPT
    pltpu.sync_copy(e4_hbm.at[1, tile], dstv)
    pltpu.sync_copy(zeros_hbm, acc.at[pl.ds(row0, RPT)])
    for r in range(K):
        onesv[r] = jnp.ones((HID,), jnp.float32)
    plsc.subcore_barrier()

    DEPTH = 16
    drain1 = out_hbm.at[0, pl.ds(0, K)]

    def chunk(j, carry):
        pltpu.async_copy(onesv, acc.at[dstv.at[j]], sem_s, add=True)

        @pl.when(j >= DEPTH)
        def _():
            pltpu.make_async_copy(drain1, onesv, sem_s).wait()

        return carry

    lax.fori_loop(0, NCH, chunk, 0)
    for _ in range(DEPTH):
        pltpu.make_async_copy(drain1, onesv, sem_s).wait()
    plsc.subcore_barrier()
    pltpu.sync_copy(acc.at[pl.ds(row0, RPT)],
                    out_hbm.at[cid, pl.ds(row0, RPT)])


@functools.partial(
    pl.kernel,
    out_type=jax.ShapeDtypeStruct((NC, NPAD, HID), jnp.float32),
    mesh=_MESH,
    compiler_params=_SC_PARAMS,
    scratch_types=[
        pltpu.VMEM((NCH, K), jnp.int32),
        pltpu.VMEM((K, HID), jnp.float32),
        pltpu.VMEM_SHARED((NPAD, HID), jnp.float32),
        pltpu.SemaphoreType.DMA,
    ],
)
def _deg_pass(e4_hbm, zeros_hbm, out_hbm, dstv, onesv, acc, sem_s):
    _deg_body(e4_hbm, zeros_hbm, out_hbm, dstv, onesv, acc, sem_s)



def _segsum_body(F, table_hbm, e4_hbm, zeros_hbm, out_hbm,
                 srcv, dstv, rows0, rows1, acc, tbl, sg0, sg1, ss0, ss1):
    cid = lax.axis_index("c")
    sid = lax.axis_index("s")
    tile = cid * NS + sid
    row0 = sid * RPT
    pltpu.sync_copy(e4_hbm.at[0, tile], srcv)
    pltpu.sync_copy(e4_hbm.at[1, tile], dstv)
    pltpu.sync_copy(zeros_hbm, acc.at[pl.ds(row0, RPT)])
    if tbl is not None:
        @pl.when(sid < NS - 1)
        def _():
            pltpu.sync_copy(table_hbm.at[pl.ds(row0, RPT)],
                            tbl.at[pl.ds(row0, RPT)])

        @pl.when(sid == NS - 1)
        def _():
            pltpu.sync_copy(
                table_hbm.at[pl.ds((NS - 1) * RPT, N - (NS - 1) * RPT)],
                tbl.at[pl.ds((NS - 1) * RPT, N - (NS - 1) * RPT)])

    plsc.subcore_barrier()

    gsrc = table_hbm if tbl is None else tbl
    drain_src = out_hbm.at[0, pl.ds(0, GROW)]

    def fire_gathers(b, rows_c, sg_c):
        for i in range(WIN):
            j = b * WIN + i
            pltpu.async_copy(gsrc.at[srcv.at[j]],
                             rows_c.at[pl.ds(i * K, K)], sg_c)

    def fire_scatters(b, rows_c, ss_c):
        for i in range(WIN):
            j = b * WIN + i
            pltpu.async_copy(rows_c.at[pl.ds(i * K, K)],
                             acc.at[dstv.at[j]], ss_c, add=True)

    def step(b, rows_c, sg_c, ss_c, rows_o, sg_o, ss_o):
        @pl.when(b >= 2)
        def _():
            pltpu.make_async_copy(drain_src, rows_c, ss_c).wait()

        fire_gathers(b, rows_c, sg_c)

        @pl.when(b >= 1)
        def _():
            pltpu.make_async_copy(drain_src, rows_o, sg_o).wait()
            fire_scatters(b - 1, rows_o, ss_o)

    def body(b, carry):
        @pl.when(b % 2 == 0)
        def _():
            step(b, rows0, sg0, ss0, rows1, sg1, ss1)

        @pl.when(b % 2 == 1)
        def _():
            step(b, rows1, sg1, ss1, rows0, sg0, ss0)

        return carry

    lax.fori_loop(0, NB, body, 0)
    pltpu.make_async_copy(drain_src, rows1, sg1).wait()
    fire_scatters(NB - 1, rows1, ss1)
    pltpu.make_async_copy(drain_src, rows0, ss0).wait()
    pltpu.make_async_copy(drain_src, rows1, ss1).wait()
    plsc.subcore_barrier()
    pltpu.sync_copy(acc.at[pl.ds(row0, RPT)],
                    out_hbm.at[cid, pl.ds(row0, RPT)])


def _make_segsum(F, stage_table):
    @functools.partial(
        pl.kernel,
        out_type=jax.ShapeDtypeStruct((NC, NPAD, F), jnp.float32),
        mesh=_MESH,
        compiler_params=_SC_PARAMS,
        scratch_types=[
            pltpu.VMEM((NCH, K), jnp.int32),
            pltpu.VMEM((NCH, K), jnp.int32),
            pltpu.VMEM((GROW, F), jnp.float32),
            pltpu.VMEM((GROW, F), jnp.float32),
            pltpu.VMEM_SHARED((NPAD, F), jnp.float32),
        ] + ([pltpu.VMEM_SHARED((N, F), jnp.float32)] if stage_table else []) + [
            pltpu.SemaphoreType.DMA,
            pltpu.SemaphoreType.DMA,
            pltpu.SemaphoreType.DMA,
            pltpu.SemaphoreType.DMA,
        ],
    )
    def segsum(table_hbm, e4_hbm, zeros_hbm, out_hbm, srcv, dstv,
               rows0, rows1, acc, *rest):
        if stage_table:
            tbl, sg0, sg1, ss0, ss1 = rest
        else:
            tbl = None
            sg0, sg1, ss0, ss1 = rest
        _segsum_body(F, table_hbm, e4_hbm, zeros_hbm, out_hbm,
                     srcv, dstv, rows0, rows1, acc, tbl, sg0, sg1, ss0, ss1)

    return segsum




def _seg16_body(g1_hbm, degp_hbm, e4_hbm, zeros_hbm, segp_hbm, dinvx_hbm,
                srcv, dstv, rows0, rows1, gbuf, dga, dgb, dvbuf,
                acc, tbl, sg0, sg1, ss0, ss1):
    cid = lax.axis_index("c")
    sid = lax.axis_index("s")
    tile = cid * NS + sid
    row0 = sid * RPT
    pltpu.sync_copy(e4_hbm.at[0, tile], srcv)
    pltpu.sync_copy(e4_hbm.at[1, tile], dstv)
    pltpu.sync_copy(g1_hbm.at[pl.ds(row0, RPT)], gbuf)
    pltpu.sync_copy(degp_hbm.at[0, pl.ds(row0, RPT)], dga)
    pltpu.sync_copy(degp_hbm.at[1, pl.ds(row0, RPT)], dgb)

    zcol = jnp.zeros((16,), jnp.int32)

    def blk(i, carry):
        idxr = i * 16 + lax.iota(jnp.int32, 16)
        a = plsc.load_gather(dga, [idxr, zcol])
        b = plsc.load_gather(dgb, [idxr, zcol])
        d = 1.0 + a + b
        bits = plsc.bitcast(d, jnp.int32)
        y = plsc.bitcast(jnp.int32(0x5F3759DF) - (bits >> 1), jnp.float32)
        for _ in range(3):
            y = y * (1.5 - 0.5 * d * y * y)
        for r in range(16):
            yr = y[r]
            row = i * 16 + r
            gbuf[row] = gbuf[row] * yr
            dvbuf[row] = jnp.zeros((HID,), jnp.float32) + yr
        return carry

    lax.fori_loop(0, RPT // 16, blk, 0)

    pltpu.sync_copy(gbuf, tbl.at[pl.ds(row0, RPT)])

    @pl.when(cid == 0)
    def _():
        pltpu.sync_copy(gbuf, acc.at[pl.ds(row0, RPT)])
        pltpu.sync_copy(dvbuf, dinvx_hbm.at[pl.ds(row0, RPT)])

    @pl.when(cid == 1)
    def _():
        pltpu.sync_copy(zeros_hbm, acc.at[pl.ds(row0, RPT)])

    plsc.subcore_barrier()

    drain_src = segp_hbm.at[0, pl.ds(0, GROW)]

    def fire_gathers(b, rows_c, sg_c):
        for i in range(WIN):
            j = b * WIN + i
            pltpu.async_copy(tbl.at[srcv.at[j]],
                             rows_c.at[pl.ds(i * K, K)], sg_c)

    def fire_scatters(b, rows_c, ss_c):
        for i in range(WIN):
            j = b * WIN + i
            pltpu.async_copy(rows_c.at[pl.ds(i * K, K)],
                             acc.at[dstv.at[j]], ss_c, add=True)

    def step(b, rows_c, sg_c, ss_c, rows_o, sg_o, ss_o):
        @pl.when(b >= 2)
        def _():
            pltpu.make_async_copy(drain_src, rows_c, ss_c).wait()

        fire_gathers(b, rows_c, sg_c)

        @pl.when(b >= 1)
        def _():
            pltpu.make_async_copy(drain_src, rows_o, sg_o).wait()
            fire_scatters(b - 1, rows_o, ss_o)

    def body(b, carry):
        @pl.when(b % 2 == 0)
        def _():
            step(b, rows0, sg0, ss0, rows1, sg1, ss1)

        @pl.when(b % 2 == 1)
        def _():
            step(b, rows1, sg1, ss1, rows0, sg0, ss0)

        return carry

    lax.fori_loop(0, NB, body, 0)
    pltpu.make_async_copy(drain_src, rows1, sg1).wait()
    fire_scatters(NB - 1, rows1, ss1)
    pltpu.make_async_copy(drain_src, rows0, ss0).wait()
    pltpu.make_async_copy(drain_src, rows1, ss1).wait()
    plsc.subcore_barrier()
    pltpu.sync_copy(acc.at[pl.ds(row0, RPT)],
                    segp_hbm.at[cid, pl.ds(row0, RPT)])


@functools.partial(
    pl.kernel,
    out_type=(jax.ShapeDtypeStruct((NC, NPAD, HID), jnp.float32),
              jax.ShapeDtypeStruct((NPAD, HID), jnp.float32)),
    mesh=_MESH,
    compiler_params=_SC_PARAMS_NL,
    scratch_types=[
        pltpu.VMEM((NCH, K), jnp.int32),
        pltpu.VMEM((NCH, K), jnp.int32),
        pltpu.VMEM((GROW, HID), jnp.float32),
        pltpu.VMEM((GROW, HID), jnp.float32),
        pltpu.VMEM((RPT, HID), jnp.float32),
        pltpu.VMEM((RPT, HID), jnp.float32),
        pltpu.VMEM((RPT, HID), jnp.float32),
        pltpu.VMEM((RPT, HID), jnp.float32),
        pltpu.VMEM_SHARED((NPAD, HID), jnp.float32),
        pltpu.VMEM_SHARED((NPAD, HID), jnp.float32),
        pltpu.SemaphoreType.DMA,
        pltpu.SemaphoreType.DMA,
        pltpu.SemaphoreType.DMA,
        pltpu.SemaphoreType.DMA,
    ],
)
def _seg16_merged(g1_hbm, degp_hbm, e4_hbm, zeros_hbm, segp_hbm, dinvx_hbm,
                  srcv, dstv, rows0, rows1, gbuf, dga, dgb, dvbuf,
                  acc, tbl, sg0, sg1, ss0, ss1):
    _seg16_body(g1_hbm, degp_hbm, e4_hbm, zeros_hbm, segp_hbm, dinvx_hbm,
                srcv, dstv, rows0, rows1, gbuf, dga, dgb, dvbuf,
                acc, tbl, sg0, sg1, ss0, ss1)


_segsum48 = _make_segsum(CP, stage_table=False)



def _mm1_body(x_ref, w1_ref, g1_ref):
    g = jnp.dot(x_ref[...], w1_ref[...], preferred_element_type=jnp.float32)
    g1_ref[...] = jnp.concatenate(
        [g, jnp.zeros((NPAD - N, HID), jnp.float32)], axis=0)


def _dense2_body(segp_ref, dinvx_ref, b1_ref, w2_ref, gs2_ref):
    dinv = dinvx_ref[:N, 0:1]
    seg = segp_ref[0, :N] + segp_ref[1, :N]
    h1 = jnp.maximum(dinv * seg + b1_ref[...], 0.0)
    g2 = jnp.dot(h1, w2_ref[...], preferred_element_type=jnp.float32)
    gs2_ref[...] = dinv * g2


def _dense3_body(segp_ref, gs2_ref, dinvx_ref, b2_ref, out_ref):
    dinv = dinvx_ref[:N, 0:1]
    seg = segp_ref[0, :N] + segp_ref[1, :N]
    o = dinv * (seg + gs2_ref[...]) + b2_ref[...]
    m = jnp.max(o, axis=1, keepdims=True)
    lse = jnp.log(jnp.sum(jnp.exp(o - m), axis=1, keepdims=True)) + m
    out_ref[...] = o - lse


def _mm1(x, W1):
    return pl.pallas_call(
        _mm1_body,
        out_shape=jax.ShapeDtypeStruct((NPAD, HID), jnp.float32),
    )(x, W1)


def _dense2(segp, dinvx, b1, W2):
    return pl.pallas_call(
        _dense2_body,
        out_shape=jax.ShapeDtypeStruct((N, CP), jnp.float32),
    )(segp, dinvx, b1.reshape(1, HID), W2)


def _dense3(segp, gs2, dinvx, b2):
    return pl.pallas_call(
        _dense3_body,
        out_shape=jax.ShapeDtypeStruct((N, C), jnp.float32),
    )(segp, gs2, dinvx, b2.reshape(1, C))


def kernel(x, edge_index, W1, b1, W2, b2):
    e4 = edge_index.reshape(2, NT, NCH, K)
    z16 = jnp.zeros((RPT, HID), jnp.float32)
    z48 = jnp.zeros((RPT, CP), jnp.float32)

    degp = _deg_pass(e4, z16)
    g1 = _mm1(x, W1)
    segp1, dinvx = _seg16_merged(g1, degp, e4, z16)
    gs2 = _dense2(segp1, dinvx, b1, W2)
    segp2 = _segsum48(gs2, e4, z48)
    return _dense3(segp2, gs2, dinvx, b2)

# --- scband reference (transcript-rebuilt; emitter-appended) ---
"""Pipeline reference for scband-net-45707041964090 (READ-ONLY COPY).

The authoritative reference and input builder live on the scoring server;
editing this copy changes nothing except your own understanding.
"""

import jax, jax.numpy as jnp
import numpy as np

N = 10000
E = 320000
F_IN = 128
HID = 16
C = 40


def setup_inputs(seed: int = 0) -> dict:
    key = jax.random.key(seed)
    k1, k2, k3, k4 = jax.random.split(key, 4)
    x = jax.random.normal(k1, (N, F_IN), dtype=jnp.float32)
    edge_index = jax.random.randint(k2, (2, E), 0, N, dtype=jnp.int32)
    s1 = float(np.sqrt(6.0 / (F_IN + HID)))
    s2 = float(np.sqrt(6.0 / (HID + C)))
    W1 = jax.random.uniform(k3, (F_IN, HID), dtype=jnp.float32, minval=-s1, maxval=s1)
    b1 = jnp.zeros((HID,), dtype=jnp.float32)
    W2 = jax.random.uniform(k4, (HID, C), dtype=jnp.float32, minval=-s2, maxval=s2)
    b2 = jnp.zeros((C,), dtype=jnp.float32)
    return {"x": x, "edge_index": edge_index, "W1": W1, "b1": b1, "W2": W2, "b2": b2}


def gcn_conv(x, edge_index, W, b, n_nodes):
    # PyG GCNConv: add self-loops, symmetric normalization D^-1/2 (A+I) D^-1/2 X W + b
    loop = jnp.arange(n_nodes, dtype=edge_index.dtype)
    src = jnp.concatenate([edge_index[0], loop])
    dst = jnp.concatenate([edge_index[1], loop])
    deg = jax.ops.segment_sum(jnp.ones_like(src, dtype=x.dtype), dst, num_segments=n_nodes)
    dinv = jnp.where(deg > 0, deg ** -0.5, 0.0)
    norm = dinv[src] * dinv[dst]
    h = x @ W
    msgs = h[src] * norm[:, None]
    out = jax.ops.segment_sum(msgs, dst, num_segments=n_nodes)
    return out + b


def reference(x, edge_index, W1, b1, W2, b2):
    n_nodes = x.shape[0]
    h = jax.nn.relu(gcn_conv(x, edge_index, W1, b1, n_nodes))
    # dropout is identity in eval mode (training=self.training, module in eval)
    h = gcn_conv(h, edge_index, W2, b2, n_nodes)
    return jax.nn.log_softmax(h, axis=1)

if __name__ == "__main__":
    import jax
    _d = setup_inputs()
    print(jax.jit(kernel)(*tuple(_d.values())))

</pallas_src>

<mosaic_0001>
#map = affine_map<(d0, d1) -> (0, 0)>
#map1 = affine_map<(d0, d1) -> (0, 0, 0, 0)>
#map2 = affine_map<(d0, d1) -> (0, 0, 0)>
module attributes {stable_mosaic.version = 14 : i64} {
  func.func @segsum(%arg0: i32, %arg1: i32, %arg2: memref<10000x40xf32, #tpu.memory_space<hbm>>, %arg3: memref<2x32x80x125xi32, #tpu.memory_space<hbm>>, %arg4: memref<640x40xf32, #tpu.memory_space<hbm>>, %arg5: memref<2x10240x40xf32, #tpu.memory_space<hbm>>, %arg6: memref<80x125xi32, #tpu.memory_space<vmem>>, %arg7: memref<80x125xi32, #tpu.memory_space<vmem>>, %arg8: memref<625x40xf32, #tpu.memory_space<vmem>>, %arg9: memref<625x40xf32, #tpu.memory_space<vmem>>, %arg10: memref<10240x40xf32, #tpu.memory_space<vmem_shared>>, %arg11: memref<!tpu.dma_semaphore, #tpu.memory_space<semaphore_mem>>, %arg12: memref<!tpu.dma_semaphore, #tpu.memory_space<semaphore_mem>>, %arg13: memref<!tpu.dma_semaphore, #tpu.memory_space<semaphore_mem>>, %arg14: memref<!tpu.dma_semaphore, #tpu.memory_space<semaphore_mem>>) attributes {dimension_semantics = [#tpu.dimension_semantics<core_parallel>, #tpu.dimension_semantics<subcore_parallel>], iteration_bounds = array<i64: 2, 16>, scalar_prefetch = 0 : i64, scratch_operands = 9 : i64, tpu.core_type = #tpu.core_type<sc_vector_subcore>, window_params = [{transform_indices = #map}, {transform_indices = #map1}, {transform_indices = #map}, {transform_indices = #map2}]} {
    %mul3A = arith.constant 16 : i32
    %mul3A_0 = arith.muli %arg0, %mul3A : i32
    %add3A = arith.addi %mul3A_0, %arg1 : i32
    %mul3A_1 = arith.constant 640 : i32
    %mul3A_2 = arith.muli %arg1, %mul3A_1 : i32
    %run_scoped3A = arith.constant 0 : i32
    "tpu.region"() ({
      %run_scoped3A_86 = tpu.sem_alloc : memref<!tpu.dma_semaphore, #tpu.memory_space<semaphore_mem>>
      %dma_start3A_87 = arith.constant 0 : i32
      %dma_start3A_88 = arith.constant 0 : i32
      %dma_start3A_89 = tpu.memref_slice %arg3[%run_scoped3A, %add3A, %dma_start3A_87, %dma_start3A_88] : memref<2x32x80x125xi32, #tpu.memory_space<hbm>> -> memref<1x1x80x125xi32, #tpu.memory_space<hbm>>
      %dma_start3A_90 = tpu.memref_squeeze %dma_start3A_89 : memref<1x1x80x125xi32, #tpu.memory_space<hbm>> -> memref<80x125xi32, #tpu.memory_space<hbm>>
      %dma_start3A_91 = arith.constant 0 : i32
      %dma_start3A_92 = arith.constant 0 : i32
      %dma_start3A_93 = tpu.memref_slice %arg3[%run_scoped3A, %add3A, %dma_start3A_91, %dma_start3A_92] : memref<2x32x80x125xi32, #tpu.memory_space<hbm>> -> memref<1x1x80x125xi32, #tpu.memory_space<hbm>>
      %dma_start3A_94 = tpu.memref_squeeze %dma_start3A_93 : memref<1x1x80x125xi32, #tpu.memory_space<hbm>> -> memref<80x125xi32, #tpu.memory_space<hbm>>
      tpu.enqueue_dma source(%dma_start3A_94 : memref<80x125xi32, #tpu.memory_space<hbm>>) target(%arg6 : memref<80x125xi32, #tpu.memory_space<vmem>>) target_semaphore(%run_scoped3A_86 : memref<!tpu.dma_semaphore, #tpu.memory_space<semaphore_mem>>)
      %dma_wait3A_95 = arith.constant 0 : i32
      %dma_wait3A_96 = arith.constant 0 : i32
      %dma_wait3A_97 = tpu.memref_slice %arg3[%run_scoped3A, %add3A, %dma_wait3A_95, %dma_wait3A_96] : memref<2x32x80x125xi32, #tpu.memory_space<hbm>> -> memref<1x1x80x125xi32, #tpu.memory_space<hbm>>
      %dma_wait3A_98 = tpu.memref_squeeze %dma_wait3A_97 : memref<1x1x80x125xi32, #tpu.memory_space<hbm>> -> memref<80x125xi32, #tpu.memory_space<hbm>>
      %dma_wait3A_99 = arith.constant 0 : i32
      %dma_wait3A_100 = arith.constant 0 : i32
      %dma_wait3A_101 = tpu.memref_slice %arg3[%run_scoped3A, %add3A, %dma_wait3A_99, %dma_wait3A_100] : memref<2x32x80x125xi32, #tpu.memory_space<hbm>> -> memref<1x1x80x125xi32, #tpu.memory_space<hbm>>
      %dma_wait3A_102 = tpu.memref_squeeze %dma_wait3A_101 : memref<1x1x80x125xi32, #tpu.memory_space<hbm>> -> memref<80x125xi32, #tpu.memory_space<hbm>>
      tpu.wait_dma2 semaphore(%run_scoped3A_86 : memref<!tpu.dma_semaphore, #tpu.memory_space<semaphore_mem>>) src(%dma_wait3A_102 : memref<80x125xi32, #tpu.memory_space<hbm>>) dst(%arg6 : memref<80x125xi32, #tpu.memory_space<vmem>>)
      tpu.yield
    }) : () -> ()
    %run_scoped3A_3 = arith.constant 1 : i32
    "tpu.region"() ({
      %run_scoped3A_86 = tpu.sem_alloc : memref<!tpu.dma_semaphore, #tpu.memory_space<semaphore_mem>>
      %dma_start3A_87 = arith.constant 0 : i32
      %dma_start3A_88 = arith.constant 0 : i32
      %dma_start3A_89 = tpu.memref_slice %arg3[%run_scoped3A_3, %add3A, %dma_start3A_87, %dma_start3A_88] : memref<2x32x80x125xi32, #tpu.memory_space<hbm>> -> memref<1x1x80x125xi32, #tpu.memory_space<hbm>>
      %dma_start3A_90 = tpu.memref_squeeze %dma_start3A_89 : memref<1x1x80x125xi32, #tpu.memory_space<hbm>> -> memref<80x125xi32, #tpu.memory_space<hbm>>
      %dma_start3A_91 = arith.constant 0 : i32
      %dma_start3A_92 = arith.constant 0 : i32
      %dma_start3A_93 = tpu.memref_slice %arg3[%run_scoped3A_3, %add3A, %dma_start3A_91, %dma_start3A_92] : memref<2x32x80x125xi32, #tpu.memory_space<hbm>> -> memref<1x1x80x125xi32, #tpu.memory_space<hbm>>
      %dma_start3A_94 = tpu.memref_squeeze %dma_start3A_93 : memref<1x1x80x125xi32, #tpu.memory_space<hbm>> -> memref<80x125xi32, #tpu.memory_space<hbm>>
      tpu.enqueue_dma source(%dma_start3A_94 : memref<80x125xi32, #tpu.memory_space<hbm>>) target(%arg7 : memref<80x125xi32, #tpu.memory_space<vmem>>) target_semaphore(%run_scoped3A_86 : memref<!tpu.dma_semaphore, #tpu.memory_space<semaphore_mem>>)
      %dma_wait3A_95 = arith.constant 0 : i32
      %dma_wait3A_96 = arith.constant 0 : i32
      %dma_wait3A_97 = tpu.memref_slice %arg3[%run_scoped3A_3, %add3A, %dma_wait3A_95, %dma_wait3A_96] : memref<2x32x80x125xi32, #tpu.memory_space<hbm>> -> memref<1x1x80x125xi32, #tpu.memory_space<hbm>>
      %dma_wait3A_98 = tpu.memref_squeeze %dma_wait3A_97 : memref<1x1x80x125xi32, #tpu.memory_space<hbm>> -> memref<80x125xi32, #tpu.memory_space<hbm>>
      %dma_wait3A_99 = arith.constant 0 : i32
      %dma_wait3A_100 = arith.constant 0 : i32
      %dma_wait3A_101 = tpu.memref_slice %arg3[%run_scoped3A_3, %add3A, %dma_wait3A_99, %dma_wait3A_100] : memref<2x32x80x125xi32, #tpu.memory_space<hbm>> -> memref<1x1x80x125xi32, #tpu.memory_space<hbm>>
      %dma_wait3A_102 = tpu.memref_squeeze %dma_wait3A_101 : memref<1x1x80x125xi32, #tpu.memory_space<hbm>> -> memref<80x125xi32, #tpu.memory_space<hbm>>
      tpu.wait_dma2 semaphore(%run_scoped3A_86 : memref<!tpu.dma_semaphore, #tpu.memory_space<semaphore_mem>>) src(%dma_wait3A_102 : memref<80x125xi32, #tpu.memory_space<hbm>>) dst(%arg7 : memref<80x125xi32, #tpu.memory_space<vmem>>)
      tpu.yield
    }) : () -> ()
    "tpu.region"() ({
      %run_scoped3A_86 = tpu.sem_alloc : memref<!tpu.dma_semaphore, #tpu.memory_space<semaphore_mem>>
      %dma_start3A_87 = arith.constant 0 : i32
      %dma_start3A_88 = tpu.memref_slice %arg10[%mul3A_2, %dma_start3A_87] : memref<10240x40xf32, #tpu.memory_space<vmem_shared>> -> memref<640x40xf32, #tpu.memory_space<vmem_shared>>
      tpu.enqueue_dma source(%arg4 : memref<640x40xf32, #tpu.memory_space<hbm>>) target(%dma_start3A_88 : memref<640x40xf32, #tpu.memory_space<vmem_shared>>) target_semaphore(%run_scoped3A_86 : memref<!tpu.dma_semaphore, #tpu.memory_space<semaphore_mem>>)
      %dma_wait3A_89 = arith.constant 0 : i32
      %dma_wait3A_90 = tpu.memref_slice %arg10[%mul3A_2, %dma_wait3A_89] : memref<10240x40xf32, #tpu.memory_space<vmem_shared>> -> memref<640x40xf32, #tpu.memory_space<vmem_shared>>
      tpu.wait_dma2 semaphore(%run_scoped3A_86 : memref<!tpu.dma_semaphore, #tpu.memory_space<semaphore_mem>>) src(%arg4 : memref<640x40xf32, #tpu.memory_space<hbm>>) dst(%dma_wait3A_90 : memref<640x40xf32, #tpu.memory_space<vmem_shared>>)
      tpu.yield
    }) : () -> ()
    %barrier3A = arith.constant 0 : index
    tpu.barrier barrier_id(%barrier3A)
    %scan3A = arith.constant 0 : i32
    %scan3A_4 = arith.constant 0 : i32
    %scan3A_5 = arith.constant 0 : i32
    %scan3A_6 = arith.constant 16 : i32
    %scan3A_7 = arith.addi %scan3A_5, %scan3A_6 : i32
    %scan3A_8 = arith.constant 1 : i32
    scf.for %scan3A_86 = %scan3A_5 to %scan3A_7 step %scan3A_8  : i32 {
      %jit3A = arith.constant 2 : i32
      %eq3A = arith.constant 0 : i32
      %eq3A_87 = arith.cmpi eq, %jit3A, %eq3A : i32
      %jit3A_88 = arith.constant 1 : i32
      %select_n3A = arith.select %eq3A_87, %jit3A_88, %jit3A : i32
      %rem3A = arith.remsi %scan3A_86, %select_n3A : i32
      %ne3A = arith.constant 0 : i32
      %ne3A_89 = arith.cmpi ne, %rem3A, %ne3A : i32
      %lt3A = arith.constant 0 : i32
      %lt3A_90 = arith.cmpi slt, %rem3A, %lt3A : i32
      %lt3A_91 = arith.constant 0 : i32
      %lt3A_92 = arith.cmpi slt, %select_n3A, %lt3A_91 : i32
      %ne3A_93 = arith.xori %lt3A_90, %lt3A_92 : i1
      %and3A = arith.andi %ne3A_93, %ne3A_89 : i1
      %add3A_94 = arith.addi %rem3A, %select_n3A : i32
      %select_n3A_95 = arith.select %and3A, %add3A_94, %rem3A : i32
      %eq3A_96 = arith.constant 0 : i32
      %eq3A_97 = arith.cmpi eq, %select_n3A_95, %eq3A_96 : i32
      %convert_element_type3A = arith.extui %eq3A_97 : i1 to i32
      %cond3A = arith.constant 0 : i32
      %cond3A_98 = arith.cmpi ne, %convert_element_type3A, %cond3A : i32
      scf.if %cond3A_98 {
        %ge3A = arith.constant 2 : i32
        %ge3A_120 = arith.cmpi sge, %scan3A_86, %ge3A : i32
        %convert_element_type3A_121 = arith.extui %ge3A_120 : i1 to i32
        %cond3A_122 = arith.constant 0 : i32
        %cond3A_123 = arith.cmpi ne, %convert_element_type3A_121, %cond3A_122 : i32
        scf.if %cond3A_123 {
          %dma_wait3A_194 = arith.constant 0 : i32
          %dma_wait3A_195 = arith.constant 0 : i32
          %dma_wait3A_196 = tpu.memref_slice %arg5[%scan3A_4, %dma_wait3A_194, %dma_wait3A_195] : memref<2x10240x40xf32, #tpu.memory_space<hbm>> -> memref<1x625x40xf32, #tpu.memory_space<hbm>>
          %dma_wait3A_197 = tpu.memref_squeeze %dma_wait3A_196 : memref<1x625x40xf32, #tpu.memory_space<hbm>> -> memref<625x40xf32, #tpu.memory_space<hbm>>
          %dma_wait3A_198 = arith.constant 0 : i32
          %dma_wait3A_199 = arith.constant 0 : i32
          %dma_wait3A_200 = tpu.memref_slice %arg5[%scan3A_4, %dma_wait3A_198, %dma_wait3A_199] : memref<2x10240x40xf32, #tpu.memory_space<hbm>> -> memref<1x625x40xf32, #tpu.memory_space<hbm>>
          %dma_wait3A_201 = tpu.memref_squeeze %dma_wait3A_200 : memref<1x625x40xf32, #tpu.memory_space<hbm>> -> memref<625x40xf32, #tpu.memory_space<hbm>>
          tpu.wait_dma2 semaphore(%arg13 : memref<!tpu.dma_semaphore, #tpu.memory_space<semaphore_mem>>) src(%dma_wait3A_201 : memref<625x40xf32, #tpu.memory_space<hbm>>) dst(%arg8 : memref<625x40xf32, #tpu.memory_space<vmem>>)
        } else {
        }
        %mul3A_124 = arith.constant 5 : i32
        %mul3A_125 = arith.muli %scan3A_86, %mul3A_124 : i32
        %add3A_126 = arith.constant 0 : i32
        %add3A_127 = arith.addi %mul3A_125, %add3A_126 : i32
        %dma_start3A_128 = arith.constant 0 : i32
        %dma_start3A_129 = arith.constant 0 : i32
        %dma_start3A_130 = tpu.memref_slice %arg8[%dma_start3A_128, %dma_start3A_129] : memref<625x40xf32, #tpu.memory_space<vmem>> -> memref<125x40xf32, #tpu.memory_space<vmem>>
        %dma_start3A_131 = arith.constant 0 : i32
        %dma_start3A_132 = tpu.memref_slice %arg6[%add3A_127, %dma_start3A_131] : memref<80x125xi32, #tpu.memory_space<vmem>> -> memref<1x125xi32, #tpu.memory_space<vmem>>
        %dma_start3A_133 = tpu.memref_squeeze %dma_start3A_132 : memref<1x125xi32, #tpu.memory_space<vmem>> -> memref<125xi32, #tpu.memory_space<vmem>>
        %dma_start3A_134 = arith.constant 0 : i32
        %dma_start3A_135 = arith.constant 0 : i32
        %dma_start3A_136 = tpu.memref_slice %arg2[%dma_start3A_134, %dma_start3A_135] : memref<10000x40xf32, #tpu.memory_space<hbm>> -> memref<10000x40xf32, #tpu.memory_space<hbm>>
        tpu.enqueue_indirect_dma source(%dma_start3A_136 : memref<10000x40xf32, #tpu.memory_space<hbm>>) target(%dma_start3A_130 : memref<125x40xf32, #tpu.memory_space<vmem>>) offsets(%dma_start3A_133 : memref<125xi32, #tpu.memory_space<vmem>>) semaphore(%arg11 : memref<!tpu.dma_semaphore, #tpu.memory_space<semaphore_mem>>)
        %mul3A_137 = arith.constant 5 : i32
        %mul3A_138 = arith.muli %scan3A_86, %mul3A_137 : i32
        %add3A_139 = arith.constant 1 : i32
        %add3A_140 = arith.addi %mul3A_138, %add3A_139 : i32
        %dma_start3A_141 = arith.constant 125 : i32
        %dma_start3A_142 = arith.constant 0 : i32
        %dma_start3A_143 = tpu.memref_slice %arg8[%dma_start3A_141, %dma_start3A_142] : memref<625x40xf32, #tpu.memory_space<vmem>> -> memref<125x40xf32, #tpu.memory_space<vmem>>
        %dma_start3A_144 = arith.constant 0 : i32
        %dma_start3A_145 = tpu.memref_slice %arg6[%add3A_140, %dma_start3A_144] : memref<80x125xi32, #tpu.memory_space<vmem>> -> memref<1x125xi32, #tpu.memory_space<vmem>>
        %dma_start3A_146 = tpu.memref_squeeze %dma_start3A_145 : memref<1x125xi32, #tpu.memory_space<vmem>> -> memref<125xi32, #tpu.memory_space<vmem>>
        %dma_start3A_147 = arith.constant 0 : i32
        %dma_start3A_148 = arith.constant 0 : i32
        %dma_start3A_149 = tpu.memref_slice %arg2[%dma_start3A_147, %dma_start3A_148] : memref<10000x40xf32, #tpu.memory_space<hbm>> -> memref<10000x40xf32, #tpu.memory_space<hbm>>
        tpu.enqueue_indirect_dma source(%dma_start3A_149 : memref<10000x40xf32, #tpu.memory_space<hbm>>) target(%dma_start3A_143 : memref<125x40xf32, #tpu.memory_space<vmem>>) offsets(%dma_start3A_146 : memref<125xi32, #tpu.memory_space<vmem>>) semaphore(%arg11 : memref<!tpu.dma_semaphore, #tpu.memory_space<semaphore_mem>>)
        %mul3A_150 = arith.constant 5 : i32
        %mul3A_151 = arith.muli %scan3A_86, %mul3A_150 : i32
        %add3A_152 = arith.constant 2 : i32
        %add3A_153 = arith.addi %mul3A_151, %add3A_152 : i32
        %dma_start3A_154 = arith.constant 250 : i32
        %dma_start3A_155 = arith.constant 0 : i32
        %dma_start3A_156 = tpu.memref_slice %arg8[%dma_start3A_154, %dma_start3A_155] : memref<625x40xf32, #tpu.memory_space<vmem>> -> memref<125x40xf32, #tpu.memory_space<vmem>>
        %dma_start3A_157 = arith.constant 0 : i32
        %dma_start3A_158 = tpu.memref_slice %arg6[%add3A_153, %dma_start3A_157] : memref<80x125xi32, #tpu.memory_space<vmem>> -> memref<1x125xi32, #tpu.memory_space<vmem>>
        %dma_start3A_159 = tpu.memref_squeeze %dma_start3A_158 : memref<1x125xi32, #tpu.memory_space<vmem>> -> memref<125xi32, #tpu.memory_space<vmem>>
        %dma_start3A_160 = arith.constant 0 : i32
        %dma_start3A_161 = arith.constant 0 : i32
        %dma_start3A_162 = tpu.memref_slice %arg2[%dma_start3A_160, %dma_start3A_161] : memref<10000x40xf32, #tpu.memory_space<hbm>> -> memref<10000x40xf32, #tpu.memory_space<hbm>>
        tpu.enqueue_indirect_dma source(%dma_start3A_162 : memref<10000x40xf32, #tpu.memory_space<hbm>>) target(%dma_start3A_156 : memref<125x40xf32, #tpu.memory_space<vmem>>) offsets(%dma_start3A_159 : memref<125xi32, #tpu.memory_space<vmem>>) semaphore(%arg11 : memref<!tpu.dma_semaphore, #tpu.memory_space<semaphore_mem>>)
        %mul3A_163 = arith.constant 5 : i32
        %mul3A_164 = arith.muli %scan3A_86, %mul3A_163 : i32
        %add3A_165 = arith.constant 3 : i32
        %add3A_166 = arith.addi %mul3A_164, %add3A_165 : i32
        %dma_start3A_167 = arith.constant 375 : i32
        %dma_start3A_168 = arith.constant 0 : i32
        %dma_start3A_169 = tpu.memref_slice %arg8[%dma_start3A_167, %dma_start3A_168] : memref<625x40xf32, #tpu.memory_space<vmem>> -> memref<125x40xf32, #tpu.memory_space<vmem>>
        %dma_start3A_170 = arith.constant 0 : i32
        %dma_start3A_171 = tpu.memref_slice %arg6[%add3A_166, %dma_start3A_170] : memref<80x125xi32, #tpu.memory_space<vmem>> -> memref<1x125xi32, #tpu.memory_space<vmem>>
        %dma_start3A_172 = tpu.memref_squeeze %dma_start3A_171 : memref<1x125xi32, #tpu.memory_space<vmem>> -> memref<125xi32, #tpu.memory_space<vmem>>
        %dma_start3A_173 = arith.constant 0 : i32
        %dma_start3A_174 = arith.constant 0 : i32
        %dma_start3A_175 = tpu.memref_slice %arg2[%dma_start3A_173, %dma_start3A_174] : memref<10000x40xf32, #tpu.memory_space<hbm>> -> memref<10000x40xf32, #tpu.memory_space<hbm>>
        tpu.enqueue_indirect_dma source(%dma_start3A_175 : memref<10000x40xf32, #tpu.memory_space<hbm>>) target(%dma_start3A_169 : memref<125x40xf32, #tpu.memory_space<vmem>>) offsets(%dma_start3A_172 : memref<125xi32, #tpu.memory_space<vmem>>) semaphore(%arg11 : memref<!tpu.dma_semaphore, #tpu.memory_space<semaphore_mem>>)
        %mul3A_176 = arith.constant 5 : i32
        %mul3A_177 = arith.muli %scan3A_86, %mul3A_176 : i32
        %add3A_178 = arith.constant 4 : i32
        %add3A_179 = arith.addi %mul3A_177, %add3A_178 : i32
        %dma_start3A_180 = arith.constant 500 : i32
        %dma_start3A_181 = arith.constant 0 : i32
        %dma_start3A_182 = tpu.memref_slice %arg8[%dma_start3A_180, %dma_start3A_181] : memref<625x40xf32, #tpu.memory_space<vmem>> -> memref<125x40xf32, #tpu.memory_space<vmem>>
        %dma_start3A_183 = arith.constant 0 : i32
        %dma_start3A_184 = tpu.memref_slice %arg6[%add3A_179, %dma_start3A_183] : memref<80x125xi32, #tpu.memory_space<vmem>> -> memref<1x125xi32, #tpu.memory_space<vmem>>
        %dma_start3A_185 = tpu.memref_squeeze %dma_start3A_184 : memref<1x125xi32, #tpu.memory_space<vmem>> -> memref<125xi32, #tpu.memory_space<vmem>>
        %dma_start3A_186 = arith.constant 0 : i32
        %dma_start3A_187 = arith.constant 0 : i32
        %dma_start3A_188 = tpu.memref_slice %arg2[%dma_start3A_186, %dma_start3A_187] : memref<10000x40xf32, #tpu.memory_space<hbm>> -> memref<10000x40xf32, #tpu.memory_space<hbm>>
        tpu.enqueue_indirect_dma source(%dma_start3A_188 : memref<10000x40xf32, #tpu.memory_space<hbm>>) target(%dma_start3A_182 : memref<125x40xf32, #tpu.memory_space<vmem>>) offsets(%dma_start3A_185 : memref<125xi32, #tpu.memory_space<vmem>>) semaphore(%arg11 : memref<!tpu.dma_semaphore, #tpu.memory_space<semaphore_mem>>)
        %ge3A_189 = arith.constant 1 : i32
        %ge3A_190 = arith.cmpi sge, %scan3A_86, %ge3A_189 : i32
        %convert_element_type3A_191 = arith.extui %ge3A_190 : i1 to i32
        %cond3A_192 = arith.constant 0 : i32
        %cond3A_193 = arith.cmpi ne, %convert_element_type3A_191, %cond3A_192 : i32
        scf.if %cond3A_193 {
          %dma_wait3A_194 = arith.constant 0 : i32
          %dma_wait3A_195 = arith.constant 0 : i32
          %dma_wait3A_196 = tpu.memref_slice %arg5[%scan3A_4, %dma_wait3A_194, %dma_wait3A_195] : memref<2x10240x40xf32, #tpu.memory_space<hbm>> -> memref<1x625x40xf32, #tpu.memory_space<hbm>>
          %dma_wait3A_197 = tpu.memref_squeeze %dma_wait3A_196 : memref<1x625x40xf32, #tpu.memory_space<hbm>> -> memref<625x40xf32, #tpu.memory_space<hbm>>
          %dma_wait3A_198 = arith.constant 0 : i32
          %dma_wait3A_199 = arith.constant 0 : i32
          %dma_wait3A_200 = tpu.memref_slice %arg5[%scan3A_4, %dma_wait3A_198, %dma_wait3A_199] : memref<2x10240x40xf32, #tpu.memory_space<hbm>> -> memref<1x625x40xf32, #tpu.memory_space<hbm>>
          %dma_wait3A_201 = tpu.memref_squeeze %dma_wait3A_200 : memref<1x625x40xf32, #tpu.memory_space<hbm>> -> memref<625x40xf32, #tpu.memory_space<hbm>>
          tpu.wait_dma2 semaphore(%arg12 : memref<!tpu.dma_semaphore, #tpu.memory_space<semaphore_mem>>) src(%dma_wait3A_201 : memref<625x40xf32, #tpu.memory_space<hbm>>) dst(%arg9 : memref<625x40xf32, #tpu.memory_space<vmem>>)
          %sub3A = arith.constant 1 : i32
          %sub3A_202 = arith.subi %scan3A_86, %sub3A : i32
          %mul3A_203 = arith.constant 5 : i32
          %mul3A_204 = arith.muli %sub3A_202, %mul3A_203 : i32
          %add3A_205 = arith.constant 0 : i32
          %add3A_206 = arith.addi %mul3A_204, %add3A_205 : i32
          %dma_start3A_207 = arith.constant 0 : i32
          %dma_start3A_208 = arith.constant 0 : i32
          %dma_start3A_209 = tpu.memref_slice %arg9[%dma_start3A_207, %dma_start3A_208] : memref<625x40xf32, #tpu.memory_space<vmem>> -> memref<125x40xf32, #tpu.memory_space<vmem>>
          %dma_start3A_210 = arith.constant 0 : i32
          %dma_start3A_211 = tpu.memref_slice %arg7[%add3A_206, %dma_start3A_210] : memref<80x125xi32, #tpu.memory_space<vmem>> -> memref<1x125xi32, #tpu.memory_space<vmem>>
          %dma_start3A_212 = tpu.memref_squeeze %dma_start3A_211 : memref<1x125xi32, #tpu.memory_space<vmem>> -> memref<125xi32, #tpu.memory_space<vmem>>
          %dma_start3A_213 = arith.constant 0 : i32
          %dma_start3A_214 = arith.constant 0 : i32
          %dma_start3A_215 = tpu.memref_slice %arg10[%dma_start3A_213, %dma_start3A_214] : memref<10240x40xf32, #tpu.memory_space<vmem_shared>> -> memref<10240x40xf32, #tpu.memory_space<vmem_shared>>
          tpu.enqueue_indirect_dma source(%dma_start3A_209 : memref<125x40xf32, #tpu.memory_space<vmem>>) target(%dma_start3A_215 : memref<10240x40xf32, #tpu.memory_space<vmem_shared>>) offsets(%dma_start3A_212 : memref<125xi32, #tpu.memory_space<vmem>>) semaphore(%arg14 : memref<!tpu.dma_semaphore, #tpu.memory_space<semaphore_mem>>) {add = true}
          %mul3A_216 = arith.constant 5 : i32
          %mul3A_217 = arith.muli %sub3A_202, %mul3A_216 : i32
          %add3A_218 = arith.constant 1 : i32
          %add3A_219 = arith.addi %mul3A_217, %add3A_218 : i32
          %dma_start3A_220 = arith.constant 125 : i32
          %dma_start3A_221 = arith.constant 0 : i32
          %dma_start3A_222 = tpu.memref_slice %arg9[%dma_start3A_220, %dma_start3A_221] : memref<625x40xf32, #tpu.memory_space<vmem>> -> memref<125x40xf32, #tpu.memory_space<vmem>>
          %dma_start3A_223 = arith.constant 0 : i32
          %dma_start3A_224 = tpu.memref_slice %arg7[%add3A_219, %dma_start3A_223] : memref<80x125xi32, #tpu.memory_space<vmem>> -> memref<1x125xi32, #tpu.memory_space<vmem>>
          %dma_start3A_225 = tpu.memref_squeeze %dma_start3A_224 : memref<1x125xi32, #tpu.memory_space<vmem>> -> memref<125xi32, #tpu.memory_space<vmem>>
          %dma_start3A_226 = arith.constant 0 : i32
          %dma_start3A_227 = arith.constant 0 : i32
          %dma_start3A_228 = tpu.memref_slice %arg10[%dma_start3A_226, %dma_start3A_227] : memref<10240x40xf32, #tpu.memory_space<vmem_shared>> -> memref<10240x40xf32, #tpu.memory_space<vmem_shared>>
          tpu.enqueue_indirect_dma source(%dma_start3A_222 : memref<125x40xf32, #tpu.memory_space<vmem>>) target(%dma_start3A_228 : memref<10240x40xf32, #tpu.memory_space<vmem_shared>>) offsets(%dma_start3A_225 : memref<125xi32, #tpu.memory_space<vmem>>) semaphore(%arg14 : memref<!tpu.dma_semaphore, #tpu.memory_space<semaphore_mem>>) {add = true}
          %mul3A_229 = arith.constant 5 : i32
          %mul3A_230 = arith.muli %sub3A_202, %mul3A_229 : i32
          %add3A_231 = arith.constant 2 : i32
          %add3A_232 = arith.addi %mul3A_230, %add3A_231 : i32
          %dma_start3A_233 = arith.constant 250 : i32
          %dma_start3A_234 = arith.constant 0 : i32
          %dma_start3A_235 = tpu.memref_slice %arg9[%dma_start3A_233, %dma_start3A_234] : memref<625x40xf32, #tpu.memory_space<vmem>> -> memref<125x40xf32, #tpu.memory_space<vmem>>
          %dma_start3A_236 = arith.constant 0 : i32
          %dma_start3A_237 = tpu.memref_slice %arg7[%add3A_232, %dma_start3A_236] : memref<80x125xi32, #tpu.memory_space<vmem>> -> memref<1x125xi32, #tpu.memory_space<vmem>>
          %dma_start3A_238 = tpu.memref_squeeze %dma_start3A_237 : memref<1x125xi32, #tpu.memory_space<vmem>> -> memref<125xi32, #tpu.memory_space<vmem>>
          %dma_start3A_239 = arith.constant 0 : i32
          %dma_start3A_240 = arith.constant 0 : i32
          %dma_start3A_241 = tpu.memref_slice %arg10[%dma_start3A_239, %dma_start3A_240] : memref<10240x40xf32, #tpu.memory_space<vmem_shared>> -> memref<10240x40xf32, #tpu.memory_space<vmem_shared>>
          tpu.enqueue_indirect_dma source(%dma_start3A_235 : memref<125x40xf32, #tpu.memory_space<vmem>>) target(%dma_start3A_241 : memref<10240x40xf32, #tpu.memory_space<vmem_shared>>) offsets(%dma_start3A_238 : memref<125xi32, #tpu.memory_space<vmem>>) semaphore(%arg14 : memref<!tpu.dma_semaphore, #tpu.memory_space<semaphore_mem>>) {add = true}
          %mul3A_242 = arith.constant 5 : i32
          %mul3A_243 = arith.muli %sub3A_202, %mul3A_242 : i32
          %add3A_244 = arith.constant 3 : i32
          %add3A_245 = arith.addi %mul3A_243, %add3A_244 : i32
          %dma_start3A_246 = arith.constant 375 : i32
          %dma_start3A_247 = arith.constant 0 : i32
          %dma_start3A_248 = tpu.memref_slice %arg9[%dma_start3A_246, %dma_start3A_247] : memref<625x40xf32, #tpu.memory_space<vmem>> -> memref<125x40xf32, #tpu.memory_space<vmem>>
          %dma_start3A_249 = arith.constant 0 : i32
          %dma_start3A_250 = tpu.memref_slice %arg7[%add3A_245, %dma_start3A_249] : memref<80x125xi32, #tpu.memory_space<vmem>> -> memref<1x125xi32, #tpu.memory_space<vmem>>
          %dma_start3A_251 = tpu.memref_squeeze %dma_start3A_250 : memref<1x125xi32, #tpu.memory_space<vmem>> -> memref<125xi32, #tpu.memory_space<vmem>>
          %dma_start3A_252 = arith.constant 0 : i32
          %dma_start3A_253 = arith.constant 0 : i32
          %dma_start3A_254 = tpu.memref_slice %arg10[%dma_start3A_252, %dma_start3A_253] : memref<10240x40xf32, #tpu.memory_space<vmem_shared>> -> memref<10240x40xf32, #tpu.memory_space<vmem_shared>>
          tpu.enqueue_indirect_dma source(%dma_start3A_248 : memref<125x40xf32, #tpu.memory_space<vmem>>) target(%dma_start3A_254 : memref<10240x40xf32, #tpu.memory_space<vmem_shared>>) offsets(%dma_start3A_251 : memref<125xi32, #tpu.memory_space<vmem>>) semaphore(%arg14 : memref<!tpu.dma_semaphore, #tpu.memory_space<semaphore_mem>>) {add = true}
          %mul3A_255 = arith.constant 5 : i32
          %mul3A_256 = arith.muli %sub3A_202, %mul3A_255 : i32
          %add3A_257 = arith.constant 4 : i32
          %add3A_258 = arith.addi %mul3A_256, %add3A_257 : i32
          %dma_start3A_259 = arith.constant 500 : i32
          %dma_start3A_260 = arith.constant 0 : i32
          %dma_start3A_261 = tpu.memref_slice %arg9[%dma_start3A_259, %dma_start3A_260] : memref<625x40xf32, #tpu.memory_space<vmem>> -> memref<125x40xf32, #tpu.memory_space<vmem>>
          %dma_start3A_262 = arith.constant 0 : i32
          %dma_start3A_263 = tpu.memref_slice %arg7[%add3A_258, %dma_start3A_262] : memref<80x125xi32, #tpu.memory_space<vmem>> -> memref<1x125xi32, #tpu.memory_space<vmem>>
          %dma_start3A_264 = tpu.memref_squeeze %dma_start3A_263 : memref<1x125xi32, #tpu.memory_space<vmem>> -> memref<125xi32, #tpu.memory_space<vmem>>
          %dma_start3A_265 = arith.constant 0 : i32
          %dma_start3A_266 = arith.constant 0 : i32
          %dma_start3A_267 = tpu.memref_slice %arg10[%dma_start3A_265, %dma_start3A_266] : memref<10240x40xf32, #tpu.memory_space<vmem_shared>> -> memref<10240x40xf32, #tpu.memory_space<vmem_shared>>
          tpu.enqueue_indirect_dma source(%dma_start3A_261 : memref<125x40xf32, #tpu.memory_space<vmem>>) target(%dma_start3A_267 : memref<10240x40xf32, #tpu.memory_space<vmem_shared>>) offsets(%dma_start3A_264 : memref<125xi32, #tpu.memory_space<vmem>>) semaphore(%arg14 : memref<!tpu.dma_semaphore, #tpu.memory_space<semaphore_mem>>) {add = true}
        } else {
        }
      } else {
      }
      %jit3A_99 = arith.constant 2 : i32
      %eq3A_100 = arith.constant 0 : i32
      %eq3A_101 = arith.cmpi eq, %jit3A_99, %eq3A_100 : i32
      %jit3A_102 = arith.constant 1 : i32
      %select_n3A_103 = arith.select %eq3A_101, %jit3A_102, %jit3A_99 : i32
      %rem3A_104 = arith.remsi %scan3A_86, %select_n3A_103 : i32
      %ne3A_105 = arith.constant 0 : i32
      %ne3A_106 = arith.cmpi ne, %rem3A_104, %ne3A_105 : i32
      %lt3A_107 = arith.constant 0 : i32
      %lt3A_108 = arith.cmpi slt, %rem3A_104, %lt3A_107 : i32
      %lt3A_109 = arith.constant 0 : i32
      %lt3A_110 = arith.cmpi slt, %select_n3A_103, %lt3A_109 : i32
      %ne3A_111 = arith.xori %lt3A_108, %lt3A_110 : i1
      %and3A_112 = arith.andi %ne3A_111, %ne3A_106 : i1
      %add3A_113 = arith.addi %rem3A_104, %select_n3A_103 : i32
      %select_n3A_114 = arith.select %and3A_112, %add3A_113, %rem3A_104 : i32
      %eq3A_115 = arith.constant 1 : i32
      %eq3A_116 = arith.cmpi eq, %select_n3A_114, %eq3A_115 : i32
      %convert_element_type3A_117 = arith.extui %eq3A_116 : i1 to i32
      %cond3A_118 = arith.constant 0 : i32
      %cond3A_119 = arith.cmpi ne, %convert_element_type3A_117, %cond3A_118 : i32
      scf.if %cond3A_119 {
        %ge3A = arith.constant 2 : i32
        %ge3A_120 = arith.cmpi sge, %scan3A_86, %ge3A : i32
        %convert_element_type3A_121 = arith.extui %ge3A_120 : i1 to i32
        %cond3A_122 = arith.constant 0 : i32
        %cond3A_123 = arith.cmpi ne, %convert_element_type3A_121, %cond3A_122 : i32
        scf.if %cond3A_123 {
          %dma_wait3A_194 = arith.constant 0 : i32
          %dma_wait3A_195 = arith.constant 0 : i32
          %dma_wait3A_196 = tpu.memref_slice %arg5[%scan3A_4, %dma_wait3A_194, %dma_wait3A_195] : memref<2x10240x40xf32, #tpu.memory_space<hbm>> -> memref<1x625x40xf32, #tpu.memory_space<hbm>>
          %dma_wait3A_197 = tpu.memref_squeeze %dma_wait3A_196 : memref<1x625x40xf32, #tpu.memory_space<hbm>> -> memref<625x40xf32, #tpu.memory_space<hbm>>
          %dma_wait3A_198 = arith.constant 0 : i32
          %dma_wait3A_199 = arith.constant 0 : i32
          %dma_wait3A_200 = tpu.memref_slice %arg5[%scan3A_4, %dma_wait3A_198, %dma_wait3A_199] : memref<2x10240x40xf32, #tpu.memory_space<hbm>> -> memref<1x625x40xf32, #tpu.memory_space<hbm>>
          %dma_wait3A_201 = tpu.memref_squeeze %dma_wait3A_200 : memref<1x625x40xf32, #tpu.memory_space<hbm>> -> memref<625x40xf32, #tpu.memory_space<hbm>>
          tpu.wait_dma2 semaphore(%arg14 : memref<!tpu.dma_semaphore, #tpu.memory_space<semaphore_mem>>) src(%dma_wait3A_201 : memref<625x40xf32, #tpu.memory_space<hbm>>) dst(%arg9 : memref<625x40xf32, #tpu.memory_space<vmem>>)
        } else {
        }
        %mul3A_124 = arith.constant 5 : i32
        %mul3A_125 = arith.muli %scan3A_86, %mul3A_124 : i32
        %add3A_126 = arith.constant 0 : i32
        %add3A_127 = arith.addi %mul3A_125, %add3A_126 : i32
        %dma_start3A_128 = arith.constant 0 : i32
        %dma_start3A_129 = arith.constant 0 : i32
        %dma_start3A_130 = tpu.memref_slice %arg9[%dma_start3A_128, %dma_start3A_129] : memref<625x40xf32, #tpu.memory_space<vmem>> -> memref<125x40xf32, #tpu.memory_space<vmem>>
        %dma_start3A_131 = arith.constant 0 : i32
        %dma_start3A_132 = tpu.memref_slice %arg6[%add3A_127, %dma_start3A_131] : memref<80x125xi32, #tpu.memory_space<vmem>> -> memref<1x125xi32, #tpu.memory_space<vmem>>
        %dma_start3A_133 = tpu.memref_squeeze %dma_start3A_132 : memref<1x125xi32, #tpu.memory_space<vmem>> -> memref<125xi32, #tpu.memory_space<vmem>>
        %dma_start3A_134 = arith.constant 0 : i32
        %dma_start3A_135 = arith.constant 0 : i32
        %dma_start3A_136 = tpu.memref_slice %arg2[%dma_start3A_134, %dma_start3A_135] : memref<10000x40xf32, #tpu.memory_space<hbm>> -> memref<10000x40xf32, #tpu.memory_space<hbm>>
        tpu.enqueue_indirect_dma source(%dma_start3A_136 : memref<10000x40xf32, #tpu.memory_space<hbm>>) target(%dma_start3A_130 : memref<125x40xf32, #tpu.memory_space<vmem>>) offsets(%dma_start3A_133 : memref<125xi32, #tpu.memory_space<vmem>>) semaphore(%arg12 : memref<!tpu.dma_semaphore, #tpu.memory_space<semaphore_mem>>)
        %mul3A_137 = arith.constant 5 : i32
        %mul3A_138 = arith.muli %scan3A_86, %mul3A_137 : i32
        %add3A_139 = arith.constant 1 : i32
        %add3A_140 = arith.addi %mul3A_138, %add3A_139 : i32
        %dma_start3A_141 = arith.constant 125 : i32
        %dma_start3A_142 = arith.constant 0 : i32
        %dma_start3A_143 = tpu.memref_slice %arg9[%dma_start3A_141, %dma_start3A_142] : memref<625x40xf32, #tpu.memory_space<vmem>> -> memref<125x40xf32, #tpu.memory_space<vmem>>
        %dma_start3A_144 = arith.constant 0 : i32
        %dma_start3A_145 = tpu.memref_slice %arg6[%add3A_140, %dma_start3A_144] : memref<80x125xi32, #tpu.memory_space<vmem>> -> memref<1x125xi32, #tpu.memory_space<vmem>>
        %dma_start3A_146 = tpu.memref_squeeze %dma_start3A_145 : memref<1x125xi32, #tpu.memory_space<vmem>> -> memref<125xi32, #tpu.memory_space<vmem>>
        %dma_start3A_147 = arith.constant 0 : i32
        %dma_start3A_148 = arith.constant 0 : i32
        %dma_start3A_149 = tpu.memref_slice %arg2[%dma_start3A_147, %dma_start3A_148] : memref<10000x40xf32, #tpu.memory_space<hbm>> -> memref<10000x40xf32, #tpu.memory_space<hbm>>
        tpu.enqueue_indirect_dma source(%dma_start3A_149 : memref<10000x40xf32, #tpu.memory_space<hbm>>) target(%dma_start3A_143 : memref<125x40xf32, #tpu.memory_space<vmem>>) offsets(%dma_start3A_146 : memref<125xi32, #tpu.memory_space<vmem>>) semaphore(%arg12 : memref<!tpu.dma_semaphore, #tpu.memory_space<semaphore_mem>>)
        %mul3A_150 = arith.constant 5 : i32
        %mul3A_151 = arith.muli %scan3A_86, %mul3A_150 : i32
        %add3A_152 = arith.constant 2 : i32
        %add3A_153 = arith.addi %mul3A_151, %add3A_152 : i32
        %dma_start3A_154 = arith.constant 250 : i32
        %dma_start3A_155 = arith.constant 0 : i32
        %dma_start3A_156 = tpu.memref_slice %arg9[%dma_start3A_154, %dma_start3A_155] : memref<625x40xf32, #tpu.memory_space<vmem>> -> memref<125x40xf32, #tpu.memory_space<vmem>>
        %dma_start3A_157 = arith.constant 0 : i32
        %dma_start3A_158 = tpu.memref_slice %arg6[%add3A_153, %dma_start3A_157] : memref<80x125xi32, #tpu.memory_space<vmem>> -> memref<1x125xi32, #tpu.memory_space<vmem>>
        %dma_start3A_159 = tpu.memref_squeeze %dma_start3A_158 : memref<1x125xi32, #tpu.memory_space<vmem>> -> memref<125xi32, #tpu.memory_space<vmem>>
        %dma_start3A_160 = arith.constant 0 : i32
        %dma_start3A_161 = arith.constant 0 : i32
        %dma_start3A_162 = tpu.memref_slice %arg2[%dma_start3A_160, %dma_start3A_161] : memref<10000x40xf32, #tpu.memory_space<hbm>> -> memref<10000x40xf32, #tpu.memory_space<hbm>>
        tpu.enqueue_indirect_dma source(%dma_start3A_162 : memref<10000x40xf32, #tpu.memory_space<hbm>>) target(%dma_start3A_156 : memref<125x40xf32, #tpu.memory_space<vmem>>) offsets(%dma_start3A_159 : memref<125xi32, #tpu.memory_space<vmem>>) semaphore(%arg12 : memref<!tpu.dma_semaphore, #tpu.memory_space<semaphore_mem>>)
        %mul3A_163 = arith.constant 5 : i32
        %mul3A_164 = arith.muli %scan3A_86, %mul3A_163 : i32
        %add3A_165 = arith.constant 3 : i32
        %add3A_166 = arith.addi %mul3A_164, %add3A_165 : i32
        %dma_start3A_167 = arith.constant 375 : i32
        %dma_start3A_168 = arith.constant 0 : i32
        %dma_start3A_169 = tpu.memref_slice %arg9[%dma_start3A_167, %dma_start3A_168] : memref<625x40xf32, #tpu.memory_space<vmem>> -> memref<125x40xf32, #tpu.memory_space<vmem>>
        %dma_start3A_170 = arith.constant 0 : i32
        %dma_start3A_171 = tpu.memref_slice %arg6[%add3A_166, %dma_start3A_170] : memref<80x125xi32, #tpu.memory_space<vmem>> -> memref<1x125xi32, #tpu.memory_space<vmem>>
        %dma_start3A_172 = tpu.memref_squeeze %dma_start3A_171 : memref<1x125xi32, #tpu.memory_space<vmem>> -> memref<125xi32, #tpu.memory_space<vmem>>
        %dma_start3A_173 = arith.constant 0 : i32
        %dma_start3A_174 = arith.constant 0 : i32
        %dma_start3A_175 = tpu.memref_slice %arg2[%dma_start3A_173, %dma_start3A_174] : memref<10000x40xf32, #tpu.memory_space<hbm>> -> memref<10000x40xf32, #tpu.memory_space<hbm>>
        tpu.enqueue_indirect_dma source(%dma_start3A_175 : memref<10000x40xf32, #tpu.memory_space<hbm>>) target(%dma_start3A_169 : memref<125x40xf32, #tpu.memory_space<vmem>>) offsets(%dma_start3A_172 : memref<125xi32, #tpu.memory_space<vmem>>) semaphore(%arg12 : memref<!tpu.dma_semaphore, #tpu.memory_space<semaphore_mem>>)
        %mul3A_176 = arith.constant 5 : i32
        %mul3A_177 = arith.muli %scan3A_86, %mul3A_176 : i32
        %add3A_178 = arith.constant 4 : i32
        %add3A_179 = arith.addi %mul3A_177, %add3A_178 : i32
        %dma_start3A_180 = arith.constant 500 : i32
        %dma_start3A_181 = arith.constant 0 : i32
        %dma_start3A_182 = tpu.memref_slice %arg9[%dma_start3A_180, %dma_start3A_181] : memref<625x40xf32, #tpu.memory_space<vmem>> -> memref<125x40xf32, #tpu.memory_space<vmem>>
        %dma_start3A_183 = arith.constant 0 : i32
        %dma_start3A_184 = tpu.memref_slice %arg6[%add3A_179, %dma_start3A_183] : memref<80x125xi32, #tpu.memory_space<vmem>> -> memref<1x125xi32, #tpu.memory_space<vmem>>
        %dma_start3A_185 = tpu.memref_squeeze %dma_start3A_184 : memref<1x125xi32, #tpu.memory_space<vmem>> -> memref<125xi32, #tpu.memory_space<vmem>>
        %dma_start3A_186 = arith.constant 0 : i32
        %dma_start3A_187 = arith.constant 0 : i32
        %dma_start3A_188 = tpu.memref_slice %arg2[%dma_start3A_186, %dma_start3A_187] : memref<10000x40xf32, #tpu.memory_space<hbm>> -> memref<10000x40xf32, #tpu.memory_space<hbm>>
        tpu.enqueue_indirect_dma source(%dma_start3A_188 : memref<10000x40xf32, #tpu.memory_space<hbm>>) target(%dma_start3A_182 : memref<125x40xf32, #tpu.memory_space<vmem>>) offsets(%dma_start3A_185 : memref<125xi32, #tpu.memory_space<vmem>>) semaphore(%arg12 : memref<!tpu.dma_semaphore, #tpu.memory_space<semaphore_mem>>)
        %ge3A_189 = arith.constant 1 : i32
        %ge3A_190 = arith.cmpi sge, %scan3A_86, %ge3A_189 : i32
        %convert_element_type3A_191 = arith.extui %ge3A_190 : i1 to i32
        %cond3A_192 = arith.constant 0 : i32
        %cond3A_193 = arith.cmpi ne, %convert_element_type3A_191, %cond3A_192 : i32
        scf.if %cond3A_193 {
          %dma_wait3A_194 = arith.constant 0 : i32
          %dma_wait3A_195 = arith.constant 0 : i32
          %dma_wait3A_196 = tpu.memref_slice %arg5[%scan3A_4, %dma_wait3A_194, %dma_wait3A_195] : memref<2x10240x40xf32, #tpu.memory_space<hbm>> -> memref<1x625x40xf32, #tpu.memory_space<hbm>>
          %dma_wait3A_197 = tpu.memref_squeeze %dma_wait3A_196 : memref<1x625x40xf32, #tpu.memory_space<hbm>> -> memref<625x40xf32, #tpu.memory_space<hbm>>
          %dma_wait3A_198 = arith.constant 0 : i32
          %dma_wait3A_199 = arith.constant 0 : i32
          %dma_wait3A_200 = tpu.memref_slice %arg5[%scan3A_4, %dma_wait3A_198, %dma_wait3A_199] : memref<2x10240x40xf32, #tpu.memory_space<hbm>> -> memref<1x625x40xf32, #tpu.memory_space<hbm>>
          %dma_wait3A_201 = tpu.memref_squeeze %dma_wait3A_200 : memref<1x625x40xf32, #tpu.memory_space<hbm>> -> memref<625x40xf32, #tpu.memory_space<hbm>>
          tpu.wait_dma2 semaphore(%arg11 : memref<!tpu.dma_semaphore, #tpu.memory_space<semaphore_mem>>) src(%dma_wait3A_201 : memref<625x40xf32, #tpu.memory_space<hbm>>) dst(%arg8 : memref<625x40xf32, #tpu.memory_space<vmem>>)
          %sub3A = arith.constant 1 : i32
          %sub3A_202 = arith.subi %scan3A_86, %sub3A : i32
          %mul3A_203 = arith.constant 5 : i32
          %mul3A_204 = arith.muli %sub3A_202, %mul3A_203 : i32
          %add3A_205 = arith.constant 0 : i32
          %add3A_206 = arith.addi %mul3A_204, %add3A_205 : i32
          %dma_start3A_207 = arith.constant 0 : i32
          %dma_start3A_208 = arith.constant 0 : i32
          %dma_start3A_209 = tpu.memref_slice %arg8[%dma_start3A_207, %dma_start3A_208] : memref<625x40xf32, #tpu.memory_space<vmem>> -> memref<125x40xf32, #tpu.memory_space<vmem>>
          %dma_start3A_210 = arith.constant 0 : i32
          %dma_start3A_211 = tpu.memref_slice %arg7[%add3A_206, %dma_start3A_210] : memref<80x125xi32, #tpu.memory_space<vmem>> -> memref<1x125xi32, #tpu.memory_space<vmem>>
          %dma_start3A_212 = tpu.memref_squeeze %dma_start3A_211 : memref<1x125xi32, #tpu.memory_space<vmem>> -> memref<125xi32, #tpu.memory_space<vmem>>
          %dma_start3A_213 = arith.constant 0 : i32
          %dma_start3A_214 = arith.constant 0 : i32
          %dma_start3A_215 = tpu.memref_slice %arg10[%dma_start3A_213, %dma_start3A_214] : memref<10240x40xf32, #tpu.memory_space<vmem_shared>> -> memref<10240x40xf32, #tpu.memory_space<vmem_shared>>
          tpu.enqueue_indirect_dma source(%dma_start3A_209 : memref<125x40xf32, #tpu.memory_space<vmem>>) target(%dma_start3A_215 : memref<10240x40xf32, #tpu.memory_space<vmem_shared>>) offsets(%dma_start3A_212 : memref<125xi32, #tpu.memory_space<vmem>>) semaphore(%arg13 : memref<!tpu.dma_semaphore, #tpu.memory_space<semaphore_mem>>) {add = true}
          %mul3A_216 = arith.constant 5 : i32
          %mul3A_217 = arith.muli %sub3A_202, %mul3A_216 : i32
          %add3A_218 = arith.constant 1 : i32
          %add3A_219 = arith.addi %mul3A_217, %add3A_218 : i32
          %dma_start3A_220 = arith.constant 125 : i32
          %dma_start3A_221 = arith.constant 0 : i32
          %dma_start3A_222 = tpu.memref_slice %arg8[%dma_start3A_220, %dma_start3A_221] : memref<625x40xf32, #tpu.memory_space<vmem>> -> memref<125x40xf32, #tpu.memory_space<vmem>>
          %dma_start3A_223 = arith.constant 0 : i32
          %dma_start3A_224 = tpu.memref_slice %arg7[%add3A_219, %dma_start3A_223] : memref<80x125xi32, #tpu.memory_space<vmem>> -> memref<1x125xi32, #tpu.memory_space<vmem>>
          %dma_start3A_225 = tpu.memref_squeeze %dma_start3A_224 : memref<1x125xi32, #tpu.memory_space<vmem>> -> memref<125xi32, #tpu.memory_space<vmem>>
          %dma_start3A_226 = arith.constant 0 : i32
          %dma_start3A_227 = arith.constant 0 : i32
          %dma_start3A_228 = tpu.memref_slice %arg10[%dma_start3A_226, %dma_start3A_227] : memref<10240x40xf32, #tpu.memory_space<vmem_shared>> -> memref<10240x40xf32, #tpu.memory_space<vmem_shared>>
          tpu.enqueue_indirect_dma source(%dma_start3A_222 : memref<125x40xf32, #tpu.memory_space<vmem>>) target(%dma_start3A_228 : memref<10240x40xf32, #tpu.memory_space<vmem_shared>>) offsets(%dma_start3A_225 : memref<125xi32, #tpu.memory_space<vmem>>) semaphore(%arg13 : memref<!tpu.dma_semaphore, #tpu.memory_space<semaphore_mem>>) {add = true}
          %mul3A_229 = arith.constant 5 : i32
          %mul3A_230 = arith.muli %sub3A_202, %mul3A_229 : i32
          %add3A_231 = arith.constant 2 : i32
          %add3A_232 = arith.addi %mul3A_230, %add3A_231 : i32
          %dma_start3A_233 = arith.constant 250 : i32
          %dma_start3A_234 = arith.constant 0 : i32
          %dma_start3A_235 = tpu.memref_slice %arg8[%dma_start3A_233, %dma_start3A_234] : memref<625x40xf32, #tpu.memory_space<vmem>> -> memref<125x40xf32, #tpu.memory_space<vmem>>
          %dma_start3A_236 = arith.constant 0 : i32
          %dma_start3A_237 = tpu.memref_slice %arg7[%add3A_232, %dma_start3A_236] : memref<80x125xi32, #tpu.memory_space<vmem>> -> memref<1x125xi32, #tpu.memory_space<vmem>>
          %dma_start3A_238 = tpu.memref_squeeze %dma_start3A_237 : memref<1x125xi32, #tpu.memory_space<vmem>> -> memref<125xi32, #tpu.memory_space<vmem>>
          %dma_start3A_239 = arith.constant 0 : i32
          %dma_start3A_240 = arith.constant 0 : i32
          %dma_start3A_241 = tpu.memref_slice %arg10[%dma_start3A_239, %dma_start3A_240] : memref<10240x40xf32, #tpu.memory_space<vmem_shared>> -> memref<10240x40xf32, #tpu.memory_space<vmem_shared>>
          tpu.enqueue_indirect_dma source(%dma_start3A_235 : memref<125x40xf32, #tpu.memory_space<vmem>>) target(%dma_start3A_241 : memref<10240x40xf32, #tpu.memory_space<vmem_shared>>) offsets(%dma_start3A_238 : memref<125xi32, #tpu.memory_space<vmem>>) semaphore(%arg13 : memref<!tpu.dma_semaphore, #tpu.memory_space<semaphore_mem>>) {add = true}
          %mul3A_242 = arith.constant 5 : i32
          %mul3A_243 = arith.muli %sub3A_202, %mul3A_242 : i32
          %add3A_244 = arith.constant 3 : i32
          %add3A_245 = arith.addi %mul3A_243, %add3A_244 : i32
          %dma_start3A_246 = arith.constant 375 : i32
          %dma_start3A_247 = arith.constant 0 : i32
          %dma_start3A_248 = tpu.memref_slice %arg8[%dma_start3A_246, %dma_start3A_247] : memref<625x40xf32, #tpu.memory_space<vmem>> -> memref<125x40xf32, #tpu.memory_space<vmem>>
          %dma_start3A_249 = arith.constant 0 : i32
          %dma_start3A_250 = tpu.memref_slice %arg7[%add3A_245, %dma_start3A_249] : memref<80x125xi32, #tpu.memory_space<vmem>> -> memref<1x125xi32, #tpu.memory_space<vmem>>
          %dma_start3A_251 = tpu.memref_squeeze %dma_start3A_250 : memref<1x125xi32, #tpu.memory_space<vmem>> -> memref<125xi32, #tpu.memory_space<vmem>>
          %dma_start3A_252 = arith.constant 0 : i32
          %dma_start3A_253 = arith.constant 0 : i32
          %dma_start3A_254 = tpu.memref_slice %arg10[%dma_start3A_252, %dma_start3A_253] : memref<10240x40xf32, #tpu.memory_space<vmem_shared>> -> memref<10240x40xf32, #tpu.memory_space<vmem_shared>>
          tpu.enqueue_indirect_dma source(%dma_start3A_248 : memref<125x40xf32, #tpu.memory_space<vmem>>) target(%dma_start3A_254 : memref<10240x40xf32, #tpu.memory_space<vmem_shared>>) offsets(%dma_start3A_251 : memref<125xi32, #tpu.memory_space<vmem>>) semaphore(%arg13 : memref<!tpu.dma_semaphore, #tpu.memory_space<semaphore_mem>>) {add = true}
          %mul3A_255 = arith.constant 5 : i32
          %mul3A_256 = arith.muli %sub3A_202, %mul3A_255 : i32
          %add3A_257 = arith.constant 4 : i32
          %add3A_258 = arith.addi %mul3A_256, %add3A_257 : i32
          %dma_start3A_259 = arith.constant 500 : i32
          %dma_start3A_260 = arith.constant 0 : i32
          %dma_start3A_261 = tpu.memref_slice %arg8[%dma_start3A_259, %dma_start3A_260] : memref<625x40xf32, #tpu.memory_space<vmem>> -> memref<125x40xf32, #tpu.memory_space<vmem>>
          %dma_start3A_262 = arith.constant 0 : i32
          %dma_start3A_263 = tpu.memref_slice %arg7[%add3A_258, %dma_start3A_262] : memref<80x125xi32, #tpu.memory_space<vmem>> -> memref<1x125xi32, #tpu.memory_space<vmem>>
          %dma_start3A_264 = tpu.memref_squeeze %dma_start3A_263 : memref<1x125xi32, #tpu.memory_space<vmem>> -> memref<125xi32, #tpu.memory_space<vmem>>
          %dma_start3A_265 = arith.constant 0 : i32
          %dma_start3A_266 = arith.constant 0 : i32
          %dma_start3A_267 = tpu.memref_slice %arg10[%dma_start3A_265, %dma_start3A_266] : memref<10240x40xf32, #tpu.memory_space<vmem_shared>> -> memref<10240x40xf32, #tpu.memory_space<vmem_shared>>
          tpu.enqueue_indirect_dma source(%dma_start3A_261 : memref<125x40xf32, #tpu.memory_space<vmem>>) target(%dma_start3A_267 : memref<10240x40xf32, #tpu.memory_space<vmem_shared>>) offsets(%dma_start3A_264 : memref<125xi32, #tpu.memory_space<vmem>>) semaphore(%arg13 : memref<!tpu.dma_semaphore, #tpu.memory_space<semaphore_mem>>) {add = true}
        } else {
        }
      } else {
      }
    }
    %scan3A_9 = arith.constant 16 : i32
    %dma_wait3A = arith.constant 0 : i32
    %dma_wait3A_10 = arith.constant 0 : i32
    %dma_wait3A_11 = arith.constant 0 : i32
    %dma_wait3A_12 = tpu.memref_slice %arg5[%dma_wait3A, %dma_wait3A_10, %dma_wait3A_11] : memref<2x10240x40xf32, #tpu.memory_space<hbm>> -> memref<1x625x40xf32, #tpu.memory_space<hbm>>
    %dma_wait3A_13 = tpu.memref_squeeze %dma_wait3A_12 : memref<1x625x40xf32, #tpu.memory_space<hbm>> -> memref<625x40xf32, #tpu.memory_space<hbm>>
    %dma_wait3A_14 = arith.constant 0 : i32
    %dma_wait3A_15 = arith.constant 0 : i32
    %dma_wait3A_16 = tpu.memref_slice %arg5[%dma_wait3A, %dma_wait3A_14, %dma_wait3A_15] : memref<2x10240x40xf32, #tpu.memory_space<hbm>> -> memref<1x625x40xf32, #tpu.memory_space<hbm>>
    %dma_wait3A_17 = tpu.memref_squeeze %dma_wait3A_16 : memref<1x625x40xf32, #tpu.memory_space<hbm>> -> memref<625x40xf32, #tpu.memory_space<hbm>>
    tpu.wait_dma2 semaphore(%arg12 : memref<!tpu.dma_semaphore, #tpu.memory_space<semaphore_mem>>) src(%dma_wait3A_17 : memref<625x40xf32, #tpu.memory_space<hbm>>) dst(%arg9 : memref<625x40xf32, #tpu.memory_space<vmem>>)
    %dma_start3A = arith.constant 75 : i32
    %dma_start3A_18 = arith.constant 0 : i32
    %dma_start3A_19 = arith.constant 0 : i32
    %dma_start3A_20 = tpu.memref_slice %arg9[%dma_start3A_18, %dma_start3A_19] : memref<625x40xf32, #tpu.memory_space<vmem>> -> memref<125x40xf32, #tpu.memory_space<vmem>>
    %dma_start3A_21 = arith.constant 0 : i32
    %dma_start3A_22 = tpu.memref_slice %arg7[%dma_start3A, %dma_start3A_21] : memref<80x125xi32, #tpu.memory_space<vmem>> -> memref<1x125xi32, #tpu.memory_space<vmem>>
    %dma_start3A_23 = tpu.memref_squeeze %dma_start3A_22 : memref<1x125xi32, #tpu.memory_space<vmem>> -> memref<125xi32, #tpu.memory_space<vmem>>
    %dma_start3A_24 = arith.constant 0 : i32
    %dma_start3A_25 = arith.constant 0 : i32
    %dma_start3A_26 = tpu.memref_slice %arg10[%dma_start3A_24, %dma_start3A_25] : memref<10240x40xf32, #tpu.memory_space<vmem_shared>> -> memref<10240x40xf32, #tpu.memory_space<vmem_shared>>
    tpu.enqueue_indirect_dma source(%dma_start3A_20 : memref<125x40xf32, #tpu.memory_space<vmem>>) target(%dma_start3A_26 : memref<10240x40xf32, #tpu.memory_space<vmem_shared>>) offsets(%dma_start3A_23 : memref<125xi32, #tpu.memory_space<vmem>>) semaphore(%arg14 : memref<!tpu.dma_semaphore, #tpu.memory_space<semaphore_mem>>) {add = true}
    %dma_start3A_27 = arith.constant 76 : i32
    %dma_start3A_28 = arith.constant 125 : i32
    %dma_start3A_29 = arith.constant 0 : i32
    %dma_start3A_30 = tpu.memref_slice %arg9[%dma_start3A_28, %dma_start3A_29] : memref<625x40xf32, #tpu.memory_space<vmem>> -> memref<125x40xf32, #tpu.memory_space<vmem>>
    %dma_start3A_31 = arith.constant 0 : i32
    %dma_start3A_32 = tpu.memref_slice %arg7[%dma_start3A_27, %dma_start3A_31] : memref<80x125xi32, #tpu.memory_space<vmem>> -> memref<1x125xi32, #tpu.memory_space<vmem>>
    %dma_start3A_33 = tpu.memref_squeeze %dma_start3A_32 : memref<1x125xi32, #tpu.memory_space<vmem>> -> memref<125xi32, #tpu.memory_space<vmem>>
    %dma_start3A_34 = arith.constant 0 : i32
    %dma_start3A_35 = arith.constant 0 : i32
    %dma_start3A_36 = tpu.memref_slice %arg10[%dma_start3A_34, %dma_start3A_35] : memref<10240x40xf32, #tpu.memory_space<vmem_shared>> -> memref<10240x40xf32, #tpu.memory_space<vmem_shared>>
    tpu.enqueue_indirect_dma source(%dma_start3A_30 : memref<125x40xf32, #tpu.memory_space<vmem>>) target(%dma_start3A_36 : memref<10240x40xf32, #tpu.memory_space<vmem_shared>>) offsets(%dma_start3A_33 : memref<125xi32, #tpu.memory_space<vmem>>) semaphore(%arg14 : memref<!tpu.dma_semaphore, #tpu.memory_space<semaphore_mem>>) {add = true}
    %dma_start3A_37 = arith.constant 77 : i32
    %dma_start3A_38 = arith.constant 250 : i32
    %dma_start3A_39 = arith.constant 0 : i32
    %dma_start3A_40 = tpu.memref_slice %arg9[%dma_start3A_38, %dma_start3A_39] : memref<625x40xf32, #tpu.memory_space<vmem>> -> memref<125x40xf32, #tpu.memory_space<vmem>>
    %dma_start3A_41 = arith.constant 0 : i32
    %dma_start3A_42 = tpu.memref_slice %arg7[%dma_start3A_37, %dma_start3A_41] : memref<80x125xi32, #tpu.memory_space<vmem>> -> memref<1x125xi32, #tpu.memory_space<vmem>>
    %dma_start3A_43 = tpu.memref_squeeze %dma_start3A_42 : memref<1x125xi32, #tpu.memory_space<vmem>> -> memref<125xi32, #tpu.memory_space<vmem>>
    %dma_start3A_44 = arith.constant 0 : i32
    %dma_start3A_45 = arith.constant 0 : i32
    %dma_start3A_46 = tpu.memref_slice %arg10[%dma_start3A_44, %dma_start3A_45] : memref<10240x40xf32, #tpu.memory_space<vmem_shared>> -> memref<10240x40xf32, #tpu.memory_space<vmem_shared>>
    tpu.enqueue_indirect_dma source(%dma_start3A_40 : memref<125x40xf32, #tpu.memory_space<vmem>>) target(%dma_start3A_46 : memref<10240x40xf32, #tpu.memory_space<vmem_shared>>) offsets(%dma_start3A_43 : memref<125xi32, #tpu.memory_space<vmem>>) semaphore(%arg14 : memref<!tpu.dma_semaphore, #tpu.memory_space<semaphore_mem>>) {add = true}
    %dma_start3A_47 = arith.constant 78 : i32
    %dma_start3A_48 = arith.constant 375 : i32
    %dma_start3A_49 = arith.constant 0 : i32
    %dma_start3A_50 = tpu.memref_slice %arg9[%dma_start3A_48, %dma_start3A_49] : memref<625x40xf32, #tpu.memory_space<vmem>> -> memref<125x40xf32, #tpu.memory_space<vmem>>
    %dma_start3A_51 = arith.constant 0 : i32
    %dma_start3A_52 = tpu.memref_slice %arg7[%dma_start3A_47, %dma_start3A_51] : memref<80x125xi32, #tpu.memory_space<vmem>> -> memref<1x125xi32, #tpu.memory_space<vmem>>
    %dma_start3A_53 = tpu.memref_squeeze %dma_start3A_52 : memref<1x125xi32, #tpu.memory_space<vmem>> -> memref<125xi32, #tpu.memory_space<vmem>>
    %dma_start3A_54 = arith.constant 0 : i32
    %dma_start3A_55 = arith.constant 0 : i32
    %dma_start3A_56 = tpu.memref_slice %arg10[%dma_start3A_54, %dma_start3A_55] : memref<10240x40xf32, #tpu.memory_space<vmem_shared>> -> memref<10240x40xf32, #tpu.memory_space<vmem_shared>>
    tpu.enqueue_indirect_dma source(%dma_start3A_50 : memref<125x40xf32, #tpu.memory_space<vmem>>) target(%dma_start3A_56 : memref<10240x40xf32, #tpu.memory_space<vmem_shared>>) offsets(%dma_start3A_53 : memref<125xi32, #tpu.memory_space<vmem>>) semaphore(%arg14 : memref<!tpu.dma_semaphore, #tpu.memory_space<semaphore_mem>>) {add = true}
    %dma_start3A_57 = arith.constant 79 : i32
    %dma_start3A_58 = arith.constant 500 : i32
    %dma_start3A_59 = arith.constant 0 : i32
    %dma_start3A_60 = tpu.memref_slice %arg9[%dma_start3A_58, %dma_start3A_59] : memref<625x40xf32, #tpu.memory_space<vmem>> -> memref<125x40xf32, #tpu.memory_space<vmem>>
    %dma_start3A_61 = arith.constant 0 : i32
    %dma_start3A_62 = tpu.memref_slice %arg7[%dma_start3A_57, %dma_start3A_61] : memref<80x125xi32, #tpu.memory_space<vmem>> -> memref<1x125xi32, #tpu.memory_space<vmem>>
    %dma_start3A_63 = tpu.memref_squeeze %dma_start3A_62 : memref<1x125xi32, #tpu.memory_space<vmem>> -> memref<125xi32, #tpu.memory_space<vmem>>
    %dma_start3A_64 = arith.constant 0 : i32
    %dma_start3A_65 = arith.constant 0 : i32
    %dma_start3A_66 = tpu.memref_slice %arg10[%dma_start3A_64, %dma_start3A_65] : memref<10240x40xf32, #tpu.memory_space<vmem_shared>> -> memref<10240x40xf32, #tpu.memory_space<vmem_shared>>
    tpu.enqueue_indirect_dma source(%dma_start3A_60 : memref<125x40xf32, #tpu.memory_space<vmem>>) target(%dma_start3A_66 : memref<10240x40xf32, #tpu.memory_space<vmem_shared>>) offsets(%dma_start3A_63 : memref<125xi32, #tpu.memory_space<vmem>>) semaphore(%arg14 : memref<!tpu.dma_semaphore, #tpu.memory_space<semaphore_mem>>) {add = true}
    %dma_wait3A_67 = arith.constant 0 : i32
    %dma_wait3A_68 = arith.constant 0 : i32
    %dma_wait3A_69 = arith.constant 0 : i32
    %dma_wait3A_70 = tpu.memref_slice %arg5[%dma_wait3A_67, %dma_wait3A_68, %dma_wait3A_69] : memref<2x10240x40xf32, #tpu.memory_space<hbm>> -> memref<1x625x40xf32, #tpu.memory_space<hbm>>
    %dma_wait3A_71 = tpu.memref_squeeze %dma_wait3A_70 : memref<1x625x40xf32, #tpu.memory_space<hbm>> -> memref<625x40xf32, #tpu.memory_space<hbm>>
    %dma_wait3A_72 = arith.constant 0 : i32
    %dma_wait3A_73 = arith.constant 0 : i32
    %dma_wait3A_74 = tpu.memref_slice %arg5[%dma_wait3A_67, %dma_wait3A_72, %dma_wait3A_73] : memref<2x10240x40xf32, #tpu.memory_space<hbm>> -> memref<1x625x40xf32, #tpu.memory_space<hbm>>
    %dma_wait3A_75 = tpu.memref_squeeze %dma_wait3A_74 : memref<1x625x40xf32, #tpu.memory_space<hbm>> -> memref<625x40xf32, #tpu.memory_space<hbm>>
    tpu.wait_dma2 semaphore(%arg13 : memref<!tpu.dma_semaphore, #tpu.memory_space<semaphore_mem>>) src(%dma_wait3A_75 : memref<625x40xf32, #tpu.memory_space<hbm>>) dst(%arg8 : memref<625x40xf32, #tpu.memory_space<vmem>>)
    %dma_wait3A_76 = arith.constant 0 : i32
    %dma_wait3A_77 = arith.constant 0 : i32
    %dma_wait3A_78 = arith.constant 0 : i32
    %dma_wait3A_79 = tpu.memref_slice %arg5[%dma_wait3A_76, %dma_wait3A_77, %dma_wait3A_78] : memref<2x10240x40xf32, #tpu.memory_space<hbm>> -> memref<1x625x40xf32, #tpu.memory_space<hbm>>
    %dma_wait3A_80 = tpu.memref_squeeze %dma_wait3A_79 : memref<1x625x40xf32, #tpu.memory_space<hbm>> -> memref<625x40xf32, #tpu.memory_space<hbm>>
    %dma_wait3A_81 = arith.constant 0 : i32
    %dma_wait3A_82 = arith.constant 0 : i32
    %dma_wait3A_83 = tpu.memref_slice %arg5[%dma_wait3A_76, %dma_wait3A_81, %dma_wait3A_82] : memref<2x10240x40xf32, #tpu.memory_space<hbm>> -> memref<1x625x40xf32, #tpu.memory_space<hbm>>
    %dma_wait3A_84 = tpu.memref_squeeze %dma_wait3A_83 : memref<1x625x40xf32, #tpu.memory_space<hbm>> -> memref<625x40xf32, #tpu.memory_space<hbm>>
    tpu.wait_dma2 semaphore(%arg14 : memref<!tpu.dma_semaphore, #tpu.memory_space<semaphore_mem>>) src(%dma_wait3A_84 : memref<625x40xf32, #tpu.memory_space<hbm>>) dst(%arg9 : memref<625x40xf32, #tpu.memory_space<vmem>>)
    %barrier3A_85 = arith.constant 0 : index
    tpu.barrier barrier_id(%barrier3A_85)
    "tpu.region"() ({
      %run_scoped3A_86 = tpu.sem_alloc : memref<!tpu.dma_semaphore, #tpu.memory_space<semaphore_mem>>
      %dma_start3A_87 = arith.constant 0 : i32
      %dma_start3A_88 = tpu.memref_slice %arg5[%arg0, %mul3A_2, %dma_start3A_87] : memref<2x10240x40xf32, #tpu.memory_space<hbm>> -> memref<1x640x40xf32, #tpu.memory_space<hbm>>
      %dma_start3A_89 = tpu.memref_squeeze %dma_start3A_88 : memref<1x640x40xf32, #tpu.memory_space<hbm>> -> memref<640x40xf32, #tpu.memory_space<hbm>>
      %dma_start3A_90 = arith.constant 0 : i32
      %dma_start3A_91 = tpu.memref_slice %arg10[%mul3A_2, %dma_start3A_90] : memref<10240x40xf32, #tpu.memory_space<vmem_shared>> -> memref<640x40xf32, #tpu.memory_space<vmem_shared>>
      tpu.enqueue_dma source(%dma_start3A_91 : memref<640x40xf32, #tpu.memory_space<vmem_shared>>) target(%dma_start3A_89 : memref<640x40xf32, #tpu.memory_space<hbm>>) target_semaphore(%run_scoped3A_86 : memref<!tpu.dma_semaphore, #tpu.memory_space<semaphore_mem>>)
      %dma_wait3A_92 = arith.constant 0 : i32
      %dma_wait3A_93 = tpu.memref_slice %arg5[%arg0, %mul3A_2, %dma_wait3A_92] : memref<2x10240x40xf32, #tpu.memory_space<hbm>> -> memref<1x640x40xf32, #tpu.memory_space<hbm>>
      %dma_wait3A_94 = tpu.memref_squeeze %dma_wait3A_93 : memref<1x640x40xf32, #tpu.memory_space<hbm>> -> memref<640x40xf32, #tpu.memory_space<hbm>>
      %dma_wait3A_95 = arith.constant 0 : i32
      %dma_wait3A_96 = tpu.memref_slice %arg10[%mul3A_2, %dma_wait3A_95] : memref<10240x40xf32, #tpu.memory_space<vmem_shared>> -> memref<640x40xf32, #tpu.memory_space<vmem_shared>>
      tpu.wait_dma2 semaphore(%run_scoped3A_86 : memref<!tpu.dma_semaphore, #tpu.memory_space<semaphore_mem>>) src(%dma_wait3A_96 : memref<640x40xf32, #tpu.memory_space<vmem_shared>>) dst(%dma_wait3A_94 : memref<640x40xf32, #tpu.memory_space<hbm>>)
      tpu.yield
    }) : () -> ()
    return
  }
}

#map = affine_map<(d0, d1) -> (0, 0)>
#map1 = affine_map<(d0, d1) -> (0, 0, 0)>
#map2 = affine_map<(d0, d1) -> (0, 0, 0, 0)>
module attributes {stable_mosaic.version = 14 : i64} {
  func.func @_seg16_merged(%arg0: i32, %arg1: i32, %arg2: memref<10240x16xf32, #tpu.memory_space<hbm>>, %arg3: memref<2x10240x16xf32, #tpu.memory_space<hbm>>, %arg4: memref<2x32x80x125xi32, #tpu.memory_space<hbm>>, %arg5: memref<640x16xf32, #tpu.memory_space<hbm>>, %arg6: memref<2x10240x16xf32, #tpu.memory_space<hbm>>, %arg7: memref<10240x16xf32, #tpu.memory_space<hbm>>, %arg8: memref<80x125xi32, #tpu.memory_space<vmem>>, %arg9: memref<80x125xi32, #tpu.memory_space<vmem>>, %arg10: memref<625x16xf32, #tpu.memory_space<vmem>>, %arg11: memref<625x16xf32, #tpu.memory_space<vmem>>, %arg12: memref<640x16xf32, #tpu.memory_space<vmem>>, %arg13: memref<640x16xf32, #tpu.memory_space<vmem>>, %arg14: memref<640x16xf32, #tpu.memory_space<vmem>>, %arg15: memref<640x16xf32, #tpu.memory_space<vmem>>, %arg16: memref<10240x16xf32, #tpu.memory_space<vmem_shared>>, %arg17: memref<10240x16xf32, #tpu.memory_space<vmem_shared>>, %arg18: memref<!tpu.dma_semaphore, #tpu.memory_space<semaphore_mem>>, %arg19: memref<!tpu.dma_semaphore, #tpu.memory_space<semaphore_mem>>, %arg20: memref<!tpu.dma_semaphore, #tpu.memory_space<semaphore_mem>>, %arg21: memref<!tpu.dma_semaphore, #tpu.memory_space<semaphore_mem>>) attributes {dimension_semantics = [#tpu.dimension_semantics<core_parallel>, #tpu.dimension_semantics<subcore_parallel>], iteration_bounds = array<i64: 2, 16>, scalar_prefetch = 0 : i64, scratch_operands = 14 : i64, tpu.core_type = #tpu.core_type<sc_vector_subcore>, window_params = [{transform_indices = #map}, {transform_indices = #map1}, {transform_indices = #map2}, {transform_indices = #map}, {transform_indices = #map1}, {transform_indices = #map}]} {
    %mul3A = arith.constant 16 : i32
    %mul3A_0 = arith.muli %arg0, %mul3A : i32
    %add3A = arith.addi %mul3A_0, %arg1 : i32
    %mul3A_1 = arith.constant 640 : i32
    %mul3A_2 = arith.muli %arg1, %mul3A_1 : i32
    %run_scoped3A = arith.constant 0 : i32
    "tpu.region"() ({
      %run_scoped3A_102 = tpu.sem_alloc : memref<!tpu.dma_semaphore, #tpu.memory_space<semaphore_mem>>
      %dma_start3A_103 = arith.constant 0 : i32
      %dma_start3A_104 = arith.constant 0 : i32
      %dma_start3A_105 = tpu.memref_slice %arg4[%run_scoped3A, %add3A, %dma_start3A_103, %dma_start3A_104] : memref<2x32x80x125xi32, #tpu.memory_space<hbm>> -> memref<1x1x80x125xi32, #tpu.memory_space<hbm>>
      %dma_start3A_106 = tpu.memref_squeeze %dma_start3A_105 : memref<1x1x80x125xi32, #tpu.memory_space<hbm>> -> memref<80x125xi32, #tpu.memory_space<hbm>>
      %dma_start3A_107 = arith.constant 0 : i32
      %dma_start3A_108 = arith.constant 0 : i32
      %dma_start3A_109 = tpu.memref_slice %arg4[%run_scoped3A, %add3A, %dma_start3A_107, %dma_start3A_108] : memref<2x32x80x125xi32, #tpu.memory_space<hbm>> -> memref<1x1x80x125xi32, #tpu.memory_space<hbm>>
      %dma_start3A_110 = tpu.memref_squeeze %dma_start3A_109 : memref<1x1x80x125xi32, #tpu.memory_space<hbm>> -> memref<80x125xi32, #tpu.memory_space<hbm>>
      tpu.enqueue_dma source(%dma_start3A_110 : memref<80x125xi32, #tpu.memory_space<hbm>>) target(%arg8 : memref<80x125xi32, #tpu.memory_space<vmem>>) target_semaphore(%run_scoped3A_102 : memref<!tpu.dma_semaphore, #tpu.memory_space<semaphore_mem>>)
      %dma_wait3A_111 = arith.constant 0 : i32
      %dma_wait3A_112 = arith.constant 0 : i32
      %dma_wait3A_113 = tpu.memref_slice %arg4[%run_scoped3A, %add3A, %dma_wait3A_111, %dma_wait3A_112] : memref<2x32x80x125xi32, #tpu.memory_space<hbm>> -> memref<1x1x80x125xi32, #tpu.memory_space<hbm>>
      %dma_wait3A_114 = tpu.memref_squeeze %dma_wait3A_113 : memref<1x1x80x125xi32, #tpu.memory_space<hbm>> -> memref<80x125xi32, #tpu.memory_space<hbm>>
      %dma_wait3A_115 = arith.constant 0 : i32
      %dma_wait3A_116 = arith.constant 0 : i32
      %dma_wait3A_117 = tpu.memref_slice %arg4[%run_scoped3A, %add3A, %dma_wait3A_115, %dma_wait3A_116] : memref<2x32x80x125xi32, #tpu.memory_space<hbm>> -> memref<1x1x80x125xi32, #tpu.memory_space<hbm>>
      %dma_wait3A_118 = tpu.memref_squeeze %dma_wait3A_117 : memref<1x1x80x125xi32, #tpu.memory_space<hbm>> -> memref<80x125xi32, #tpu.memory_space<hbm>>
      tpu.wait_dma2 semaphore(%run_scoped3A_102 : memref<!tpu.dma_semaphore, #tpu.memory_space<semaphore_mem>>) src(%dma_wait3A_118 : memref<80x125xi32, #tpu.memory_space<hbm>>) dst(%arg8 : memref<80x125xi32, #tpu.memory_space<vmem>>)
      tpu.yield
    }) : () -> ()
    %run_scoped3A_3 = arith.constant 1 : i32
    "tpu.region"() ({
      %run_scoped3A_102 = tpu.sem_alloc : memref<!tpu.dma_semaphore, #tpu.memory_space<semaphore_mem>>
      %dma_start3A_103 = arith.constant 0 : i32
      %dma_start3A_104 = arith.constant 0 : i32
      %dma_start3A_105 = tpu.memref_slice %arg4[%run_scoped3A_3, %add3A, %dma_start3A_103, %dma_start3A_104] : memref<2x32x80x125xi32, #tpu.memory_space<hbm>> -> memref<1x1x80x125xi32, #tpu.memory_space<hbm>>
      %dma_start3A_106 = tpu.memref_squeeze %dma_start3A_105 : memref<1x1x80x125xi32, #tpu.memory_space<hbm>> -> memref<80x125xi32, #tpu.memory_space<hbm>>
      %dma_start3A_107 = arith.constant 0 : i32
      %dma_start3A_108 = arith.constant 0 : i32
      %dma_start3A_109 = tpu.memref_slice %arg4[%run_scoped3A_3, %add3A, %dma_start3A_107, %dma_start3A_108] : memref<2x32x80x125xi32, #tpu.memory_space<hbm>> -> memref<1x1x80x125xi32, #tpu.memory_space<hbm>>
      %dma_start3A_110 = tpu.memref_squeeze %dma_start3A_109 : memref<1x1x80x125xi32, #tpu.memory_space<hbm>> -> memref<80x125xi32, #tpu.memory_space<hbm>>
      tpu.enqueue_dma source(%dma_start3A_110 : memref<80x125xi32, #tpu.memory_space<hbm>>) target(%arg9 : memref<80x125xi32, #tpu.memory_space<vmem>>) target_semaphore(%run_scoped3A_102 : memref<!tpu.dma_semaphore, #tpu.memory_space<semaphore_mem>>)
      %dma_wait3A_111 = arith.constant 0 : i32
      %dma_wait3A_112 = arith.constant 0 : i32
      %dma_wait3A_113 = tpu.memref_slice %arg4[%run_scoped3A_3, %add3A, %dma_wait3A_111, %dma_wait3A_112] : memref<2x32x80x125xi32, #tpu.memory_space<hbm>> -> memref<1x1x80x125xi32, #tpu.memory_space<hbm>>
      %dma_wait3A_114 = tpu.memref_squeeze %dma_wait3A_113 : memref<1x1x80x125xi32, #tpu.memory_space<hbm>> -> memref<80x125xi32, #tpu.memory_space<hbm>>
      %dma_wait3A_115 = arith.constant 0 : i32
      %dma_wait3A_116 = arith.constant 0 : i32
      %dma_wait3A_117 = tpu.memref_slice %arg4[%run_scoped3A_3, %add3A, %dma_wait3A_115, %dma_wait3A_116] : memref<2x32x80x125xi32, #tpu.memory_space<hbm>> -> memref<1x1x80x125xi32, #tpu.memory_space<hbm>>
      %dma_wait3A_118 = tpu.memref_squeeze %dma_wait3A_117 : memref<1x1x80x125xi32, #tpu.memory_space<hbm>> -> memref<80x125xi32, #tpu.memory_space<hbm>>
      tpu.wait_dma2 semaphore(%run_scoped3A_102 : memref<!tpu.dma_semaphore, #tpu.memory_space<semaphore_mem>>) src(%dma_wait3A_118 : memref<80x125xi32, #tpu.memory_space<hbm>>) dst(%arg9 : memref<80x125xi32, #tpu.memory_space<vmem>>)
      tpu.yield
    }) : () -> ()
    "tpu.region"() ({
      %run_scoped3A_102 = tpu.sem_alloc : memref<!tpu.dma_semaphore, #tpu.memory_space<semaphore_mem>>
      %dma_start3A_103 = arith.constant 0 : i32
      %dma_start3A_104 = tpu.memref_slice %arg2[%mul3A_2, %dma_start3A_103] : memref<10240x16xf32, #tpu.memory_space<hbm>> -> memref<640x16xf32, #tpu.memory_space<hbm>>
      %dma_start3A_105 = arith.constant 0 : i32
      %dma_start3A_106 = tpu.memref_slice %arg2[%mul3A_2, %dma_start3A_105] : memref<10240x16xf32, #tpu.memory_space<hbm>> -> memref<640x16xf32, #tpu.memory_space<hbm>>
      tpu.enqueue_dma source(%dma_start3A_106 : memref<640x16xf32, #tpu.memory_space<hbm>>) target(%arg12 : memref<640x16xf32, #tpu.memory_space<vmem>>) target_semaphore(%run_scoped3A_102 : memref<!tpu.dma_semaphore, #tpu.memory_space<semaphore_mem>>)
      %dma_wait3A_107 = arith.constant 0 : i32
      %dma_wait3A_108 = tpu.memref_slice %arg2[%mul3A_2, %dma_wait3A_107] : memref<10240x16xf32, #tpu.memory_space<hbm>> -> memref<640x16xf32, #tpu.memory_space<hbm>>
      %dma_wait3A_109 = arith.constant 0 : i32
      %dma_wait3A_110 = tpu.memref_slice %arg2[%mul3A_2, %dma_wait3A_109] : memref<10240x16xf32, #tpu.memory_space<hbm>> -> memref<640x16xf32, #tpu.memory_space<hbm>>
      tpu.wait_dma2 semaphore(%run_scoped3A_102 : memref<!tpu.dma_semaphore, #tpu.memory_space<semaphore_mem>>) src(%dma_wait3A_110 : memref<640x16xf32, #tpu.memory_space<hbm>>) dst(%arg12 : memref<640x16xf32, #tpu.memory_space<vmem>>)
      tpu.yield
    }) : () -> ()
    %run_scoped3A_4 = arith.constant 0 : i32
    "tpu.region"() ({
      %run_scoped3A_102 = tpu.sem_alloc : memref<!tpu.dma_semaphore, #tpu.memory_space<semaphore_mem>>
      %dma_start3A_103 = arith.constant 0 : i32
      %dma_start3A_104 = tpu.memref_slice %arg3[%run_scoped3A_4, %mul3A_2, %dma_start3A_103] : memref<2x10240x16xf32, #tpu.memory_space<hbm>> -> memref<1x640x16xf32, #tpu.memory_space<hbm>>
      %dma_start3A_105 = tpu.memref_squeeze %dma_start3A_104 : memref<1x640x16xf32, #tpu.memory_space<hbm>> -> memref<640x16xf32, #tpu.memory_space<hbm>>
      %dma_start3A_106 = arith.constant 0 : i32
      %dma_start3A_107 = tpu.memref_slice %arg3[%run_scoped3A_4, %mul3A_2, %dma_start3A_106] : memref<2x10240x16xf32, #tpu.memory_space<hbm>> -> memref<1x640x16xf32, #tpu.memory_space<hbm>>
      %dma_start3A_108 = tpu.memref_squeeze %dma_start3A_107 : memref<1x640x16xf32, #tpu.memory_space<hbm>> -> memref<640x16xf32, #tpu.memory_space<hbm>>
      tpu.enqueue_dma source(%dma_start3A_108 : memref<640x16xf32, #tpu.memory_space<hbm>>) target(%arg13 : memref<640x16xf32, #tpu.memory_space<vmem>>) target_semaphore(%run_scoped3A_102 : memref<!tpu.dma_semaphore, #tpu.memory_space<semaphore_mem>>)
      %dma_wait3A_109 = arith.constant 0 : i32
      %dma_wait3A_110 = tpu.memref_slice %arg3[%run_scoped3A_4, %mul3A_2, %dma_wait3A_109] : memref<2x10240x16xf32, #tpu.memory_space<hbm>> -> memref<1x640x16xf32, #tpu.memory_space<hbm>>
      %dma_wait3A_111 = tpu.memref_squeeze %dma_wait3A_110 : memref<1x640x16xf32, #tpu.memory_space<hbm>> -> memref<640x16xf32, #tpu.memory_space<hbm>>
      %dma_wait3A_112 = arith.constant 0 : i32
      %dma_wait3A_113 = tpu.memref_slice %arg3[%run_scoped3A_4, %mul3A_2, %dma_wait3A_112] : memref<2x10240x16xf32, #tpu.memory_space<hbm>> -> memref<1x640x16xf32, #tpu.memory_space<hbm>>
      %dma_wait3A_114 = tpu.memref_squeeze %dma_wait3A_113 : memref<1x640x16xf32, #tpu.memory_space<hbm>> -> memref<640x16xf32, #tpu.memory_space<hbm>>
      tpu.wait_dma2 semaphore(%run_scoped3A_102 : memref<!tpu.dma_semaphore, #tpu.memory_space<semaphore_mem>>) src(%dma_wait3A_114 : memref<640x16xf32, #tpu.memory_space<hbm>>) dst(%arg13 : memref<640x16xf32, #tpu.memory_space<vmem>>)
      tpu.yield
    }) : () -> ()
    %run_scoped3A_5 = arith.constant 1 : i32
    "tpu.region"() ({
      %run_scoped3A_102 = tpu.sem_alloc : memref<!tpu.dma_semaphore, #tpu.memory_space<semaphore_mem>>
      %dma_start3A_103 = arith.constant 0 : i32
      %dma_start3A_104 = tpu.memref_slice %arg3[%run_scoped3A_5, %mul3A_2, %dma_start3A_103] : memref<2x10240x16xf32, #tpu.memory_space<hbm>> -> memref<1x640x16xf32, #tpu.memory_space<hbm>>
      %dma_start3A_105 = tpu.memref_squeeze %dma_start3A_104 : memref<1x640x16xf32, #tpu.memory_space<hbm>> -> memref<640x16xf32, #tpu.memory_space<hbm>>
      %dma_start3A_106 = arith.constant 0 : i32
      %dma_start3A_107 = tpu.memref_slice %arg3[%run_scoped3A_5, %mul3A_2, %dma_start3A_106] : memref<2x10240x16xf32, #tpu.memory_space<hbm>> -> memref<1x640x16xf32, #tpu.memory_space<hbm>>
      %dma_start3A_108 = tpu.memref_squeeze %dma_start3A_107 : memref<1x640x16xf32, #tpu.memory_space<hbm>> -> memref<640x16xf32, #tpu.memory_space<hbm>>
      tpu.enqueue_dma source(%dma_start3A_108 : memref<640x16xf32, #tpu.memory_space<hbm>>) target(%arg14 : memref<640x16xf32, #tpu.memory_space<vmem>>) target_semaphore(%run_scoped3A_102 : memref<!tpu.dma_semaphore, #tpu.memory_space<semaphore_mem>>)
      %dma_wait3A_109 = arith.constant 0 : i32
      %dma_wait3A_110 = tpu.memref_slice %arg3[%run_scoped3A_5, %mul3A_2, %dma_wait3A_109] : memref<2x10240x16xf32, #tpu.memory_space<hbm>> -> memref<1x640x16xf32, #tpu.memory_space<hbm>>
      %dma_wait3A_111 = tpu.memref_squeeze %dma_wait3A_110 : memref<1x640x16xf32, #tpu.memory_space<hbm>> -> memref<640x16xf32, #tpu.memory_space<hbm>>
      %dma_wait3A_112 = arith.constant 0 : i32
      %dma_wait3A_113 = tpu.memref_slice %arg3[%run_scoped3A_5, %mul3A_2, %dma_wait3A_112] : memref<2x10240x16xf32, #tpu.memory_space<hbm>> -> memref<1x640x16xf32, #tpu.memory_space<hbm>>
      %dma_wait3A_114 = tpu.memref_squeeze %dma_wait3A_113 : memref<1x640x16xf32, #tpu.memory_space<hbm>> -> memref<640x16xf32, #tpu.memory_space<hbm>>
      tpu.wait_dma2 semaphore(%run_scoped3A_102 : memref<!tpu.dma_semaphore, #tpu.memory_space<semaphore_mem>>) src(%dma_wait3A_114 : memref<640x16xf32, #tpu.memory_space<hbm>>) dst(%arg14 : memref<640x16xf32, #tpu.memory_space<vmem>>)
      tpu.yield
    }) : () -> ()
    %broadcast_in_dim3A = arith.constant 0 : i32
    %broadcast_in_dim3A_6 = vector.broadcast %broadcast_in_dim3A : i32 to vector<16xi32>
    %scan3A = arith.constant 0 : i32
    %scan3A_7 = arith.constant 0 : i32
    %scan3A_8 = arith.constant 40 : i32
    %scan3A_9 = arith.addi %scan3A_7, %scan3A_8 : i32
    %scan3A_10 = arith.constant 1 : i32
    scf.for %scan3A_102 = %scan3A_7 to %scan3A_9 step %scan3A_10  : i32 {
      %mul3A_103 = arith.constant 16 : i32
      %mul3A_104 = arith.muli %scan3A_102, %mul3A_103 : i32
      %iota3A = tpu.iota {dimensions = array<i32: 0>} : vector<16xi32>
      %add3A_105 = vector.broadcast %mul3A_104 : i32 to vector<16xi32>
      %add3A_106 = arith.addi %add3A_105, %iota3A : vector<16xi32>
      %gather3A = tpu.vector_load_idx %arg13[%add3A_106, %broadcast_in_dim3A_6] : memref<640x16xf32, #tpu.memory_space<vmem>>[vector<16xi32>, vector<16xi32>], vector<16xf32>,
      %gather3A_107 = tpu.vector_load_idx %arg14[%add3A_106, %broadcast_in_dim3A_6] : memref<640x16xf32, #tpu.memory_space<vmem>>[vector<16xi32>, vector<16xi32>], vector<16xf32>,
      %add3A_108 = arith.constant 1.000000e+00 : f32
      %add3A_109 = vector.broadcast %add3A_108 : f32 to vector<16xf32>
      %add3A_110 = arith.addf %add3A_109, %gather3A : vector<16xf32>
      %add3A_111 = arith.addf %add3A_110, %gather3A_107 : vector<16xf32>
      %bitcast3A = vector.bitcast %add3A_111 : vector<16xf32> to vector<16xi32>
      %shift_right_arithmetic3A = arith.constant 1 : i32
      %shift_right_arithmetic3A_112 = vector.broadcast %shift_right_arithmetic3A : i32 to vector<16xi32>
      %shift_right_arithmetic3A_113 = arith.shrsi %bitcast3A, %shift_right_arithmetic3A_112 : vector<16xi32>
      %sub3A = arith.constant 1597463007 : i32
      %sub3A_114 = vector.broadcast %sub3A : i32 to vector<16xi32>
      %sub3A_115 = arith.subi %sub3A_114, %shift_right_arithmetic3A_113 : vector<16xi32>
      %bitcast3A_116 = vector.bitcast %sub3A_115 : vector<16xi32> to vector<16xf32>
      %mul3A_117 = arith.constant 5.000000e-01 : f32
      %mul3A_118 = vector.broadcast %mul3A_117 : f32 to vector<16xf32>
      %mul3A_119 = arith.mulf %mul3A_118, %add3A_111 : vector<16xf32>
      %mul3A_120 = arith.mulf %mul3A_119, %bitcast3A_116 : vector<16xf32>
      %mul3A_121 = arith.mulf %mul3A_120, %bitcast3A_116 : vector<16xf32>
      %sub3A_122 = arith.constant 1.500000e+00 : f32
      %sub3A_123 = vector.broadcast %sub3A_122 : f32 to vector<16xf32>
      %sub3A_124 = arith.subf %sub3A_123, %mul3A_121 : vector<16xf32>
      %mul3A_125 = arith.mulf %bitcast3A_116, %sub3A_124 : vector<16xf32>
      %mul3A_126 = arith.constant 5.000000e-01 : f32
      %mul3A_127 = vector.broadcast %mul3A_126 : f32 to vector<16xf32>
      %mul3A_128 = arith.mulf %mul3A_127, %add3A_111 : vector<16xf32>
      %mul3A_129 = arith.mulf %mul3A_128, %mul3A_125 : vector<16xf32>
      %mul3A_130 = arith.mulf %mul3A_129, %mul3A_125 : vector<16xf32>
      %sub3A_131 = arith.constant 1.500000e+00 : f32
      %sub3A_132 = vector.broadcast %sub3A_131 : f32 to vector<16xf32>
      %sub3A_133 = arith.subf %sub3A_132, %mul3A_130 : vector<16xf32>
      %mul3A_134 = arith.mulf %mul3A_125, %sub3A_133 : vector<16xf32>
      %mul3A_135 = arith.constant 5.000000e-01 : f32
      %mul3A_136 = vector.broadcast %mul3A_135 : f32 to vector<16xf32>
      %mul3A_137 = arith.mulf %mul3A_136, %add3A_111 : vector<16xf32>
      %mul3A_138 = arith.mulf %mul3A_137, %mul3A_134 : vector<16xf32>
      %mul3A_139 = arith.mulf %mul3A_138, %mul3A_134 : vector<16xf32>
      %sub3A_140 = arith.constant 1.500000e+00 : f32
      %sub3A_141 = vector.broadcast %sub3A_140 : f32 to vector<16xf32>
      %sub3A_142 = arith.subf %sub3A_141, %mul3A_139 : vector<16xf32>
      %mul3A_143 = arith.mulf %mul3A_134, %sub3A_142 : vector<16xf32>
      %slice3A = vector.extract_strided_slice %mul3A_143 {offsets = [0], sizes = [1], strides = [1]} : vector<16xf32> to vector<1xf32>
      %squeeze3A = vector.extract %slice3A[0] : f32 from vector<1xf32>
      %mul3A_144 = arith.constant 16 : i32
      %mul3A_145 = arith.muli %scan3A_102, %mul3A_144 : i32
      %add3A_146 = arith.constant 0 : i32
      %add3A_147 = arith.addi %mul3A_145, %add3A_146 : i32
      %get3A = arith.index_cast %add3A_147 : i32 to index
      %get3A_148 = arith.constant 0 : index
      %get3A_149 = tpu.vector_load %arg12[%get3A, %get3A_148] {strides = array<i32>} : memref<640x16xf32, #tpu.memory_space<vmem>>, vector<16xf32>,
      %mul3A_150 = vector.broadcast %squeeze3A : f32 to vector<16xf32>
      %mul3A_151 = arith.mulf %get3A_149, %mul3A_150 : vector<16xf32>
      %swap3A = arith.index_cast %add3A_147 : i32 to index
      %swap3A_152 = arith.constant 0 : index
      %swap3A_153 = tpu.vector_load %arg12[%swap3A, %swap3A_152] {strides = array<i32>} : memref<640x16xf32, #tpu.memory_space<vmem>>, vector<16xf32>,
      tpu.vector_store %arg12[%swap3A, %swap3A_152], %mul3A_151 {strides = array<i32>} : memref<640x16xf32, #tpu.memory_space<vmem>>, vector<16xf32>,
      %broadcast_in_dim3A_154 = arith.constant 0.000000e+00 : f32
      %broadcast_in_dim3A_155 = vector.broadcast %broadcast_in_dim3A_154 : f32 to vector<16xf32>
      %add3A_156 = vector.broadcast %squeeze3A : f32 to vector<16xf32>
      %add3A_157 = arith.addf %broadcast_in_dim3A_155, %add3A_156 : vector<16xf32>
      %swap3A_158 = arith.index_cast %add3A_147 : i32 to index
      %swap3A_159 = arith.constant 0 : index
      %swap3A_160 = tpu.vector_load %arg15[%swap3A_158, %swap3A_159] {strides = array<i32>} : memref<640x16xf32, #tpu.memory_space<vmem>>, vector<16xf32>,
      tpu.vector_store %arg15[%swap3A_158, %swap3A_159], %add3A_157 {strides = array<i32>} : memref<640x16xf32, #tpu.memory_space<vmem>>, vector<16xf32>,
      %slice3A_161 = vector.extract_strided_slice %mul3A_143 {offsets = [1], sizes = [1], strides = [1]} : vector<16xf32> to vector<1xf32>
      %squeeze3A_162 = vector.extract %slice3A_161[0] : f32 from vector<1xf32>
      %mul3A_163 = arith.constant 16 : i32
      %mul3A_164 = arith.muli %scan3A_102, %mul3A_163 : i32
      %add3A_165 = arith.constant 1 : i32
      %add3A_166 = arith.addi %mul3A_164, %add3A_165 : i32
      %get3A_167 = arith.index_cast %add3A_166 : i32 to index
      %get3A_168 = arith.constant 0 : index
      %get3A_169 = tpu.vector_load %arg12[%get3A_167, %get3A_168] {strides = array<i32>} : memref<640x16xf32, #tpu.memory_space<vmem>>, vector<16xf32>,
      %mul3A_170 = vector.broadcast %squeeze3A_162 : f32 to vector<16xf32>
      %mul3A_171 = arith.mulf %get3A_169, %mul3A_170 : vector<16xf32>
      %swap3A_172 = arith.index_cast %add3A_166 : i32 to index
      %swap3A_173 = arith.constant 0 : index
      %swap3A_174 = tpu.vector_load %arg12[%swap3A_172, %swap3A_173] {strides = array<i32>} : memref<640x16xf32, #tpu.memory_space<vmem>>, vector<16xf32>,
      tpu.vector_store %arg12[%swap3A_172, %swap3A_173], %mul3A_171 {strides = array<i32>} : memref<640x16xf32, #tpu.memory_space<vmem>>, vector<16xf32>,
      %broadcast_in_dim3A_175 = arith.constant 0.000000e+00 : f32
      %broadcast_in_dim3A_176 = vector.broadcast %broadcast_in_dim3A_175 : f32 to vector<16xf32>
      %add3A_177 = vector.broadcast %squeeze3A_162 : f32 to vector<16xf32>
      %add3A_178 = arith.addf %broadcast_in_dim3A_176, %add3A_177 : vector<16xf32>
      %swap3A_179 = arith.index_cast %add3A_166 : i32 to index
      %swap3A_180 = arith.constant 0 : index
      %swap3A_181 = tpu.vector_load %arg15[%swap3A_179, %swap3A_180] {strides = array<i32>} : memref<640x16xf32, #tpu.memory_space<vmem>>, vector<16xf32>,
      tpu.vector_store %arg15[%swap3A_179, %swap3A_180], %add3A_178 {strides = array<i32>} : memref<640x16xf32, #tpu.memory_space<vmem>>, vector<16xf32>,
      %slice3A_182 = vector.extract_strided_slice %mul3A_143 {offsets = [2], sizes = [1], strides = [1]} : vector<16xf32> to vector<1xf32>
      %squeeze3A_183 = vector.extract %slice3A_182[0] : f32 from vector<1xf32>
      %mul3A_184 = arith.constant 16 : i32
      %mul3A_185 = arith.muli %scan3A_102, %mul3A_184 : i32
      %add3A_186 = arith.constant 2 : i32
      %add3A_187 = arith.addi %mul3A_185, %add3A_186 : i32
      %get3A_188 = arith.index_cast %add3A_187 : i32 to index
      %get3A_189 = arith.constant 0 : index
      %get3A_190 = tpu.vector_load %arg12[%get3A_188, %get3A_189] {strides = array<i32>} : memref<640x16xf32, #tpu.memory_space<vmem>>, vector<16xf32>,
      %mul3A_191 = vector.broadcast %squeeze3A_183 : f32 to vector<16xf32>
      %mul3A_192 = arith.mulf %get3A_190, %mul3A_191 : vector<16xf32>
      %swap3A_193 = arith.index_cast %add3A_187 : i32 to index
      %swap3A_194 = arith.constant 0 : index
      %swap3A_195 = tpu.vector_load %arg12[%swap3A_193, %swap3A_194] {strides = array<i32>} : memref<640x16xf32, #tpu.memory_space<vmem>>, vector<16xf32>,
      tpu.vector_store %arg12[%swap3A_193, %swap3A_194], %mul3A_192 {strides = array<i32>} : memref<640x16xf32, #tpu.memory_space<vmem>>, vector<16xf32>,
      %broadcast_in_dim3A_196 = arith.constant 0.000000e+00 : f32
      %broadcast_in_dim3A_197 = vector.broadcast %broadcast_in_dim3A_196 : f32 to vector<16xf32>
      %add3A_198 = vector.broadcast %squeeze3A_183 : f32 to vector<16xf32>
      %add3A_199 = arith.addf %broadcast_in_dim3A_197, %add3A_198 : vector<16xf32>
      %swap3A_200 = arith.index_cast %add3A_187 : i32 to index
      %swap3A_201 = arith.constant 0 : index
      %swap3A_202 = tpu.vector_load %arg15[%swap3A_200, %swap3A_201] {strides = array<i32>} : memref<640x16xf32, #tpu.memory_space<vmem>>, vector<16xf32>,
      tpu.vector_store %arg15[%swap3A_200, %swap3A_201], %add3A_199 {strides = array<i32>} : memref<640x16xf32, #tpu.memory_space<vmem>>, vector<16xf32>,
      %slice3A_203 = vector.extract_strided_slice %mul3A_143 {offsets = [3], sizes = [1], strides = [1]} : vector<16xf32> to vector<1xf32>
      %squeeze3A_204 = vector.extract %slice3A_203[0] : f32 from vector<1xf32>
      %mul3A_205 = arith.constant 16 : i32
      %mul3A_206 = arith.muli %scan3A_102, %mul3A_205 : i32
      %add3A_207 = arith.constant 3 : i32
      %add3A_208 = arith.addi %mul3A_206, %add3A_207 : i32
      %get3A_209 = arith.index_cast %add3A_208 : i32 to index
      %get3A_210 = arith.constant 0 : index
      %get3A_211 = tpu.vector_load %arg12[%get3A_209, %get3A_210] {strides = array<i32>} : memref<640x16xf32, #tpu.memory_space<vmem>>, vector<16xf32>,
      %mul3A_212 = vector.broadcast %squeeze3A_204 : f32 to vector<16xf32>
      %mul3A_213 = arith.mulf %get3A_211, %mul3A_212 : vector<16xf32>
      %swap3A_214 = arith.index_cast %add3A_208 : i32 to index
      %swap3A_215 = arith.constant 0 : index
      %swap3A_216 = tpu.vector_load %arg12[%swap3A_214, %swap3A_215] {strides = array<i32>} : memref<640x16xf32, #tpu.memory_space<vmem>>, vector<16xf32>,
      tpu.vector_store %arg12[%swap3A_214, %swap3A_215], %mul3A_213 {strides = array<i32>} : memref<640x16xf32, #tpu.memory_space<vmem>>, vector<16xf32>,
      %broadcast_in_dim3A_217 = arith.constant 0.000000e+00 : f32
      %broadcast_in_dim3A_218 = vector.broadcast %broadcast_in_dim3A_217 : f32 to vector<16xf32>
      %add3A_219 = vector.broadcast %squeeze3A_204 : f32 to vector<16xf32>
      %add3A_220 = arith.addf %broadcast_in_dim3A_218, %add3A_219 : vector<16xf32>
      %swap3A_221 = arith.index_cast %add3A_208 : i32 to index
      %swap3A_222 = arith.constant 0 : index
      %swap3A_223 = tpu.vector_load %arg15[%swap3A_221, %swap3A_222] {strides = array<i32>} : memref<640x16xf32, #tpu.memory_space<vmem>>, vector<16xf32>,
      tpu.vector_store %arg15[%swap3A_221, %swap3A_222], %add3A_220 {strides = array<i32>} : memref<640x16xf32, #tpu.memory_space<vmem>>, vector<16xf32>,
      %slice3A_224 = vector.extract_strided_slice %mul3A_143 {offsets = [4], sizes = [1], strides = [1]} : vector<16xf32> to vector<1xf32>
      %squeeze3A_225 = vector.extract %slice3A_224[0] : f32 from vector<1xf32>
      %mul3A_226 = arith.constant 16 : i32
      %mul3A_227 = arith.muli %scan3A_102, %mul3A_226 : i32
      %add3A_228 = arith.constant 4 : i32
      %add3A_229 = arith.addi %mul3A_227, %add3A_228 : i32
      %get3A_230 = arith.index_cast %add3A_229 : i32 to index
      %get3A_231 = arith.constant 0 : index
      %get3A_232 = tpu.vector_load %arg12[%get3A_230, %get3A_231] {strides = array<i32>} : memref<640x16xf32, #tpu.memory_space<vmem>>, vector<16xf32>,
      %mul3A_233 = vector.broadcast %squeeze3A_225 : f32 to vector<16xf32>
      %mul3A_234 = arith.mulf %get3A_232, %mul3A_233 : vector<16xf32>
      %swap3A_235 = arith.index_cast %add3A_229 : i32 to index
      %swap3A_236 = arith.constant 0 : index
      %swap3A_237 = tpu.vector_load %arg12[%swap3A_235, %swap3A_236] {strides = array<i32>} : memref<640x16xf32, #tpu.memory_space<vmem>>, vector<16xf32>,
      tpu.vector_store %arg12[%swap3A_235, %swap3A_236], %mul3A_234 {strides = array<i32>} : memref<640x16xf32, #tpu.memory_space<vmem>>, vector<16xf32>,
      %broadcast_in_dim3A_238 = arith.constant 0.000000e+00 : f32
      %broadcast_in_dim3A_239 = vector.broadcast %broadcast_in_dim3A_238 : f32 to vector<16xf32>
      %add3A_240 = vector.broadcast %squeeze3A_225 : f32 to vector<16xf32>
      %add3A_241 = arith.addf %broadcast_in_dim3A_239, %add3A_240 : vector<16xf32>
      %swap3A_242 = arith.index_cast %add3A_229 : i32 to index
      %swap3A_243 = arith.constant 0 : index
      %swap3A_244 = tpu.vector_load %arg15[%swap3A_242, %swap3A_243] {strides = array<i32>} : memref<640x16xf32, #tpu.memory_space<vmem>>, vector<16xf32>,
      tpu.vector_store %arg15[%swap3A_242, %swap3A_243], %add3A_241 {strides = array<i32>} : memref<640x16xf32, #tpu.memory_space<vmem>>, vector<16xf32>,
      %slice3A_245 = vector.extract_strided_slice %mul3A_143 {offsets = [5], sizes = [1], strides = [1]} : vector<16xf32> to vector<1xf32>
      %squeeze3A_246 = vector.extract %slice3A_245[0] : f32 from vector<1xf32>
      %mul3A_247 = arith.constant 16 : i32
      %mul3A_248 = arith.muli %scan3A_102, %mul3A_247 : i32
      %add3A_249 = arith.constant 5 : i32
      %add3A_250 = arith.addi %mul3A_248, %add3A_249 : i32
      %get3A_251 = arith.index_cast %add3A_250 : i32 to index
      %get3A_252 = arith.constant 0 : index
      %get3A_253 = tpu.vector_load %arg12[%get3A_251, %get3A_252] {strides = array<i32>} : memref<640x16xf32, #tpu.memory_space<vmem>>, vector<16xf32>,
      %mul3A_254 = vector.broadcast %squeeze3A_246 : f32 to vector<16xf32>
      %mul3A_255 = arith.mulf %get3A_253, %mul3A_254 : vector<16xf32>
      %swap3A_256 = arith.index_cast %add3A_250 : i32 to index
      %swap3A_257 = arith.constant 0 : index
      %swap3A_258 = tpu.vector_load %arg12[%swap3A_256, %swap3A_257] {strides = array<i32>} : memref<640x16xf32, #tpu.memory_space<vmem>>, vector<16xf32>,
      tpu.vector_store %arg12[%swap3A_256, %swap3A_257], %mul3A_255 {strides = array<i32>} : memref<640x16xf32, #tpu.memory_space<vmem>>, vector<16xf32>,
      %broadcast_in_dim3A_259 = arith.constant 0.000000e+00 : f32
      %broadcast_in_dim3A_260 = vector.broadcast %broadcast_in_dim3A_259 : f32 to vector<16xf32>
      %add3A_261 = vector.broadcast %squeeze3A_246 : f32 to vector<16xf32>
      %add3A_262 = arith.addf %broadcast_in_dim3A_260, %add3A_261 : vector<16xf32>
      %swap3A_263 = arith.index_cast %add3A_250 : i32 to index
      %swap3A_264 = arith.constant 0 : index
      %swap3A_265 = tpu.vector_load %arg15[%swap3A_263, %swap3A_264] {strides = array<i32>} : memref<640x16xf32, #tpu.memory_space<vmem>>, vector<16xf32>,
      tpu.vector_store %arg15[%swap3A_263, %swap3A_264], %add3A_262 {strides = array<i32>} : memref<640x16xf32, #tpu.memory_space<vmem>>, vector<16xf32>,
      %slice3A_266 = vector.extract_strided_slice %mul3A_143 {offsets = [6], sizes = [1], strides = [1]} : vector<16xf32> to vector<1xf32>
      %squeeze3A_267 = vector.extract %slice3A_266[0] : f32 from vector<1xf32>
      %mul3A_268 = arith.constant 16 : i32
      %mul3A_269 = arith.muli %scan3A_102, %mul3A_268 : i32
      %add3A_270 = arith.constant 6 : i32
      %add3A_271 = arith.addi %mul3A_269, %add3A_270 : i32
      %get3A_272 = arith.index_cast %add3A_271 : i32 to index
      %get3A_273 = arith.constant 0 : index
      %get3A_274 = tpu.vector_load %arg12[%get3A_272, %get3A_273] {strides = array<i32>} : memref<640x16xf32, #tpu.memory_space<vmem>>, vector<16xf32>,
      %mul3A_275 = vector.broadcast %squeeze3A_267 : f32 to vector<16xf32>
      %mul3A_276 = arith.mulf %get3A_274, %mul3A_275 : vector<16xf32>
      %swap3A_277 = arith.index_cast %add3A_271 : i32 to index
      %swap3A_278 = arith.constant 0 : index
      %swap3A_279 = tpu.vector_load %arg12[%swap3A_277, %swap3A_278] {strides = array<i32>} : memref<640x16xf32, #tpu.memory_space<vmem>>, vector<16xf32>,
      tpu.vector_store %arg12[%swap3A_277, %swap3A_278], %mul3A_276 {strides = array<i32>} : memref<640x16xf32, #tpu.memory_space<vmem>>, vector<16xf32>,
      %broadcast_in_dim3A_280 = arith.constant 0.000000e+00 : f32
      %broadcast_in_dim3A_281 = vector.broadcast %broadcast_in_dim3A_280 : f32 to vector<16xf32>
      %add3A_282 = vector.broadcast %squeeze3A_267 : f32 to vector<16xf32>
      %add3A_283 = arith.addf %broadcast_in_dim3A_281, %add3A_282 : vector<16xf32>
      %swap3A_284 = arith.index_cast %add3A_271 : i32 to index
      %swap3A_285 = arith.constant 0 : index
      %swap3A_286 = tpu.vector_load %arg15[%swap3A_284, %swap3A_285] {strides = array<i32>} : memref<640x16xf32, #tpu.memory_space<vmem>>, vector<16xf32>,
      tpu.vector_store %arg15[%swap3A_284, %swap3A_285], %add3A_283 {strides = array<i32>} : memref<640x16xf32, #tpu.memory_space<vmem>>, vector<16xf32>,
      %slice3A_287 = vector.extract_strided_slice %mul3A_143 {offsets = [7], sizes = [1], strides = [1]} : vector<16xf32> to vector<1xf32>
      %squeeze3A_288 = vector.extract %slice3A_287[0] : f32 from vector<1xf32>
      %mul3A_289 = arith.constant 16 : i32
      %mul3A_290 = arith.muli %scan3A_102, %mul3A_289 : i32
      %add3A_291 = arith.constant 7 : i32
      %add3A_292 = arith.addi %mul3A_290, %add3A_291 : i32
      %get3A_293 = arith.index_cast %add3A_292 : i32 to index
      %get3A_294 = arith.constant 0 : index
      %get3A_295 = tpu.vector_load %arg12[%get3A_293, %get3A_294] {strides = array<i32>} : memref<640x16xf32, #tpu.memory_space<vmem>>, vector<16xf32>,
      %mul3A_296 = vector.broadcast %squeeze3A_288 : f32 to vector<16xf32>
      %mul3A_297 = arith.mulf %get3A_295, %mul3A_296 : vector<16xf32>
      %swap3A_298 = arith.index_cast %add3A_292 : i32 to index
      %swap3A_299 = arith.constant 0 : index
      %swap3A_300 = tpu.vector_load %arg12[%swap3A_298, %swap3A_299] {strides = array<i32>} : memref<640x16xf32, #tpu.memory_space<vmem>>, vector<16xf32>,
      tpu.vector_store %arg12[%swap3A_298, %swap3A_299], %mul3A_297 {strides = array<i32>} : memref<640x16xf32, #tpu.memory_space<vmem>>, vector<16xf32>,
      %broadcast_in_dim3A_301 = arith.constant 0.000000e+00 : f32
      %broadcast_in_dim3A_302 = vector.broadcast %broadcast_in_dim3A_301 : f32 to vector<16xf32>
      %add3A_303 = vector.broadcast %squeeze3A_288 : f32 to vector<16xf32>
      %add3A_304 = arith.addf %broadcast_in_dim3A_302, %add3A_303 : vector<16xf32>
      %swap3A_305 = arith.index_cast %add3A_292 : i32 to index
      %swap3A_306 = arith.constant 0 : index
      %swap3A_307 = tpu.vector_load %arg15[%swap3A_305, %swap3A_306] {strides = array<i32>} : memref<640x16xf32, #tpu.memory_space<vmem>>, vector<16xf32>,
      tpu.vector_store %arg15[%swap3A_305, %swap3A_306], %add3A_304 {strides = array<i32>} : memref<640x16xf32, #tpu.memory_space<vmem>>, vector<16xf32>,
      %slice3A_308 = vector.extract_strided_slice %mul3A_143 {offsets = [8], sizes = [1], strides = [1]} : vector<16xf32> to vector<1xf32>
      %squeeze3A_309 = vector.extract %slice3A_308[0] : f32 from vector<1xf32>
      %mul3A_310 = arith.constant 16 : i32
      %mul3A_311 = arith.muli %scan3A_102, %mul3A_310 : i32
      %add3A_312 = arith.constant 8 : i32
      %add3A_313 = arith.addi %mul3A_311, %add3A_312 : i32
      %get3A_314 = arith.index_cast %add3A_313 : i32 to index
      %get3A_315 = arith.constant 0 : index
      %get3A_316 = tpu.vector_load %arg12[%get3A_314, %get3A_315] {strides = array<i32>} : memref<640x16xf32, #tpu.memory_space<vmem>>, vector<16xf32>,
      %mul3A_317 = vector.broadcast %squeeze3A_309 : f32 to vector<16xf32>
      %mul3A_318 = arith.mulf %get3A_316, %mul3A_317 : vector<16xf32>
      %swap3A_319 = arith.index_cast %add3A_313 : i32 to index
      %swap3A_320 = arith.constant 0 : index
      %swap3A_321 = tpu.vector_load %arg12[%swap3A_319, %swap3A_320] {strides = array<i32>} : memref<640x16xf32, #tpu.memory_space<vmem>>, vector<16xf32>,
      tpu.vector_store %arg12[%swap3A_319, %swap3A_320], %mul3A_318 {strides = array<i32>} : memref<640x16xf32, #tpu.memory_space<vmem>>, vector<16xf32>,
      %broadcast_in_dim3A_322 = arith.constant 0.000000e+00 : f32
      %broadcast_in_dim3A_323 = vector.broadcast %broadcast_in_dim3A_322 : f32 to vector<16xf32>
      %add3A_324 = vector.broadcast %squeeze3A_309 : f32 to vector<16xf32>
      %add3A_325 = arith.addf %broadcast_in_dim3A_323, %add3A_324 : vector<16xf32>
      %swap3A_326 = arith.index_cast %add3A_313 : i32 to index
      %swap3A_327 = arith.constant 0 : index
      %swap3A_328 = tpu.vector_load %arg15[%swap3A_326, %swap3A_327] {strides = array<i32>} : memref<640x16xf32, #tpu.memory_space<vmem>>, vector<16xf32>,
      tpu.vector_store %arg15[%swap3A_326, %swap3A_327], %add3A_325 {strides = array<i32>} : memref<640x16xf32, #tpu.memory_space<vmem>>, vector<16xf32>,
      %slice3A_329 = vector.extract_strided_slice %mul3A_143 {offsets = [9], sizes = [1], strides = [1]} : vector<16xf32> to vector<1xf32>
      %squeeze3A_330 = vector.extract %slice3A_329[0] : f32 from vector<1xf32>
      %mul3A_331 = arith.constant 16 : i32
      %mul3A_332 = arith.muli %scan3A_102, %mul3A_331 : i32
      %add3A_333 = arith.constant 9 : i32
      %add3A_334 = arith.addi %mul3A_332, %add3A_333 : i32
      %get3A_335 = arith.index_cast %add3A_334 : i32 to index
      %get3A_336 = arith.constant 0 : index
      %get3A_337 = tpu.vector_load %arg12[%get3A_335, %get3A_336] {strides = array<i32>} : memref<640x16xf32, #tpu.memory_space<vmem>>, vector<16xf32>,
      %mul3A_338 = vector.broadcast %squeeze3A_330 : f32 to vector<16xf32>
      %mul3A_339 = arith.mulf %get3A_337, %mul3A_338 : vector<16xf32>
      %swap3A_340 = arith.index_cast %add3A_334 : i32 to index
      %swap3A_341 = arith.constant 0 : index
      %swap3A_342 = tpu.vector_load %arg12[%swap3A_340, %swap3A_341] {strides = array<i32>} : memref<640x16xf32, #tpu.memory_space<vmem>>, vector<16xf32>,
      tpu.vector_store %arg12[%swap3A_340, %swap3A_341], %mul3A_339 {strides = array<i32>} : memref<640x16xf32, #tpu.memory_space<vmem>>, vector<16xf32>,
      %broadcast_in_dim3A_343 = arith.constant 0.000000e+00 : f32
      %broadcast_in_dim3A_344 = vector.broadcast %broadcast_in_dim3A_343 : f32 to vector<16xf32>
      %add3A_345 = vector.broadcast %squeeze3A_330 : f32 to vector<16xf32>
      %add3A_346 = arith.addf %broadcast_in_dim3A_344, %add3A_345 : vector<16xf32>
      %swap3A_347 = arith.index_cast %add3A_334 : i32 to index
      %swap3A_348 = arith.constant 0 : index
      %swap3A_349 = tpu.vector_load %arg15[%swap3A_347, %swap3A_348] {strides = array<i32>} : memref<640x16xf32, #tpu.memory_space<vmem>>, vector<16xf32>,
      tpu.vector_store %arg15[%swap3A_347, %swap3A_348], %add3A_346 {strides = array<i32>} : memref<640x16xf32, #tpu.memory_space<vmem>>, vector<16xf32>,
      %slice3A_350 = vector.extract_strided_slice %mul3A_143 {offsets = [10], sizes = [1], strides = [1]} : vector<16xf32> to vector<1xf32>
      %squeeze3A_351 = vector.extract %slice3A_350[0] : f32 from vector<1xf32>
      %mul3A_352 = arith.constant 16 : i32
      %mul3A_353 = arith.muli %scan3A_102, %mul3A_352 : i32
      %add3A_354 = arith.constant 10 : i32
      %add3A_355 = arith.addi %mul3A_353, %add3A_354 : i32
      %get3A_356 = arith.index_cast %add3A_355 : i32 to index
      %get3A_357 = arith.constant 0 : index
      %get3A_358 = tpu.vector_load %arg12[%get3A_356, %get3A_357] {strides = array<i32>} : memref<640x16xf32, #tpu.memory_space<vmem>>, vector<16xf32>,
      %mul3A_359 = vector.broadcast %squeeze3A_351 : f32 to vector<16xf32>
      %mul3A_360 = arith.mulf %get3A_358, %mul3A_359 : vector<16xf32>
      %swap3A_361 = arith.index_cast %add3A_355 : i32 to index
      %swap3A_362 = arith.constant 0 : index
      %swap3A_363 = tpu.vector_load %arg12[%swap3A_361, %swap3A_362] {strides = array<i32>} : memref<640x16xf32, #tpu.memory_space<vmem>>, vector<16xf32>,
      tpu.vector_store %arg12[%swap3A_361, %swap3A_362], %mul3A_360 {strides = array<i32>} : memref<640x16xf32, #tpu.memory_space<vmem>>, vector<16xf32>,
      %broadcast_in_dim3A_364 = arith.constant 0.000000e+00 : f32
      %broadcast_in_dim3A_365 = vector.broadcast %broadcast_in_dim3A_364 : f32 to vector<16xf32>
      %add3A_366 = vector.broadcast %squeeze3A_351 : f32 to vector<16xf32>
      %add3A_367 = arith.addf %broadcast_in_dim3A_365, %add3A_366 : vector<16xf32>
      %swap3A_368 = arith.index_cast %add3A_355 : i32 to index
      %swap3A_369 = arith.constant 0 : index
      %swap3A_370 = tpu.vector_load %arg15[%swap3A_368, %swap3A_369] {strides = array<i32>} : memref<640x16xf32, #tpu.memory_space<vmem>>, vector<16xf32>,
      tpu.vector_store %arg15[%swap3A_368, %swap3A_369], %add3A_367 {strides = array<i32>} : memref<640x16xf32, #tpu.memory_space<vmem>>, vector<16xf32>,
      %slice3A_371 = vector.extract_strided_slice %mul3A_143 {offsets = [11], sizes = [1], strides = [1]} : vector<16xf32> to vector<1xf32>
      %squeeze3A_372 = vector.extract %slice3A_371[0] : f32 from vector<1xf32>
      %mul3A_373 = arith.constant 16 : i32
      %mul3A_374 = arith.muli %scan3A_102, %mul3A_373 : i32
      %add3A_375 = arith.constant 11 : i32
      %add3A_376 = arith.addi %mul3A_374, %add3A_375 : i32
      %get3A_377 = arith.index_cast %add3A_376 : i32 to index
      %get3A_378 = arith.constant 0 : index
      %get3A_379 = tpu.vector_load %arg12[%get3A_377, %get3A_378] {strides = array<i32>} : memref<640x16xf32, #tpu.memory_space<vmem>>, vector<16xf32>,
      %mul3A_380 = vector.broadcast %squeeze3A_372 : f32 to vector<16xf32>
      %mul3A_381 = arith.mulf %get3A_379, %mul3A_380 : vector<16xf32>
      %swap3A_382 = arith.index_cast %add3A_376 : i32 to index
      %swap3A_383 = arith.constant 0 : index
      %swap3A_384 = tpu.vector_load %arg12[%swap3A_382, %swap3A_383] {strides = array<i32>} : memref<640x16xf32, #tpu.memory_space<vmem>>, vector<16xf32>,
      tpu.vector_store %arg12[%swap3A_382, %swap3A_383], %mul3A_381 {strides = array<i32>} : memref<640x16xf32, #tpu.memory_space<vmem>>, vector<16xf32>,
      %broadcast_in_dim3A_385 = arith.constant 0.000000e+00 : f32
      %broadcast_in_dim3A_386 = vector.broadcast %broadcast_in_dim3A_385 : f32 to vector<16xf32>
      %add3A_387 = vector.broadcast %squeeze3A_372 : f32 to vector<16xf32>
      %add3A_388 = arith.addf %broadcast_in_dim3A_386, %add3A_387 : vector<16xf32>
      %swap3A_389 = arith.index_cast %add3A_376 : i32 to index
      %swap3A_390 = arith.constant 0 : index
      %swap3A_391 = tpu.vector_load %arg15[%swap3A_389, %swap3A_390] {strides = array<i32>} : memref<640x16xf32, #tpu.memory_space<vmem>>, vector<16xf32>,
      tpu.vector_store %arg15[%swap3A_389, %swap3A_390], %add3A_388 {strides = array<i32>} : memref<640x16xf32, #tpu.memory_space<vmem>>, vector<16xf32>,
      %slice3A_392 = vector.extract_strided_slice %mul3A_143 {offsets = [12], sizes = [1], strides = [1]} : vector<16xf32> to vector<1xf32>
      %squeeze3A_393 = vector.extract %slice3A_392[0] : f32 from vector<1xf32>
      %mul3A_394 = arith.constant 16 : i32
      %mul3A_395 = arith.muli %scan3A_102, %mul3A_394 : i32
      %add3A_396 = arith.constant 12 : i32
      %add3A_397 = arith.addi %mul3A_395, %add3A_396 : i32
      %get3A_398 = arith.index_cast %add3A_397 : i32 to index
      %get3A_399 = arith.constant 0 : index
      %get3A_400 = tpu.vector_load %arg12[%get3A_398, %get3A_399] {strides = array<i32>} : memref<640x16xf32, #tpu.memory_space<vmem>>, vector<16xf32>,
      %mul3A_401 = vector.broadcast %squeeze3A_393 : f32 to vector<16xf32>
      %mul3A_402 = arith.mulf %get3A_400, %mul3A_401 : vector<16xf32>
      %swap3A_403 = arith.index_cast %add3A_397 : i32 to index
      %swap3A_404 = arith.constant 0 : index
      %swap3A_405 = tpu.vector_load %arg12[%swap3A_403, %swap3A_404] {strides = array<i32>} : memref<640x16xf32, #tpu.memory_space<vmem>>, vector<16xf32>,
      tpu.vector_store %arg12[%swap3A_403, %swap3A_404], %mul3A_402 {strides = array<i32>} : memref<640x16xf32, #tpu.memory_space<vmem>>, vector<16xf32>,
      %broadcast_in_dim3A_406 = arith.constant 0.000000e+00 : f32
      %broadcast_in_dim3A_407 = vector.broadcast %broadcast_in_dim3A_406 : f32 to vector<16xf32>
      %add3A_408 = vector.broadcast %squeeze3A_393 : f32 to vector<16xf32>
      %add3A_409 = arith.addf %broadcast_in_dim3A_407, %add3A_408 : vector<16xf32>
      %swap3A_410 = arith.index_cast %add3A_397 : i32 to index
      %swap3A_411 = arith.constant 0 : index
      %swap3A_412 = tpu.vector_load %arg15[%swap3A_410, %swap3A_411] {strides = array<i32>} : memref<640x16xf32, #tpu.memory_space<vmem>>, vector<16xf32>,
      tpu.vector_store %arg15[%swap3A_410, %swap3A_411], %add3A_409 {strides = array<i32>} : memref<640x16xf32, #tpu.memory_space<vmem>>, vector<16xf32>,
      %slice3A_413 = vector.extract_strided_slice %mul3A_143 {offsets = [13], sizes = [1], strides = [1]} : vector<16xf32> to vector<1xf32>
      %squeeze3A_414 = vector.extract %slice3A_413[0] : f32 from vector<1xf32>
      %mul3A_415 = arith.constant 16 : i32
      %mul3A_416 = arith.muli %scan3A_102, %mul3A_415 : i32
      %add3A_417 = arith.constant 13 : i32
      %add3A_418 = arith.addi %mul3A_416, %add3A_417 : i32
      %get3A_419 = arith.index_cast %add3A_418 : i32 to index
      %get3A_420 = arith.constant 0 : index
      %get3A_421 = tpu.vector_load %arg12[%get3A_419, %get3A_420] {strides = array<i32>} : memref<640x16xf32, #tpu.memory_space<vmem>>, vector<16xf32>,
      %mul3A_422 = vector.broadcast %squeeze3A_414 : f32 to vector<16xf32>
      %mul3A_423 = arith.mulf %get3A_421, %mul3A_422 : vector<16xf32>
      %swap3A_424 = arith.index_cast %add3A_418 : i32 to index
      %swap3A_425 = arith.constant 0 : index
      %swap3A_426 = tpu.vector_load %arg12[%swap3A_424, %swap3A_425] {strides = array<i32>} : memref<640x16xf32, #tpu.memory_space<vmem>>, vector<16xf32>,
      tpu.vector_store %arg12[%swap3A_424, %swap3A_425], %mul3A_423 {strides = array<i32>} : memref<640x16xf32, #tpu.memory_space<vmem>>, vector<16xf32>,
      %broadcast_in_dim3A_427 = arith.constant 0.000000e+00 : f32
      %broadcast_in_dim3A_428 = vector.broadcast %broadcast_in_dim3A_427 : f32 to vector<16xf32>
      %add3A_429 = vector.broadcast %squeeze3A_414 : f32 to vector<16xf32>
      %add3A_430 = arith.addf %broadcast_in_dim3A_428, %add3A_429 : vector<16xf32>
      %swap3A_431 = arith.index_cast %add3A_418 : i32 to index
      %swap3A_432 = arith.constant 0 : index
      %swap3A_433 = tpu.vector_load %arg15[%swap3A_431, %swap3A_432] {strides = array<i32>} : memref<640x16xf32, #tpu.memory_space<vmem>>, vector<16xf32>,
      tpu.vector_store %arg15[%swap3A_431, %swap3A_432], %add3A_430 {strides = array<i32>} : memref<640x16xf32, #tpu.memory_space<vmem>>, vector<16xf32>,
      %slice3A_434 = vector.extract_strided_slice %mul3A_143 {offsets = [14], sizes = [1], strides = [1]} : vector<16xf32> to vector<1xf32>
      %squeeze3A_435 = vector.extract %slice3A_434[0] : f32 from vector<1xf32>
      %mul3A_436 = arith.constant 16 : i32
      %mul3A_437 = arith.muli %scan3A_102, %mul3A_436 : i32
      %add3A_438 = arith.constant 14 : i32
      %add3A_439 = arith.addi %mul3A_437, %add3A_438 : i32
      %get3A_440 = arith.index_cast %add3A_439 : i32 to index
      %get3A_441 = arith.constant 0 : index
      %get3A_442 = tpu.vector_load %arg12[%get3A_440, %get3A_441] {strides = array<i32>} : memref<640x16xf32, #tpu.memory_space<vmem>>, vector<16xf32>,
      %mul3A_443 = vector.broadcast %squeeze3A_435 : f32 to vector<16xf32>
      %mul3A_444 = arith.mulf %get3A_442, %mul3A_443 : vector<16xf32>
      %swap3A_445 = arith.index_cast %add3A_439 : i32 to index
      %swap3A_446 = arith.constant 0 : index
      %swap3A_447 = tpu.vector_load %arg12[%swap3A_445, %swap3A_446] {strides = array<i32>} : memref<640x16xf32, #tpu.memory_space<vmem>>, vector<16xf32>,
      tpu.vector_store %arg12[%swap3A_445, %swap3A_446], %mul3A_444 {strides = array<i32>} : memref<640x16xf32, #tpu.memory_space<vmem>>, vector<16xf32>,
      %broadcast_in_dim3A_448 = arith.constant 0.000000e+00 : f32
      %broadcast_in_dim3A_449 = vector.broadcast %broadcast_in_dim3A_448 : f32 to vector<16xf32>
      %add3A_450 = vector.broadcast %squeeze3A_435 : f32 to vector<16xf32>
      %add3A_451 = arith.addf %broadcast_in_dim3A_449, %add3A_450 : vector<16xf32>
      %swap3A_452 = arith.index_cast %add3A_439 : i32 to index
      %swap3A_453 = arith.constant 0 : index
      %swap3A_454 = tpu.vector_load %arg15[%swap3A_452, %swap3A_453] {strides = array<i32>} : memref<640x16xf32, #tpu.memory_space<vmem>>, vector<16xf32>,
      tpu.vector_store %arg15[%swap3A_452, %swap3A_453], %add3A_451 {strides = array<i32>} : memref<640x16xf32, #tpu.memory_space<vmem>>, vector<16xf32>,
      %slice3A_455 = vector.extract_strided_slice %mul3A_143 {offsets = [15], sizes = [1], strides = [1]} : vector<16xf32> to vector<1xf32>
      %squeeze3A_456 = vector.extract %slice3A_455[0] : f32 from vector<1xf32>
      %mul3A_457 = arith.constant 16 : i32
      %mul3A_458 = arith.muli %scan3A_102, %mul3A_457 : i32
      %add3A_459 = arith.constant 15 : i32
      %add3A_460 = arith.addi %mul3A_458, %add3A_459 : i32
      %get3A_461 = arith.index_cast %add3A_460 : i32 to index
      %get3A_462 = arith.constant 0 : index
      %get3A_463 = tpu.vector_load %arg12[%get3A_461, %get3A_462] {strides = array<i32>} : memref<640x16xf32, #tpu.memory_space<vmem>>, vector<16xf32>,
      %mul3A_464 = vector.broadcast %squeeze3A_456 : f32 to vector<16xf32>
      %mul3A_465 = arith.mulf %get3A_463, %mul3A_464 : vector<16xf32>
      %swap3A_466 = arith.index_cast %add3A_460 : i32 to index
      %swap3A_467 = arith.constant 0 : index
      %swap3A_468 = tpu.vector_load %arg12[%swap3A_466, %swap3A_467] {strides = array<i32>} : memref<640x16xf32, #tpu.memory_space<vmem>>, vector<16xf32>,
      tpu.vector_store %arg12[%swap3A_466, %swap3A_467], %mul3A_465 {strides = array<i32>} : memref<640x16xf32, #tpu.memory_space<vmem>>, vector<16xf32>,
      %broadcast_in_dim3A_469 = arith.constant 0.000000e+00 : f32
      %broadcast_in_dim3A_470 = vector.broadcast %broadcast_in_dim3A_469 : f32 to vector<16xf32>
      %add3A_471 = vector.broadcast %squeeze3A_456 : f32 to vector<16xf32>
      %add3A_472 = arith.addf %broadcast_in_dim3A_470, %add3A_471 : vector<16xf32>
      %swap3A_473 = arith.index_cast %add3A_460 : i32 to index
      %swap3A_474 = arith.constant 0 : index
      %swap3A_475 = tpu.vector_load %arg15[%swap3A_473, %swap3A_474] {strides = array<i32>} : memref<640x16xf32, #tpu.memory_space<vmem>>, vector<16xf32>,
      tpu.vector_store %arg15[%swap3A_473, %swap3A_474], %add3A_472 {strides = array<i32>} : memref<640x16xf32, #tpu.memory_space<vmem>>, vector<16xf32>,
    }
    %scan3A_11 = arith.constant 40 : i32
    "tpu.region"() ({
      %run_scoped3A_102 = tpu.sem_alloc : memref<!tpu.dma_semaphore, #tpu.memory_space<semaphore_mem>>
      %dma_start3A_103 = arith.constant 0 : i32
      %dma_start3A_104 = tpu.memref_slice %arg17[%mul3A_2, %dma_start3A_103] : memref<10240x16xf32, #tpu.memory_space<vmem_shared>> -> memref<640x16xf32, #tpu.memory_space<vmem_shared>>
      %dma_start3A_105 = arith.constant 0 : i32
      %dma_start3A_106 = tpu.memref_slice %arg17[%mul3A_2, %dma_start3A_105] : memref<10240x16xf32, #tpu.memory_space<vmem_shared>> -> memref<640x16xf32, #tpu.memory_space<vmem_shared>>
      tpu.enqueue_dma source(%arg12 : memref<640x16xf32, #tpu.memory_space<vmem>>) target(%dma_start3A_106 : memref<640x16xf32, #tpu.memory_space<vmem_shared>>) target_semaphore(%run_scoped3A_102 : memref<!tpu.dma_semaphore, #tpu.memory_space<semaphore_mem>>)
      %dma_wait3A_107 = arith.constant 0 : i32
      %dma_wait3A_108 = tpu.memref_slice %arg17[%mul3A_2, %dma_wait3A_107] : memref<10240x16xf32, #tpu.memory_space<vmem_shared>> -> memref<640x16xf32, #tpu.memory_space<vmem_shared>>
      %dma_wait3A_109 = arith.constant 0 : i32
      %dma_wait3A_110 = tpu.memref_slice %arg17[%mul3A_2, %dma_wait3A_109] : memref<10240x16xf32, #tpu.memory_space<vmem_shared>> -> memref<640x16xf32, #tpu.memory_space<vmem_shared>>
      tpu.wait_dma2 semaphore(%run_scoped3A_102 : memref<!tpu.dma_semaphore, #tpu.memory_space<semaphore_mem>>) src(%arg12 : memref<640x16xf32, #tpu.memory_space<vmem>>) dst(%dma_wait3A_110 : memref<640x16xf32, #tpu.memory_space<vmem_shared>>)
      tpu.yield
    }) : () -> ()
    %eq3A = arith.constant 0 : i32
    %eq3A_12 = arith.cmpi eq, %arg0, %eq3A : i32
    %convert_element_type3A = arith.extui %eq3A_12 : i1 to i32
    %cond3A = arith.constant 0 : i32
    %cond3A_13 = arith.cmpi ne, %convert_element_type3A, %cond3A : i32
    scf.if %cond3A_13 {
      "tpu.region"() ({
        %run_scoped3A_102 = tpu.sem_alloc : memref<!tpu.dma_semaphore, #tpu.memory_space<semaphore_mem>>
        %dma_start3A_103 = arith.constant 0 : i32
        %dma_start3A_104 = tpu.memref_slice %arg16[%mul3A_2, %dma_start3A_103] : memref<10240x16xf32, #tpu.memory_space<vmem_shared>> -> memref<640x16xf32, #tpu.memory_space<vmem_shared>>
        %dma_start3A_105 = arith.constant 0 : i32
        %dma_start3A_106 = tpu.memref_slice %arg16[%mul3A_2, %dma_start3A_105] : memref<10240x16xf32, #tpu.memory_space<vmem_shared>> -> memref<640x16xf32, #tpu.memory_space<vmem_shared>>
        tpu.enqueue_dma source(%arg12 : memref<640x16xf32, #tpu.memory_space<vmem>>) target(%dma_start3A_106 : memref<640x16xf32, #tpu.memory_space<vmem_shared>>) target_semaphore(%run_scoped3A_102 : memref<!tpu.dma_semaphore, #tpu.memory_space<semaphore_mem>>)
        %dma_wait3A_107 = arith.constant 0 : i32
        %dma_wait3A_108 = tpu.memref_slice %arg16[%mul3A_2, %dma_wait3A_107] : memref<10240x16xf32, #tpu.memory_space<vmem_shared>> -> memref<640x16xf32, #tpu.memory_space<vmem_shared>>
        %dma_wait3A_109 = arith.constant 0 : i32
        %dma_wait3A_110 = tpu.memref_slice %arg16[%mul3A_2, %dma_wait3A_109] : memref<10240x16xf32, #tpu.memory_space<vmem_shared>> -> memref<640x16xf32, #tpu.memory_space<vmem_shared>>
        tpu.wait_dma2 semaphore(%run_scoped3A_102 : memref<!tpu.dma_semaphore, #tpu.memory_space<semaphore_mem>>) src(%arg12 : memref<640x16xf32, #tpu.memory_space<vmem>>) dst(%dma_wait3A_110 : memref<640x16xf32, #tpu.memory_space<vmem_shared>>)
        tpu.yield
      }) : () -> ()
      "tpu.region"() ({
        %run_scoped3A_102 = tpu.sem_alloc : memref<!tpu.dma_semaphore, #tpu.memory_space<semaphore_mem>>
        %dma_start3A_103 = arith.constant 0 : i32
        %dma_start3A_104 = tpu.memref_slice %arg7[%mul3A_2, %dma_start3A_103] : memref<10240x16xf32, #tpu.memory_space<hbm>> -> memref<640x16xf32, #tpu.memory_space<hbm>>
        %dma_start3A_105 = arith.constant 0 : i32
        %dma_start3A_106 = tpu.memref_slice %arg7[%mul3A_2, %dma_start3A_105] : memref<10240x16xf32, #tpu.memory_space<hbm>> -> memref<640x16xf32, #tpu.memory_space<hbm>>
        tpu.enqueue_dma source(%arg15 : memref<640x16xf32, #tpu.memory_space<vmem>>) target(%dma_start3A_106 : memref<640x16xf32, #tpu.memory_space<hbm>>) target_semaphore(%run_scoped3A_102 : memref<!tpu.dma_semaphore, #tpu.memory_space<semaphore_mem>>)
        %dma_wait3A_107 = arith.constant 0 : i32
        %dma_wait3A_108 = tpu.memref_slice %arg7[%mul3A_2, %dma_wait3A_107] : memref<10240x16xf32, #tpu.memory_space<hbm>> -> memref<640x16xf32, #tpu.memory_space<hbm>>
        %dma_wait3A_109 = arith.constant 0 : i32
        %dma_wait3A_110 = tpu.memref_slice %arg7[%mul3A_2, %dma_wait3A_109] : memref<10240x16xf32, #tpu.memory_space<hbm>> -> memref<640x16xf32, #tpu.memory_space<hbm>>
        tpu.wait_dma2 semaphore(%run_scoped3A_102 : memref<!tpu.dma_semaphore, #tpu.memory_space<semaphore_mem>>) src(%arg15 : memref<640x16xf32, #tpu.memory_space<vmem>>) dst(%dma_wait3A_110 : memref<640x16xf32, #tpu.memory_space<hbm>>)
        tpu.yield
      }) : () -> ()
    } else {
    }
    %eq3A_14 = arith.constant 1 : i32
    %eq3A_15 = arith.cmpi eq, %arg0, %eq3A_14 : i32
    %convert_element_type3A_16 = arith.extui %eq3A_15 : i1 to i32
    %cond3A_17 = arith.constant 0 : i32
    %cond3A_18 = arith.cmpi ne, %convert_element_type3A_16, %cond3A_17 : i32
    scf.if %cond3A_18 {
      "tpu.region"() ({
        %run_scoped3A_102 = tpu.sem_alloc : memref<!tpu.dma_semaphore, #tpu.memory_space<semaphore_mem>>
        %dma_start3A_103 = arith.constant 0 : i32
        %dma_start3A_104 = tpu.memref_slice %arg16[%mul3A_2, %dma_start3A_103] : memref<10240x16xf32, #tpu.memory_space<vmem_shared>> -> memref<640x16xf32, #tpu.memory_space<vmem_shared>>
        tpu.enqueue_dma source(%arg5 : memref<640x16xf32, #tpu.memory_space<hbm>>) target(%dma_start3A_104 : memref<640x16xf32, #tpu.memory_space<vmem_shared>>) target_semaphore(%run_scoped3A_102 : memref<!tpu.dma_semaphore, #tpu.memory_space<semaphore_mem>>)
        %dma_wait3A_105 = arith.constant 0 : i32
        %dma_wait3A_106 = tpu.memref_slice %arg16[%mul3A_2, %dma_wait3A_105] : memref<10240x16xf32, #tpu.memory_space<vmem_shared>> -> memref<640x16xf32, #tpu.memory_space<vmem_shared>>
        tpu.wait_dma2 semaphore(%run_scoped3A_102 : memref<!tpu.dma_semaphore, #tpu.memory_space<semaphore_mem>>) src(%arg5 : memref<640x16xf32, #tpu.memory_space<hbm>>) dst(%dma_wait3A_106 : memref<640x16xf32, #tpu.memory_space<vmem_shared>>)
        tpu.yield
      }) : () -> ()
    } else {
    }
    %barrier3A = arith.constant 0 : index
    tpu.barrier barrier_id(%barrier3A)
    %scan3A_19 = arith.constant 0 : i32
    %scan3A_20 = arith.constant 0 : i32
    %scan3A_21 = arith.constant 0 : i32
    %scan3A_22 = arith.constant 16 : i32
    %scan3A_23 = arith.addi %scan3A_21, %scan3A_22 : i32
    %scan3A_24 = arith.constant 1 : i32
    scf.for %scan3A_102 = %scan3A_21 to %scan3A_23 step %scan3A_24  : i32 {
      %jit3A = arith.constant 2 : i32
      %eq3A_103 = arith.constant 0 : i32
      %eq3A_104 = arith.cmpi eq, %jit3A, %eq3A_103 : i32
      %jit3A_105 = arith.constant 1 : i32
      %select_n3A = arith.select %eq3A_104, %jit3A_105, %jit3A : i32
      %rem3A = arith.remsi %scan3A_102, %select_n3A : i32
      %ne3A = arith.constant 0 : i32
      %ne3A_106 = arith.cmpi ne, %rem3A, %ne3A : i32
      %lt3A = arith.constant 0 : i32
      %lt3A_107 = arith.cmpi slt, %rem3A, %lt3A : i32
      %lt3A_108 = arith.constant 0 : i32
      %lt3A_109 = arith.cmpi slt, %select_n3A, %lt3A_108 : i32
      %ne3A_110 = arith.xori %lt3A_107, %lt3A_109 : i1
      %and3A = arith.andi %ne3A_110, %ne3A_106 : i1
      %add3A_111 = arith.addi %rem3A, %select_n3A : i32
      %select_n3A_112 = arith.select %and3A, %add3A_111, %rem3A : i32
      %eq3A_113 = arith.constant 0 : i32
      %eq3A_114 = arith.cmpi eq, %select_n3A_112, %eq3A_113 : i32
      %convert_element_type3A_115 = arith.extui %eq3A_114 : i1 to i32
      %cond3A_116 = arith.constant 0 : i32
      %cond3A_117 = arith.cmpi ne, %convert_element_type3A_115, %cond3A_116 : i32
      scf.if %cond3A_117 {
        %ge3A = arith.constant 2 : i32
        %ge3A_139 = arith.cmpi sge, %scan3A_102, %ge3A : i32
        %convert_element_type3A_140 = arith.extui %ge3A_139 : i1 to i32
        %cond3A_141 = arith.constant 0 : i32
        %cond3A_142 = arith.cmpi ne, %convert_element_type3A_140, %cond3A_141 : i32
        scf.if %cond3A_142 {
          %dma_wait3A_213 = arith.constant 0 : i32
          %dma_wait3A_214 = arith.constant 0 : i32
          %dma_wait3A_215 = tpu.memref_slice %arg6[%scan3A_20, %dma_wait3A_213, %dma_wait3A_214] : memref<2x10240x16xf32, #tpu.memory_space<hbm>> -> memref<1x625x16xf32, #tpu.memory_space<hbm>>
          %dma_wait3A_216 = tpu.memref_squeeze %dma_wait3A_215 : memref<1x625x16xf32, #tpu.memory_space<hbm>> -> memref<625x16xf32, #tpu.memory_space<hbm>>
          %dma_wait3A_217 = arith.constant 0 : i32
          %dma_wait3A_218 = arith.constant 0 : i32
          %dma_wait3A_219 = tpu.memref_slice %arg6[%scan3A_20, %dma_wait3A_217, %dma_wait3A_218] : memref<2x10240x16xf32, #tpu.memory_space<hbm>> -> memref<1x625x16xf32, #tpu.memory_space<hbm>>
          %dma_wait3A_220 = tpu.memref_squeeze %dma_wait3A_219 : memref<1x625x16xf32, #tpu.memory_space<hbm>> -> memref<625x16xf32, #tpu.memory_space<hbm>>
          tpu.wait_dma2 semaphore(%arg20 : memref<!tpu.dma_semaphore, #tpu.memory_space<semaphore_mem>>) src(%dma_wait3A_220 : memref<625x16xf32, #tpu.memory_space<hbm>>) dst(%arg10 : memref<625x16xf32, #tpu.memory_space<vmem>>)
        } else {
        }
        %mul3A_143 = arith.constant 5 : i32
        %mul3A_144 = arith.muli %scan3A_102, %mul3A_143 : i32
        %add3A_145 = arith.constant 0 : i32
        %add3A_146 = arith.addi %mul3A_144, %add3A_145 : i32
        %dma_start3A_147 = arith.constant 0 : i32
        %dma_start3A_148 = arith.constant 0 : i32
        %dma_start3A_149 = tpu.memref_slice %arg10[%dma_start3A_147, %dma_start3A_148] : memref<625x16xf32, #tpu.memory_space<vmem>> -> memref<125x16xf32, #tpu.memory_space<vmem>>
        %dma_start3A_150 = arith.constant 0 : i32
        %dma_start3A_151 = tpu.memref_slice %arg8[%add3A_146, %dma_start3A_150] : memref<80x125xi32, #tpu.memory_space<vmem>> -> memref<1x125xi32, #tpu.memory_space<vmem>>
        %dma_start3A_152 = tpu.memref_squeeze %dma_start3A_151 : memref<1x125xi32, #tpu.memory_space<vmem>> -> memref<125xi32, #tpu.memory_space<vmem>>
        %dma_start3A_153 = arith.constant 0 : i32
        %dma_start3A_154 = arith.constant 0 : i32
        %dma_start3A_155 = tpu.memref_slice %arg17[%dma_start3A_153, %dma_start3A_154] : memref<10240x16xf32, #tpu.memory_space<vmem_shared>> -> memref<10240x16xf32, #tpu.memory_space<vmem_shared>>
        tpu.enqueue_indirect_dma source(%dma_start3A_155 : memref<10240x16xf32, #tpu.memory_space<vmem_shared>>) target(%dma_start3A_149 : memref<125x16xf32, #tpu.memory_space<vmem>>) offsets(%dma_start3A_152 : memref<125xi32, #tpu.memory_space<vmem>>) semaphore(%arg18 : memref<!tpu.dma_semaphore, #tpu.memory_space<semaphore_mem>>)
        %mul3A_156 = arith.constant 5 : i32
        %mul3A_157 = arith.muli %scan3A_102, %mul3A_156 : i32
        %add3A_158 = arith.constant 1 : i32
        %add3A_159 = arith.addi %mul3A_157, %add3A_158 : i32
        %dma_start3A_160 = arith.constant 125 : i32
        %dma_start3A_161 = arith.constant 0 : i32
        %dma_start3A_162 = tpu.memref_slice %arg10[%dma_start3A_160, %dma_start3A_161] : memref<625x16xf32, #tpu.memory_space<vmem>> -> memref<125x16xf32, #tpu.memory_space<vmem>>
        %dma_start3A_163 = arith.constant 0 : i32
        %dma_start3A_164 = tpu.memref_slice %arg8[%add3A_159, %dma_start3A_163] : memref<80x125xi32, #tpu.memory_space<vmem>> -> memref<1x125xi32, #tpu.memory_space<vmem>>
        %dma_start3A_165 = tpu.memref_squeeze %dma_start3A_164 : memref<1x125xi32, #tpu.memory_space<vmem>> -> memref<125xi32, #tpu.memory_space<vmem>>
        %dma_start3A_166 = arith.constant 0 : i32
        %dma_start3A_167 = arith.constant 0 : i32
        %dma_start3A_168 = tpu.memref_slice %arg17[%dma_start3A_166, %dma_start3A_167] : memref<10240x16xf32, #tpu.memory_space<vmem_shared>> -> memref<10240x16xf32, #tpu.memory_space<vmem_shared>>
        tpu.enqueue_indirect_dma source(%dma_start3A_168 : memref<10240x16xf32, #tpu.memory_space<vmem_shared>>) target(%dma_start3A_162 : memref<125x16xf32, #tpu.memory_space<vmem>>) offsets(%dma_start3A_165 : memref<125xi32, #tpu.memory_space<vmem>>) semaphore(%arg18 : memref<!tpu.dma_semaphore, #tpu.memory_space<semaphore_mem>>)
        %mul3A_169 = arith.constant 5 : i32
        %mul3A_170 = arith.muli %scan3A_102, %mul3A_169 : i32
        %add3A_171 = arith.constant 2 : i32
        %add3A_172 = arith.addi %mul3A_170, %add3A_171 : i32
        %dma_start3A_173 = arith.constant 250 : i32
        %dma_start3A_174 = arith.constant 0 : i32
        %dma_start3A_175 = tpu.memref_slice %arg10[%dma_start3A_173, %dma_start3A_174] : memref<625x16xf32, #tpu.memory_space<vmem>> -> memref<125x16xf32, #tpu.memory_space<vmem>>
        %dma_start3A_176 = arith.constant 0 : i32
        %dma_start3A_177 = tpu.memref_slice %arg8[%add3A_172, %dma_start3A_176] : memref<80x125xi32, #tpu.memory_space<vmem>> -> memref<1x125xi32, #tpu.memory_space<vmem>>
        %dma_start3A_178 = tpu.memref_squeeze %dma_start3A_177 : memref<1x125xi32, #tpu.memory_space<vmem>> -> memref<125xi32, #tpu.memory_space<vmem>>
        %dma_start3A_179 = arith.constant 0 : i32
        %dma_start3A_180 = arith.constant 0 : i32
        %dma_start3A_181 = tpu.memref_slice %arg17[%dma_start3A_179, %dma_start3A_180] : memref<10240x16xf32, #tpu.memory_space<vmem_shared>> -> memref<10240x16xf32, #tpu.memory_space<vmem_shared>>
        tpu.enqueue_indirect_dma source(%dma_start3A_181 : memref<10240x16xf32, #tpu.memory_space<vmem_shared>>) target(%dma_start3A_175 : memref<125x16xf32, #tpu.memory_space<vmem>>) offsets(%dma_start3A_178 : memref<125xi32, #tpu.memory_space<vmem>>) semaphore(%arg18 : memref<!tpu.dma_semaphore, #tpu.memory_space<semaphore_mem>>)
        %mul3A_182 = arith.constant 5 : i32
        %mul3A_183 = arith.muli %scan3A_102, %mul3A_182 : i32
        %add3A_184 = arith.constant 3 : i32
        %add3A_185 = arith.addi %mul3A_183, %add3A_184 : i32
        %dma_start3A_186 = arith.constant 375 : i32
        %dma_start3A_187 = arith.constant 0 : i32
        %dma_start3A_188 = tpu.memref_slice %arg10[%dma_start3A_186, %dma_start3A_187] : memref<625x16xf32, #tpu.memory_space<vmem>> -> memref<125x16xf32, #tpu.memory_space<vmem>>
        %dma_start3A_189 = arith.constant 0 : i32
        %dma_start3A_190 = tpu.memref_slice %arg8[%add3A_185, %dma_start3A_189] : memref<80x125xi32, #tpu.memory_space<vmem>> -> memref<1x125xi32, #tpu.memory_space<vmem>>
        %dma_start3A_191 = tpu.memref_squeeze %dma_start3A_190 : memref<1x125xi32, #tpu.memory_space<vmem>> -> memref<125xi32, #tpu.memory_space<vmem>>
        %dma_start3A_192 = arith.constant 0 : i32
        %dma_start3A_193 = arith.constant 0 : i32
        %dma_start3A_194 = tpu.memref_slice %arg17[%dma_start3A_192, %dma_start3A_193] : memref<10240x16xf32, #tpu.memory_space<vmem_shared>> -> memref<10240x16xf32, #tpu.memory_space<vmem_shared>>
        tpu.enqueue_indirect_dma source(%dma_start3A_194 : memref<10240x16xf32, #tpu.memory_space<vmem_shared>>) target(%dma_start3A_188 : memref<125x16xf32, #tpu.memory_space<vmem>>) offsets(%dma_start3A_191 : memref<125xi32, #tpu.memory_space<vmem>>) semaphore(%arg18 : memref<!tpu.dma_semaphore, #tpu.memory_space<semaphore_mem>>)
        %mul3A_195 = arith.constant 5 : i32
        %mul3A_196 = arith.muli %scan3A_102, %mul3A_195 : i32
        %add3A_197 = arith.constant 4 : i32
        %add3A_198 = arith.addi %mul3A_196, %add3A_197 : i32
        %dma_start3A_199 = arith.constant 500 : i32
        %dma_start3A_200 = arith.constant 0 : i32
        %dma_start3A_201 = tpu.memref_slice %arg10[%dma_start3A_199, %dma_start3A_200] : memref<625x16xf32, #tpu.memory_space<vmem>> -> memref<125x16xf32, #tpu.memory_space<vmem>>
        %dma_start3A_202 = arith.constant 0 : i32
        %dma_start3A_203 = tpu.memref_slice %arg8[%add3A_198, %dma_start3A_202] : memref<80x125xi32, #tpu.memory_space<vmem>> -> memref<1x125xi32, #tpu.memory_space<vmem>>
        %dma_start3A_204 = tpu.memref_squeeze %dma_start3A_203 : memref<1x125xi32, #tpu.memory_space<vmem>> -> memref<125xi32, #tpu.memory_space<vmem>>
        %dma_start3A_205 = arith.constant 0 : i32
        %dma_start3A_206 = arith.constant 0 : i32
        %dma_start3A_207 = tpu.memref_slice %arg17[%dma_start3A_205, %dma_start3A_206] : memref<10240x16xf32, #tpu.memory_space<vmem_shared>> -> memref<10240x16xf32, #tpu.memory_space<vmem_shared>>
        tpu.enqueue_indirect_dma source(%dma_start3A_207 : memref<10240x16xf32, #tpu.memory_space<vmem_shared>>) target(%dma_start3A_201 : memref<125x16xf32, #tpu.memory_space<vmem>>) offsets(%dma_start3A_204 : memref<125xi32, #tpu.memory_space<vmem>>) semaphore(%arg18 : memref<!tpu.dma_semaphore, #tpu.memory_space<semaphore_mem>>)
        %ge3A_208 = arith.constant 1 : i32
        %ge3A_209 = arith.cmpi sge, %scan3A_102, %ge3A_208 : i32
        %convert_element_type3A_210 = arith.extui %ge3A_209 : i1 to i32
        %cond3A_211 = arith.constant 0 : i32
        %cond3A_212 = arith.cmpi ne, %convert_element_type3A_210, %cond3A_211 : i32
        scf.if %cond3A_212 {
          %dma_wait3A_213 = arith.constant 0 : i32
          %dma_wait3A_214 = arith.constant 0 : i32
          %dma_wait3A_215 = tpu.memref_slice %arg6[%scan3A_20, %dma_wait3A_213, %dma_wait3A_214] : memref<2x10240x16xf32, #tpu.memory_space<hbm>> -> memref<1x625x16xf32, #tpu.memory_space<hbm>>
          %dma_wait3A_216 = tpu.memref_squeeze %dma_wait3A_215 : memref<1x625x16xf32, #tpu.memory_space<hbm>> -> memref<625x16xf32, #tpu.memory_space<hbm>>
          %dma_wait3A_217 = arith.constant 0 : i32
          %dma_wait3A_218 = arith.constant 0 : i32
          %dma_wait3A_219 = tpu.memref_slice %arg6[%scan3A_20, %dma_wait3A_217, %dma_wait3A_218] : memref<2x10240x16xf32, #tpu.memory_space<hbm>> -> memref<1x625x16xf32, #tpu.memory_space<hbm>>
          %dma_wait3A_220 = tpu.memref_squeeze %dma_wait3A_219 : memref<1x625x16xf32, #tpu.memory_space<hbm>> -> memref<625x16xf32, #tpu.memory_space<hbm>>
          tpu.wait_dma2 semaphore(%arg19 : memref<!tpu.dma_semaphore, #tpu.memory_space<semaphore_mem>>) src(%dma_wait3A_220 : memref<625x16xf32, #tpu.memory_space<hbm>>) dst(%arg11 : memref<625x16xf32, #tpu.memory_space<vmem>>)
          %sub3A = arith.constant 1 : i32
          %sub3A_221 = arith.subi %scan3A_102, %sub3A : i32
          %mul3A_222 = arith.constant 5 : i32
          %mul3A_223 = arith.muli %sub3A_221, %mul3A_222 : i32
          %add3A_224 = arith.constant 0 : i32
          %add3A_225 = arith.addi %mul3A_223, %add3A_224 : i32
          %dma_start3A_226 = arith.constant 0 : i32
          %dma_start3A_227 = arith.constant 0 : i32
          %dma_start3A_228 = tpu.memref_slice %arg11[%dma_start3A_226, %dma_start3A_227] : memref<625x16xf32, #tpu.memory_space<vmem>> -> memref<125x16xf32, #tpu.memory_space<vmem>>
          %dma_start3A_229 = arith.constant 0 : i32
          %dma_start3A_230 = tpu.memref_slice %arg9[%add3A_225, %dma_start3A_229] : memref<80x125xi32, #tpu.memory_space<vmem>> -> memref<1x125xi32, #tpu.memory_space<vmem>>
          %dma_start3A_231 = tpu.memref_squeeze %dma_start3A_230 : memref<1x125xi32, #tpu.memory_space<vmem>> -> memref<125xi32, #tpu.memory_space<vmem>>
          %dma_start3A_232 = arith.constant 0 : i32
          %dma_start3A_233 = arith.constant 0 : i32
          %dma_start3A_234 = tpu.memref_slice %arg16[%dma_start3A_232, %dma_start3A_233] : memref<10240x16xf32, #tpu.memory_space<vmem_shared>> -> memref<10240x16xf32, #tpu.memory_space<vmem_shared>>
          tpu.enqueue_indirect_dma source(%dma_start3A_228 : memref<125x16xf32, #tpu.memory_space<vmem>>) target(%dma_start3A_234 : memref<10240x16xf32, #tpu.memory_space<vmem_shared>>) offsets(%dma_start3A_231 : memref<125xi32, #tpu.memory_space<vmem>>) semaphore(%arg21 : memref<!tpu.dma_semaphore, #tpu.memory_space<semaphore_mem>>) {add = true}
          %mul3A_235 = arith.constant 5 : i32
          %mul3A_236 = arith.muli %sub3A_221, %mul3A_235 : i32
          %add3A_237 = arith.constant 1 : i32
          %add3A_238 = arith.addi %mul3A_236, %add3A_237 : i32
          %dma_start3A_239 = arith.constant 125 : i32
          %dma_start3A_240 = arith.constant 0 : i32
          %dma_start3A_241 = tpu.memref_slice %arg11[%dma_start3A_239, %dma_start3A_240] : memref<625x16xf32, #tpu.memory_space<vmem>> -> memref<125x16xf32, #tpu.memory_space<vmem>>
          %dma_start3A_242 = arith.constant 0 : i32
          %dma_start3A_243 = tpu.memref_slice %arg9[%add3A_238, %dma_start3A_242] : memref<80x125xi32, #tpu.memory_space<vmem>> -> memref<1x125xi32, #tpu.memory_space<vmem>>
          %dma_start3A_244 = tpu.memref_squeeze %dma_start3A_243 : memref<1x125xi32, #tpu.memory_space<vmem>> -> memref<125xi32, #tpu.memory_space<vmem>>
          %dma_start3A_245 = arith.constant 0 : i32
          %dma_start3A_246 = arith.constant 0 : i32
          %dma_start3A_247 = tpu.memref_slice %arg16[%dma_start3A_245, %dma_start3A_246] : memref<10240x16xf32, #tpu.memory_space<vmem_shared>> -> memref<10240x16xf32, #tpu.memory_space<vmem_shared>>
          tpu.enqueue_indirect_dma source(%dma_start3A_241 : memref<125x16xf32, #tpu.memory_space<vmem>>) target(%dma_start3A_247 : memref<10240x16xf32, #tpu.memory_space<vmem_shared>>) offsets(%dma_start3A_244 : memref<125xi32, #tpu.memory_space<vmem>>) semaphore(%arg21 : memref<!tpu.dma_semaphore, #tpu.memory_space<semaphore_mem>>) {add = true}
          %mul3A_248 = arith.constant 5 : i32
          %mul3A_249 = arith.muli %sub3A_221, %mul3A_248 : i32
          %add3A_250 = arith.constant 2 : i32
          %add3A_251 = arith.addi %mul3A_249, %add3A_250 : i32
          %dma_start3A_252 = arith.constant 250 : i32
          %dma_start3A_253 = arith.constant 0 : i32
          %dma_start3A_254 = tpu.memref_slice %arg11[%dma_start3A_252, %dma_start3A_253] : memref<625x16xf32, #tpu.memory_space<vmem>> -> memref<125x16xf32, #tpu.memory_space<vmem>>
          %dma_start3A_255 = arith.constant 0 : i32
          %dma_start3A_256 = tpu.memref_slice %arg9[%add3A_251, %dma_start3A_255] : memref<80x125xi32, #tpu.memory_space<vmem>> -> memref<1x125xi32, #tpu.memory_space<vmem>>
          %dma_start3A_257 = tpu.memref_squeeze %dma_start3A_256 : memref<1x125xi32, #tpu.memory_space<vmem>> -> memref<125xi32, #tpu.memory_space<vmem>>
          %dma_start3A_258 = arith.constant 0 : i32
          %dma_start3A_259 = arith.constant 0 : i32
          %dma_start3A_260 = tpu.memref_slice %arg16[%dma_start3A_258, %dma_start3A_259] : memref<10240x16xf32, #tpu.memory_space<vmem_shared>> -> memref<10240x16xf32, #tpu.memory_space<vmem_shared>>
          tpu.enqueue_indirect_dma source(%dma_start3A_254 : memref<125x16xf32, #tpu.memory_space<vmem>>) target(%dma_start3A_260 : memref<10240x16xf32, #tpu.memory_space<vmem_shared>>) offsets(%dma_start3A_257 : memref<125xi32, #tpu.memory_space<vmem>>) semaphore(%arg21 : memref<!tpu.dma_semaphore, #tpu.memory_space<semaphore_mem>>) {add = true}
          %mul3A_261 = arith.constant 5 : i32
          %mul3A_262 = arith.muli %sub3A_221, %mul3A_261 : i32
          %add3A_263 = arith.constant 3 : i32
          %add3A_264 = arith.addi %mul3A_262, %add3A_263 : i32
          %dma_start3A_265 = arith.constant 375 : i32
          %dma_start3A_266 = arith.constant 0 : i32
          %dma_start3A_267 = tpu.memref_slice %arg11[%dma_start3A_265, %dma_start3A_266] : memref<625x16xf32, #tpu.memory_space<vmem>> -> memref<125x16xf32, #tpu.memory_space<vmem>>
          %dma_start3A_268 = arith.constant 0 : i32
          %dma_start3A_269 = tpu.memref_slice %arg9[%add3A_264, %dma_start3A_268] : memref<80x125xi32, #tpu.memory_space<vmem>> -> memref<1x125xi32, #tpu.memory_space<vmem>>
          %dma_start3A_270 = tpu.memref_squeeze %dma_start3A_269 : memref<1x125xi32, #tpu.memory_space<vmem>> -> memref<125xi32, #tpu.memory_space<vmem>>
          %dma_start3A_271 = arith.constant 0 : i32
          %dma_start3A_272 = arith.constant 0 : i32
          %dma_start3A_273 = tpu.memref_slice %arg16[%dma_start3A_271, %dma_start3A_272] : memref<10240x16xf32, #tpu.memory_space<vmem_shared>> -> memref<10240x16xf32, #tpu.memory_space<vmem_shared>>
          tpu.enqueue_indirect_dma source(%dma_start3A_267 : memref<125x16xf32, #tpu.memory_space<vmem>>) target(%dma_start3A_273 : memref<10240x16xf32, #tpu.memory_space<vmem_shared>>) offsets(%dma_start3A_270 : memref<125xi32, #tpu.memory_space<vmem>>) semaphore(%arg21 : memref<!tpu.dma_semaphore, #tpu.memory_space<semaphore_mem>>) {add = true}
          %mul3A_274 = arith.constant 5 : i32
          %mul3A_275 = arith.muli %sub3A_221, %mul3A_274 : i32
          %add3A_276 = arith.constant 4 : i32
          %add3A_277 = arith.addi %mul3A_275, %add3A_276 : i32
          %dma_start3A_278 = arith.constant 500 : i32
          %dma_start3A_279 = arith.constant 0 : i32
          %dma_start3A_280 = tpu.memref_slice %arg11[%dma_start3A_278, %dma_start3A_279] : memref<625x16xf32, #tpu.memory_space<vmem>> -> memref<125x16xf32, #tpu.memory_space<vmem>>
          %dma_start3A_281 = arith.constant 0 : i32
          %dma_start3A_282 = tpu.memref_slice %arg9[%add3A_277, %dma_start3A_281] : memref<80x125xi32, #tpu.memory_space<vmem>> -> memref<1x125xi32, #tpu.memory_space<vmem>>
          %dma_start3A_283 = tpu.memref_squeeze %dma_start3A_282 : memref<1x125xi32, #tpu.memory_space<vmem>> -> memref<125xi32, #tpu.memory_space<vmem>>
          %dma_start3A_284 = arith.constant 0 : i32
          %dma_start3A_285 = arith.constant 0 : i32
          %dma_start3A_286 = tpu.memref_slice %arg16[%dma_start3A_284, %dma_start3A_285] : memref<10240x16xf32, #tpu.memory_space<vmem_shared>> -> memref<10240x16xf32, #tpu.memory_space<vmem_shared>>
          tpu.enqueue_indirect_dma source(%dma_start3A_280 : memref<125x16xf32, #tpu.memory_space<vmem>>) target(%dma_start3A_286 : memref<10240x16xf32, #tpu.memory_space<vmem_shared>>) offsets(%dma_start3A_283 : memref<125xi32, #tpu.memory_space<vmem>>) semaphore(%arg21 : memref<!tpu.dma_semaphore, #tpu.memory_space<semaphore_mem>>) {add = true}
        } else {
        }
      } else {
      }
      %jit3A_118 = arith.constant 2 : i32
      %eq3A_119 = arith.constant 0 : i32
      %eq3A_120 = arith.cmpi eq, %jit3A_118, %eq3A_119 : i32
      %jit3A_121 = arith.constant 1 : i32
      %select_n3A_122 = arith.select %eq3A_120, %jit3A_121, %jit3A_118 : i32
      %rem3A_123 = arith.remsi %scan3A_102, %select_n3A_122 : i32
      %ne3A_124 = arith.constant 0 : i32
      %ne3A_125 = arith.cmpi ne, %rem3A_123, %ne3A_124 : i32
      %lt3A_126 = arith.constant 0 : i32
      %lt3A_127 = arith.cmpi slt, %rem3A_123, %lt3A_126 : i32
      %lt3A_128 = arith.constant 0 : i32
      %lt3A_129 = arith.cmpi slt, %select_n3A_122, %lt3A_128 : i32
      %ne3A_130 = arith.xori %lt3A_127, %lt3A_129 : i1
      %and3A_131 = arith.andi %ne3A_130, %ne3A_125 : i1
      %add3A_132 = arith.addi %rem3A_123, %select_n3A_122 : i32
      %select_n3A_133 = arith.select %and3A_131, %add3A_132, %rem3A_123 : i32
      %eq3A_134 = arith.constant 1 : i32
      %eq3A_135 = arith.cmpi eq, %select_n3A_133, %eq3A_134 : i32
      %convert_element_type3A_136 = arith.extui %eq3A_135 : i1 to i32
      %cond3A_137 = arith.constant 0 : i32
      %cond3A_138 = arith.cmpi ne, %convert_element_type3A_136, %cond3A_137 : i32
      scf.if %cond3A_138 {
        %ge3A = arith.constant 2 : i32
        %ge3A_139 = arith.cmpi sge, %scan3A_102, %ge3A : i32
        %convert_element_type3A_140 = arith.extui %ge3A_139 : i1 to i32
        %cond3A_141 = arith.constant 0 : i32
        %cond3A_142 = arith.cmpi ne, %convert_element_type3A_140, %cond3A_141 : i32
        scf.if %cond3A_142 {
          %dma_wait3A_213 = arith.constant 0 : i32
          %dma_wait3A_214 = arith.constant 0 : i32
          %dma_wait3A_215 = tpu.memref_slice %arg6[%scan3A_20, %dma_wait3A_213, %dma_wait3A_214] : memref<2x10240x16xf32, #tpu.memory_space<hbm>> -> memref<1x625x16xf32, #tpu.memory_space<hbm>>
          %dma_wait3A_216 = tpu.memref_squeeze %dma_wait3A_215 : memref<1x625x16xf32, #tpu.memory_space<hbm>> -> memref<625x16xf32, #tpu.memory_space<hbm>>
          %dma_wait3A_217 = arith.constant 0 : i32
          %dma_wait3A_218 = arith.constant 0 : i32
          %dma_wait3A_219 = tpu.memref_slice %arg6[%scan3A_20, %dma_wait3A_217, %dma_wait3A_218] : memref<2x10240x16xf32, #tpu.memory_space<hbm>> -> memref<1x625x16xf32, #tpu.memory_space<hbm>>
          %dma_wait3A_220 = tpu.memref_squeeze %dma_wait3A_219 : memref<1x625x16xf32, #tpu.memory_space<hbm>> -> memref<625x16xf32, #tpu.memory_space<hbm>>
          tpu.wait_dma2 semaphore(%arg21 : memref<!tpu.dma_semaphore, #tpu.memory_space<semaphore_mem>>) src(%dma_wait3A_220 : memref<625x16xf32, #tpu.memory_space<hbm>>) dst(%arg11 : memref<625x16xf32, #tpu.memory_space<vmem>>)
        } else {
        }
        %mul3A_143 = arith.constant 5 : i32
        %mul3A_144 = arith.muli %scan3A_102, %mul3A_143 : i32
        %add3A_145 = arith.constant 0 : i32
        %add3A_146 = arith.addi %mul3A_144, %add3A_145 : i32
        %dma_start3A_147 = arith.constant 0 : i32
        %dma_start3A_148 = arith.constant 0 : i32
        %dma_start3A_149 = tpu.memref_slice %arg11[%dma_start3A_147, %dma_start3A_148] : memref<625x16xf32, #tpu.memory_space<vmem>> -> memref<125x16xf32, #tpu.memory_space<vmem>>
        %dma_start3A_150 = arith.constant 0 : i32
        %dma_start3A_151 = tpu.memref_slice %arg8[%add3A_146, %dma_start3A_150] : memref<80x125xi32, #tpu.memory_space<vmem>> -> memref<1x125xi32, #tpu.memory_space<vmem>>
        %dma_start3A_152 = tpu.memref_squeeze %dma_start3A_151 : memref<1x125xi32, #tpu.memory_space<vmem>> -> memref<125xi32, #tpu.memory_space<vmem>>
        %dma_start3A_153 = arith.constant 0 : i32
        %dma_start3A_154 = arith.constant 0 : i32
        %dma_start3A_155 = tpu.memref_slice %arg17[%dma_start3A_153, %dma_start3A_154] : memref<10240x16xf32, #tpu.memory_space<vmem_shared>> -> memref<10240x16xf32, #tpu.memory_space<vmem_shared>>
        tpu.enqueue_indirect_dma source(%dma_start3A_155 : memref<10240x16xf32, #tpu.memory_space<vmem_shared>>) target(%dma_start3A_149 : memref<125x16xf32, #tpu.memory_space<vmem>>) offsets(%dma_start3A_152 : memref<125xi32, #tpu.memory_space<vmem>>) semaphore(%arg19 : memref<!tpu.dma_semaphore, #tpu.memory_space<semaphore_mem>>)
        %mul3A_156 = arith.constant 5 : i32
        %mul3A_157 = arith.muli %scan3A_102, %mul3A_156 : i32
        %add3A_158 = arith.constant 1 : i32
        %add3A_159 = arith.addi %mul3A_157, %add3A_158 : i32
        %dma_start3A_160 = arith.constant 125 : i32
        %dma_start3A_161 = arith.constant 0 : i32
        %dma_start3A_162 = tpu.memref_slice %arg11[%dma_start3A_160, %dma_start3A_161] : memref<625x16xf32, #tpu.memory_space<vmem>> -> memref<125x16xf32, #tpu.memory_space<vmem>>
        %dma_start3A_163 = arith.constant 0 : i32
        %dma_start3A_164 = tpu.memref_slice %arg8[%add3A_159, %dma_start3A_163] : memref<80x125xi32, #tpu.memory_space<vmem>> -> memref<1x125xi32, #tpu.memory_space<vmem>>
        %dma_start3A_165 = tpu.memref_squeeze %dma_start3A_164 : memref<1x125xi32, #tpu.memory_space<vmem>> -> memref<125xi32, #tpu.memory_space<vmem>>
        %dma_start3A_166 = arith.constant 0 : i32
        %dma_start3A_167 = arith.constant 0 : i32
        %dma_start3A_168 = tpu.memref_slice %arg17[%dma_start3A_166, %dma_start3A_167] : memref<10240x16xf32, #tpu.memory_space<vmem_shared>> -> memref<10240x16xf32, #tpu.memory_space<vmem_shared>>
        tpu.enqueue_indirect_dma source(%dma_start3A_168 : memref<10240x16xf32, #tpu.memory_space<vmem_shared>>) target(%dma_start3A_162 : memref<125x16xf32, #tpu.memory_space<vmem>>) offsets(%dma_start3A_165 : memref<125xi32, #tpu.memory_space<vmem>>) semaphore(%arg19 : memref<!tpu.dma_semaphore, #tpu.memory_space<semaphore_mem>>)
        %mul3A_169 = arith.constant 5 : i32
        %mul3A_170 = arith.muli %scan3A_102, %mul3A_169 : i32
        %add3A_171 = arith.constant 2 : i32
        %add3A_172 = arith.addi %mul3A_170, %add3A_171 : i32
        %dma_start3A_173 = arith.constant 250 : i32
        %dma_start3A_174 = arith.constant 0 : i32
        %dma_start3A_175 = tpu.memref_slice %arg11[%dma_start3A_173, %dma_start3A_174] : memref<625x16xf32, #tpu.memory_space<vmem>> -> memref<125x16xf32, #tpu.memory_space<vmem>>
        %dma_start3A_176 = arith.constant 0 : i32
        %dma_start3A_177 = tpu.memref_slice %arg8[%add3A_172, %dma_start3A_176] : memref<80x125xi32, #tpu.memory_space<vmem>> -> memref<1x125xi32, #tpu.memory_space<vmem>>
        %dma_start3A_178 = tpu.memref_squeeze %dma_start3A_177 : memref<1x125xi32, #tpu.memory_space<vmem>> -> memref<125xi32, #tpu.memory_space<vmem>>
        %dma_start3A_179 = arith.constant 0 : i32
        %dma_start3A_180 = arith.constant 0 : i32
        %dma_start3A_181 = tpu.memref_slice %arg17[%dma_start3A_179, %dma_start3A_180] : memref<10240x16xf32, #tpu.memory_space<vmem_shared>> -> memref<10240x16xf32, #tpu.memory_space<vmem_shared>>
        tpu.enqueue_indirect_dma source(%dma_start3A_181 : memref<10240x16xf32, #tpu.memory_space<vmem_shared>>) target(%dma_start3A_175 : memref<125x16xf32, #tpu.memory_space<vmem>>) offsets(%dma_start3A_178 : memref<125xi32, #tpu.memory_space<vmem>>) semaphore(%arg19 : memref<!tpu.dma_semaphore, #tpu.memory_space<semaphore_mem>>)
        %mul3A_182 = arith.constant 5 : i32
        %mul3A_183 = arith.muli %scan3A_102, %mul3A_182 : i32
        %add3A_184 = arith.constant 3 : i32
        %add3A_185 = arith.addi %mul3A_183, %add3A_184 : i32
        %dma_start3A_186 = arith.constant 375 : i32
        %dma_start3A_187 = arith.constant 0 : i32
        %dma_start3A_188 = tpu.memref_slice %arg11[%dma_start3A_186, %dma_start3A_187] : memref<625x16xf32, #tpu.memory_space<vmem>> -> memref<125x16xf32, #tpu.memory_space<vmem>>
        %dma_start3A_189 = arith.constant 0 : i32
        %dma_start3A_190 = tpu.memref_slice %arg8[%add3A_185, %dma_start3A_189] : memref<80x125xi32, #tpu.memory_space<vmem>> -> memref<1x125xi32, #tpu.memory_space<vmem>>
        %dma_start3A_191 = tpu.memref_squeeze %dma_start3A_190 : memref<1x125xi32, #tpu.memory_space<vmem>> -> memref<125xi32, #tpu.memory_space<vmem>>
        %dma_start3A_192 = arith.constant 0 : i32
        %dma_start3A_193 = arith.constant 0 : i32
        %dma_start3A_194 = tpu.memref_slice %arg17[%dma_start3A_192, %dma_start3A_193] : memref<10240x16xf32, #tpu.memory_space<vmem_shared>> -> memref<10240x16xf32, #tpu.memory_space<vmem_shared>>
        tpu.enqueue_indirect_dma source(%dma_start3A_194 : memref<10240x16xf32, #tpu.memory_space<vmem_shared>>) target(%dma_start3A_188 : memref<125x16xf32, #tpu.memory_space<vmem>>) offsets(%dma_start3A_191 : memref<125xi32, #tpu.memory_space<vmem>>) semaphore(%arg19 : memref<!tpu.dma_semaphore, #tpu.memory_space<semaphore_mem>>)
        %mul3A_195 = arith.constant 5 : i32
        %mul3A_196 = arith.muli %scan3A_102, %mul3A_195 : i32
        %add3A_197 = arith.constant 4 : i32
        %add3A_198 = arith.addi %mul3A_196, %add3A_197 : i32
        %dma_start3A_199 = arith.constant 500 : i32
        %dma_start3A_200 = arith.constant 0 : i32
        %dma_start3A_201 = tpu.memref_slice %arg11[%dma_start3A_199, %dma_start3A_200] : memref<625x16xf32, #tpu.memory_space<vmem>> -> memref<125x16xf32, #tpu.memory_space<vmem>>
        %dma_start3A_202 = arith.constant 0 : i32
        %dma_start3A_203 = tpu.memref_slice %arg8[%add3A_198, %dma_start3A_202] : memref<80x125xi32, #tpu.memory_space<vmem>> -> memref<1x125xi32, #tpu.memory_space<vmem>>
        %dma_start3A_204 = tpu.memref_squeeze %dma_start3A_203 : memref<1x125xi32, #tpu.memory_space<vmem>> -> memref<125xi32, #tpu.memory_space<vmem>>
        %dma_start3A_205 = arith.constant 0 : i32
        %dma_start3A_206 = arith.constant 0 : i32
        %dma_start3A_207 = tpu.memref_slice %arg17[%dma_start3A_205, %dma_start3A_206] : memref<10240x16xf32, #tpu.memory_space<vmem_shared>> -> memref<10240x16xf32, #tpu.memory_space<vmem_shared>>
        tpu.enqueue_indirect_dma source(%dma_start3A_207 : memref<10240x16xf32, #tpu.memory_space<vmem_shared>>) target(%dma_start3A_201 : memref<125x16xf32, #tpu.memory_space<vmem>>) offsets(%dma_start3A_204 : memref<125xi32, #tpu.memory_space<vmem>>) semaphore(%arg19 : memref<!tpu.dma_semaphore, #tpu.memory_space<semaphore_mem>>)
        %ge3A_208 = arith.constant 1 : i32
        %ge3A_209 = arith.cmpi sge, %scan3A_102, %ge3A_208 : i32
        %convert_element_type3A_210 = arith.extui %ge3A_209 : i1 to i32
        %cond3A_211 = arith.constant 0 : i32
        %cond3A_212 = arith.cmpi ne, %convert_element_type3A_210, %cond3A_211 : i32
        scf.if %cond3A_212 {
          %dma_wait3A_213 = arith.constant 0 : i32
          %dma_wait3A_214 = arith.constant 0 : i32
          %dma_wait3A_215 = tpu.memref_slice %arg6[%scan3A_20, %dma_wait3A_213, %dma_wait3A_214] : memref<2x10240x16xf32, #tpu.memory_space<hbm>> -> memref<1x625x16xf32, #tpu.memory_space<hbm>>
          %dma_wait3A_216 = tpu.memref_squeeze %dma_wait3A_215 : memref<1x625x16xf32, #tpu.memory_space<hbm>> -> memref<625x16xf32, #tpu.memory_space<hbm>>
          %dma_wait3A_217 = arith.constant 0 : i32
          %dma_wait3A_218 = arith.constant 0 : i32
          %dma_wait3A_219 = tpu.memref_slice %arg6[%scan3A_20, %dma_wait3A_217, %dma_wait3A_218] : memref<2x10240x16xf32, #tpu.memory_space<hbm>> -> memref<1x625x16xf32, #tpu.memory_space<hbm>>
          %dma_wait3A_220 = tpu.memref_squeeze %dma_wait3A_219 : memref<1x625x16xf32, #tpu.memory_space<hbm>> -> memref<625x16xf32, #tpu.memory_space<hbm>>
          tpu.wait_dma2 semaphore(%arg18 : memref<!tpu.dma_semaphore, #tpu.memory_space<semaphore_mem>>) src(%dma_wait3A_220 : memref<625x16xf32, #tpu.memory_space<hbm>>) dst(%arg10 : memref<625x16xf32, #tpu.memory_space<vmem>>)
          %sub3A = arith.constant 1 : i32
          %sub3A_221 = arith.subi %scan3A_102, %sub3A : i32
          %mul3A_222 = arith.constant 5 : i32
          %mul3A_223 = arith.muli %sub3A_221, %mul3A_222 : i32
          %add3A_224 = arith.constant 0 : i32
          %add3A_225 = arith.addi %mul3A_223, %add3A_224 : i32
          %dma_start3A_226 = arith.constant 0 : i32
          %dma_start3A_227 = arith.constant 0 : i32
          %dma_start3A_228 = tpu.memref_slice %arg10[%dma_start3A_226, %dma_start3A_227] : memref<625x16xf32, #tpu.memory_space<vmem>> -> memref<125x16xf32, #tpu.memory_space<vmem>>
          %dma_start3A_229 = arith.constant 0 : i32
          %dma_start3A_230 = tpu.memref_slice %arg9[%add3A_225, %dma_start3A_229] : memref<80x125xi32, #tpu.memory_space<vmem>> -> memref<1x125xi32, #tpu.memory_space<vmem>>
          %dma_start3A_231 = tpu.memref_squeeze %dma_start3A_230 : memref<1x125xi32, #tpu.memory_space<vmem>> -> memref<125xi32, #tpu.memory_space<vmem>>
          %dma_start3A_232 = arith.constant 0 : i32
          %dma_start3A_233 = arith.constant 0 : i32
          %dma_start3A_234 = tpu.memref_slice %arg16[%dma_start3A_232, %dma_start3A_233] : memref<10240x16xf32, #tpu.memory_space<vmem_shared>> -> memref<10240x16xf32, #tpu.memory_space<vmem_shared>>
          tpu.enqueue_indirect_dma source(%dma_start3A_228 : memref<125x16xf32, #tpu.memory_space<vmem>>) target(%dma_start3A_234 : memref<10240x16xf32, #tpu.memory_space<vmem_shared>>) offsets(%dma_start3A_231 : memref<125xi32, #tpu.memory_space<vmem>>) semaphore(%arg20 : memref<!tpu.dma_semaphore, #tpu.memory_space<semaphore_mem>>) {add = true}
          %mul3A_235 = arith.constant 5 : i32
          %mul3A_236 = arith.muli %sub3A_221, %mul3A_235 : i32
          %add3A_237 = arith.constant 1 : i32
          %add3A_238 = arith.addi %mul3A_236, %add3A_237 : i32
          %dma_start3A_239 = arith.constant 125 : i32
          %dma_start3A_240 = arith.constant 0 : i32
          %dma_start3A_241 = tpu.memref_slice %arg10[%dma_start3A_239, %dma_start3A_240] : memref<625x16xf32, #tpu.memory_space<vmem>> -> memref<125x16xf32, #tpu.memory_space<vmem>>
          %dma_start3A_242 = arith.constant 0 : i32
          %dma_start3A_243 = tpu.memref_slice %arg9[%add3A_238, %dma_start3A_242] : memref<80x125xi32, #tpu.memory_space<vmem>> -> memref<1x125xi32, #tpu.memory_space<vmem>>
          %dma_start3A_244 = tpu.memref_squeeze %dma_start3A_243 : memref<1x125xi32, #tpu.memory_space<vmem>> -> memref<125xi32, #tpu.memory_space<vmem>>
          %dma_start3A_245 = arith.constant 0 : i32
          %dma_start3A_246 = arith.constant 0 : i32
          %dma_start3A_247 = tpu.memref_slice %arg16[%dma_start3A_245, %dma_start3A_246] : memref<10240x16xf32, #tpu.memory_space<vmem_shared>> -> memref<10240x16xf32, #tpu.memory_space<vmem_shared>>
          tpu.enqueue_indirect_dma source(%dma_start3A_241 : memref<125x16xf32, #tpu.memory_space<vmem>>) target(%dma_start3A_247 : memref<10240x16xf32, #tpu.memory_space<vmem_shared>>) offsets(%dma_start3A_244 : memref<125xi32, #tpu.memory_space<vmem>>) semaphore(%arg20 : memref<!tpu.dma_semaphore, #tpu.memory_space<semaphore_mem>>) {add = true}
          %mul3A_248 = arith.constant 5 : i32
          %mul3A_249 = arith.muli %sub3A_221, %mul3A_248 : i32
          %add3A_250 = arith.constant 2 : i32
          %add3A_251 = arith.addi %mul3A_249, %add3A_250 : i32
          %dma_start3A_252 = arith.constant 250 : i32
          %dma_start3A_253 = arith.constant 0 : i32
          %dma_start3A_254 = tpu.memref_slice %arg10[%dma_start3A_252, %dma_start3A_253] : memref<625x16xf32, #tpu.memory_space<vmem>> -> memref<125x16xf32, #tpu.memory_space<vmem>>
          %dma_start3A_255 = arith.constant 0 : i32
          %dma_start3A_256 = tpu.memref_slice %arg9[%add3A_251, %dma_start3A_255] : memref<80x125xi32, #tpu.memory_space<vmem>> -> memref<1x125xi32, #tpu.memory_space<vmem>>
          %dma_start3A_257 = tpu.memref_squeeze %dma_start3A_256 : memref<1x125xi32, #tpu.memory_space<vmem>> -> memref<125xi32, #tpu.memory_space<vmem>>
          %dma_start3A_258 = arith.constant 0 : i32
          %dma_start3A_259 = arith.constant 0 : i32
          %dma_start3A_260 = tpu.memref_slice %arg16[%dma_start3A_258, %dma_start3A_259] : memref<10240x16xf32, #tpu.memory_space<vmem_shared>> -> memref<10240x16xf32, #tpu.memory_space<vmem_shared>>
          tpu.enqueue_indirect_dma source(%dma_start3A_254 : memref<125x16xf32, #tpu.memory_space<vmem>>) target(%dma_start3A_260 : memref<10240x16xf32, #tpu.memory_space<vmem_shared>>) offsets(%dma_start3A_257 : memref<125xi32, #tpu.memory_space<vmem>>) semaphore(%arg20 : memref<!tpu.dma_semaphore, #tpu.memory_space<semaphore_mem>>) {add = true}
          %mul3A_261 = arith.constant 5 : i32
          %mul3A_262 = arith.muli %sub3A_221, %mul3A_261 : i32
          %add3A_263 = arith.constant 3 : i32
          %add3A_264 = arith.addi %mul3A_262, %add3A_263 : i32
          %dma_start3A_265 = arith.constant 375 : i32
          %dma_start3A_266 = arith.constant 0 : i32
          %dma_start3A_267 = tpu.memref_slice %arg10[%dma_start3A_265, %dma_start3A_266] : memref<625x16xf32, #tpu.memory_space<vmem>> -> memref<125x16xf32, #tpu.memory_space<vmem>>
          %dma_start3A_268 = arith.constant 0 : i32
          %dma_start3A_269 = tpu.memref_slice %arg9[%add3A_264, %dma_start3A_268] : memref<80x125xi32, #tpu.memory_space<vmem>> -> memref<1x125xi32, #tpu.memory_space<vmem>>
          %dma_start3A_270 = tpu.memref_squeeze %dma_start3A_269 : memref<1x125xi32, #tpu.memory_space<vmem>> -> memref<125xi32, #tpu.memory_space<vmem>>
          %dma_start3A_271 = arith.constant 0 : i32
          %dma_start3A_272 = arith.constant 0 : i32
          %dma_start3A_273 = tpu.memref_slice %arg16[%dma_start3A_271, %dma_start3A_272] : memref<10240x16xf32, #tpu.memory_space<vmem_shared>> -> memref<10240x16xf32, #tpu.memory_space<vmem_shared>>
          tpu.enqueue_indirect_dma source(%dma_start3A_267 : memref<125x16xf32, #tpu.memory_space<vmem>>) target(%dma_start3A_273 : memref<10240x16xf32, #tpu.memory_space<vmem_shared>>) offsets(%dma_start3A_270 : memref<125xi32, #tpu.memory_space<vmem>>) semaphore(%arg20 : memref<!tpu.dma_semaphore, #tpu.memory_space<semaphore_mem>>) {add = true}
          %mul3A_274 = arith.constant 5 : i32
          %mul3A_275 = arith.muli %sub3A_221, %mul3A_274 : i32
          %add3A_276 = arith.constant 4 : i32
          %add3A_277 = arith.addi %mul3A_275, %add3A_276 : i32
          %dma_start3A_278 = arith.constant 500 : i32
          %dma_start3A_279 = arith.constant 0 : i32
          %dma_start3A_280 = tpu.memref_slice %arg10[%dma_start3A_278, %dma_start3A_279] : memref<625x16xf32, #tpu.memory_space<vmem>> -> memref<125x16xf32, #tpu.memory_space<vmem>>
          %dma_start3A_281 = arith.constant 0 : i32
          %dma_start3A_282 = tpu.memref_slice %arg9[%add3A_277, %dma_start3A_281] : memref<80x125xi32, #tpu.memory_space<vmem>> -> memref<1x125xi32, #tpu.memory_space<vmem>>
          %dma_start3A_283 = tpu.memref_squeeze %dma_start3A_282 : memref<1x125xi32, #tpu.memory_space<vmem>> -> memref<125xi32, #tpu.memory_space<vmem>>
          %dma_start3A_284 = arith.constant 0 : i32
          %dma_start3A_285 = arith.constant 0 : i32
          %dma_start3A_286 = tpu.memref_slice %arg16[%dma_start3A_284, %dma_start3A_285] : memref<10240x16xf32, #tpu.memory_space<vmem_shared>> -> memref<10240x16xf32, #tpu.memory_space<vmem_shared>>
          tpu.enqueue_indirect_dma source(%dma_start3A_280 : memref<125x16xf32, #tpu.memory_space<vmem>>) target(%dma_start3A_286 : memref<10240x16xf32, #tpu.memory_space<vmem_shared>>) offsets(%dma_start3A_283 : memref<125xi32, #tpu.memory_space<vmem>>) semaphore(%arg20 : memref<!tpu.dma_semaphore, #tpu.memory_space<semaphore_mem>>) {add = true}
        } else {
        }
      } else {
      }
    }
    %scan3A_25 = arith.constant 16 : i32
    %dma_wait3A = arith.constant 0 : i32
    %dma_wait3A_26 = arith.constant 0 : i32
    %dma_wait3A_27 = arith.constant 0 : i32
    %dma_wait3A_28 = tpu.memref_slice %arg6[%dma_wait3A, %dma_wait3A_26, %dma_wait3A_27] : memref<2x10240x16xf32, #tpu.memory_space<hbm>> -> memref<1x625x16xf32, #tpu.memory_space<hbm>>
    %dma_wait3A_29 = tpu.memref_squeeze %dma_wait3A_28 : memref<1x625x16xf32, #tpu.memory_space<hbm>> -> memref<625x16xf32, #tpu.memory_space<hbm>>
    %dma_wait3A_30 = arith.constant 0 : i32
    %dma_wait3A_31 = arith.constant 0 : i32
    %dma_wait3A_32 = tpu.memref_slice %arg6[%dma_wait3A, %dma_wait3A_30, %dma_wait3A_31] : memref<2x10240x16xf32, #tpu.memory_space<hbm>> -> memref<1x625x16xf32, #tpu.memory_space<hbm>>
    %dma_wait3A_33 = tpu.memref_squeeze %dma_wait3A_32 : memref<1x625x16xf32, #tpu.memory_space<hbm>> -> memref<625x16xf32, #tpu.memory_space<hbm>>
    tpu.wait_dma2 semaphore(%arg19 : memref<!tpu.dma_semaphore, #tpu.memory_space<semaphore_mem>>) src(%dma_wait3A_33 : memref<625x16xf32, #tpu.memory_space<hbm>>) dst(%arg11 : memref<625x16xf32, #tpu.memory_space<vmem>>)
    %dma_start3A = arith.constant 75 : i32
    %dma_start3A_34 = arith.constant 0 : i32
    %dma_start3A_35 = arith.constant 0 : i32
    %dma_start3A_36 = tpu.memref_slice %arg11[%dma_start3A_34, %dma_start3A_35] : memref<625x16xf32, #tpu.memory_space<vmem>> -> memref<125x16xf32, #tpu.memory_space<vmem>>
    %dma_start3A_37 = arith.constant 0 : i32
    %dma_start3A_38 = tpu.memref_slice %arg9[%dma_start3A, %dma_start3A_37] : memref<80x125xi32, #tpu.memory_space<vmem>> -> memref<1x125xi32, #tpu.memory_space<vmem>>
    %dma_start3A_39 = tpu.memref_squeeze %dma_start3A_38 : memref<1x125xi32, #tpu.memory_space<vmem>> -> memref<125xi32, #tpu.memory_space<vmem>>
    %dma_start3A_40 = arith.constant 0 : i32
    %dma_start3A_41 = arith.constant 0 : i32
    %dma_start3A_42 = tpu.memref_slice %arg16[%dma_start3A_40, %dma_start3A_41] : memref<10240x16xf32, #tpu.memory_space<vmem_shared>> -> memref<10240x16xf32, #tpu.memory_space<vmem_shared>>
    tpu.enqueue_indirect_dma source(%dma_start3A_36 : memref<125x16xf32, #tpu.memory_space<vmem>>) target(%dma_start3A_42 : memref<10240x16xf32, #tpu.memory_space<vmem_shared>>) offsets(%dma_start3A_39 : memref<125xi32, #tpu.memory_space<vmem>>) semaphore(%arg21 : memref<!tpu.dma_semaphore, #tpu.memory_space<semaphore_mem>>) {add = true}
    %dma_start3A_43 = arith.constant 76 : i32
    %dma_start3A_44 = arith.constant 125 : i32
    %dma_start3A_45 = arith.constant 0 : i32
    %dma_start3A_46 = tpu.memref_slice %arg11[%dma_start3A_44, %dma_start3A_45] : memref<625x16xf32, #tpu.memory_space<vmem>> -> memref<125x16xf32, #tpu.memory_space<vmem>>
    %dma_start3A_47 = arith.constant 0 : i32
    %dma_start3A_48 = tpu.memref_slice %arg9[%dma_start3A_43, %dma_start3A_47] : memref<80x125xi32, #tpu.memory_space<vmem>> -> memref<1x125xi32, #tpu.memory_space<vmem>>
    %dma_start3A_49 = tpu.memref_squeeze %dma_start3A_48 : memref<1x125xi32, #tpu.memory_space<vmem>> -> memref<125xi32, #tpu.memory_space<vmem>>
    %dma_start3A_50 = arith.constant 0 : i32
    %dma_start3A_51 = arith.constant 0 : i32
    %dma_start3A_52 = tpu.memref_slice %arg16[%dma_start3A_50, %dma_start3A_51] : memref<10240x16xf32, #tpu.memory_space<vmem_shared>> -> memref<10240x16xf32, #tpu.memory_space<vmem_shared>>
    tpu.enqueue_indirect_dma source(%dma_start3A_46 : memref<125x16xf32, #tpu.memory_space<vmem>>) target(%dma_start3A_52 : memref<10240x16xf32, #tpu.memory_space<vmem_shared>>) offsets(%dma_start3A_49 : memref<125xi32, #tpu.memory_space<vmem>>) semaphore(%arg21 : memref<!tpu.dma_semaphore, #tpu.memory_space<semaphore_mem>>) {add = true}
    %dma_start3A_53 = arith.constant 77 : i32
    %dma_start3A_54 = arith.constant 250 : i32
    %dma_start3A_55 = arith.constant 0 : i32
    %dma_start3A_56 = tpu.memref_slice %arg11[%dma_start3A_54, %dma_start3A_55] : memref<625x16xf32, #tpu.memory_space<vmem>> -> memref<125x16xf32, #tpu.memory_space<vmem>>
    %dma_start3A_57 = arith.constant 0 : i32
    %dma_start3A_58 = tpu.memref_slice %arg9[%dma_start3A_53, %dma_start3A_57] : memref<80x125xi32, #tpu.memory_space<vmem>> -> memref<1x125xi32, #tpu.memory_space<vmem>>
    %dma_start3A_59 = tpu.memref_squeeze %dma_start3A_58 : memref<1x125xi32, #tpu.memory_space<vmem>> -> memref<125xi32, #tpu.memory_space<vmem>>
    %dma_start3A_60 = arith.constant 0 : i32
    %dma_start3A_61 = arith.constant 0 : i32
    %dma_start3A_62 = tpu.memref_slice %arg16[%dma_start3A_60, %dma_start3A_61] : memref<10240x16xf32, #tpu.memory_space<vmem_shared>> -> memref<10240x16xf32, #tpu.memory_space<vmem_shared>>
    tpu.enqueue_indirect_dma source(%dma_start3A_56 : memref<125x16xf32, #tpu.memory_space<vmem>>) target(%dma_start3A_62 : memref<10240x16xf32, #tpu.memory_space<vmem_shared>>) offsets(%dma_start3A_59 : memref<125xi32, #tpu.memory_space<vmem>>) semaphore(%arg21 : memref<!tpu.dma_semaphore, #tpu.memory_space<semaphore_mem>>) {add = true}
    %dma_start3A_63 = arith.constant 78 : i32
    %dma_start3A_64 = arith.constant 375 : i32
    %dma_start3A_65 = arith.constant 0 : i32
    %dma_start3A_66 = tpu.memref_slice %arg11[%dma_start3A_64, %dma_start3A_65] : memref<625x16xf32, #tpu.memory_space<vmem>> -> memref<125x16xf32, #tpu.memory_space<vmem>>
    %dma_start3A_67 = arith.constant 0 : i32
    %dma_start3A_68 = tpu.memref_slice %arg9[%dma_start3A_63, %dma_start3A_67] : memref<80x125xi32, #tpu.memory_space<vmem>> -> memref<1x125xi32, #tpu.memory_space<vmem>>
    %dma_start3A_69 = tpu.memref_squeeze %dma_start3A_68 : memref<1x125xi32, #tpu.memory_space<vmem>> -> memref<125xi32, #tpu.memory_space<vmem>>
    %dma_start3A_70 = arith.constant 0 : i32
    %dma_start3A_71 = arith.constant 0 : i32
    %dma_start3A_72 = tpu.memref_slice %arg16[%dma_start3A_70, %dma_start3A_71] : memref<10240x16xf32, #tpu.memory_space<vmem_shared>> -> memref<10240x16xf32, #tpu.memory_space<vmem_shared>>
    tpu.enqueue_indirect_dma source(%dma_start3A_66 : memref<125x16xf32, #tpu.memory_space<vmem>>) target(%dma_start3A_72 : memref<10240x16xf32, #tpu.memory_space<vmem_shared>>) offsets(%dma_start3A_69 : memref<125xi32, #tpu.memory_space<vmem>>) semaphore(%arg21 : memref<!tpu.dma_semaphore, #tpu.memory_space<semaphore_mem>>) {add = true}
    %dma_start3A_73 = arith.constant 79 : i32
    %dma_start3A_74 = arith.constant 500 : i32
    %dma_start3A_75 = arith.constant 0 : i32
    %dma_start3A_76 = tpu.memref_slice %arg11[%dma_start3A_74, %dma_start3A_75] : memref<625x16xf32, #tpu.memory_space<vmem>> -> memref<125x16xf32, #tpu.memory_space<vmem>>
    %dma_start3A_77 = arith.constant 0 : i32
    %dma_start3A_78 = tpu.memref_slice %arg9[%dma_start3A_73, %dma_start3A_77] : memref<80x125xi32, #tpu.memory_space<vmem>> -> memref<1x125xi32, #tpu.memory_space<vmem>>
    %dma_start3A_79 = tpu.memref_squeeze %dma_start3A_78 : memref<1x125xi32, #tpu.memory_space<vmem>> -> memref<125xi32, #tpu.memory_space<vmem>>
    %dma_start3A_80 = arith.constant 0 : i32
    %dma_start3A_81 = arith.constant 0 : i32
    %dma_start3A_82 = tpu.memref_slice %arg16[%dma_start3A_80, %dma_start3A_81] : memref<10240x16xf32, #tpu.memory_space<vmem_shared>> -> memref<10240x16xf32, #tpu.memory_space<vmem_shared>>
    tpu.enqueue_indirect_dma source(%dma_start3A_76 : memref<125x16xf32, #tpu.memory_space<vmem>>) target(%dma_start3A_82 : memref<10240x16xf32, #tpu.memory_space<vmem_shared>>) offsets(%dma_start3A_79 : memref<125xi32, #tpu.memory_space<vmem>>) semaphore(%arg21 : memref<!tpu.dma_semaphore, #tpu.memory_space<semaphore_mem>>) {add = true}
    %dma_wait3A_83 = arith.constant 0 : i32
    %dma_wait3A_84 = arith.constant 0 : i32
    %dma_wait3A_85 = arith.constant 0 : i32
    %dma_wait3A_86 = tpu.memref_slice %arg6[%dma_wait3A_83, %dma_wait3A_84, %dma_wait3A_85] : memref<2x10240x16xf32, #tpu.memory_space<hbm>> -> memref<1x625x16xf32, #tpu.memory_space<hbm>>
    %dma_wait3A_87 = tpu.memref_squeeze %dma_wait3A_86 : memref<1x625x16xf32, #tpu.memory_space<hbm>> -> memref<625x16xf32, #tpu.memory_space<hbm>>
    %dma_wait3A_88 = arith.constant 0 : i32
    %dma_wait3A_89 = arith.constant 0 : i32
    %dma_wait3A_90 = tpu.memref_slice %arg6[%dma_wait3A_83, %dma_wait3A_88, %dma_wait3A_89] : memref<2x10240x16xf32, #tpu.memory_space<hbm>> -> memref<1x625x16xf32, #tpu.memory_space<hbm>>
    %dma_wait3A_91 = tpu.memref_squeeze %dma_wait3A_90 : memref<1x625x16xf32, #tpu.memory_space<hbm>> -> memref<625x16xf32, #tpu.memory_space<hbm>>
    tpu.wait_dma2 semaphore(%arg20 : memref<!tpu.dma_semaphore, #tpu.memory_space<semaphore_mem>>) src(%dma_wait3A_91 : memref<625x16xf32, #tpu.memory_space<hbm>>) dst(%arg10 : memref<625x16xf32, #tpu.memory_space<vmem>>)
    %dma_wait3A_92 = arith.constant 0 : i32
    %dma_wait3A_93 = arith.constant 0 : i32
    %dma_wait3A_94 = arith.constant 0 : i32
    %dma_wait3A_95 = tpu.memref_slice %arg6[%dma_wait3A_92, %dma_wait3A_93, %dma_wait3A_94] : memref<2x10240x16xf32, #tpu.memory_space<hbm>> -> memref<1x625x16xf32, #tpu.memory_space<hbm>>
    %dma_wait3A_96 = tpu.memref_squeeze %dma_wait3A_95 : memref<1x625x16xf32, #tpu.memory_space<hbm>> -> memref<625x16xf32, #tpu.memory_space<hbm>>
    %dma_wait3A_97 = arith.constant 0 : i32
    %dma_wait3A_98 = arith.constant 0 : i32
    %dma_wait3A_99 = tpu.memref_slice %arg6[%dma_wait3A_92, %dma_wait3A_97, %dma_wait3A_98] : memref<2x10240x16xf32, #tpu.memory_space<hbm>> -> memref<1x625x16xf32, #tpu.memory_space<hbm>>
    %dma_wait3A_100 = tpu.memref_squeeze %dma_wait3A_99 : memref<1x625x16xf32, #tpu.memory_space<hbm>> -> memref<625x16xf32, #tpu.memory_space<hbm>>
    tpu.wait_dma2 semaphore(%arg21 : memref<!tpu.dma_semaphore, #tpu.memory_space<semaphore_mem>>) src(%dma_wait3A_100 : memref<625x16xf32, #tpu.memory_space<hbm>>) dst(%arg11 : memref<625x16xf32, #tpu.memory_space<vmem>>)
    %barrier3A_101 = arith.constant 0 : index
    tpu.barrier barrier_id(%barrier3A_101)
    "tpu.region"() ({
      %run_scoped3A_102 = tpu.sem_alloc : memref<!tpu.dma_semaphore, #tpu.memory_space<semaphore_mem>>
      %dma_start3A_103 = arith.constant 0 : i32
      %dma_start3A_104 = tpu.memref_slice %arg6[%arg0, %mul3A_2, %dma_start3A_103] : memref<2x10240x16xf32, #tpu.memory_space<hbm>> -> memref<1x640x16xf32, #tpu.memory_space<hbm>>
      %dma_start3A_105 = tpu.memref_squeeze %dma_start3A_104 : memref<1x640x16xf32, #tpu.memory_space<hbm>> -> memref<640x16xf32, #tpu.memory_space<hbm>>
      %dma_start3A_106 = arith.constant 0 : i32
      %dma_start3A_107 = tpu.memref_slice %arg16[%mul3A_2, %dma_start3A_106] : memref<10240x16xf32, #tpu.memory_space<vmem_shared>> -> memref<640x16xf32, #tpu.memory_space<vmem_shared>>
      tpu.enqueue_dma source(%dma_start3A_107 : memref<640x16xf32, #tpu.memory_space<vmem_shared>>) target(%dma_start3A_105 : memref<640x16xf32, #tpu.memory_space<hbm>>) target_semaphore(%run_scoped3A_102 : memref<!tpu.dma_semaphore, #tpu.memory_space<semaphore_mem>>)
      %dma_wait3A_108 = arith.constant 0 : i32
      %dma_wait3A_109 = tpu.memref_slice %arg6[%arg0, %mul3A_2, %dma_wait3A_108] : memref<2x10240x16xf32, #tpu.memory_space<hbm>> -> memref<1x640x16xf32, #tpu.memory_space<hbm>>
      %dma_wait3A_110 = tpu.memref_squeeze %dma_wait3A_109 : memref<1x640x16xf32, #tpu.memory_space<hbm>> -> memref<640x16xf32, #tpu.memory_space<hbm>>
      %dma_wait3A_111 = arith.constant 0 : i32
      %dma_wait3A_112 = tpu.memref_slice %arg16[%mul3A_2, %dma_wait3A_111] : memref<10240x16xf32, #tpu.memory_space<vmem_shared>> -> memref<640x16xf32, #tpu.memory_space<vmem_shared>>
      tpu.wait_dma2 semaphore(%run_scoped3A_102 : memref<!tpu.dma_semaphore, #tpu.memory_space<semaphore_mem>>) src(%dma_wait3A_112 : memref<640x16xf32, #tpu.memory_space<vmem_shared>>) dst(%dma_wait3A_110 : memref<640x16xf32, #tpu.memory_space<hbm>>)
      tpu.yield
    }) : () -> ()
    return
  }
}

#map = affine_map<(d0, d1) -> (0, 0, 0, 0)>
#map1 = affine_map<(d0, d1) -> (0, 0)>
#map2 = affine_map<(d0, d1) -> (0, 0, 0)>
module attributes {stable_mosaic.version = 14 : i64} {
  func.func @_deg_pass(%arg0: i32, %arg1: i32, %arg2: memref<2x32x80x125xi32, #tpu.memory_space<hbm>>, %arg3: memref<640x16xf32, #tpu.memory_space<hbm>>, %arg4: memref<2x10240x16xf32, #tpu.memory_space<hbm>>, %arg5: memref<80x125xi32, #tpu.memory_space<vmem>>, %arg6: memref<125x16xf32, #tpu.memory_space<vmem>>, %arg7: memref<10240x16xf32, #tpu.memory_space<vmem_shared>>, %arg8: memref<!tpu.dma_semaphore, #tpu.memory_space<semaphore_mem>>) attributes {dimension_semantics = [#tpu.dimension_semantics<core_parallel>, #tpu.dimension_semantics<subcore_parallel>], iteration_bounds = array<i64: 2, 16>, scalar_prefetch = 0 : i64, scratch_operands = 4 : i64, tpu.core_type = #tpu.core_type<sc_vector_subcore>, window_params = [{transform_indices = #map}, {transform_indices = #map1}, {transform_indices = #map2}]} {
    %mul3A = arith.constant 16 : i32
    %mul3A_0 = arith.muli %arg0, %mul3A : i32
    %add3A = arith.addi %mul3A_0, %arg1 : i32
    %mul3A_1 = arith.constant 640 : i32
    %mul3A_2 = arith.muli %arg1, %mul3A_1 : i32
    %run_scoped3A = arith.constant 1 : i32
    "tpu.region"() ({
      %run_scoped3A_1151 = tpu.sem_alloc : memref<!tpu.dma_semaphore, #tpu.memory_space<semaphore_mem>>
      %dma_start3A = arith.constant 0 : i32
      %dma_start3A_1152 = arith.constant 0 : i32
      %dma_start3A_1153 = tpu.memref_slice %arg2[%run_scoped3A, %add3A, %dma_start3A, %dma_start3A_1152] : memref<2x32x80x125xi32, #tpu.memory_space<hbm>> -> memref<1x1x80x125xi32, #tpu.memory_space<hbm>>
      %dma_start3A_1154 = tpu.memref_squeeze %dma_start3A_1153 : memref<1x1x80x125xi32, #tpu.memory_space<hbm>> -> memref<80x125xi32, #tpu.memory_space<hbm>>
      %dma_start3A_1155 = arith.constant 0 : i32
      %dma_start3A_1156 = arith.constant 0 : i32
      %dma_start3A_1157 = tpu.memref_slice %arg2[%run_scoped3A, %add3A, %dma_start3A_1155, %dma_start3A_1156] : memref<2x32x80x125xi32, #tpu.memory_space<hbm>> -> memref<1x1x80x125xi32, #tpu.memory_space<hbm>>
      %dma_start3A_1158 = tpu.memref_squeeze %dma_start3A_1157 : memref<1x1x80x125xi32, #tpu.memory_space<hbm>> -> memref<80x125xi32, #tpu.memory_space<hbm>>
      tpu.enqueue_dma source(%dma_start3A_1158 : memref<80x125xi32, #tpu.memory_space<hbm>>) target(%arg5 : memref<80x125xi32, #tpu.memory_space<vmem>>) target_semaphore(%run_scoped3A_1151 : memref<!tpu.dma_semaphore, #tpu.memory_space<semaphore_mem>>)
      %dma_wait3A_1159 = arith.constant 0 : i32
      %dma_wait3A_1160 = arith.constant 0 : i32
      %dma_wait3A_1161 = tpu.memref_slice %arg2[%run_scoped3A, %add3A, %dma_wait3A_1159, %dma_wait3A_1160] : memref<2x32x80x125xi32, #tpu.memory_space<hbm>> -> memref<1x1x80x125xi32, #tpu.memory_space<hbm>>
      %dma_wait3A_1162 = tpu.memref_squeeze %dma_wait3A_1161 : memref<1x1x80x125xi32, #tpu.memory_space<hbm>> -> memref<80x125xi32, #tpu.memory_space<hbm>>
      %dma_wait3A_1163 = arith.constant 0 : i32
      %dma_wait3A_1164 = arith.constant 0 : i32
      %dma_wait3A_1165 = tpu.memref_slice %arg2[%run_scoped3A, %add3A, %dma_wait3A_1163, %dma_wait3A_1164] : memref<2x32x80x125xi32, #tpu.memory_space<hbm>> -> memref<1x1x80x125xi32, #tpu.memory_space<hbm>>
      %dma_wait3A_1166 = tpu.memref_squeeze %dma_wait3A_1165 : memref<1x1x80x125xi32, #tpu.memory_space<hbm>> -> memref<80x125xi32, #tpu.memory_space<hbm>>
      tpu.wait_dma2 semaphore(%run_scoped3A_1151 : memref<!tpu.dma_semaphore, #tpu.memory_space<semaphore_mem>>) src(%dma_wait3A_1166 : memref<80x125xi32, #tpu.memory_space<hbm>>) dst(%arg5 : memref<80x125xi32, #tpu.memory_space<vmem>>)
      tpu.yield
    }) : () -> ()
    "tpu.region"() ({
      %run_scoped3A_1151 = tpu.sem_alloc : memref<!tpu.dma_semaphore, #tpu.memory_space<semaphore_mem>>
      %dma_start3A = arith.constant 0 : i32
      %dma_start3A_1152 = tpu.memref_slice %arg7[%mul3A_2, %dma_start3A] : memref<10240x16xf32, #tpu.memory_space<vmem_shared>> -> memref<640x16xf32, #tpu.memory_space<vmem_shared>>
      tpu.enqueue_dma source(%arg3 : memref<640x16xf32, #tpu.memory_space<hbm>>) target(%dma_start3A_1152 : memref<640x16xf32, #tpu.memory_space<vmem_shared>>) target_semaphore(%run_scoped3A_1151 : memref<!tpu.dma_semaphore, #tpu.memory_space<semaphore_mem>>)
      %dma_wait3A_1153 = arith.constant 0 : i32
      %dma_wait3A_1154 = tpu.memref_slice %arg7[%mul3A_2, %dma_wait3A_1153] : memref<10240x16xf32, #tpu.memory_space<vmem_shared>> -> memref<640x16xf32, #tpu.memory_space<vmem_shared>>
      tpu.wait_dma2 semaphore(%run_scoped3A_1151 : memref<!tpu.dma_semaphore, #tpu.memory_space<semaphore_mem>>) src(%arg3 : memref<640x16xf32, #tpu.memory_space<hbm>>) dst(%dma_wait3A_1154 : memref<640x16xf32, #tpu.memory_space<vmem_shared>>)
      tpu.yield
    }) : () -> ()
    %broadcast_in_dim3A = arith.constant 1.000000e+00 : f32
    %broadcast_in_dim3A_3 = vector.broadcast %broadcast_in_dim3A : f32 to vector<16xf32>
    %swap3A = arith.constant 0 : i32
    %swap3A_4 = arith.index_cast %swap3A : i32 to index
    %swap3A_5 = arith.constant 0 : index
    %swap3A_6 = tpu.vector_load %arg6[%swap3A_4, %swap3A_5] {strides = array<i32>} : memref<125x16xf32, #tpu.memory_space<vmem>>, vector<1x16xf32>,
    %swap3A_7 = vector.shape_cast %swap3A_6 : vector<1x16xf32> to vector<16xf32>
    %swap3A_8 = vector.shape_cast %broadcast_in_dim3A_3 : vector<16xf32> to vector<1x16xf32>
    tpu.vector_store %arg6[%swap3A_4, %swap3A_5], %swap3A_8 {strides = array<i32>} : memref<125x16xf32, #tpu.memory_space<vmem>>, vector<1x16xf32>,
    %broadcast_in_dim3A_9 = arith.constant 1.000000e+00 : f32
    %broadcast_in_dim3A_10 = vector.broadcast %broadcast_in_dim3A_9 : f32 to vector<16xf32>
    %swap3A_11 = arith.constant 1 : i32
    %swap3A_12 = arith.index_cast %swap3A_11 : i32 to index
    %swap3A_13 = arith.constant 0 : index
    %swap3A_14 = tpu.vector_load %arg6[%swap3A_12, %swap3A_13] {strides = array<i32>} : memref<125x16xf32, #tpu.memory_space<vmem>>, vector<1x16xf32>,
    %swap3A_15 = vector.shape_cast %swap3A_14 : vector<1x16xf32> to vector<16xf32>
    %swap3A_16 = vector.shape_cast %broadcast_in_dim3A_10 : vector<16xf32> to vector<1x16xf32>
    tpu.vector_store %arg6[%swap3A_12, %swap3A_13], %swap3A_16 {strides = array<i32>} : memref<125x16xf32, #tpu.memory_space<vmem>>, vector<1x16xf32>,
    %broadcast_in_dim3A_17 = arith.constant 1.000000e+00 : f32
    %broadcast_in_dim3A_18 = vector.broadcast %broadcast_in_dim3A_17 : f32 to vector<16xf32>
    %swap3A_19 = arith.constant 2 : i32
    %swap3A_20 = arith.index_cast %swap3A_19 : i32 to index
    %swap3A_21 = arith.constant 0 : index
    %swap3A_22 = tpu.vector_load %arg6[%swap3A_20, %swap3A_21] {strides = array<i32>} : memref<125x16xf32, #tpu.memory_space<vmem>>, vector<1x16xf32>,
    %swap3A_23 = vector.shape_cast %swap3A_22 : vector<1x16xf32> to vector<16xf32>
    %swap3A_24 = vector.shape_cast %broadcast_in_dim3A_18 : vector<16xf32> to vector<1x16xf32>
    tpu.vector_store %arg6[%swap3A_20, %swap3A_21], %swap3A_24 {strides = array<i32>} : memref<125x16xf32, #tpu.memory_space<vmem>>, vector<1x16xf32>,
    %broadcast_in_dim3A_25 = arith.constant 1.000000e+00 : f32
    %broadcast_in_dim3A_26 = vector.broadcast %broadcast_in_dim3A_25 : f32 to vector<16xf32>
    %swap3A_27 = arith.constant 3 : i32
    %swap3A_28 = arith.index_cast %swap3A_27 : i32 to index
    %swap3A_29 = arith.constant 0 : index
    %swap3A_30 = tpu.vector_load %arg6[%swap3A_28, %swap3A_29] {strides = array<i32>} : memref<125x16xf32, #tpu.memory_space<vmem>>, vector<1x16xf32>,
    %swap3A_31 = vector.shape_cast %swap3A_30 : vector<1x16xf32> to vector<16xf32>
    %swap3A_32 = vector.shape_cast %broadcast_in_dim3A_26 : vector<16xf32> to vector<1x16xf32>
    tpu.vector_store %arg6[%swap3A_28, %swap3A_29], %swap3A_32 {strides = array<i32>} : memref<125x16xf32, #tpu.memory_space<vmem>>, vector<1x16xf32>,
    %broadcast_in_dim3A_33 = arith.constant 1.000000e+00 : f32
    %broadcast_in_dim3A_34 = vector.broadcast %broadcast_in_dim3A_33 : f32 to vector<16xf32>
    %swap3A_35 = arith.constant 4 : i32
    %swap3A_36 = arith.index_cast %swap3A_35 : i32 to index
    %swap3A_37 = arith.constant 0 : index
    %swap3A_38 = tpu.vector_load %arg6[%swap3A_36, %swap3A_37] {strides = array<i32>} : memref<125x16xf32, #tpu.memory_space<vmem>>, vector<1x16xf32>,
    %swap3A_39 = vector.shape_cast %swap3A_38 : vector<1x16xf32> to vector<16xf32>
    %swap3A_40 = vector.shape_cast %broadcast_in_dim3A_34 : vector<16xf32> to vector<1x16xf32>
    tpu.vector_store %arg6[%swap3A_36, %swap3A_37], %swap3A_40 {strides = array<i32>} : memref<125x16xf32, #tpu.memory_space<vmem>>, vector<1x16xf32>,
    %broadcast_in_dim3A_41 = arith.constant 1.000000e+00 : f32
    %broadcast_in_dim3A_42 = vector.broadcast %broadcast_in_dim3A_41 : f32 to vector<16xf32>
    %swap3A_43 = arith.constant 5 : i32
    %swap3A_44 = arith.index_cast %swap3A_43 : i32 to index
    %swap3A_45 = arith.constant 0 : index
    %swap3A_46 = tpu.vector_load %arg6[%swap3A_44, %swap3A_45] {strides = array<i32>} : memref<125x16xf32, #tpu.memory_space<vmem>>, vector<1x16xf32>,
    %swap3A_47 = vector.shape_cast %swap3A_46 : vector<1x16xf32> to vector<16xf32>
    %swap3A_48 = vector.shape_cast %broadcast_in_dim3A_42 : vector<16xf32> to vector<1x16xf32>
    tpu.vector_store %arg6[%swap3A_44, %swap3A_45], %swap3A_48 {strides = array<i32>} : memref<125x16xf32, #tpu.memory_space<vmem>>, vector<1x16xf32>,
    %broadcast_in_dim3A_49 = arith.constant 1.000000e+00 : f32
    %broadcast_in_dim3A_50 = vector.broadcast %broadcast_in_dim3A_49 : f32 to vector<16xf32>
    %swap3A_51 = arith.constant 6 : i32
    %swap3A_52 = arith.index_cast %swap3A_51 : i32 to index
    %swap3A_53 = arith.constant 0 : index
    %swap3A_54 = tpu.vector_load %arg6[%swap3A_52, %swap3A_53] {strides = array<i32>} : memref<125x16xf32, #tpu.memory_space<vmem>>, vector<1x16xf32>,
    %swap3A_55 = vector.shape_cast %swap3A_54 : vector<1x16xf32> to vector<16xf32>
    %swap3A_56 = vector.shape_cast %broadcast_in_dim3A_50 : vector<16xf32> to vector<1x16xf32>
    tpu.vector_store %arg6[%swap3A_52, %swap3A_53], %swap3A_56 {strides = array<i32>} : memref<125x16xf32, #tpu.memory_space<vmem>>, vector<1x16xf32>,
    %broadcast_in_dim3A_57 = arith.constant 1.000000e+00 : f32
    %broadcast_in_dim3A_58 = vector.broadcast %broadcast_in_dim3A_57 : f32 to vector<16xf32>
    %swap3A_59 = arith.constant 7 : i32
    %swap3A_60 = arith.index_cast %swap3A_59 : i32 to index
    %swap3A_61 = arith.constant 0 : index
    %swap3A_62 = tpu.vector_load %arg6[%swap3A_60, %swap3A_61] {strides = array<i32>} : memref<125x16xf32, #tpu.memory_space<vmem>>, vector<1x16xf32>,
    %swap3A_63 = vector.shape_cast %swap3A_62 : vector<1x16xf32> to vector<16xf32>
    %swap3A_64 = vector.shape_cast %broadcast_in_dim3A_58 : vector<16xf32> to vector<1x16xf32>
    tpu.vector_store %arg6[%swap3A_60, %swap3A_61], %swap3A_64 {strides = array<i32>} : memref<125x16xf32, #tpu.memory_space<vmem>>, vector<1x16xf32>,
    %broadcast_in_dim3A_65 = arith.constant 1.000000e+00 : f32
    %broadcast_in_dim3A_66 = vector.broadcast %broadcast_in_dim3A_65 : f32 to vector<16xf32>
    %swap3A_67 = arith.constant 8 : i32
    %swap3A_68 = arith.index_cast %swap3A_67 : i32 to index
    %swap3A_69 = arith.constant 0 : index
    %swap3A_70 = tpu.vector_load %arg6[%swap3A_68, %swap3A_69] {strides = array<i32>} : memref<125x16xf32, #tpu.memory_space<vmem>>, vector<1x16xf32>,
    %swap3A_71 = vector.shape_cast %swap3A_70 : vector<1x16xf32> to vector<16xf32>
    %swap3A_72 = vector.shape_cast %broadcast_in_dim3A_66 : vector<16xf32> to vector<1x16xf32>
    tpu.vector_store %arg6[%swap3A_68, %swap3A_69], %swap3A_72 {strides = array<i32>} : memref<125x16xf32, #tpu.memory_space<vmem>>, vector<1x16xf32>,
    %broadcast_in_dim3A_73 = arith.constant 1.000000e+00 : f32
    %broadcast_in_dim3A_74 = vector.broadcast %broadcast_in_dim3A_73 : f32 to vector<16xf32>
    %swap3A_75 = arith.constant 9 : i32
    %swap3A_76 = arith.index_cast %swap3A_75 : i32 to index
    %swap3A_77 = arith.constant 0 : index
    %swap3A_78 = tpu.vector_load %arg6[%swap3A_76, %swap3A_77] {strides = array<i32>} : memref<125x16xf32, #tpu.memory_space<vmem>>, vector<1x16xf32>,
    %swap3A_79 = vector.shape_cast %swap3A_78 : vector<1x16xf32> to vector<16xf32>
    %swap3A_80 = vector.shape_cast %broadcast_in_dim3A_74 : vector<16xf32> to vector<1x16xf32>
    tpu.vector_store %arg6[%swap3A_76, %swap3A_77], %swap3A_80 {strides = array<i32>} : memref<125x16xf32, #tpu.memory_space<vmem>>, vector<1x16xf32>,
    %broadcast_in_dim3A_81 = arith.constant 1.000000e+00 : f32
    %broadcast_in_dim3A_82 = vector.broadcast %broadcast_in_dim3A_81 : f32 to vector<16xf32>
    %swap3A_83 = arith.constant 10 : i32
    %swap3A_84 = arith.index_cast %swap3A_83 : i32 to index
    %swap3A_85 = arith.constant 0 : index
    %swap3A_86 = tpu.vector_load %arg6[%swap3A_84, %swap3A_85] {strides = array<i32>} : memref<125x16xf32, #tpu.memory_space<vmem>>, vector<1x16xf32>,
    %swap3A_87 = vector.shape_cast %swap3A_86 : vector<1x16xf32> to vector<16xf32>
    %swap3A_88 = vector.shape_cast %broadcast_in_dim3A_82 : vector<16xf32> to vector<1x16xf32>
    tpu.vector_store %arg6[%swap3A_84, %swap3A_85], %swap3A_88 {strides = array<i32>} : memref<125x16xf32, #tpu.memory_space<vmem>>, vector<1x16xf32>,
    %broadcast_in_dim3A_89 = arith.constant 1.000000e+00 : f32
    %broadcast_in_dim3A_90 = vector.broadcast %broadcast_in_dim3A_89 : f32 to vector<16xf32>
    %swap3A_91 = arith.constant 11 : i32
    %swap3A_92 = arith.index_cast %swap3A_91 : i32 to index
    %swap3A_93 = arith.constant 0 : index
    %swap3A_94 = tpu.vector_load %arg6[%swap3A_92, %swap3A_93] {strides = array<i32>} : memref<125x16xf32, #tpu.memory_space<vmem>>, vector<1x16xf32>,
    %swap3A_95 = vector.shape_cast %swap3A_94 : vector<1x16xf32> to vector<16xf32>
    %swap3A_96 = vector.shape_cast %broadcast_in_dim3A_90 : vector<16xf32> to vector<1x16xf32>
    tpu.vector_store %arg6[%swap3A_92, %swap3A_93], %swap3A_96 {strides = array<i32>} : memref<125x16xf32, #tpu.memory_space<vmem>>, vector<1x16xf32>,
    %broadcast_in_dim3A_97 = arith.constant 1.000000e+00 : f32
    %broadcast_in_dim3A_98 = vector.broadcast %broadcast_in_dim3A_97 : f32 to vector<16xf32>
    %swap3A_99 = arith.constant 12 : i32
    %swap3A_100 = arith.index_cast %swap3A_99 : i32 to index
    %swap3A_101 = arith.constant 0 : index
    %swap3A_102 = tpu.vector_load %arg6[%swap3A_100, %swap3A_101] {strides = array<i32>} : memref<125x16xf32, #tpu.memory_space<vmem>>, vector<1x16xf32>,
    %swap3A_103 = vector.shape_cast %swap3A_102 : vector<1x16xf32> to vector<16xf32>
    %swap3A_104 = vector.shape_cast %broadcast_in_dim3A_98 : vector<16xf32> to vector<1x16xf32>
    tpu.vector_store %arg6[%swap3A_100, %swap3A_101], %swap3A_104 {strides = array<i32>} : memref<125x16xf32, #tpu.memory_space<vmem>>, vector<1x16xf32>,
    %broadcast_in_dim3A_105 = arith.constant 1.000000e+00 : f32
    %broadcast_in_dim3A_106 = vector.broadcast %broadcast_in_dim3A_105 : f32 to vector<16xf32>
    %swap3A_107 = arith.constant 13 : i32
    %swap3A_108 = arith.index_cast %swap3A_107 : i32 to index
    %swap3A_109 = arith.constant 0 : index
    %swap3A_110 = tpu.vector_load %arg6[%swap3A_108, %swap3A_109] {strides = array<i32>} : memref<125x16xf32, #tpu.memory_space<vmem>>, vector<1x16xf32>,
    %swap3A_111 = vector.shape_cast %swap3A_110 : vector<1x16xf32> to vector<16xf32>
    %swap3A_112 = vector.shape_cast %broadcast_in_dim3A_106 : vector<16xf32> to vector<1x16xf32>
    tpu.vector_store %arg6[%swap3A_108, %swap3A_109], %swap3A_112 {strides = array<i32>} : memref<125x16xf32, #tpu.memory_space<vmem>>, vector<1x16xf32>,
    %broadcast_in_dim3A_113 = arith.constant 1.000000e+00 : f32
    %broadcast_in_dim3A_114 = vector.broadcast %broadcast_in_dim3A_113 : f32 to vector<16xf32>
    %swap3A_115 = arith.constant 14 : i32
    %swap3A_116 = arith.index_cast %swap3A_115 : i32 to index
    %swap3A_117 = arith.constant 0 : index
    %swap3A_118 = tpu.vector_load %arg6[%swap3A_116, %swap3A_117] {strides = array<i32>} : memref<125x16xf32, #tpu.memory_space<vmem>>, vector<1x16xf32>,
    %swap3A_119 = vector.shape_cast %swap3A_118 : vector<1x16xf32> to vector<16xf32>
    %swap3A_120 = vector.shape_cast %broadcast_in_dim3A_114 : vector<16xf32> to vector<1x16xf32>
    tpu.vector_store %arg6[%swap3A_116, %swap3A_117], %swap3A_120 {strides = array<i32>} : memref<125x16xf32, #tpu.memory_space<vmem>>, vector<1x16xf32>,
    %broadcast_in_dim3A_121 = arith.constant 1.000000e+00 : f32
    %broadcast_in_dim3A_122 = vector.broadcast %broadcast_in_dim3A_121 : f32 to vector<16xf32>
    %swap3A_123 = arith.constant 15 : i32
    %swap3A_124 = arith.index_cast %swap3A_123 : i32 to index
    %swap3A_125 = arith.constant 0 : index
    %swap3A_126 = tpu.vector_load %arg6[%swap3A_124, %swap3A_125] {strides = array<i32>} : memref<125x16xf32, #tpu.memory_space<vmem>>, vector<1x16xf32>,
    %swap3A_127 = vector.shape_cast %swap3A_126 : vector<1x16xf32> to vector<16xf32>
    %swap3A_128 = vector.shape_cast %broadcast_in_dim3A_122 : vector<16xf32> to vector<1x16xf32>
    tpu.vector_store %arg6[%swap3A_124, %swap3A_125], %swap3A_128 {strides = array<i32>} : memref<125x16xf32, #tpu.memory_space<vmem>>, vector<1x16xf32>,
    %broadcast_in_dim3A_129 = arith.constant 1.000000e+00 : f32
    %broadcast_in_dim3A_130 = vector.broadcast %broadcast_in_dim3A_129 : f32 to vector<16xf32>
    %swap3A_131 = arith.constant 16 : i32
    %swap3A_132 = arith.index_cast %swap3A_131 : i32 to index
    %swap3A_133 = arith.constant 0 : index
    %swap3A_134 = tpu.vector_load %arg6[%swap3A_132, %swap3A_133] {strides = array<i32>} : memref<125x16xf32, #tpu.memory_space<vmem>>, vector<1x16xf32>,
    %swap3A_135 = vector.shape_cast %swap3A_134 : vector<1x16xf32> to vector<16xf32>
    %swap3A_136 = vector.shape_cast %broadcast_in_dim3A_130 : vector<16xf32> to vector<1x16xf32>
    tpu.vector_store %arg6[%swap3A_132, %swap3A_133], %swap3A_136 {strides = array<i32>} : memref<125x16xf32, #tpu.memory_space<vmem>>, vector<1x16xf32>,
    %broadcast_in_dim3A_137 = arith.constant 1.000000e+00 : f32
    %broadcast_in_dim3A_138 = vector.broadcast %broadcast_in_dim3A_137 : f32 to vector<16xf32>
    %swap3A_139 = arith.constant 17 : i32
    %swap3A_140 = arith.index_cast %swap3A_139 : i32 to index
    %swap3A_141 = arith.constant 0 : index
    %swap3A_142 = tpu.vector_load %arg6[%swap3A_140, %swap3A_141] {strides = array<i32>} : memref<125x16xf32, #tpu.memory_space<vmem>>, vector<1x16xf32>,
    %swap3A_143 = vector.shape_cast %swap3A_142 : vector<1x16xf32> to vector<16xf32>
    %swap3A_144 = vector.shape_cast %broadcast_in_dim3A_138 : vector<16xf32> to vector<1x16xf32>
    tpu.vector_store %arg6[%swap3A_140, %swap3A_141], %swap3A_144 {strides = array<i32>} : memref<125x16xf32, #tpu.memory_space<vmem>>, vector<1x16xf32>,
    %broadcast_in_dim3A_145 = arith.constant 1.000000e+00 : f32
    %broadcast_in_dim3A_146 = vector.broadcast %broadcast_in_dim3A_145 : f32 to vector<16xf32>
    %swap3A_147 = arith.constant 18 : i32
    %swap3A_148 = arith.index_cast %swap3A_147 : i32 to index
    %swap3A_149 = arith.constant 0 : index
    %swap3A_150 = tpu.vector_load %arg6[%swap3A_148, %swap3A_149] {strides = array<i32>} : memref<125x16xf32, #tpu.memory_space<vmem>>, vector<1x16xf32>,
    %swap3A_151 = vector.shape_cast %swap3A_150 : vector<1x16xf32> to vector<16xf32>
    %swap3A_152 = vector.shape_cast %broadcast_in_dim3A_146 : vector<16xf32> to vector<1x16xf32>
    tpu.vector_store %arg6[%swap3A_148, %swap3A_149], %swap3A_152 {strides = array<i32>} : memref<125x16xf32, #tpu.memory_space<vmem>>, vector<1x16xf32>,
    %broadcast_in_dim3A_153 = arith.constant 1.000000e+00 : f32
    %broadcast_in_dim3A_154 = vector.broadcast %broadcast_in_dim3A_153 : f32 to vector<16xf32>
    %swap3A_155 = arith.constant 19 : i32
    %swap3A_156 = arith.index_cast %swap3A_155 : i32 to index
    %swap3A_157 = arith.constant 0 : index
    %swap3A_158 = tpu.vector_load %arg6[%swap3A_156, %swap3A_157] {strides = array<i32>} : memref<125x16xf32, #tpu.memory_space<vmem>>, vector<1x16xf32>,
    %swap3A_159 = vector.shape_cast %swap3A_158 : vector<1x16xf32> to vector<16xf32>
    %swap3A_160 = vector.shape_cast %broadcast_in_dim3A_154 : vector<16xf32> to vector<1x16xf32>
    tpu.vector_store %arg6[%swap3A_156, %swap3A_157], %swap3A_160 {strides = array<i32>} : memref<125x16xf32, #tpu.memory_space<vmem>>, vector<1x16xf32>,
    %broadcast_in_dim3A_161 = arith.constant 1.000000e+00 : f32
    %broadcast_in_dim3A_162 = vector.broadcast %broadcast_in_dim3A_161 : f32 to vector<16xf32>
    %swap3A_163 = arith.constant 20 : i32
    %swap3A_164 = arith.index_cast %swap3A_163 : i32 to index
    %swap3A_165 = arith.constant 0 : index
    %swap3A_166 = tpu.vector_load %arg6[%swap3A_164, %swap3A_165] {strides = array<i32>} : memref<125x16xf32, #tpu.memory_space<vmem>>, vector<1x16xf32>,
    %swap3A_167 = vector.shape_cast %swap3A_166 : vector<1x16xf32> to vector<16xf32>
    %swap3A_168 = vector.shape_cast %broadcast_in_dim3A_162 : vector<16xf32> to vector<1x16xf32>
    tpu.vector_store %arg6[%swap3A_164, %swap3A_165], %swap3A_168 {strides = array<i32>} : memref<125x16xf32, #tpu.memory_space<vmem>>, vector<1x16xf32>,
    %broadcast_in_dim3A_169 = arith.constant 1.000000e+00 : f32
    %broadcast_in_dim3A_170 = vector.broadcast %broadcast_in_dim3A_169 : f32 to vector<16xf32>
    %swap3A_171 = arith.constant 21 : i32
    %swap3A_172 = arith.index_cast %swap3A_171 : i32 to index
    %swap3A_173 = arith.constant 0 : index
    %swap3A_174 = tpu.vector_load %arg6[%swap3A_172, %swap3A_173] {strides = array<i32>} : memref<125x16xf32, #tpu.memory_space<vmem>>, vector<1x16xf32>,
    %swap3A_175 = vector.shape_cast %swap3A_174 : vector<1x16xf32> to vector<16xf32>
    %swap3A_176 = vector.shape_cast %broadcast_in_dim3A_170 : vector<16xf32> to vector<1x16xf32>
    tpu.vector_store %arg6[%swap3A_172, %swap3A_173], %swap3A_176 {strides = array<i32>} : memref<125x16xf32, #tpu.memory_space<vmem>>, vector<1x16xf32>,
    %broadcast_in_dim3A_177 = arith.constant 1.000000e+00 : f32
    %broadcast_in_dim3A_178 = vector.broadcast %broadcast_in_dim3A_177 : f32 to vector<16xf32>
    %swap3A_179 = arith.constant 22 : i32
    %swap3A_180 = arith.index_cast %swap3A_179 : i32 to index
    %swap3A_181 = arith.constant 0 : index
    %swap3A_182 = tpu.vector_load %arg6[%swap3A_180, %swap3A_181] {strides = array<i32>} : memref<125x16xf32, #tpu.memory_space<vmem>>, vector<1x16xf32>,
    %swap3A_183 = vector.shape_cast %swap3A_182 : vector<1x16xf32> to vector<16xf32>
    %swap3A_184 = vector.shape_cast %broadcast_in_dim3A_178 : vector<16xf32> to vector<1x16xf32>
    tpu.vector_store %arg6[%swap3A_180, %swap3A_181], %swap3A_184 {strides = array<i32>} : memref<125x16xf32, #tpu.memory_space<vmem>>, vector<1x16xf32>,
    %broadcast_in_dim3A_185 = arith.constant 1.000000e+00 : f32
    %broadcast_in_dim3A_186 = vector.broadcast %broadcast_in_dim3A_185 : f32 to vector<16xf32>
    %swap3A_187 = arith.constant 23 : i32
    %swap3A_188 = arith.index_cast %swap3A_187 : i32 to index
    %swap3A_189 = arith.constant 0 : index
    %swap3A_190 = tpu.vector_load %arg6[%swap3A_188, %swap3A_189] {strides = array<i32>} : memref<125x16xf32, #tpu.memory_space<vmem>>, vector<1x16xf32>,
    %swap3A_191 = vector.shape_cast %swap3A_190 : vector<1x16xf32> to vector<16xf32>
    %swap3A_192 = vector.shape_cast %broadcast_in_dim3A_186 : vector<16xf32> to vector<1x16xf32>
    tpu.vector_store %arg6[%swap3A_188, %swap3A_189], %swap3A_192 {strides = array<i32>} : memref<125x16xf32, #tpu.memory_space<vmem>>, vector<1x16xf32>,
    %broadcast_in_dim3A_193 = arith.constant 1.000000e+00 : f32
    %broadcast_in_dim3A_194 = vector.broadcast %broadcast_in_dim3A_193 : f32 to vector<16xf32>
    %swap3A_195 = arith.constant 24 : i32
    %swap3A_196 = arith.index_cast %swap3A_195 : i32 to index
    %swap3A_197 = arith.constant 0 : index
    %swap3A_198 = tpu.vector_load %arg6[%swap3A_196, %swap3A_197] {strides = array<i32>} : memref<125x16xf32, #tpu.memory_space<vmem>>, vector<1x16xf32>,
    %swap3A_199 = vector.shape_cast %swap3A_198 : vector<1x16xf32> to vector<16xf32>
    %swap3A_200 = vector.shape_cast %broadcast_in_dim3A_194 : vector<16xf32> to vector<1x16xf32>
    tpu.vector_store %arg6[%swap3A_196, %swap3A_197], %swap3A_200 {strides = array<i32>} : memref<125x16xf32, #tpu.memory_space<vmem>>, vector<1x16xf32>,
    %broadcast_in_dim3A_201 = arith.constant 1.000000e+00 : f32
    %broadcast_in_dim3A_202 = vector.broadcast %broadcast_in_dim3A_201 : f32 to vector<16xf32>
    %swap3A_203 = arith.constant 25 : i32
    %swap3A_204 = arith.index_cast %swap3A_203 : i32 to index
    %swap3A_205 = arith.constant 0 : index
    %swap3A_206 = tpu.vector_load %arg6[%swap3A_204, %swap3A_205] {strides = array<i32>} : memref<125x16xf32, #tpu.memory_space<vmem>>, vector<1x16xf32>,
    %swap3A_207 = vector.shape_cast %swap3A_206 : vector<1x16xf32> to vector<16xf32>
    %swap3A_208 = vector.shape_cast %broadcast_in_dim3A_202 : vector<16xf32> to vector<1x16xf32>
    tpu.vector_store %arg6[%swap3A_204, %swap3A_205], %swap3A_208 {strides = array<i32>} : memref<125x16xf32, #tpu.memory_space<vmem>>, vector<1x16xf32>,
    %broadcast_in_dim3A_209 = arith.constant 1.000000e+00 : f32
    %broadcast_in_dim3A_210 = vector.broadcast %broadcast_in_dim3A_209 : f32 to vector<16xf32>
    %swap3A_211 = arith.constant 26 : i32
    %swap3A_212 = arith.index_cast %swap3A_211 : i32 to index
    %swap3A_213 = arith.constant 0 : index
    %swap3A_214 = tpu.vector_load %arg6[%swap3A_212, %swap3A_213] {strides = array<i32>} : memref<125x16xf32, #tpu.memory_space<vmem>>, vector<1x16xf32>,
    %swap3A_215 = vector.shape_cast %swap3A_214 : vector<1x16xf32> to vector<16xf32>
    %swap3A_216 = vector.shape_cast %broadcast_in_dim3A_210 : vector<16xf32> to vector<1x16xf32>
    tpu.vector_store %arg6[%swap3A_212, %swap3A_213], %swap3A_216 {strides = array<i32>} : memref<125x16xf32, #tpu.memory_space<vmem>>, vector<1x16xf32>,
    %broadcast_in_dim3A_217 = arith.constant 1.000000e+00 : f32
    %broadcast_in_dim3A_218 = vector.broadcast %broadcast_in_dim3A_217 : f32 to vector<16xf32>
    %swap3A_219 = arith.constant 27 : i32
    %swap3A_220 = arith.index_cast %swap3A_219 : i32 to index
    %swap3A_221 = arith.constant 0 : index
    %swap3A_222 = tpu.vector_load %arg6[%swap3A_220, %swap3A_221] {strides = array<i32>} : memref<125x16xf32, #tpu.memory_space<vmem>>, vector<1x16xf32>,
    %swap3A_223 = vector.shape_cast %swap3A_222 : vector<1x16xf32> to vector<16xf32>
    %swap3A_224 = vector.shape_cast %broadcast_in_dim3A_218 : vector<16xf32> to vector<1x16xf32>
    tpu.vector_store %arg6[%swap3A_220, %swap3A_221], %swap3A_224 {strides = array<i32>} : memref<125x16xf32, #tpu.memory_space<vmem>>, vector<1x16xf32>,
    %broadcast_in_dim3A_225 = arith.constant 1.000000e+00 : f32
    %broadcast_in_dim3A_226 = vector.broadcast %broadcast_in_dim3A_225 : f32 to vector<16xf32>
    %swap3A_227 = arith.constant 28 : i32
    %swap3A_228 = arith.index_cast %swap3A_227 : i32 to index
    %swap3A_229 = arith.constant 0 : index
    %swap3A_230 = tpu.vector_load %arg6[%swap3A_228, %swap3A_229] {strides = array<i32>} : memref<125x16xf32, #tpu.memory_space<vmem>>, vector<1x16xf32>,
    %swap3A_231 = vector.shape_cast %swap3A_230 : vector<1x16xf32> to vector<16xf32>
    %swap3A_232 = vector.shape_cast %broadcast_in_dim3A_226 : vector<16xf32> to vector<1x16xf32>
    tpu.vector_store %arg6[%swap3A_228, %swap3A_229], %swap3A_232 {strides = array<i32>} : memref<125x16xf32, #tpu.memory_space<vmem>>, vector<1x16xf32>,
    %broadcast_in_dim3A_233 = arith.constant 1.000000e+00 : f32
    %broadcast_in_dim3A_234 = vector.broadcast %broadcast_in_dim3A_233 : f32 to vector<16xf32>
    %swap3A_235 = arith.constant 29 : i32
    %swap3A_236 = arith.index_cast %swap3A_235 : i32 to index
    %swap3A_237 = arith.constant 0 : index
    %swap3A_238 = tpu.vector_load %arg6[%swap3A_236, %swap3A_237] {strides = array<i32>} : memref<125x16xf32, #tpu.memory_space<vmem>>, vector<1x16xf32>,
    %swap3A_239 = vector.shape_cast %swap3A_238 : vector<1x16xf32> to vector<16xf32>
    %swap3A_240 = vector.shape_cast %broadcast_in_dim3A_234 : vector<16xf32> to vector<1x16xf32>
    tpu.vector_store %arg6[%swap3A_236, %swap3A_237], %swap3A_240 {strides = array<i32>} : memref<125x16xf32, #tpu.memory_space<vmem>>, vector<1x16xf32>,
    %broadcast_in_dim3A_241 = arith.constant 1.000000e+00 : f32
    %broadcast_in_dim3A_242 = vector.broadcast %broadcast_in_dim3A_241 : f32 to vector<16xf32>
    %swap3A_243 = arith.constant 30 : i32
    %swap3A_244 = arith.index_cast %swap3A_243 : i32 to index
    %swap3A_245 = arith.constant 0 : index
    %swap3A_246 = tpu.vector_load %arg6[%swap3A_244, %swap3A_245] {strides = array<i32>} : memref<125x16xf32, #tpu.memory_space<vmem>>, vector<1x16xf32>,
    %swap3A_247 = vector.shape_cast %swap3A_246 : vector<1x16xf32> to vector<16xf32>
    %swap3A_248 = vector.shape_cast %broadcast_in_dim3A_242 : vector<16xf32> to vector<1x16xf32>
    tpu.vector_store %arg6[%swap3A_244, %swap3A_245], %swap3A_248 {strides = array<i32>} : memref<125x16xf32, #tpu.memory_space<vmem>>, vector<1x16xf32>,
    %broadcast_in_dim3A_249 = arith.constant 1.000000e+00 : f32
    %broadcast_in_dim3A_250 = vector.broadcast %broadcast_in_dim3A_249 : f32 to vector<16xf32>
    %swap3A_251 = arith.constant 31 : i32
    %swap3A_252 = arith.index_cast %swap3A_251 : i32 to index
    %swap3A_253 = arith.constant 0 : index
    %swap3A_254 = tpu.vector_load %arg6[%swap3A_252, %swap3A_253] {strides = array<i32>} : memref<125x16xf32, #tpu.memory_space<vmem>>, vector<1x16xf32>,
    %swap3A_255 = vector.shape_cast %swap3A_254 : vector<1x16xf32> to vector<16xf32>
    %swap3A_256 = vector.shape_cast %broadcast_in_dim3A_250 : vector<16xf32> to vector<1x16xf32>
    tpu.vector_store %arg6[%swap3A_252, %swap3A_253], %swap3A_256 {strides = array<i32>} : memref<125x16xf32, #tpu.memory_space<vmem>>, vector<1x16xf32>,
    %broadcast_in_dim3A_257 = arith.constant 1.000000e+00 : f32
    %broadcast_in_dim3A_258 = vector.broadcast %broadcast_in_dim3A_257 : f32 to vector<16xf32>
    %swap3A_259 = arith.constant 32 : i32
    %swap3A_260 = arith.index_cast %swap3A_259 : i32 to index
    %swap3A_261 = arith.constant 0 : index
    %swap3A_262 = tpu.vector_load %arg6[%swap3A_260, %swap3A_261] {strides = array<i32>} : memref<125x16xf32, #tpu.memory_space<vmem>>, vector<1x16xf32>,
    %swap3A_263 = vector.shape_cast %swap3A_262 : vector<1x16xf32> to vector<16xf32>
    %swap3A_264 = vector.shape_cast %broadcast_in_dim3A_258 : vector<16xf32> to vector<1x16xf32>
    tpu.vector_store %arg6[%swap3A_260, %swap3A_261], %swap3A_264 {strides = array<i32>} : memref<125x16xf32, #tpu.memory_space<vmem>>, vector<1x16xf32>,
    %broadcast_in_dim3A_265 = arith.constant 1.000000e+00 : f32
    %broadcast_in_dim3A_266 = vector.broadcast %broadcast_in_dim3A_265 : f32 to vector<16xf32>
    %swap3A_267 = arith.constant 33 : i32
    %swap3A_268 = arith.index_cast %swap3A_267 : i32 to index
    %swap3A_269 = arith.constant 0 : index
    %swap3A_270 = tpu.vector_load %arg6[%swap3A_268, %swap3A_269] {strides = array<i32>} : memref<125x16xf32, #tpu.memory_space<vmem>>, vector<1x16xf32>,
    %swap3A_271 = vector.shape_cast %swap3A_270 : vector<1x16xf32> to vector<16xf32>
    %swap3A_272 = vector.shape_cast %broadcast_in_dim3A_266 : vector<16xf32> to vector<1x16xf32>
    tpu.vector_store %arg6[%swap3A_268, %swap3A_269], %swap3A_272 {strides = array<i32>} : memref<125x16xf32, #tpu.memory_space<vmem>>, vector<1x16xf32>,
    %broadcast_in_dim3A_273 = arith.constant 1.000000e+00 : f32
    %broadcast_in_dim3A_274 = vector.broadcast %broadcast_in_dim3A_273 : f32 to vector<16xf32>
    %swap3A_275 = arith.constant 34 : i32
    %swap3A_276 = arith.index_cast %swap3A_275 : i32 to index
    %swap3A_277 = arith.constant 0 : index
    %swap3A_278 = tpu.vector_load %arg6[%swap3A_276, %swap3A_277] {strides = array<i32>} : memref<125x16xf32, #tpu.memory_space<vmem>>, vector<1x16xf32>,
    %swap3A_279 = vector.shape_cast %swap3A_278 : vector<1x16xf32> to vector<16xf32>
    %swap3A_280 = vector.shape_cast %broadcast_in_dim3A_274 : vector<16xf32> to vector<1x16xf32>
    tpu.vector_store %arg6[%swap3A_276, %swap3A_277], %swap3A_280 {strides = array<i32>} : memref<125x16xf32, #tpu.memory_space<vmem>>, vector<1x16xf32>,
    %broadcast_in_dim3A_281 = arith.constant 1.000000e+00 : f32
    %broadcast_in_dim3A_282 = vector.broadcast %broadcast_in_dim3A_281 : f32 to vector<16xf32>
    %swap3A_283 = arith.constant 35 : i32
    %swap3A_284 = arith.index_cast %swap3A_283 : i32 to index
    %swap3A_285 = arith.constant 0 : index
    %swap3A_286 = tpu.vector_load %arg6[%swap3A_284, %swap3A_285] {strides = array<i32>} : memref<125x16xf32, #tpu.memory_space<vmem>>, vector<1x16xf32>,
    %swap3A_287 = vector.shape_cast %swap3A_286 : vector<1x16xf32> to vector<16xf32>
    %swap3A_288 = vector.shape_cast %broadcast_in_dim3A_282 : vector<16xf32> to vector<1x16xf32>
    tpu.vector_store %arg6[%swap3A_284, %swap3A_285], %swap3A_288 {strides = array<i32>} : memref<125x16xf32, #tpu.memory_space<vmem>>, vector<1x16xf32>,
    %broadcast_in_dim3A_289 = arith.constant 1.000000e+00 : f32
    %broadcast_in_dim3A_290 = vector.broadcast %broadcast_in_dim3A_289 : f32 to vector<16xf32>
    %swap3A_291 = arith.constant 36 : i32
    %swap3A_292 = arith.index_cast %swap3A_291 : i32 to index
    %swap3A_293 = arith.constant 0 : index
    %swap3A_294 = tpu.vector_load %arg6[%swap3A_292, %swap3A_293] {strides = array<i32>} : memref<125x16xf32, #tpu.memory_space<vmem>>, vector<1x16xf32>,
    %swap3A_295 = vector.shape_cast %swap3A_294 : vector<1x16xf32> to vector<16xf32>
    %swap3A_296 = vector.shape_cast %broadcast_in_dim3A_290 : vector<16xf32> to vector<1x16xf32>
    tpu.vector_store %arg6[%swap3A_292, %swap3A_293], %swap3A_296 {strides = array<i32>} : memref<125x16xf32, #tpu.memory_space<vmem>>, vector<1x16xf32>,
    %broadcast_in_dim3A_297 = arith.constant 1.000000e+00 : f32
    %broadcast_in_dim3A_298 = vector.broadcast %broadcast_in_dim3A_297 : f32 to vector<16xf32>
    %swap3A_299 = arith.constant 37 : i32
    %swap3A_300 = arith.index_cast %swap3A_299 : i32 to index
    %swap3A_301 = arith.constant 0 : index
    %swap3A_302 = tpu.vector_load %arg6[%swap3A_300, %swap3A_301] {strides = array<i32>} : memref<125x16xf32, #tpu.memory_space<vmem>>, vector<1x16xf32>,
    %swap3A_303 = vector.shape_cast %swap3A_302 : vector<1x16xf32> to vector<16xf32>
    %swap3A_304 = vector.shape_cast %broadcast_in_dim3A_298 : vector<16xf32> to vector<1x16xf32>
    tpu.vector_store %arg6[%swap3A_300, %swap3A_301], %swap3A_304 {strides = array<i32>} : memref<125x16xf32, #tpu.memory_space<vmem>>, vector<1x16xf32>,
    %broadcast_in_dim3A_305 = arith.constant 1.000000e+00 : f32
    %broadcast_in_dim3A_306 = vector.broadcast %broadcast_in_dim3A_305 : f32 to vector<16xf32>
    %swap3A_307 = arith.constant 38 : i32
    %swap3A_308 = arith.index_cast %swap3A_307 : i32 to index
    %swap3A_309 = arith.constant 0 : index
    %swap3A_310 = tpu.vector_load %arg6[%swap3A_308, %swap3A_309] {strides = array<i32>} : memref<125x16xf32, #tpu.memory_space<vmem>>, vector<1x16xf32>,
    %swap3A_311 = vector.shape_cast %swap3A_310 : vector<1x16xf32> to vector<16xf32>
    %swap3A_312 = vector.shape_cast %broadcast_in_dim3A_306 : vector<16xf32> to vector<1x16xf32>
    tpu.vector_store %arg6[%swap3A_308, %swap3A_309], %swap3A_312 {strides = array<i32>} : memref<125x16xf32, #tpu.memory_space<vmem>>, vector<1x16xf32>,
    %broadcast_in_dim3A_313 = arith.constant 1.000000e+00 : f32
    %broadcast_in_dim3A_314 = vector.broadcast %broadcast_in_dim3A_313 : f32 to vector<16xf32>
    %swap3A_315 = arith.constant 39 : i32
    %swap3A_316 = arith.index_cast %swap3A_315 : i32 to index
    %swap3A_317 = arith.constant 0 : index
    %swap3A_318 = tpu.vector_load %arg6[%swap3A_316, %swap3A_317] {strides = array<i32>} : memref<125x16xf32, #tpu.memory_space<vmem>>, vector<1x16xf32>,
    %swap3A_319 = vector.shape_cast %swap3A_318 : vector<1x16xf32> to vector<16xf32>
    %swap3A_320 = vector.shape_cast %broadcast_in_dim3A_314 : vector<16xf32> to vector<1x16xf32>
    tpu.vector_store %arg6[%swap3A_316, %swap3A_317], %swap3A_320 {strides = array<i32>} : memref<125x16xf32, #tpu.memory_space<vmem>>, vector<1x16xf32>,
    %broadcast_in_dim3A_321 = arith.constant 1.000000e+00 : f32
    %broadcast_in_dim3A_322 = vector.broadcast %broadcast_in_dim3A_321 : f32 to vector<16xf32>
    %swap3A_323 = arith.constant 40 : i32
    %swap3A_324 = arith.index_cast %swap3A_323 : i32 to index
    %swap3A_325 = arith.constant 0 : index
    %swap3A_326 = tpu.vector_load %arg6[%swap3A_324, %swap3A_325] {strides = array<i32>} : memref<125x16xf32, #tpu.memory_space<vmem>>, vector<1x16xf32>,
    %swap3A_327 = vector.shape_cast %swap3A_326 : vector<1x16xf32> to vector<16xf32>
    %swap3A_328 = vector.shape_cast %broadcast_in_dim3A_322 : vector<16xf32> to vector<1x16xf32>
    tpu.vector_store %arg6[%swap3A_324, %swap3A_325], %swap3A_328 {strides = array<i32>} : memref<125x16xf32, #tpu.memory_space<vmem>>, vector<1x16xf32>,
    %broadcast_in_dim3A_329 = arith.constant 1.000000e+00 : f32
    %broadcast_in_dim3A_330 = vector.broadcast %broadcast_in_dim3A_329 : f32 to vector<16xf32>
    %swap3A_331 = arith.constant 41 : i32
    %swap3A_332 = arith.index_cast %swap3A_331 : i32 to index
    %swap3A_333 = arith.constant 0 : index
    %swap3A_334 = tpu.vector_load %arg6[%swap3A_332, %swap3A_333] {strides = array<i32>} : memref<125x16xf32, #tpu.memory_space<vmem>>, vector<1x16xf32>,
    %swap3A_335 = vector.shape_cast %swap3A_334 : vector<1x16xf32> to vector<16xf32>
    %swap3A_336 = vector.shape_cast %broadcast_in_dim3A_330 : vector<16xf32> to vector<1x16xf32>
    tpu.vector_store %arg6[%swap3A_332, %swap3A_333], %swap3A_336 {strides = array<i32>} : memref<125x16xf32, #tpu.memory_space<vmem>>, vector<1x16xf32>,
    %broadcast_in_dim3A_337 = arith.constant 1.000000e+00 : f32
    %broadcast_in_dim3A_338 = vector.broadcast %broadcast_in_dim3A_337 : f32 to vector<16xf32>
    %swap3A_339 = arith.constant 42 : i32
    %swap3A_340 = arith.index_cast %swap3A_339 : i32 to index
    %swap3A_341 = arith.constant 0 : index
    %swap3A_342 = tpu.vector_load %arg6[%swap3A_340, %swap3A_341] {strides = array<i32>} : memref<125x16xf32, #tpu.memory_space<vmem>>, vector<1x16xf32>,
    %swap3A_343 = vector.shape_cast %swap3A_342 : vector<1x16xf32> to vector<16xf32>
    %swap3A_344 = vector.shape_cast %broadcast_in_dim3A_338 : vector<16xf32> to vector<1x16xf32>
    tpu.vector_store %arg6[%swap3A_340, %swap3A_341], %swap3A_344 {strides = array<i32>} : memref<125x16xf32, #tpu.memory_space<vmem>>, vector<1x16xf32>,
    %broadcast_in_dim3A_345 = arith.constant 1.000000e+00 : f32
    %broadcast_in_dim3A_346 = vector.broadcast %broadcast_in_dim3A_345 : f32 to vector<16xf32>
    %swap3A_347 = arith.constant 43 : i32
    %swap3A_348 = arith.index_cast %swap3A_347 : i32 to index
    %swap3A_349 = arith.constant 0 : index
    %swap3A_350 = tpu.vector_load %arg6[%swap3A_348, %swap3A_349] {strides = array<i32>} : memref<125x16xf32, #tpu.memory_space<vmem>>, vector<1x16xf32>,
    %swap3A_351 = vector.shape_cast %swap3A_350 : vector<1x16xf32> to vector<16xf32>
    %swap3A_352 = vector.shape_cast %broadcast_in_dim3A_346 : vector<16xf32> to vector<1x16xf32>
    tpu.vector_store %arg6[%swap3A_348, %swap3A_349], %swap3A_352 {strides = array<i32>} : memref<125x16xf32, #tpu.memory_space<vmem>>, vector<1x16xf32>,
    %broadcast_in_dim3A_353 = arith.constant 1.000000e+00 : f32
    %broadcast_in_dim3A_354 = vector.broadcast %broadcast_in_dim3A_353 : f32 to vector<16xf32>
    %swap3A_355 = arith.constant 44 : i32
    %swap3A_356 = arith.index_cast %swap3A_355 : i32 to index
    %swap3A_357 = arith.constant 0 : index
    %swap3A_358 = tpu.vector_load %arg6[%swap3A_356, %swap3A_357] {strides = array<i32>} : memref<125x16xf32, #tpu.memory_space<vmem>>, vector<1x16xf32>,
    %swap3A_359 = vector.shape_cast %swap3A_358 : vector<1x16xf32> to vector<16xf32>
    %swap3A_360 = vector.shape_cast %broadcast_in_dim3A_354 : vector<16xf32> to vector<1x16xf32>
    tpu.vector_store %arg6[%swap3A_356, %swap3A_357], %swap3A_360 {strides = array<i32>} : memref<125x16xf32, #tpu.memory_space<vmem>>, vector<1x16xf32>,
    %broadcast_in_dim3A_361 = arith.constant 1.000000e+00 : f32
    %broadcast_in_dim3A_362 = vector.broadcast %broadcast_in_dim3A_361 : f32 to vector<16xf32>
    %swap3A_363 = arith.constant 45 : i32
    %swap3A_364 = arith.index_cast %swap3A_363 : i32 to index
    %swap3A_365 = arith.constant 0 : index
    %swap3A_366 = tpu.vector_load %arg6[%swap3A_364, %swap3A_365] {strides = array<i32>} : memref<125x16xf32, #tpu.memory_space<vmem>>, vector<1x16xf32>,
    %swap3A_367 = vector.shape_cast %swap3A_366 : vector<1x16xf32> to vector<16xf32>
    %swap3A_368 = vector.shape_cast %broadcast_in_dim3A_362 : vector<16xf32> to vector<1x16xf32>
    tpu.vector_store %arg6[%swap3A_364, %swap3A_365], %swap3A_368 {strides = array<i32>} : memref<125x16xf32, #tpu.memory_space<vmem>>, vector<1x16xf32>,
    %broadcast_in_dim3A_369 = arith.constant 1.000000e+00 : f32
    %broadcast_in_dim3A_370 = vector.broadcast %broadcast_in_dim3A_369 : f32 to vector<16xf32>
    %swap3A_371 = arith.constant 46 : i32
    %swap3A_372 = arith.index_cast %swap3A_371 : i32 to index
    %swap3A_373 = arith.constant 0 : index
    %swap3A_374 = tpu.vector_load %arg6[%swap3A_372, %swap3A_373] {strides = array<i32>} : memref<125x16xf32, #tpu.memory_space<vmem>>, vector<1x16xf32>,
    %swap3A_375 = vector.shape_cast %swap3A_374 : vector<1x16xf32> to vector<16xf32>
    %swap3A_376 = vector.shape_cast %broadcast_in_dim3A_370 : vector<16xf32> to vector<1x16xf32>
    tpu.vector_store %arg6[%swap3A_372, %swap3A_373], %swap3A_376 {strides = array<i32>} : memref<125x16xf32, #tpu.memory_space<vmem>>, vector<1x16xf32>,
    %broadcast_in_dim3A_377 = arith.constant 1.000000e+00 : f32
    %broadcast_in_dim3A_378 = vector.broadcast %broadcast_in_dim3A_377 : f32 to vector<16xf32>
    %swap3A_379 = arith.constant 47 : i32
    %swap3A_380 = arith.index_cast %swap3A_379 : i32 to index
    %swap3A_381 = arith.constant 0 : index
    %swap3A_382 = tpu.vector_load %arg6[%swap3A_380, %swap3A_381] {strides = array<i32>} : memref<125x16xf32, #tpu.memory_space<vmem>>, vector<1x16xf32>,
    %swap3A_383 = vector.shape_cast %swap3A_382 : vector<1x16xf32> to vector<16xf32>
    %swap3A_384 = vector.shape_cast %broadcast_in_dim3A_378 : vector<16xf32> to vector<1x16xf32>
    tpu.vector_store %arg6[%swap3A_380, %swap3A_381], %swap3A_384 {strides = array<i32>} : memref<125x16xf32, #tpu.memory_space<vmem>>, vector<1x16xf32>,
    %broadcast_in_dim3A_385 = arith.constant 1.000000e+00 : f32
    %broadcast_in_dim3A_386 = vector.broadcast %broadcast_in_dim3A_385 : f32 to vector<16xf32>
    %swap3A_387 = arith.constant 48 : i32
    %swap3A_388 = arith.index_cast %swap3A_387 : i32 to index
    %swap3A_389 = arith.constant 0 : index
    %swap3A_390 = tpu.vector_load %arg6[%swap3A_388, %swap3A_389] {strides = array<i32>} : memref<125x16xf32, #tpu.memory_space<vmem>>, vector<1x16xf32>,
    %swap3A_391 = vector.shape_cast %swap3A_390 : vector<1x16xf32> to vector<16xf32>
    %swap3A_392 = vector.shape_cast %broadcast_in_dim3A_386 : vector<16xf32> to vector<1x16xf32>
    tpu.vector_store %arg6[%swap3A_388, %swap3A_389], %swap3A_392 {strides = array<i32>} : memref<125x16xf32, #tpu.memory_space<vmem>>, vector<1x16xf32>,
    %broadcast_in_dim3A_393 = arith.constant 1.000000e+00 : f32
    %broadcast_in_dim3A_394 = vector.broadcast %broadcast_in_dim3A_393 : f32 to vector<16xf32>
    %swap3A_395 = arith.constant 49 : i32
    %swap3A_396 = arith.index_cast %swap3A_395 : i32 to index
    %swap3A_397 = arith.constant 0 : index
    %swap3A_398 = tpu.vector_load %arg6[%swap3A_396, %swap3A_397] {strides = array<i32>} : memref<125x16xf32, #tpu.memory_space<vmem>>, vector<1x16xf32>,
    %swap3A_399 = vector.shape_cast %swap3A_398 : vector<1x16xf32> to vector<16xf32>
    %swap3A_400 = vector.shape_cast %broadcast_in_dim3A_394 : vector<16xf32> to vector<1x16xf32>
    tpu.vector_store %arg6[%swap3A_396, %swap3A_397], %swap3A_400 {strides = array<i32>} : memref<125x16xf32, #tpu.memory_space<vmem>>, vector<1x16xf32>,
    %broadcast_in_dim3A_401 = arith.constant 1.000000e+00 : f32
    %broadcast_in_dim3A_402 = vector.broadcast %broadcast_in_dim3A_401 : f32 to vector<16xf32>
    %swap3A_403 = arith.constant 50 : i32
    %swap3A_404 = arith.index_cast %swap3A_403 : i32 to index
    %swap3A_405 = arith.constant 0 : index
    %swap3A_406 = tpu.vector_load %arg6[%swap3A_404, %swap3A_405] {strides = array<i32>} : memref<125x16xf32, #tpu.memory_space<vmem>>, vector<1x16xf32>,
    %swap3A_407 = vector.shape_cast %swap3A_406 : vector<1x16xf32> to vector<16xf32>
    %swap3A_408 = vector.shape_cast %broadcast_in_dim3A_402 : vector<16xf32> to vector<1x16xf32>
    tpu.vector_store %arg6[%swap3A_404, %swap3A_405], %swap3A_408 {strides = array<i32>} : memref<125x16xf32, #tpu.memory_space<vmem>>, vector<1x16xf32>,
    %broadcast_in_dim3A_409 = arith.constant 1.000000e+00 : f32
    %broadcast_in_dim3A_410 = vector.broadcast %broadcast_in_dim3A_409 : f32 to vector<16xf32>
    %swap3A_411 = arith.constant 51 : i32
    %swap3A_412 = arith.index_cast %swap3A_411 : i32 to index
    %swap3A_413 = arith.constant 0 : index
    %swap3A_414 = tpu.vector_load %arg6[%swap3A_412, %swap3A_413] {strides = array<i32>} : memref<125x16xf32, #tpu.memory_space<vmem>>, vector<1x16xf32>,
    %swap3A_415 = vector.shape_cast %swap3A_414 : vector<1x16xf32> to vector<16xf32>
    %swap3A_416 = vector.shape_cast %broadcast_in_dim3A_410 : vector<16xf32> to vector<1x16xf32>
    tpu.vector_store %arg6[%swap3A_412, %swap3A_413], %swap3A_416 {strides = array<i32>} : memref<125x16xf32, #tpu.memory_space<vmem>>, vector<1x16xf32>,
    %broadcast_in_dim3A_417 = arith.constant 1.000000e+00 : f32
    %broadcast_in_dim3A_418 = vector.broadcast %broadcast_in_dim3A_417 : f32 to vector<16xf32>
    %swap3A_419 = arith.constant 52 : i32
    %swap3A_420 = arith.index_cast %swap3A_419 : i32 to index
    %swap3A_421 = arith.constant 0 : index
    %swap3A_422 = tpu.vector_load %arg6[%swap3A_420, %swap3A_421] {strides = array<i32>} : memref<125x16xf32, #tpu.memory_space<vmem>>, vector<1x16xf32>,
    %swap3A_423 = vector.shape_cast %swap3A_422 : vector<1x16xf32> to vector<16xf32>
    %swap3A_424 = vector.shape_cast %broadcast_in_dim3A_418 : vector<16xf32> to vector<1x16xf32>
    tpu.vector_store %arg6[%swap3A_420, %swap3A_421], %swap3A_424 {strides = array<i32>} : memref<125x16xf32, #tpu.memory_space<vmem>>, vector<1x16xf32>,
    %broadcast_in_dim3A_425 = arith.constant 1.000000e+00 : f32
    %broadcast_in_dim3A_426 = vector.broadcast %broadcast_in_dim3A_425 : f32 to vector<16xf32>
    %swap3A_427 = arith.constant 53 : i32
    %swap3A_428 = arith.index_cast %swap3A_427 : i32 to index
    %swap3A_429 = arith.constant 0 : index
    %swap3A_430 = tpu.vector_load %arg6[%swap3A_428, %swap3A_429] {strides = array<i32>} : memref<125x16xf32, #tpu.memory_space<vmem>>, vector<1x16xf32>,
    %swap3A_431 = vector.shape_cast %swap3A_430 : vector<1x16xf32> to vector<16xf32>
    %swap3A_432 = vector.shape_cast %broadcast_in_dim3A_426 : vector<16xf32> to vector<1x16xf32>
    tpu.vector_store %arg6[%swap3A_428, %swap3A_429], %swap3A_432 {strides = array<i32>} : memref<125x16xf32, #tpu.memory_space<vmem>>, vector<1x16xf32>,
    %broadcast_in_dim3A_433 = arith.constant 1.000000e+00 : f32
    %broadcast_in_dim3A_434 = vector.broadcast %broadcast_in_dim3A_433 : f32 to vector<16xf32>
    %swap3A_435 = arith.constant 54 : i32
    %swap3A_436 = arith.index_cast %swap3A_435 : i32 to index
    %swap3A_437 = arith.constant 0 : index
    %swap3A_438 = tpu.vector_load %arg6[%swap3A_436, %swap3A_437] {strides = array<i32>} : memref<125x16xf32, #tpu.memory_space<vmem>>, vector<1x16xf32>,
    %swap3A_439 = vector.shape_cast %swap3A_438 : vector<1x16xf32> to vector<16xf32>
    %swap3A_440 = vector.shape_cast %broadcast_in_dim3A_434 : vector<16xf32> to vector<1x16xf32>
    tpu.vector_store %arg6[%swap3A_436, %swap3A_437], %swap3A_440 {strides = array<i32>} : memref<125x16xf32, #tpu.memory_space<vmem>>, vector<1x16xf32>,
    %broadcast_in_dim3A_441 = arith.constant 1.000000e+00 : f32
    %broadcast_in_dim3A_442 = vector.broadcast %broadcast_in_dim3A_441 : f32 to vector<16xf32>
    %swap3A_443 = arith.constant 55 : i32
    %swap3A_444 = arith.index_cast %swap3A_443 : i32 to index
    %swap3A_445 = arith.constant 0 : index
    %swap3A_446 = tpu.vector_load %arg6[%swap3A_444, %swap3A_445] {strides = array<i32>} : memref<125x16xf32, #tpu.memory_space<vmem>>, vector<1x16xf32>,
    %swap3A_447 = vector.shape_cast %swap3A_446 : vector<1x16xf32> to vector<16xf32>
    %swap3A_448 = vector.shape_cast %broadcast_in_dim3A_442 : vector<16xf32> to vector<1x16xf32>
    tpu.vector_store %arg6[%swap3A_444, %swap3A_445], %swap3A_448 {strides = array<i32>} : memref<125x16xf32, #tpu.memory_space<vmem>>, vector<1x16xf32>,
    %broadcast_in_dim3A_449 = arith.constant 1.000000e+00 : f32
    %broadcast_in_dim3A_450 = vector.broadcast %broadcast_in_dim3A_449 : f32 to vector<16xf32>
    %swap3A_451 = arith.constant 56 : i32
    %swap3A_452 = arith.index_cast %swap3A_451 : i32 to index
    %swap3A_453 = arith.constant 0 : index
    %swap3A_454 = tpu.vector_load %arg6[%swap3A_452, %swap3A_453] {strides = array<i32>} : memref<125x16xf32, #tpu.memory_space<vmem>>, vector<1x16xf32>,
    %swap3A_455 = vector.shape_cast %swap3A_454 : vector<1x16xf32> to vector<16xf32>
    %swap3A_456 = vector.shape_cast %broadcast_in_dim3A_450 : vector<16xf32> to vector<1x16xf32>
    tpu.vector_store %arg6[%swap3A_452, %swap3A_453], %swap3A_456 {strides = array<i32>} : memref<125x16xf32, #tpu.memory_space<vmem>>, vector<1x16xf32>,
    %broadcast_in_dim3A_457 = arith.constant 1.000000e+00 : f32
    %broadcast_in_dim3A_458 = vector.broadcast %broadcast_in_dim3A_457 : f32 to vector<16xf32>
    %swap3A_459 = arith.constant 57 : i32
    %swap3A_460 = arith.index_cast %swap3A_459 : i32 to index
    %swap3A_461 = arith.constant 0 : index
    %swap3A_462 = tpu.vector_load %arg6[%swap3A_460, %swap3A_461] {strides = array<i32>} : memref<125x16xf32, #tpu.memory_space<vmem>>, vector<1x16xf32>,
    %swap3A_463 = vector.shape_cast %swap3A_462 : vector<1x16xf32> to vector<16xf32>
    %swap3A_464 = vector.shape_cast %broadcast_in_dim3A_458 : vector<16xf32> to vector<1x16xf32>
    tpu.vector_store %arg6[%swap3A_460, %swap3A_461], %swap3A_464 {strides = array<i32>} : memref<125x16xf32, #tpu.memory_space<vmem>>, vector<1x16xf32>,
    %broadcast_in_dim3A_465 = arith.constant 1.000000e+00 : f32
    %broadcast_in_dim3A_466 = vector.broadcast %broadcast_in_dim3A_465 : f32 to vector<16xf32>
    %swap3A_467 = arith.constant 58 : i32
    %swap3A_468 = arith.index_cast %swap3A_467 : i32 to index
    %swap3A_469 = arith.constant 0 : index
    %swap3A_470 = tpu.vector_load %arg6[%swap3A_468, %swap3A_469] {strides = array<i32>} : memref<125x16xf32, #tpu.memory_space<vmem>>, vector<1x16xf32>,
    %swap3A_471 = vector.shape_cast %swap3A_470 : vector<1x16xf32> to vector<16xf32>
    %swap3A_472 = vector.shape_cast %broadcast_in_dim3A_466 : vector<16xf32> to vector<1x16xf32>
    tpu.vector_store %arg6[%swap3A_468, %swap3A_469], %swap3A_472 {strides = array<i32>} : memref<125x16xf32, #tpu.memory_space<vmem>>, vector<1x16xf32>,
    %broadcast_in_dim3A_473 = arith.constant 1.000000e+00 : f32
    %broadcast_in_dim3A_474 = vector.broadcast %broadcast_in_dim3A_473 : f32 to vector<16xf32>
    %swap3A_475 = arith.constant 59 : i32
    %swap3A_476 = arith.index_cast %swap3A_475 : i32 to index
    %swap3A_477 = arith.constant 0 : index
    %swap3A_478 = tpu.vector_load %arg6[%swap3A_476, %swap3A_477] {strides = array<i32>} : memref<125x16xf32, #tpu.memory_space<vmem>>, vector<1x16xf32>,
    %swap3A_479 = vector.shape_cast %swap3A_478 : vector<1x16xf32> to vector<16xf32>
    %swap3A_480 = vector.shape_cast %broadcast_in_dim3A_474 : vector<16xf32> to vector<1x16xf32>
    tpu.vector_store %arg6[%swap3A_476, %swap3A_477], %swap3A_480 {strides = array<i32>} : memref<125x16xf32, #tpu.memory_space<vmem>>, vector<1x16xf32>,
    %broadcast_in_dim3A_481 = arith.constant 1.000000e+00 : f32
    %broadcast_in_dim3A_482 = vector.broadcast %broadcast_in_dim3A_481 : f32 to vector<16xf32>
    %swap3A_483 = arith.constant 60 : i32
    %swap3A_484 = arith.index_cast %swap3A_483 : i32 to index
    %swap3A_485 = arith.constant 0 : index
    %swap3A_486 = tpu.vector_load %arg6[%swap3A_484, %swap3A_485] {strides = array<i32>} : memref<125x16xf32, #tpu.memory_space<vmem>>, vector<1x16xf32>,
    %swap3A_487 = vector.shape_cast %swap3A_486 : vector<1x16xf32> to vector<16xf32>
    %swap3A_488 = vector.shape_cast %broadcast_in_dim3A_482 : vector<16xf32> to vector<1x16xf32>
    tpu.vector_store %arg6[%swap3A_484, %swap3A_485], %swap3A_488 {strides = array<i32>} : memref<125x16xf32, #tpu.memory_space<vmem>>, vector<1x16xf32>,
    %broadcast_in_dim3A_489 = arith.constant 1.000000e+00 : f32
    %broadcast_in_dim3A_490 = vector.broadcast %broadcast_in_dim3A_489 : f32 to vector<16xf32>
    %swap3A_491 = arith.constant 61 : i32
    %swap3A_492 = arith.index_cast %swap3A_491 : i32 to index
    %swap3A_493 = arith.constant 0 : index
    %swap3A_494 = tpu.vector_load %arg6[%swap3A_492, %swap3A_493] {strides = array<i32>} : memref<125x16xf32, #tpu.memory_space<vmem>>, vector<1x16xf32>,
    %swap3A_495 = vector.shape_cast %swap3A_494 : vector<1x16xf32> to vector<16xf32>
    %swap3A_496 = vector.shape_cast %broadcast_in_dim3A_490 : vector<16xf32> to vector<1x16xf32>
    tpu.vector_store %arg6[%swap3A_492, %swap3A_493], %swap3A_496 {strides = array<i32>} : memref<125x16xf32, #tpu.memory_space<vmem>>, vector<1x16xf32>,
    %broadcast_in_dim3A_497 = arith.constant 1.000000e+00 : f32
    %broadcast_in_dim3A_498 = vector.broadcast %broadcast_in_dim3A_497 : f32 to vector<16xf32>
    %swap3A_499 = arith.constant 62 : i32
    %swap3A_500 = arith.index_cast %swap3A_499 : i32 to index
    %swap3A_501 = arith.constant 0 : index
    %swap3A_502 = tpu.vector_load %arg6[%swap3A_500, %swap3A_501] {strides = array<i32>} : memref<125x16xf32, #tpu.memory_space<vmem>>, vector<1x16xf32>,
    %swap3A_503 = vector.shape_cast %swap3A_502 : vector<1x16xf32> to vector<16xf32>
    %swap3A_504 = vector.shape_cast %broadcast_in_dim3A_498 : vector<16xf32> to vector<1x16xf32>
    tpu.vector_store %arg6[%swap3A_500, %swap3A_501], %swap3A_504 {strides = array<i32>} : memref<125x16xf32, #tpu.memory_space<vmem>>, vector<1x16xf32>,
    %broadcast_in_dim3A_505 = arith.constant 1.000000e+00 : f32
    %broadcast_in_dim3A_506 = vector.broadcast %broadcast_in_dim3A_505 : f32 to vector<16xf32>
    %swap3A_507 = arith.constant 63 : i32
    %swap3A_508 = arith.index_cast %swap3A_507 : i32 to index
    %swap3A_509 = arith.constant 0 : index
    %swap3A_510 = tpu.vector_load %arg6[%swap3A_508, %swap3A_509] {strides = array<i32>} : memref<125x16xf32, #tpu.memory_space<vmem>>, vector<1x16xf32>,
    %swap3A_511 = vector.shape_cast %swap3A_510 : vector<1x16xf32> to vector<16xf32>
    %swap3A_512 = vector.shape_cast %broadcast_in_dim3A_506 : vector<16xf32> to vector<1x16xf32>
    tpu.vector_store %arg6[%swap3A_508, %swap3A_509], %swap3A_512 {strides = array<i32>} : memref<125x16xf32, #tpu.memory_space<vmem>>, vector<1x16xf32>,
    %broadcast_in_dim3A_513 = arith.constant 1.000000e+00 : f32
    %broadcast_in_dim3A_514 = vector.broadcast %broadcast_in_dim3A_513 : f32 to vector<16xf32>
    %swap3A_515 = arith.constant 64 : i32
    %swap3A_516 = arith.index_cast %swap3A_515 : i32 to index
    %swap3A_517 = arith.constant 0 : index
    %swap3A_518 = tpu.vector_load %arg6[%swap3A_516, %swap3A_517] {strides = array<i32>} : memref<125x16xf32, #tpu.memory_space<vmem>>, vector<1x16xf32>,
    %swap3A_519 = vector.shape_cast %swap3A_518 : vector<1x16xf32> to vector<16xf32>
    %swap3A_520 = vector.shape_cast %broadcast_in_dim3A_514 : vector<16xf32> to vector<1x16xf32>
    tpu.vector_store %arg6[%swap3A_516, %swap3A_517], %swap3A_520 {strides = array<i32>} : memref<125x16xf32, #tpu.memory_space<vmem>>, vector<1x16xf32>,
    %broadcast_in_dim3A_521 = arith.constant 1.000000e+00 : f32
    %broadcast_in_dim3A_522 = vector.broadcast %broadcast_in_dim3A_521 : f32 to vector<16xf32>
    %swap3A_523 = arith.constant 65 : i32
    %swap3A_524 = arith.index_cast %swap3A_523 : i32 to index
    %swap3A_525 = arith.constant 0 : index
    %swap3A_526 = tpu.vector_load %arg6[%swap3A_524, %swap3A_525] {strides = array<i32>} : memref<125x16xf32, #tpu.memory_space<vmem>>, vector<1x16xf32>,
    %swap3A_527 = vector.shape_cast %swap3A_526 : vector<1x16xf32> to vector<16xf32>
    %swap3A_528 = vector.shape_cast %broadcast_in_dim3A_522 : vector<16xf32> to vector<1x16xf32>
    tpu.vector_store %arg6[%swap3A_524, %swap3A_525], %swap3A_528 {strides = array<i32>} : memref<125x16xf32, #tpu.memory_space<vmem>>, vector<1x16xf32>,
    %broadcast_in_dim3A_529 = arith.constant 1.000000e+00 : f32
    %broadcast_in_dim3A_530 = vector.broadcast %broadcast_in_dim3A_529 : f32 to vector<16xf32>
    %swap3A_531 = arith.constant 66 : i32
    %swap3A_532 = arith.index_cast %swap3A_531 : i32 to index
    %swap3A_533 = arith.constant 0 : index
    %swap3A_534 = tpu.vector_load %arg6[%swap3A_532, %swap3A_533] {strides = array<i32>} : memref<125x16xf32, #tpu.memory_space<vmem>>, vector<1x16xf32>,
    %swap3A_535 = vector.shape_cast %swap3A_534 : vector<1x16xf32> to vector<16xf32>
    %swap3A_536 = vector.shape_cast %broadcast_in_dim3A_530 : vector<16xf32> to vector<1x16xf32>
    tpu.vector_store %arg6[%swap3A_532, %swap3A_533], %swap3A_536 {strides = array<i32>} : memref<125x16xf32, #tpu.memory_space<vmem>>, vector<1x16xf32>,
    %broadcast_in_dim3A_537 = arith.constant 1.000000e+00 : f32
    %broadcast_in_dim3A_538 = vector.broadcast %broadcast_in_dim3A_537 : f32 to vector<16xf32>
    %swap3A_539 = arith.constant 67 : i32
    %swap3A_540 = arith.index_cast %swap3A_539 : i32 to index
    %swap3A_541 = arith.constant 0 : index
    %swap3A_542 = tpu.vector_load %arg6[%swap3A_540, %swap3A_541] {strides = array<i32>} : memref<125x16xf32, #tpu.memory_space<vmem>>, vector<1x16xf32>,
    %swap3A_543 = vector.shape_cast %swap3A_542 : vector<1x16xf32> to vector<16xf32>
    %swap3A_544 = vector.shape_cast %broadcast_in_dim3A_538 : vector<16xf32> to vector<1x16xf32>
    tpu.vector_store %arg6[%swap3A_540, %swap3A_541], %swap3A_544 {strides = array<i32>} : memref<125x16xf32, #tpu.memory_space<vmem>>, vector<1x16xf32>,
    %broadcast_in_dim3A_545 = arith.constant 1.000000e+00 : f32
    %broadcast_in_dim3A_546 = vector.broadcast %broadcast_in_dim3A_545 : f32 to vector<16xf32>
    %swap3A_547 = arith.constant 68 : i32
    %swap3A_548 = arith.index_cast %swap3A_547 : i32 to index
    %swap3A_549 = arith.constant 0 : index
    %swap3A_550 = tpu.vector_load %arg6[%swap3A_548, %swap3A_549] {strides = array<i32>} : memref<125x16xf32, #tpu.memory_space<vmem>>, vector<1x16xf32>,
    %swap3A_551 = vector.shape_cast %swap3A_550 : vector<1x16xf32> to vector<16xf32>
    %swap3A_552 = vector.shape_cast %broadcast_in_dim3A_546 : vector<16xf32> to vector<1x16xf32>
    tpu.vector_store %arg6[%swap3A_548, %swap3A_549], %swap3A_552 {strides = array<i32>} : memref<125x16xf32, #tpu.memory_space<vmem>>, vector<1x16xf32>,
    %broadcast_in_dim3A_553 = arith.constant 1.000000e+00 : f32
    %broadcast_in_dim3A_554 = vector.broadcast %broadcast_in_dim3A_553 : f32 to vector<16xf32>
    %swap3A_555 = arith.constant 69 : i32
    %swap3A_556 = arith.index_cast %swap3A_555 : i32 to index
    %swap3A_557 = arith.constant 0 : index
    %swap3A_558 = tpu.vector_load %arg6[%swap3A_556, %swap3A_557] {strides = array<i32>} : memref<125x16xf32, #tpu.memory_space<vmem>>, vector<1x16xf32>,
    %swap3A_559 = vector.shape_cast %swap3A_558 : vector<1x16xf32> to vector<16xf32>
    %swap3A_560 = vector.shape_cast %broadcast_in_dim3A_554 : vector<16xf32> to vector<1x16xf32>
    tpu.vector_store %arg6[%swap3A_556, %swap3A_557], %swap3A_560 {strides = array<i32>} : memref<125x16xf32, #tpu.memory_space<vmem>>, vector<1x16xf32>,
    %broadcast_in_dim3A_561 = arith.constant 1.000000e+00 : f32
    %broadcast_in_dim3A_562 = vector.broadcast %broadcast_in_dim3A_561 : f32 to vector<16xf32>
    %swap3A_563 = arith.constant 70 : i32
    %swap3A_564 = arith.index_cast %swap3A_563 : i32 to index
    %swap3A_565 = arith.constant 0 : index
    %swap3A_566 = tpu.vector_load %arg6[%swap3A_564, %swap3A_565] {strides = array<i32>} : memref<125x16xf32, #tpu.memory_space<vmem>>, vector<1x16xf32>,
    %swap3A_567 = vector.shape_cast %swap3A_566 : vector<1x16xf32> to vector<16xf32>
    %swap3A_568 = vector.shape_cast %broadcast_in_dim3A_562 : vector<16xf32> to vector<1x16xf32>
    tpu.vector_store %arg6[%swap3A_564, %swap3A_565], %swap3A_568 {strides = array<i32>} : memref<125x16xf32, #tpu.memory_space<vmem>>, vector<1x16xf32>,
    %broadcast_in_dim3A_569 = arith.constant 1.000000e+00 : f32
    %broadcast_in_dim3A_570 = vector.broadcast %broadcast_in_dim3A_569 : f32 to vector<16xf32>
    %swap3A_571 = arith.constant 71 : i32
    %swap3A_572 = arith.index_cast %swap3A_571 : i32 to index
    %swap3A_573 = arith.constant 0 : index
    %swap3A_574 = tpu.vector_load %arg6[%swap3A_572, %swap3A_573] {strides = array<i32>} : memref<125x16xf32, #tpu.memory_space<vmem>>, vector<1x16xf32>,
    %swap3A_575 = vector.shape_cast %swap3A_574 : vector<1x16xf32> to vector<16xf32>
    %swap3A_576 = vector.shape_cast %broadcast_in_dim3A_570 : vector<16xf32> to vector<1x16xf32>
    tpu.vector_store %arg6[%swap3A_572, %swap3A_573], %swap3A_576 {strides = array<i32>} : memref<125x16xf32, #tpu.memory_space<vmem>>, vector<1x16xf32>,
    %broadcast_in_dim3A_577 = arith.constant 1.000000e+00 : f32
    %broadcast_in_dim3A_578 = vector.broadcast %broadcast_in_dim3A_577 : f32 to vector<16xf32>
    %swap3A_579 = arith.constant 72 : i32
    %swap3A_580 = arith.index_cast %swap3A_579 : i32 to index
    %swap3A_581 = arith.constant 0 : index
    %swap3A_582 = tpu.vector_load %arg6[%swap3A_580, %swap3A_581] {strides = array<i32>} : memref<125x16xf32, #tpu.memory_space<vmem>>, vector<1x16xf32>,
    %swap3A_583 = vector.shape_cast %swap3A_582 : vector<1x16xf32> to vector<16xf32>
    %swap3A_584 = vector.shape_cast %broadcast_in_dim3A_578 : vector<16xf32> to vector<1x16xf32>
    tpu.vector_store %arg6[%swap3A_580, %swap3A_581], %swap3A_584 {strides = array<i32>} : memref<125x16xf32, #tpu.memory_space<vmem>>, vector<1x16xf32>,
    %broadcast_in_dim3A_585 = arith.constant 1.000000e+00 : f32
    %broadcast_in_dim3A_586 = vector.broadcast %broadcast_in_dim3A_585 : f32 to vector<16xf32>
    %swap3A_587 = arith.constant 73 : i32
    %swap3A_588 = arith.index_cast %swap3A_587 : i32 to index
    %swap3A_589 = arith.constant 0 : index
    %swap3A_590 = tpu.vector_load %arg6[%swap3A_588, %swap3A_589] {strides = array<i32>} : memref<125x16xf32, #tpu.memory_space<vmem>>, vector<1x16xf32>,
    %swap3A_591 = vector.shape_cast %swap3A_590 : vector<1x16xf32> to vector<16xf32>
    %swap3A_592 = vector.shape_cast %broadcast_in_dim3A_586 : vector<16xf32> to vector<1x16xf32>
    tpu.vector_store %arg6[%swap3A_588, %swap3A_589], %swap3A_592 {strides = array<i32>} : memref<125x16xf32, #tpu.memory_space<vmem>>, vector<1x16xf32>,
    %broadcast_in_dim3A_593 = arith.constant 1.000000e+00 : f32
    %broadcast_in_dim3A_594 = vector.broadcast %broadcast_in_dim3A_593 : f32 to vector<16xf32>
    %swap3A_595 = arith.constant 74 : i32
    %swap3A_596 = arith.index_cast %swap3A_595 : i32 to index
    %swap3A_597 = arith.constant 0 : index
    %swap3A_598 = tpu.vector_load %arg6[%swap3A_596, %swap3A_597] {strides = array<i32>} : memref<125x16xf32, #tpu.memory_space<vmem>>, vector<1x16xf32>,
    %swap3A_599 = vector.shape_cast %swap3A_598 : vector<1x16xf32> to vector<16xf32>
    %swap3A_600 = vector.shape_cast %broadcast_in_dim3A_594 : vector<16xf32> to vector<1x16xf32>
    tpu.vector_store %arg6[%swap3A_596, %swap3A_597], %swap3A_600 {strides = array<i32>} : memref<125x16xf32, #tpu.memory_space<vmem>>, vector<1x16xf32>,
    %broadcast_in_dim3A_601 = arith.constant 1.000000e+00 : f32
    %broadcast_in_dim3A_602 = vector.broadcast %broadcast_in_dim3A_601 : f32 to vector<16xf32>
    %swap3A_603 = arith.constant 75 : i32
    %swap3A_604 = arith.index_cast %swap3A_603 : i32 to index
    %swap3A_605 = arith.constant 0 : index
    %swap3A_606 = tpu.vector_load %arg6[%swap3A_604, %swap3A_605] {strides = array<i32>} : memref<125x16xf32, #tpu.memory_space<vmem>>, vector<1x16xf32>,
    %swap3A_607 = vector.shape_cast %swap3A_606 : vector<1x16xf32> to vector<16xf32>
    %swap3A_608 = vector.shape_cast %broadcast_in_dim3A_602 : vector<16xf32> to vector<1x16xf32>
    tpu.vector_store %arg6[%swap3A_604, %swap3A_605], %swap3A_608 {strides = array<i32>} : memref<125x16xf32, #tpu.memory_space<vmem>>, vector<1x16xf32>,
    %broadcast_in_dim3A_609 = arith.constant 1.000000e+00 : f32
    %broadcast_in_dim3A_610 = vector.broadcast %broadcast_in_dim3A_609 : f32 to vector<16xf32>
    %swap3A_611 = arith.constant 76 : i32
    %swap3A_612 = arith.index_cast %swap3A_611 : i32 to index
    %swap3A_613 = arith.constant 0 : index
    %swap3A_614 = tpu.vector_load %arg6[%swap3A_612, %swap3A_613] {strides = array<i32>} : memref<125x16xf32, #tpu.memory_space<vmem>>, vector<1x16xf32>,
    %swap3A_615 = vector.shape_cast %swap3A_614 : vector<1x16xf32> to vector<16xf32>
    %swap3A_616 = vector.shape_cast %broadcast_in_dim3A_610 : vector<16xf32> to vector<1x16xf32>
    tpu.vector_store %arg6[%swap3A_612, %swap3A_613], %swap3A_616 {strides = array<i32>} : memref<125x16xf32, #tpu.memory_space<vmem>>, vector<1x16xf32>,
    %broadcast_in_dim3A_617 = arith.constant 1.000000e+00 : f32
    %broadcast_in_dim3A_618 = vector.broadcast %broadcast_in_dim3A_617 : f32 to vector<16xf32>
    %swap3A_619 = arith.constant 77 : i32
    %swap3A_620 = arith.index_cast %swap3A_619 : i32 to index
    %swap3A_621 = arith.constant 0 : index
    %swap3A_622 = tpu.vector_load %arg6[%swap3A_620, %swap3A_621] {strides = array<i32>} : memref<125x16xf32, #tpu.memory_space<vmem>>, vector<1x16xf32>,
    %swap3A_623 = vector.shape_cast %swap3A_622 : vector<1x16xf32> to vector<16xf32>
    %swap3A_624 = vector.shape_cast %broadcast_in_dim3A_618 : vector<16xf32> to vector<1x16xf32>
    tpu.vector_store %arg6[%swap3A_620, %swap3A_621], %swap3A_624 {strides = array<i32>} : memref<125x16xf32, #tpu.memory_space<vmem>>, vector<1x16xf32>,
    %broadcast_in_dim3A_625 = arith.constant 1.000000e+00 : f32
    %broadcast_in_dim3A_626 = vector.broadcast %broadcast_in_dim3A_625 : f32 to vector<16xf32>
    %swap3A_627 = arith.constant 78 : i32
    %swap3A_628 = arith.index_cast %swap3A_627 : i32 to index
    %swap3A_629 = arith.constant 0 : index
    %swap3A_630 = tpu.vector_load %arg6[%swap3A_628, %swap3A_629] {strides = array<i32>} : memref<125x16xf32, #tpu.memory_space<vmem>>, vector<1x16xf32>,
    %swap3A_631 = vector.shape_cast %swap3A_630 : vector<1x16xf32> to vector<16xf32>
    %swap3A_632 = vector.shape_cast %broadcast_in_dim3A_626 : vector<16xf32> to vector<1x16xf32>
    tpu.vector_store %arg6[%swap3A_628, %swap3A_629], %swap3A_632 {strides = array<i32>} : memref<125x16xf32, #tpu.memory_space<vmem>>, vector<1x16xf32>,
    %broadcast_in_dim3A_633 = arith.constant 1.000000e+00 : f32
    %broadcast_in_dim3A_634 = vector.broadcast %broadcast_in_dim3A_633 : f32 to vector<16xf32>
    %swap3A_635 = arith.constant 79 : i32
    %swap3A_636 = arith.index_cast %swap3A_635 : i32 to index
    %swap3A_637 = arith.constant 0 : index
    %swap3A_638 = tpu.vector_load %arg6[%swap3A_636, %swap3A_637] {strides = array<i32>} : memref<125x16xf32, #tpu.memory_space<vmem>>, vector<1x16xf32>,
    %swap3A_639 = vector.shape_cast %swap3A_638 : vector<1x16xf32> to vector<16xf32>
    %swap3A_640 = vector.shape_cast %broadcast_in_dim3A_634 : vector<16xf32> to vector<1x16xf32>
    tpu.vector_store %arg6[%swap3A_636, %swap3A_637], %swap3A_640 {strides = array<i32>} : memref<125x16xf32, #tpu.memory_space<vmem>>, vector<1x16xf32>,
    %broadcast_in_dim3A_641 = arith.constant 1.000000e+00 : f32
    %broadcast_in_dim3A_642 = vector.broadcast %broadcast_in_dim3A_641 : f32 to vector<16xf32>
    %swap3A_643 = arith.constant 80 : i32
    %swap3A_644 = arith.index_cast %swap3A_643 : i32 to index
    %swap3A_645 = arith.constant 0 : index
    %swap3A_646 = tpu.vector_load %arg6[%swap3A_644, %swap3A_645] {strides = array<i32>} : memref<125x16xf32, #tpu.memory_space<vmem>>, vector<1x16xf32>,
    %swap3A_647 = vector.shape_cast %swap3A_646 : vector<1x16xf32> to vector<16xf32>
    %swap3A_648 = vector.shape_cast %broadcast_in_dim3A_642 : vector<16xf32> to vector<1x16xf32>
    tpu.vector_store %arg6[%swap3A_644, %swap3A_645], %swap3A_648 {strides = array<i32>} : memref<125x16xf32, #tpu.memory_space<vmem>>, vector<1x16xf32>,
    %broadcast_in_dim3A_649 = arith.constant 1.000000e+00 : f32
    %broadcast_in_dim3A_650 = vector.broadcast %broadcast_in_dim3A_649 : f32 to vector<16xf32>
    %swap3A_651 = arith.constant 81 : i32
    %swap3A_652 = arith.index_cast %swap3A_651 : i32 to index
    %swap3A_653 = arith.constant 0 : index
    %swap3A_654 = tpu.vector_load %arg6[%swap3A_652, %swap3A_653] {strides = array<i32>} : memref<125x16xf32, #tpu.memory_space<vmem>>, vector<1x16xf32>,
    %swap3A_655 = vector.shape_cast %swap3A_654 : vector<1x16xf32> to vector<16xf32>
    %swap3A_656 = vector.shape_cast %broadcast_in_dim3A_650 : vector<16xf32> to vector<1x16xf32>
    tpu.vector_store %arg6[%swap3A_652, %swap3A_653], %swap3A_656 {strides = array<i32>} : memref<125x16xf32, #tpu.memory_space<vmem>>, vector<1x16xf32>,
    %broadcast_in_dim3A_657 = arith.constant 1.000000e+00 : f32
    %broadcast_in_dim3A_658 = vector.broadcast %broadcast_in_dim3A_657 : f32 to vector<16xf32>
    %swap3A_659 = arith.constant 82 : i32
    %swap3A_660 = arith.index_cast %swap3A_659 : i32 to index
    %swap3A_661 = arith.constant 0 : index
    %swap3A_662 = tpu.vector_load %arg6[%swap3A_660, %swap3A_661] {strides = array<i32>} : memref<125x16xf32, #tpu.memory_space<vmem>>, vector<1x16xf32>,
    %swap3A_663 = vector.shape_cast %swap3A_662 : vector<1x16xf32> to vector<16xf32>
    %swap3A_664 = vector.shape_cast %broadcast_in_dim3A_658 : vector<16xf32> to vector<1x16xf32>
    tpu.vector_store %arg6[%swap3A_660, %swap3A_661], %swap3A_664 {strides = array<i32>} : memref<125x16xf32, #tpu.memory_space<vmem>>, vector<1x16xf32>,
    %broadcast_in_dim3A_665 = arith.constant 1.000000e+00 : f32
    %broadcast_in_dim3A_666 = vector.broadcast %broadcast_in_dim3A_665 : f32 to vector<16xf32>
    %swap3A_667 = arith.constant 83 : i32
    %swap3A_668 = arith.index_cast %swap3A_667 : i32 to index
    %swap3A_669 = arith.constant 0 : index
    %swap3A_670 = tpu.vector_load %arg6[%swap3A_668, %swap3A_669] {strides = array<i32>} : memref<125x16xf32, #tpu.memory_space<vmem>>, vector<1x16xf32>,
    %swap3A_671 = vector.shape_cast %swap3A_670 : vector<1x16xf32> to vector<16xf32>
    %swap3A_672 = vector.shape_cast %broadcast_in_dim3A_666 : vector<16xf32> to vector<1x16xf32>
    tpu.vector_store %arg6[%swap3A_668, %swap3A_669], %swap3A_672 {strides = array<i32>} : memref<125x16xf32, #tpu.memory_space<vmem>>, vector<1x16xf32>,
    %broadcast_in_dim3A_673 = arith.constant 1.000000e+00 : f32
    %broadcast_in_dim3A_674 = vector.broadcast %broadcast_in_dim3A_673 : f32 to vector<16xf32>
    %swap3A_675 = arith.constant 84 : i32
    %swap3A_676 = arith.index_cast %swap3A_675 : i32 to index
    %swap3A_677 = arith.constant 0 : index
    %swap3A_678 = tpu.vector_load %arg6[%swap3A_676, %swap3A_677] {strides = array<i32>} : memref<125x16xf32, #tpu.memory_space<vmem>>, vector<1x16xf32>,
    %swap3A_679 = vector.shape_cast %swap3A_678 : vector<1x16xf32> to vector<16xf32>
    %swap3A_680 = vector.shape_cast %broadcast_in_dim3A_674 : vector<16xf32> to vector<1x16xf32>
    tpu.vector_store %arg6[%swap3A_676, %swap3A_677], %swap3A_680 {strides = array<i32>} : memref<125x16xf32, #tpu.memory_space<vmem>>, vector<1x16xf32>,
    %broadcast_in_dim3A_681 = arith.constant 1.000000e+00 : f32
    %broadcast_in_dim3A_682 = vector.broadcast %broadcast_in_dim3A_681 : f32 to vector<16xf32>
    %swap3A_683 = arith.constant 85 : i32
    %swap3A_684 = arith.index_cast %swap3A_683 : i32 to index
    %swap3A_685 = arith.constant 0 : index
    %swap3A_686 = tpu.vector_load %arg6[%swap3A_684, %swap3A_685] {strides = array<i32>} : memref<125x16xf32, #tpu.memory_space<vmem>>, vector<1x16xf32>,
    %swap3A_687 = vector.shape_cast %swap3A_686 : vector<1x16xf32> to vector<16xf32>
    %swap3A_688 = vector.shape_cast %broadcast_in_dim3A_682 : vector<16xf32> to vector<1x16xf32>
    tpu.vector_store %arg6[%swap3A_684, %swap3A_685], %swap3A_688 {strides = array<i32>} : memref<125x16xf32, #tpu.memory_space<vmem>>, vector<1x16xf32>,
    %broadcast_in_dim3A_689 = arith.constant 1.000000e+00 : f32
    %broadcast_in_dim3A_690 = vector.broadcast %broadcast_in_dim3A_689 : f32 to vector<16xf32>
    %swap3A_691 = arith.constant 86 : i32
    %swap3A_692 = arith.index_cast %swap3A_691 : i32 to index
    %swap3A_693 = arith.constant 0 : index
    %swap3A_694 = tpu.vector_load %arg6[%swap3A_692, %swap3A_693] {strides = array<i32>} : memref<125x16xf32, #tpu.memory_space<vmem>>, vector<1x16xf32>,
    %swap3A_695 = vector.shape_cast %swap3A_694 : vector<1x16xf32> to vector<16xf32>
    %swap3A_696 = vector.shape_cast %broadcast_in_dim3A_690 : vector<16xf32> to vector<1x16xf32>
    tpu.vector_store %arg6[%swap3A_692, %swap3A_693], %swap3A_696 {strides = array<i32>} : memref<125x16xf32, #tpu.memory_space<vmem>>, vector<1x16xf32>,
    %broadcast_in_dim3A_697 = arith.constant 1.000000e+00 : f32
    %broadcast_in_dim3A_698 = vector.broadcast %broadcast_in_dim3A_697 : f32 to vector<16xf32>
    %swap3A_699 = arith.constant 87 : i32
    %swap3A_700 = arith.index_cast %swap3A_699 : i32 to index
    %swap3A_701 = arith.constant 0 : index
    %swap3A_702 = tpu.vector_load %arg6[%swap3A_700, %swap3A_701] {strides = array<i32>} : memref<125x16xf32, #tpu.memory_space<vmem>>, vector<1x16xf32>,
    %swap3A_703 = vector.shape_cast %swap3A_702 : vector<1x16xf32> to vector<16xf32>
    %swap3A_704 = vector.shape_cast %broadcast_in_dim3A_698 : vector<16xf32> to vector<1x16xf32>
    tpu.vector_store %arg6[%swap3A_700, %swap3A_701], %swap3A_704 {strides = array<i32>} : memref<125x16xf32, #tpu.memory_space<vmem>>, vector<1x16xf32>,
    %broadcast_in_dim3A_705 = arith.constant 1.000000e+00 : f32
    %broadcast_in_dim3A_706 = vector.broadcast %broadcast_in_dim3A_705 : f32 to vector<16xf32>
    %swap3A_707 = arith.constant 88 : i32
    %swap3A_708 = arith.index_cast %swap3A_707 : i32 to index
    %swap3A_709 = arith.constant 0 : index
    %swap3A_710 = tpu.vector_load %arg6[%swap3A_708, %swap3A_709] {strides = array<i32>} : memref<125x16xf32, #tpu.memory_space<vmem>>, vector<1x16xf32>,
    %swap3A_711 = vector.shape_cast %swap3A_710 : vector<1x16xf32> to vector<16xf32>
    %swap3A_712 = vector.shape_cast %broadcast_in_dim3A_706 : vector<16xf32> to vector<1x16xf32>
    tpu.vector_store %arg6[%swap3A_708, %swap3A_709], %swap3A_712 {strides = array<i32>} : memref<125x16xf32, #tpu.memory_space<vmem>>, vector<1x16xf32>,
    %broadcast_in_dim3A_713 = arith.constant 1.000000e+00 : f32
    %broadcast_in_dim3A_714 = vector.broadcast %broadcast_in_dim3A_713 : f32 to vector<16xf32>
    %swap3A_715 = arith.constant 89 : i32
    %swap3A_716 = arith.index_cast %swap3A_715 : i32 to index
    %swap3A_717 = arith.constant 0 : index
    %swap3A_718 = tpu.vector_load %arg6[%swap3A_716, %swap3A_717] {strides = array<i32>} : memref<125x16xf32, #tpu.memory_space<vmem>>, vector<1x16xf32>,
    %swap3A_719 = vector.shape_cast %swap3A_718 : vector<1x16xf32> to vector<16xf32>
    %swap3A_720 = vector.shape_cast %broadcast_in_dim3A_714 : vector<16xf32> to vector<1x16xf32>
    tpu.vector_store %arg6[%swap3A_716, %swap3A_717], %swap3A_720 {strides = array<i32>} : memref<125x16xf32, #tpu.memory_space<vmem>>, vector<1x16xf32>,
    %broadcast_in_dim3A_721 = arith.constant 1.000000e+00 : f32
    %broadcast_in_dim3A_722 = vector.broadcast %broadcast_in_dim3A_721 : f32 to vector<16xf32>
    %swap3A_723 = arith.constant 90 : i32
    %swap3A_724 = arith.index_cast %swap3A_723 : i32 to index
    %swap3A_725 = arith.constant 0 : index
    %swap3A_726 = tpu.vector_load %arg6[%swap3A_724, %swap3A_725] {strides = array<i32>} : memref<125x16xf32, #tpu.memory_space<vmem>>, vector<1x16xf32>,
    %swap3A_727 = vector.shape_cast %swap3A_726 : vector<1x16xf32> to vector<16xf32>
    %swap3A_728 = vector.shape_cast %broadcast_in_dim3A_722 : vector<16xf32> to vector<1x16xf32>
    tpu.vector_store %arg6[%swap3A_724, %swap3A_725], %swap3A_728 {strides = array<i32>} : memref<125x16xf32, #tpu.memory_space<vmem>>, vector<1x16xf32>,
    %broadcast_in_dim3A_729 = arith.constant 1.000000e+00 : f32
    %broadcast_in_dim3A_730 = vector.broadcast %broadcast_in_dim3A_729 : f32 to vector<16xf32>
    %swap3A_731 = arith.constant 91 : i32
    %swap3A_732 = arith.index_cast %swap3A_731 : i32 to index
    %swap3A_733 = arith.constant 0 : index
    %swap3A_734 = tpu.vector_load %arg6[%swap3A_732, %swap3A_733] {strides = array<i32>} : memref<125x16xf32, #tpu.memory_space<vmem>>, vector<1x16xf32>,
    %swap3A_735 = vector.shape_cast %swap3A_734 : vector<1x16xf32> to vector<16xf32>
    %swap3A_736 = vector.shape_cast %broadcast_in_dim3A_730 : vector<16xf32> to vector<1x16xf32>
    tpu.vector_store %arg6[%swap3A_732, %swap3A_733], %swap3A_736 {strides = array<i32>} : memref<125x16xf32, #tpu.memory_space<vmem>>, vector<1x16xf32>,
    %broadcast_in_dim3A_737 = arith.constant 1.000000e+00 : f32
    %broadcast_in_dim3A_738 = vector.broadcast %broadcast_in_dim3A_737 : f32 to vector<16xf32>
    %swap3A_739 = arith.constant 92 : i32
    %swap3A_740 = arith.index_cast %swap3A_739 : i32 to index
    %swap3A_741 = arith.constant 0 : index
    %swap3A_742 = tpu.vector_load %arg6[%swap3A_740, %swap3A_741] {strides = array<i32>} : memref<125x16xf32, #tpu.memory_space<vmem>>, vector<1x16xf32>,
    %swap3A_743 = vector.shape_cast %swap3A_742 : vector<1x16xf32> to vector<16xf32>
    %swap3A_744 = vector.shape_cast %broadcast_in_dim3A_738 : vector<16xf32> to vector<1x16xf32>
    tpu.vector_store %arg6[%swap3A_740, %swap3A_741], %swap3A_744 {strides = array<i32>} : memref<125x16xf32, #tpu.memory_space<vmem>>, vector<1x16xf32>,
    %broadcast_in_dim3A_745 = arith.constant 1.000000e+00 : f32
    %broadcast_in_dim3A_746 = vector.broadcast %broadcast_in_dim3A_745 : f32 to vector<16xf32>
    %swap3A_747 = arith.constant 93 : i32
    %swap3A_748 = arith.index_cast %swap3A_747 : i32 to index
    %swap3A_749 = arith.constant 0 : index
    %swap3A_750 = tpu.vector_load %arg6[%swap3A_748, %swap3A_749] {strides = array<i32>} : memref<125x16xf32, #tpu.memory_space<vmem>>, vector<1x16xf32>,
    %swap3A_751 = vector.shape_cast %swap3A_750 : vector<1x16xf32> to vector<16xf32>
    %swap3A_752 = vector.shape_cast %broadcast_in_dim3A_746 : vector<16xf32> to vector<1x16xf32>
    tpu.vector_store %arg6[%swap3A_748, %swap3A_749], %swap3A_752 {strides = array<i32>} : memref<125x16xf32, #tpu.memory_space<vmem>>, vector<1x16xf32>,
    %broadcast_in_dim3A_753 = arith.constant 1.000000e+00 : f32
    %broadcast_in_dim3A_754 = vector.broadcast %broadcast_in_dim3A_753 : f32 to vector<16xf32>
    %swap3A_755 = arith.constant 94 : i32
    %swap3A_756 = arith.index_cast %swap3A_755 : i32 to index
    %swap3A_757 = arith.constant 0 : index
    %swap3A_758 = tpu.vector_load %arg6[%swap3A_756, %swap3A_757] {strides = array<i32>} : memref<125x16xf32, #tpu.memory_space<vmem>>, vector<1x16xf32>,
    %swap3A_759 = vector.shape_cast %swap3A_758 : vector<1x16xf32> to vector<16xf32>
    %swap3A_760 = vector.shape_cast %broadcast_in_dim3A_754 : vector<16xf32> to vector<1x16xf32>
    tpu.vector_store %arg6[%swap3A_756, %swap3A_757], %swap3A_760 {strides = array<i32>} : memref<125x16xf32, #tpu.memory_space<vmem>>, vector<1x16xf32>,
    %broadcast_in_dim3A_761 = arith.constant 1.000000e+00 : f32
    %broadcast_in_dim3A_762 = vector.broadcast %broadcast_in_dim3A_761 : f32 to vector<16xf32>
    %swap3A_763 = arith.constant 95 : i32
    %swap3A_764 = arith.index_cast %swap3A_763 : i32 to index
    %swap3A_765 = arith.constant 0 : index
    %swap3A_766 = tpu.vector_load %arg6[%swap3A_764, %swap3A_765] {strides = array<i32>} : memref<125x16xf32, #tpu.memory_space<vmem>>, vector<1x16xf32>,
    %swap3A_767 = vector.shape_cast %swap3A_766 : vector<1x16xf32> to vector<16xf32>
    %swap3A_768 = vector.shape_cast %broadcast_in_dim3A_762 : vector<16xf32> to vector<1x16xf32>
    tpu.vector_store %arg6[%swap3A_764, %swap3A_765], %swap3A_768 {strides = array<i32>} : memref<125x16xf32, #tpu.memory_space<vmem>>, vector<1x16xf32>,
    %broadcast_in_dim3A_769 = arith.constant 1.000000e+00 : f32
    %broadcast_in_dim3A_770 = vector.broadcast %broadcast_in_dim3A_769 : f32 to vector<16xf32>
    %swap3A_771 = arith.constant 96 : i32
    %swap3A_772 = arith.index_cast %swap3A_771 : i32 to index
    %swap3A_773 = arith.constant 0 : index
    %swap3A_774 = tpu.vector_load %arg6[%swap3A_772, %swap3A_773] {strides = array<i32>} : memref<125x16xf32, #tpu.memory_space<vmem>>, vector<1x16xf32>,
    %swap3A_775 = vector.shape_cast %swap3A_774 : vector<1x16xf32> to vector<16xf32>
    %swap3A_776 = vector.shape_cast %broadcast_in_dim3A_770 : vector<16xf32> to vector<1x16xf32>
    tpu.vector_store %arg6[%swap3A_772, %swap3A_773], %swap3A_776 {strides = array<i32>} : memref<125x16xf32, #tpu.memory_space<vmem>>, vector<1x16xf32>,
    %broadcast_in_dim3A_777 = arith.constant 1.000000e+00 : f32
    %broadcast_in_dim3A_778 = vector.broadcast %broadcast_in_dim3A_777 : f32 to vector<16xf32>
    %swap3A_779 = arith.constant 97 : i32
    %swap3A_780 = arith.index_cast %swap3A_779 : i32 to index
    %swap3A_781 = arith.constant 0 : index
    %swap3A_782 = tpu.vector_load %arg6[%swap3A_780, %swap3A_781] {strides = array<i32>} : memref<125x16xf32, #tpu.memory_space<vmem>>, vector<1x16xf32>,
    %swap3A_783 = vector.shape_cast %swap3A_782 : vector<1x16xf32> to vector<16xf32>
    %swap3A_784 = vector.shape_cast %broadcast_in_dim3A_778 : vector<16xf32> to vector<1x16xf32>
    tpu.vector_store %arg6[%swap3A_780, %swap3A_781], %swap3A_784 {strides = array<i32>} : memref<125x16xf32, #tpu.memory_space<vmem>>, vector<1x16xf32>,
    %broadcast_in_dim3A_785 = arith.constant 1.000000e+00 : f32
    %broadcast_in_dim3A_786 = vector.broadcast %broadcast_in_dim3A_785 : f32 to vector<16xf32>
    %swap3A_787 = arith.constant 98 : i32
    %swap3A_788 = arith.index_cast %swap3A_787 : i32 to index
    %swap3A_789 = arith.constant 0 : index
    %swap3A_790 = tpu.vector_load %arg6[%swap3A_788, %swap3A_789] {strides = array<i32>} : memref<125x16xf32, #tpu.memory_space<vmem>>, vector<1x16xf32>,
    %swap3A_791 = vector.shape_cast %swap3A_790 : vector<1x16xf32> to vector<16xf32>
    %swap3A_792 = vector.shape_cast %broadcast_in_dim3A_786 : vector<16xf32> to vector<1x16xf32>
    tpu.vector_store %arg6[%swap3A_788, %swap3A_789], %swap3A_792 {strides = array<i32>} : memref<125x16xf32, #tpu.memory_space<vmem>>, vector<1x16xf32>,
    %broadcast_in_dim3A_793 = arith.constant 1.000000e+00 : f32
    %broadcast_in_dim3A_794 = vector.broadcast %broadcast_in_dim3A_793 : f32 to vector<16xf32>
    %swap3A_795 = arith.constant 99 : i32
    %swap3A_796 = arith.index_cast %swap3A_795 : i32 to index
    %swap3A_797 = arith.constant 0 : index
    %swap3A_798 = tpu.vector_load %arg6[%swap3A_796, %swap3A_797] {strides = array<i32>} : memref<125x16xf32, #tpu.memory_space<vmem>>, vector<1x16xf32>,
    %swap3A_799 = vector.shape_cast %swap3A_798 : vector<1x16xf32> to vector<16xf32>
    %swap3A_800 = vector.shape_cast %broadcast_in_dim3A_794 : vector<16xf32> to vector<1x16xf32>
    tpu.vector_store %arg6[%swap3A_796, %swap3A_797], %swap3A_800 {strides = array<i32>} : memref<125x16xf32, #tpu.memory_space<vmem>>, vector<1x16xf32>,
    %broadcast_in_dim3A_801 = arith.constant 1.000000e+00 : f32
    %broadcast_in_dim3A_802 = vector.broadcast %broadcast_in_dim3A_801 : f32 to vector<16xf32>
    %swap3A_803 = arith.constant 100 : i32
    %swap3A_804 = arith.index_cast %swap3A_803 : i32 to index
    %swap3A_805 = arith.constant 0 : index
    %swap3A_806 = tpu.vector_load %arg6[%swap3A_804, %swap3A_805] {strides = array<i32>} : memref<125x16xf32, #tpu.memory_space<vmem>>, vector<1x16xf32>,
    %swap3A_807 = vector.shape_cast %swap3A_806 : vector<1x16xf32> to vector<16xf32>
    %swap3A_808 = vector.shape_cast %broadcast_in_dim3A_802 : vector<16xf32> to vector<1x16xf32>
    tpu.vector_store %arg6[%swap3A_804, %swap3A_805], %swap3A_808 {strides = array<i32>} : memref<125x16xf32, #tpu.memory_space<vmem>>, vector<1x16xf32>,
    %broadcast_in_dim3A_809 = arith.constant 1.000000e+00 : f32
    %broadcast_in_dim3A_810 = vector.broadcast %broadcast_in_dim3A_809 : f32 to vector<16xf32>
    %swap3A_811 = arith.constant 101 : i32
    %swap3A_812 = arith.index_cast %swap3A_811 : i32 to index
    %swap3A_813 = arith.constant 0 : index
    %swap3A_814 = tpu.vector_load %arg6[%swap3A_812, %swap3A_813] {strides = array<i32>} : memref<125x16xf32, #tpu.memory_space<vmem>>, vector<1x16xf32>,
    %swap3A_815 = vector.shape_cast %swap3A_814 : vector<1x16xf32> to vector<16xf32>
    %swap3A_816 = vector.shape_cast %broadcast_in_dim3A_810 : vector<16xf32> to vector<1x16xf32>
    tpu.vector_store %arg6[%swap3A_812, %swap3A_813], %swap3A_816 {strides = array<i32>} : memref<125x16xf32, #tpu.memory_space<vmem>>, vector<1x16xf32>,
    %broadcast_in_dim3A_817 = arith.constant 1.000000e+00 : f32
    %broadcast_in_dim3A_818 = vector.broadcast %broadcast_in_dim3A_817 : f32 to vector<16xf32>
    %swap3A_819 = arith.constant 102 : i32
    %swap3A_820 = arith.index_cast %swap3A_819 : i32 to index
    %swap3A_821 = arith.constant 0 : index
    %swap3A_822 = tpu.vector_load %arg6[%swap3A_820, %swap3A_821] {strides = array<i32>} : memref<125x16xf32, #tpu.memory_space<vmem>>, vector<1x16xf32>,
    %swap3A_823 = vector.shape_cast %swap3A_822 : vector<1x16xf32> to vector<16xf32>
    %swap3A_824 = vector.shape_cast %broadcast_in_dim3A_818 : vector<16xf32> to vector<1x16xf32>
    tpu.vector_store %arg6[%swap3A_820, %swap3A_821], %swap3A_824 {strides = array<i32>} : memref<125x16xf32, #tpu.memory_space<vmem>>, vector<1x16xf32>,
    %broadcast_in_dim3A_825 = arith.constant 1.000000e+00 : f32
    %broadcast_in_dim3A_826 = vector.broadcast %broadcast_in_dim3A_825 : f32 to vector<16xf32>
    %swap3A_827 = arith.constant 103 : i32
    %swap3A_828 = arith.index_cast %swap3A_827 : i32 to index
    %swap3A_829 = arith.constant 0 : index
    %swap3A_830 = tpu.vector_load %arg6[%swap3A_828, %swap3A_829] {strides = array<i32>} : memref<125x16xf32, #tpu.memory_space<vmem>>, vector<1x16xf32>,
    %swap3A_831 = vector.shape_cast %swap3A_830 : vector<1x16xf32> to vector<16xf32>
    %swap3A_832 = vector.shape_cast %broadcast_in_dim3A_826 : vector<16xf32> to vector<1x16xf32>
    tpu.vector_store %arg6[%swap3A_828, %swap3A_829], %swap3A_832 {strides = array<i32>} : memref<125x16xf32, #tpu.memory_space<vmem>>, vector<1x16xf32>,
    %broadcast_in_dim3A_833 = arith.constant 1.000000e+00 : f32
    %broadcast_in_dim3A_834 = vector.broadcast %broadcast_in_dim3A_833 : f32 to vector<16xf32>
    %swap3A_835 = arith.constant 104 : i32
    %swap3A_836 = arith.index_cast %swap3A_835 : i32 to index
    %swap3A_837 = arith.constant 0 : index
    %swap3A_838 = tpu.vector_load %arg6[%swap3A_836, %swap3A_837] {strides = array<i32>} : memref<125x16xf32, #tpu.memory_space<vmem>>, vector<1x16xf32>,
    %swap3A_839 = vector.shape_cast %swap3A_838 : vector<1x16xf32> to vector<16xf32>
    %swap3A_840 = vector.shape_cast %broadcast_in_dim3A_834 : vector<16xf32> to vector<1x16xf32>
    tpu.vector_store %arg6[%swap3A_836, %swap3A_837], %swap3A_840 {strides = array<i32>} : memref<125x16xf32, #tpu.memory_space<vmem>>, vector<1x16xf32>,
    %broadcast_in_dim3A_841 = arith.constant 1.000000e+00 : f32
    %broadcast_in_dim3A_842 = vector.broadcast %broadcast_in_dim3A_841 : f32 to vector<16xf32>
    %swap3A_843 = arith.constant 105 : i32
    %swap3A_844 = arith.index_cast %swap3A_843 : i32 to index
    %swap3A_845 = arith.constant 0 : index
    %swap3A_846 = tpu.vector_load %arg6[%swap3A_844, %swap3A_845] {strides = array<i32>} : memref<125x16xf32, #tpu.memory_space<vmem>>, vector<1x16xf32>,
    %swap3A_847 = vector.shape_cast %swap3A_846 : vector<1x16xf32> to vector<16xf32>
    %swap3A_848 = vector.shape_cast %broadcast_in_dim3A_842 : vector<16xf32> to vector<1x16xf32>
    tpu.vector_store %arg6[%swap3A_844, %swap3A_845], %swap3A_848 {strides = array<i32>} : memref<125x16xf32, #tpu.memory_space<vmem>>, vector<1x16xf32>,
    %broadcast_in_dim3A_849 = arith.constant 1.000000e+00 : f32
    %broadcast_in_dim3A_850 = vector.broadcast %broadcast_in_dim3A_849 : f32 to vector<16xf32>
    %swap3A_851 = arith.constant 106 : i32
    %swap3A_852 = arith.index_cast %swap3A_851 : i32 to index
    %swap3A_853 = arith.constant 0 : index
    %swap3A_854 = tpu.vector_load %arg6[%swap3A_852, %swap3A_853] {strides = array<i32>} : memref<125x16xf32, #tpu.memory_space<vmem>>, vector<1x16xf32>,
    %swap3A_855 = vector.shape_cast %swap3A_854 : vector<1x16xf32> to vector<16xf32>
    %swap3A_856 = vector.shape_cast %broadcast_in_dim3A_850 : vector<16xf32> to vector<1x16xf32>
    tpu.vector_store %arg6[%swap3A_852, %swap3A_853], %swap3A_856 {strides = array<i32>} : memref<125x16xf32, #tpu.memory_space<vmem>>, vector<1x16xf32>,
    %broadcast_in_dim3A_857 = arith.constant 1.000000e+00 : f32
    %broadcast_in_dim3A_858 = vector.broadcast %broadcast_in_dim3A_857 : f32 to vector<16xf32>
    %swap3A_859 = arith.constant 107 : i32
    %swap3A_860 = arith.index_cast %swap3A_859 : i32 to index
    %swap3A_861 = arith.constant 0 : index
    %swap3A_862 = tpu.vector_load %arg6[%swap3A_860, %swap3A_861] {strides = array<i32>} : memref<125x16xf32, #tpu.memory_space<vmem>>, vector<1x16xf32>,
    %swap3A_863 = vector.shape_cast %swap3A_862 : vector<1x16xf32> to vector<16xf32>
    %swap3A_864 = vector.shape_cast %broadcast_in_dim3A_858 : vector<16xf32> to vector<1x16xf32>
    tpu.vector_store %arg6[%swap3A_860, %swap3A_861], %swap3A_864 {strides = array<i32>} : memref<125x16xf32, #tpu.memory_space<vmem>>, vector<1x16xf32>,
    %broadcast_in_dim3A_865 = arith.constant 1.000000e+00 : f32
    %broadcast_in_dim3A_866 = vector.broadcast %broadcast_in_dim3A_865 : f32 to vector<16xf32>
    %swap3A_867 = arith.constant 108 : i32
    %swap3A_868 = arith.index_cast %swap3A_867 : i32 to index
    %swap3A_869 = arith.constant 0 : index
    %swap3A_870 = tpu.vector_load %arg6[%swap3A_868, %swap3A_869] {strides = array<i32>} : memref<125x16xf32, #tpu.memory_space<vmem>>, vector<1x16xf32>,
    %swap3A_871 = vector.shape_cast %swap3A_870 : vector<1x16xf32> to vector<16xf32>
    %swap3A_872 = vector.shape_cast %broadcast_in_dim3A_866 : vector<16xf32> to vector<1x16xf32>
    tpu.vector_store %arg6[%swap3A_868, %swap3A_869], %swap3A_872 {strides = array<i32>} : memref<125x16xf32, #tpu.memory_space<vmem>>, vector<1x16xf32>,
    %broadcast_in_dim3A_873 = arith.constant 1.000000e+00 : f32
    %broadcast_in_dim3A_874 = vector.broadcast %broadcast_in_dim3A_873 : f32 to vector<16xf32>
    %swap3A_875 = arith.constant 109 : i32
    %swap3A_876 = arith.index_cast %swap3A_875 : i32 to index
    %swap3A_877 = arith.constant 0 : index
    %swap3A_878 = tpu.vector_load %arg6[%swap3A_876, %swap3A_877] {strides = array<i32>} : memref<125x16xf32, #tpu.memory_space<vmem>>, vector<1x16xf32>,
    %swap3A_879 = vector.shape_cast %swap3A_878 : vector<1x16xf32> to vector<16xf32>
    %swap3A_880 = vector.shape_cast %broadcast_in_dim3A_874 : vector<16xf32> to vector<1x16xf32>
    tpu.vector_store %arg6[%swap3A_876, %swap3A_877], %swap3A_880 {strides = array<i32>} : memref<125x16xf32, #tpu.memory_space<vmem>>, vector<1x16xf32>,
    %broadcast_in_dim3A_881 = arith.constant 1.000000e+00 : f32
    %broadcast_in_dim3A_882 = vector.broadcast %broadcast_in_dim3A_881 : f32 to vector<16xf32>
    %swap3A_883 = arith.constant 110 : i32
    %swap3A_884 = arith.index_cast %swap3A_883 : i32 to index
    %swap3A_885 = arith.constant 0 : index
    %swap3A_886 = tpu.vector_load %arg6[%swap3A_884, %swap3A_885] {strides = array<i32>} : memref<125x16xf32, #tpu.memory_space<vmem>>, vector<1x16xf32>,
    %swap3A_887 = vector.shape_cast %swap3A_886 : vector<1x16xf32> to vector<16xf32>
    %swap3A_888 = vector.shape_cast %broadcast_in_dim3A_882 : vector<16xf32> to vector<1x16xf32>
    tpu.vector_store %arg6[%swap3A_884, %swap3A_885], %swap3A_888 {strides = array<i32>} : memref<125x16xf32, #tpu.memory_space<vmem>>, vector<1x16xf32>,
    %broadcast_in_dim3A_889 = arith.constant 1.000000e+00 : f32
    %broadcast_in_dim3A_890 = vector.broadcast %broadcast_in_dim3A_889 : f32 to vector<16xf32>
    %swap3A_891 = arith.constant 111 : i32
    %swap3A_892 = arith.index_cast %swap3A_891 : i32 to index
    %swap3A_893 = arith.constant 0 : index
    %swap3A_894 = tpu.vector_load %arg6[%swap3A_892, %swap3A_893] {strides = array<i32>} : memref<125x16xf32, #tpu.memory_space<vmem>>, vector<1x16xf32>,
    %swap3A_895 = vector.shape_cast %swap3A_894 : vector<1x16xf32> to vector<16xf32>
    %swap3A_896 = vector.shape_cast %broadcast_in_dim3A_890 : vector<16xf32> to vector<1x16xf32>
    tpu.vector_store %arg6[%swap3A_892, %swap3A_893], %swap3A_896 {strides = array<i32>} : memref<125x16xf32, #tpu.memory_space<vmem>>, vector<1x16xf32>,
    %broadcast_in_dim3A_897 = arith.constant 1.000000e+00 : f32
    %broadcast_in_dim3A_898 = vector.broadcast %broadcast_in_dim3A_897 : f32 to vector<16xf32>
    %swap3A_899 = arith.constant 112 : i32
    %swap3A_900 = arith.index_cast %swap3A_899 : i32 to index
    %swap3A_901 = arith.constant 0 : index
    %swap3A_902 = tpu.vector_load %arg6[%swap3A_900, %swap3A_901] {strides = array<i32>} : memref<125x16xf32, #tpu.memory_space<vmem>>, vector<1x16xf32>,
    %swap3A_903 = vector.shape_cast %swap3A_902 : vector<1x16xf32> to vector<16xf32>
    %swap3A_904 = vector.shape_cast %broadcast_in_dim3A_898 : vector<16xf32> to vector<1x16xf32>
    tpu.vector_store %arg6[%swap3A_900, %swap3A_901], %swap3A_904 {strides = array<i32>} : memref<125x16xf32, #tpu.memory_space<vmem>>, vector<1x16xf32>,
    %broadcast_in_dim3A_905 = arith.constant 1.000000e+00 : f32
    %broadcast_in_dim3A_906 = vector.broadcast %broadcast_in_dim3A_905 : f32 to vector<16xf32>
    %swap3A_907 = arith.constant 113 : i32
    %swap3A_908 = arith.index_cast %swap3A_907 : i32 to index
    %swap3A_909 = arith.constant 0 : index
    %swap3A_910 = tpu.vector_load %arg6[%swap3A_908, %swap3A_909] {strides = array<i32>} : memref<125x16xf32, #tpu.memory_space<vmem>>, vector<1x16xf32>,
    %swap3A_911 = vector.shape_cast %swap3A_910 : vector<1x16xf32> to vector<16xf32>
    %swap3A_912 = vector.shape_cast %broadcast_in_dim3A_906 : vector<16xf32> to vector<1x16xf32>
    tpu.vector_store %arg6[%swap3A_908, %swap3A_909], %swap3A_912 {strides = array<i32>} : memref<125x16xf32, #tpu.memory_space<vmem>>, vector<1x16xf32>,
    %broadcast_in_dim3A_913 = arith.constant 1.000000e+00 : f32
    %broadcast_in_dim3A_914 = vector.broadcast %broadcast_in_dim3A_913 : f32 to vector<16xf32>
    %swap3A_915 = arith.constant 114 : i32
    %swap3A_916 = arith.index_cast %swap3A_915 : i32 to index
    %swap3A_917 = arith.constant 0 : index
    %swap3A_918 = tpu.vector_load %arg6[%swap3A_916, %swap3A_917] {strides = array<i32>} : memref<125x16xf32, #tpu.memory_space<vmem>>, vector<1x16xf32>,
    %swap3A_919 = vector.shape_cast %swap3A_918 : vector<1x16xf32> to vector<16xf32>
    %swap3A_920 = vector.shape_cast %broadcast_in_dim3A_914 : vector<16xf32> to vector<1x16xf32>
    tpu.vector_store %arg6[%swap3A_916, %swap3A_917], %swap3A_920 {strides = array<i32>} : memref<125x16xf32, #tpu.memory_space<vmem>>, vector<1x16xf32>,
    %broadcast_in_dim3A_921 = arith.constant 1.000000e+00 : f32
    %broadcast_in_dim3A_922 = vector.broadcast %broadcast_in_dim3A_921 : f32 to vector<16xf32>
    %swap3A_923 = arith.constant 115 : i32
    %swap3A_924 = arith.index_cast %swap3A_923 : i32 to index
    %swap3A_925 = arith.constant 0 : index
    %swap3A_926 = tpu.vector_load %arg6[%swap3A_924, %swap3A_925] {strides = array<i32>} : memref<125x16xf32, #tpu.memory_space<vmem>>, vector<1x16xf32>,
    %swap3A_927 = vector.shape_cast %swap3A_926 : vector<1x16xf32> to vector<16xf32>
    %swap3A_928 = vector.shape_cast %broadcast_in_dim3A_922 : vector<16xf32> to vector<1x16xf32>
    tpu.vector_store %arg6[%swap3A_924, %swap3A_925], %swap3A_928 {strides = array<i32>} : memref<125x16xf32, #tpu.memory_space<vmem>>, vector<1x16xf32>,
    %broadcast_in_dim3A_929 = arith.constant 1.000000e+00 : f32
    %broadcast_in_dim3A_930 = vector.broadcast %broadcast_in_dim3A_929 : f32 to vector<16xf32>
    %swap3A_931 = arith.constant 116 : i32
    %swap3A_932 = arith.index_cast %swap3A_931 : i32 to index
    %swap3A_933 = arith.constant 0 : index
    %swap3A_934 = tpu.vector_load %arg6[%swap3A_932, %swap3A_933] {strides = array<i32>} : memref<125x16xf32, #tpu.memory_space<vmem>>, vector<1x16xf32>,
    %swap3A_935 = vector.shape_cast %swap3A_934 : vector<1x16xf32> to vector<16xf32>
    %swap3A_936 = vector.shape_cast %broadcast_in_dim3A_930 : vector<16xf32> to vector<1x16xf32>
    tpu.vector_store %arg6[%swap3A_932, %swap3A_933], %swap3A_936 {strides = array<i32>} : memref<125x16xf32, #tpu.memory_space<vmem>>, vector<1x16xf32>,
    %broadcast_in_dim3A_937 = arith.constant 1.000000e+00 : f32
    %broadcast_in_dim3A_938 = vector.broadcast %broadcast_in_dim3A_937 : f32 to vector<16xf32>
    %swap3A_939 = arith.constant 117 : i32
    %swap3A_940 = arith.index_cast %swap3A_939 : i32 to index
    %swap3A_941 = arith.constant 0 : index
    %swap3A_942 = tpu.vector_load %arg6[%swap3A_940, %swap3A_941] {strides = array<i32>} : memref<125x16xf32, #tpu.memory_space<vmem>>, vector<1x16xf32>,
    %swap3A_943 = vector.shape_cast %swap3A_942 : vector<1x16xf32> to vector<16xf32>
    %swap3A_944 = vector.shape_cast %broadcast_in_dim3A_938 : vector<16xf32> to vector<1x16xf32>
    tpu.vector_store %arg6[%swap3A_940, %swap3A_941], %swap3A_944 {strides = array<i32>} : memref<125x16xf32, #tpu.memory_space<vmem>>, vector<1x16xf32>,
    %broadcast_in_dim3A_945 = arith.constant 1.000000e+00 : f32
    %broadcast_in_dim3A_946 = vector.broadcast %broadcast_in_dim3A_945 : f32 to vector<16xf32>
    %swap3A_947 = arith.constant 118 : i32
    %swap3A_948 = arith.index_cast %swap3A_947 : i32 to index
    %swap3A_949 = arith.constant 0 : index
    %swap3A_950 = tpu.vector_load %arg6[%swap3A_948, %swap3A_949] {strides = array<i32>} : memref<125x16xf32, #tpu.memory_space<vmem>>, vector<1x16xf32>,
    %swap3A_951 = vector.shape_cast %swap3A_950 : vector<1x16xf32> to vector<16xf32>
    %swap3A_952 = vector.shape_cast %broadcast_in_dim3A_946 : vector<16xf32> to vector<1x16xf32>
    tpu.vector_store %arg6[%swap3A_948, %swap3A_949], %swap3A_952 {strides = array<i32>} : memref<125x16xf32, #tpu.memory_space<vmem>>, vector<1x16xf32>,
    %broadcast_in_dim3A_953 = arith.constant 1.000000e+00 : f32
    %broadcast_in_dim3A_954 = vector.broadcast %broadcast_in_dim3A_953 : f32 to vector<16xf32>
    %swap3A_955 = arith.constant 119 : i32
    %swap3A_956 = arith.index_cast %swap3A_955 : i32 to index
    %swap3A_957 = arith.constant 0 : index
    %swap3A_958 = tpu.vector_load %arg6[%swap3A_956, %swap3A_957] {strides = array<i32>} : memref<125x16xf32, #tpu.memory_space<vmem>>, vector<1x16xf32>,
    %swap3A_959 = vector.shape_cast %swap3A_958 : vector<1x16xf32> to vector<16xf32>
    %swap3A_960 = vector.shape_cast %broadcast_in_dim3A_954 : vector<16xf32> to vector<1x16xf32>
    tpu.vector_store %arg6[%swap3A_956, %swap3A_957], %swap3A_960 {strides = array<i32>} : memref<125x16xf32, #tpu.memory_space<vmem>>, vector<1x16xf32>,
    %broadcast_in_dim3A_961 = arith.constant 1.000000e+00 : f32
    %broadcast_in_dim3A_962 = vector.broadcast %broadcast_in_dim3A_961 : f32 to vector<16xf32>
    %swap3A_963 = arith.constant 120 : i32
    %swap3A_964 = arith.index_cast %swap3A_963 : i32 to index
    %swap3A_965 = arith.constant 0 : index
    %swap3A_966 = tpu.vector_load %arg6[%swap3A_964, %swap3A_965] {strides = array<i32>} : memref<125x16xf32, #tpu.memory_space<vmem>>, vector<1x16xf32>,
    %swap3A_967 = vector.shape_cast %swap3A_966 : vector<1x16xf32> to vector<16xf32>
    %swap3A_968 = vector.shape_cast %broadcast_in_dim3A_962 : vector<16xf32> to vector<1x16xf32>
    tpu.vector_store %arg6[%swap3A_964, %swap3A_965], %swap3A_968 {strides = array<i32>} : memref<125x16xf32, #tpu.memory_space<vmem>>, vector<1x16xf32>,
    %broadcast_in_dim3A_969 = arith.constant 1.000000e+00 : f32
    %broadcast_in_dim3A_970 = vector.broadcast %broadcast_in_dim3A_969 : f32 to vector<16xf32>
    %swap3A_971 = arith.constant 121 : i32
    %swap3A_972 = arith.index_cast %swap3A_971 : i32 to index
    %swap3A_973 = arith.constant 0 : index
    %swap3A_974 = tpu.vector_load %arg6[%swap3A_972, %swap3A_973] {strides = array<i32>} : memref<125x16xf32, #tpu.memory_space<vmem>>, vector<1x16xf32>,
    %swap3A_975 = vector.shape_cast %swap3A_974 : vector<1x16xf32> to vector<16xf32>
    %swap3A_976 = vector.shape_cast %broadcast_in_dim3A_970 : vector<16xf32> to vector<1x16xf32>
    tpu.vector_store %arg6[%swap3A_972, %swap3A_973], %swap3A_976 {strides = array<i32>} : memref<125x16xf32, #tpu.memory_space<vmem>>, vector<1x16xf32>,
    %broadcast_in_dim3A_977 = arith.constant 1.000000e+00 : f32
    %broadcast_in_dim3A_978 = vector.broadcast %broadcast_in_dim3A_977 : f32 to vector<16xf32>
    %swap3A_979 = arith.constant 122 : i32
    %swap3A_980 = arith.index_cast %swap3A_979 : i32 to index
    %swap3A_981 = arith.constant 0 : index
    %swap3A_982 = tpu.vector_load %arg6[%swap3A_980, %swap3A_981] {strides = array<i32>} : memref<125x16xf32, #tpu.memory_space<vmem>>, vector<1x16xf32>,
    %swap3A_983 = vector.shape_cast %swap3A_982 : vector<1x16xf32> to vector<16xf32>
    %swap3A_984 = vector.shape_cast %broadcast_in_dim3A_978 : vector<16xf32> to vector<1x16xf32>
    tpu.vector_store %arg6[%swap3A_980, %swap3A_981], %swap3A_984 {strides = array<i32>} : memref<125x16xf32, #tpu.memory_space<vmem>>, vector<1x16xf32>,
    %broadcast_in_dim3A_985 = arith.constant 1.000000e+00 : f32
    %broadcast_in_dim3A_986 = vector.broadcast %broadcast_in_dim3A_985 : f32 to vector<16xf32>
    %swap3A_987 = arith.constant 123 : i32
    %swap3A_988 = arith.index_cast %swap3A_987 : i32 to index
    %swap3A_989 = arith.constant 0 : index
    %swap3A_990 = tpu.vector_load %arg6[%swap3A_988, %swap3A_989] {strides = array<i32>} : memref<125x16xf32, #tpu.memory_space<vmem>>, vector<1x16xf32>,
    %swap3A_991 = vector.shape_cast %swap3A_990 : vector<1x16xf32> to vector<16xf32>
    %swap3A_992 = vector.shape_cast %broadcast_in_dim3A_986 : vector<16xf32> to vector<1x16xf32>
    tpu.vector_store %arg6[%swap3A_988, %swap3A_989], %swap3A_992 {strides = array<i32>} : memref<125x16xf32, #tpu.memory_space<vmem>>, vector<1x16xf32>,
    %broadcast_in_dim3A_993 = arith.constant 1.000000e+00 : f32
    %broadcast_in_dim3A_994 = vector.broadcast %broadcast_in_dim3A_993 : f32 to vector<16xf32>
    %swap3A_995 = arith.constant 124 : i32
    %swap3A_996 = arith.index_cast %swap3A_995 : i32 to index
    %swap3A_997 = arith.constant 0 : index
    %swap3A_998 = tpu.vector_load %arg6[%swap3A_996, %swap3A_997] {strides = array<i32>} : memref<125x16xf32, #tpu.memory_space<vmem>>, vector<1x16xf32>,
    %swap3A_999 = vector.shape_cast %swap3A_998 : vector<1x16xf32> to vector<16xf32>
    %swap3A_1000 = vector.shape_cast %broadcast_in_dim3A_994 : vector<16xf32> to vector<1x16xf32>
    tpu.vector_store %arg6[%swap3A_996, %swap3A_997], %swap3A_1000 {strides = array<i32>} : memref<125x16xf32, #tpu.memory_space<vmem>>, vector<1x16xf32>,
    %barrier3A = arith.constant 0 : index
    tpu.barrier barrier_id(%barrier3A)
    %scan3A = arith.constant 0 : i32
    %scan3A_1001 = arith.constant 0 : i32
    %scan3A_1002 = arith.constant 0 : i32
    %scan3A_1003 = arith.constant 80 : i32
    %scan3A_1004 = arith.addi %scan3A_1002, %scan3A_1003 : i32
    %scan3A_1005 = arith.constant 1 : i32
    scf.for %scan3A_1151 = %scan3A_1002 to %scan3A_1004 step %scan3A_1005  : i32 {
      %dma_start3A = arith.constant 0 : i32
      %dma_start3A_1152 = tpu.memref_slice %arg5[%scan3A_1151, %dma_start3A] : memref<80x125xi32, #tpu.memory_space<vmem>> -> memref<1x125xi32, #tpu.memory_space<vmem>>
      %dma_start3A_1153 = tpu.memref_squeeze %dma_start3A_1152 : memref<1x125xi32, #tpu.memory_space<vmem>> -> memref<125xi32, #tpu.memory_space<vmem>>
      %dma_start3A_1154 = arith.constant 0 : i32
      %dma_start3A_1155 = arith.constant 0 : i32
      %dma_start3A_1156 = tpu.memref_slice %arg7[%dma_start3A_1154, %dma_start3A_1155] : memref<10240x16xf32, #tpu.memory_space<vmem_shared>> -> memref<10240x16xf32, #tpu.memory_space<vmem_shared>>
      tpu.enqueue_indirect_dma source(%arg6 : memref<125x16xf32, #tpu.memory_space<vmem>>) target(%dma_start3A_1156 : memref<10240x16xf32, #tpu.memory_space<vmem_shared>>) offsets(%dma_start3A_1153 : memref<125xi32, #tpu.memory_space<vmem>>) semaphore(%arg8 : memref<!tpu.dma_semaphore, #tpu.memory_space<semaphore_mem>>) {add = true}
      %ge3A = arith.constant 16 : i32
      %ge3A_1157 = arith.cmpi sge, %scan3A_1151, %ge3A : i32
      %convert_element_type3A = arith.extui %ge3A_1157 : i1 to i32
      %cond3A = arith.constant 0 : i32
      %cond3A_1158 = arith.cmpi ne, %convert_element_type3A, %cond3A : i32
      scf.if %cond3A_1158 {
        %dma_wait3A_1159 = arith.constant 0 : i32
        %dma_wait3A_1160 = arith.constant 0 : i32
        %dma_wait3A_1161 = tpu.memref_slice %arg4[%scan3A_1001, %dma_wait3A_1159, %dma_wait3A_1160] : memref<2x10240x16xf32, #tpu.memory_space<hbm>> -> memref<1x125x16xf32, #tpu.memory_space<hbm>>
        %dma_wait3A_1162 = tpu.memref_squeeze %dma_wait3A_1161 : memref<1x125x16xf32, #tpu.memory_space<hbm>> -> memref<125x16xf32, #tpu.memory_space<hbm>>
        %dma_wait3A_1163 = arith.constant 0 : i32
        %dma_wait3A_1164 = arith.constant 0 : i32
        %dma_wait3A_1165 = tpu.memref_slice %arg4[%scan3A_1001, %dma_wait3A_1163, %dma_wait3A_1164] : memref<2x10240x16xf32, #tpu.memory_space<hbm>> -> memref<1x125x16xf32, #tpu.memory_space<hbm>>
        %dma_wait3A_1166 = tpu.memref_squeeze %dma_wait3A_1165 : memref<1x125x16xf32, #tpu.memory_space<hbm>> -> memref<125x16xf32, #tpu.memory_space<hbm>>
        tpu.wait_dma2 semaphore(%arg8 : memref<!tpu.dma_semaphore, #tpu.memory_space<semaphore_mem>>) src(%dma_wait3A_1166 : memref<125x16xf32, #tpu.memory_space<hbm>>) dst(%arg6 : memref<125x16xf32, #tpu.memory_space<vmem>>)
      } else {
      }
    }
    %scan3A_1006 = arith.constant 80 : i32
    %dma_wait3A = arith.constant 0 : i32
    %dma_wait3A_1007 = arith.constant 0 : i32
    %dma_wait3A_1008 = arith.constant 0 : i32
    %dma_wait3A_1009 = tpu.memref_slice %arg4[%dma_wait3A, %dma_wait3A_1007, %dma_wait3A_1008] : memref<2x10240x16xf32, #tpu.memory_space<hbm>> -> memref<1x125x16xf32, #tpu.memory_space<hbm>>
    %dma_wait3A_1010 = tpu.memref_squeeze %dma_wait3A_1009 : memref<1x125x16xf32, #tpu.memory_space<hbm>> -> memref<125x16xf32, #tpu.memory_space<hbm>>
    %dma_wait3A_1011 = arith.constant 0 : i32
    %dma_wait3A_1012 = arith.constant 0 : i32
    %dma_wait3A_1013 = tpu.memref_slice %arg4[%dma_wait3A, %dma_wait3A_1011, %dma_wait3A_1012] : memref<2x10240x16xf32, #tpu.memory_space<hbm>> -> memref<1x125x16xf32, #tpu.memory_space<hbm>>
    %dma_wait3A_1014 = tpu.memref_squeeze %dma_wait3A_1013 : memref<1x125x16xf32, #tpu.memory_space<hbm>> -> memref<125x16xf32, #tpu.memory_space<hbm>>
    tpu.wait_dma2 semaphore(%arg8 : memref<!tpu.dma_semaphore, #tpu.memory_space<semaphore_mem>>) src(%dma_wait3A_1014 : memref<125x16xf32, #tpu.memory_space<hbm>>) dst(%arg6 : memref<125x16xf32, #tpu.memory_space<vmem>>)
    %dma_wait3A_1015 = arith.constant 0 : i32
    %dma_wait3A_1016 = arith.constant 0 : i32
    %dma_wait3A_1017 = arith.constant 0 : i32
    %dma_wait3A_1018 = tpu.memref_slice %arg4[%dma_wait3A_1015, %dma_wait3A_1016, %dma_wait3A_1017] : memref<2x10240x16xf32, #tpu.memory_space<hbm>> -> memref<1x125x16xf32, #tpu.memory_space<hbm>>
    %dma_wait3A_1019 = tpu.memref_squeeze %dma_wait3A_1018 : memref<1x125x16xf32, #tpu.memory_space<hbm>> -> memref<125x16xf32, #tpu.memory_space<hbm>>
    %dma_wait3A_1020 = arith.constant 0 : i32
    %dma_wait3A_1021 = arith.constant 0 : i32
    %dma_wait3A_1022 = tpu.memref_slice %arg4[%dma_wait3A_1015, %dma_wait3A_1020, %dma_wait3A_1021] : memref<2x10240x16xf32, #tpu.memory_space<hbm>> -> memref<1x125x16xf32, #tpu.memory_space<hbm>>
    %dma_wait3A_1023 = tpu.memref_squeeze %dma_wait3A_1022 : memref<1x125x16xf32, #tpu.memory_space<hbm>> -> memref<125x16xf32, #tpu.memory_space<hbm>>
    tpu.wait_dma2 semaphore(%arg8 : memref<!tpu.dma_semaphore, #tpu.memory_space<semaphore_mem>>) src(%dma_wait3A_1023 : memref<125x16xf32, #tpu.memory_space<hbm>>) dst(%arg6 : memref<125x16xf32, #tpu.memory_space<vmem>>)
    %dma_wait3A_1024 = arith.constant 0 : i32
    %dma_wait3A_1025 = arith.constant 0 : i32
    %dma_wait3A_1026 = arith.constant 0 : i32
    %dma_wait3A_1027 = tpu.memref_slice %arg4[%dma_wait3A_1024, %dma_wait3A_1025, %dma_wait3A_1026] : memref<2x10240x16xf32, #tpu.memory_space<hbm>> -> memref<1x125x16xf32, #tpu.memory_space<hbm>>
    %dma_wait3A_1028 = tpu.memref_squeeze %dma_wait3A_1027 : memref<1x125x16xf32, #tpu.memory_space<hbm>> -> memref<125x16xf32, #tpu.memory_space<hbm>>
    %dma_wait3A_1029 = arith.constant 0 : i32
    %dma_wait3A_1030 = arith.constant 0 : i32
    %dma_wait3A_1031 = tpu.memref_slice %arg4[%dma_wait3A_1024, %dma_wait3A_1029, %dma_wait3A_1030] : memref<2x10240x16xf32, #tpu.memory_space<hbm>> -> memref<1x125x16xf32, #tpu.memory_space<hbm>>
    %dma_wait3A_1032 = tpu.memref_squeeze %dma_wait3A_1031 : memref<1x125x16xf32, #tpu.memory_space<hbm>> -> memref<125x16xf32, #tpu.memory_space<hbm>>
    tpu.wait_dma2 semaphore(%arg8 : memref<!tpu.dma_semaphore, #tpu.memory_space<semaphore_mem>>) src(%dma_wait3A_1032 : memref<125x16xf32, #tpu.memory_space<hbm>>) dst(%arg6 : memref<125x16xf32, #tpu.memory_space<vmem>>)
    %dma_wait3A_1033 = arith.constant 0 : i32
    %dma_wait3A_1034 = arith.constant 0 : i32
    %dma_wait3A_1035 = arith.constant 0 : i32
    %dma_wait3A_1036 = tpu.memref_slice %arg4[%dma_wait3A_1033, %dma_wait3A_1034, %dma_wait3A_1035] : memref<2x10240x16xf32, #tpu.memory_space<hbm>> -> memref<1x125x16xf32, #tpu.memory_space<hbm>>
    %dma_wait3A_1037 = tpu.memref_squeeze %dma_wait3A_1036 : memref<1x125x16xf32, #tpu.memory_space<hbm>> -> memref<125x16xf32, #tpu.memory_space<hbm>>
    %dma_wait3A_1038 = arith.constant 0 : i32
    %dma_wait3A_1039 = arith.constant 0 : i32
    %dma_wait3A_1040 = tpu.memref_slice %arg4[%dma_wait3A_1033, %dma_wait3A_1038, %dma_wait3A_1039] : memref<2x10240x16xf32, #tpu.memory_space<hbm>> -> memref<1x125x16xf32, #tpu.memory_space<hbm>>
    %dma_wait3A_1041 = tpu.memref_squeeze %dma_wait3A_1040 : memref<1x125x16xf32, #tpu.memory_space<hbm>> -> memref<125x16xf32, #tpu.memory_space<hbm>>
    tpu.wait_dma2 semaphore(%arg8 : memref<!tpu.dma_semaphore, #tpu.memory_space<semaphore_mem>>) src(%dma_wait3A_1041 : memref<125x16xf32, #tpu.memory_space<hbm>>) dst(%arg6 : memref<125x16xf32, #tpu.memory_space<vmem>>)
    %dma_wait3A_1042 = arith.constant 0 : i32
    %dma_wait3A_1043 = arith.constant 0 : i32
    %dma_wait3A_1044 = arith.constant 0 : i32
    %dma_wait3A_1045 = tpu.memref_slice %arg4[%dma_wait3A_1042, %dma_wait3A_1043, %dma_wait3A_1044] : memref<2x10240x16xf32, #tpu.memory_space<hbm>> -> memref<1x125x16xf32, #tpu.memory_space<hbm>>
    %dma_wait3A_1046 = tpu.memref_squeeze %dma_wait3A_1045 : memref<1x125x16xf32, #tpu.memory_space<hbm>> -> memref<125x16xf32, #tpu.memory_space<hbm>>
    %dma_wait3A_1047 = arith.constant 0 : i32
    %dma_wait3A_1048 = arith.constant 0 : i32
    %dma_wait3A_1049 = tpu.memref_slice %arg4[%dma_wait3A_1042, %dma_wait3A_1047, %dma_wait3A_1048] : memref<2x10240x16xf32, #tpu.memory_space<hbm>> -> memref<1x125x16xf32, #tpu.memory_space<hbm>>
    %dma_wait3A_1050 = tpu.memref_squeeze %dma_wait3A_1049 : memref<1x125x16xf32, #tpu.memory_space<hbm>> -> memref<125x16xf32, #tpu.memory_space<hbm>>
    tpu.wait_dma2 semaphore(%arg8 : memref<!tpu.dma_semaphore, #tpu.memory_space<semaphore_mem>>) src(%dma_wait3A_1050 : memref<125x16xf32, #tpu.memory_space<hbm>>) dst(%arg6 : memref<125x16xf32, #tpu.memory_space<vmem>>)
    %dma_wait3A_1051 = arith.constant 0 : i32
    %dma_wait3A_1052 = arith.constant 0 : i32
    %dma_wait3A_1053 = arith.constant 0 : i32
    %dma_wait3A_1054 = tpu.memref_slice %arg4[%dma_wait3A_1051, %dma_wait3A_1052, %dma_wait3A_1053] : memref<2x10240x16xf32, #tpu.memory_space<hbm>> -> memref<1x125x16xf32, #tpu.memory_space<hbm>>
    %dma_wait3A_1055 = tpu.memref_squeeze %dma_wait3A_1054 : memref<1x125x16xf32, #tpu.memory_space<hbm>> -> memref<125x16xf32, #tpu.memory_space<hbm>>
    %dma_wait3A_1056 = arith.constant 0 : i32
    %dma_wait3A_1057 = arith.constant 0 : i32
    %dma_wait3A_1058 = tpu.memref_slice %arg4[%dma_wait3A_1051, %dma_wait3A_1056, %dma_wait3A_1057] : memref<2x10240x16xf32, #tpu.memory_space<hbm>> -> memref<1x125x16xf32, #tpu.memory_space<hbm>>
    %dma_wait3A_1059 = tpu.memref_squeeze %dma_wait3A_1058 : memref<1x125x16xf32, #tpu.memory_space<hbm>> -> memref<125x16xf32, #tpu.memory_space<hbm>>
    tpu.wait_dma2 semaphore(%arg8 : memref<!tpu.dma_semaphore, #tpu.memory_space<semaphore_mem>>) src(%dma_wait3A_1059 : memref<125x16xf32, #tpu.memory_space<hbm>>) dst(%arg6 : memref<125x16xf32, #tpu.memory_space<vmem>>)
    %dma_wait3A_1060 = arith.constant 0 : i32
    %dma_wait3A_1061 = arith.constant 0 : i32
    %dma_wait3A_1062 = arith.constant 0 : i32
    %dma_wait3A_1063 = tpu.memref_slice %arg4[%dma_wait3A_1060, %dma_wait3A_1061, %dma_wait3A_1062] : memref<2x10240x16xf32, #tpu.memory_space<hbm>> -> memref<1x125x16xf32, #tpu.memory_space<hbm>>
    %dma_wait3A_1064 = tpu.memref_squeeze %dma_wait3A_1063 : memref<1x125x16xf32, #tpu.memory_space<hbm>> -> memref<125x16xf32, #tpu.memory_space<hbm>>
    %dma_wait3A_1065 = arith.constant 0 : i32
    %dma_wait3A_1066 = arith.constant 0 : i32
    %dma_wait3A_1067 = tpu.memref_slice %arg4[%dma_wait3A_1060, %dma_wait3A_1065, %dma_wait3A_1066] : memref<2x10240x16xf32, #tpu.memory_space<hbm>> -> memref<1x125x16xf32, #tpu.memory_space<hbm>>
    %dma_wait3A_1068 = tpu.memref_squeeze %dma_wait3A_1067 : memref<1x125x16xf32, #tpu.memory_space<hbm>> -> memref<125x16xf32, #tpu.memory_space<hbm>>
    tpu.wait_dma2 semaphore(%arg8 : memref<!tpu.dma_semaphore, #tpu.memory_space<semaphore_mem>>) src(%dma_wait3A_1068 : memref<125x16xf32, #tpu.memory_space<hbm>>) dst(%arg6 : memref<125x16xf32, #tpu.memory_space<vmem>>)
    %dma_wait3A_1069 = arith.constant 0 : i32
    %dma_wait3A_1070 = arith.constant 0 : i32
    %dma_wait3A_1071 = arith.constant 0 : i32
    %dma_wait3A_1072 = tpu.memref_slice %arg4[%dma_wait3A_1069, %dma_wait3A_1070, %dma_wait3A_1071] : memref<2x10240x16xf32, #tpu.memory_space<hbm>> -> memref<1x125x16xf32, #tpu.memory_space<hbm>>
    %dma_wait3A_1073 = tpu.memref_squeeze %dma_wait3A_1072 : memref<1x125x16xf32, #tpu.memory_space<hbm>> -> memref<125x16xf32, #tpu.memory_space<hbm>>
    %dma_wait3A_1074 = arith.constant 0 : i32
    %dma_wait3A_1075 = arith.constant 0 : i32
    %dma_wait3A_1076 = tpu.memref_slice %arg4[%dma_wait3A_1069, %dma_wait3A_1074, %dma_wait3A_1075] : memref<2x10240x16xf32, #tpu.memory_space<hbm>> -> memref<1x125x16xf32, #tpu.memory_space<hbm>>
    %dma_wait3A_1077 = tpu.memref_squeeze %dma_wait3A_1076 : memref<1x125x16xf32, #tpu.memory_space<hbm>> -> memref<125x16xf32, #tpu.memory_space<hbm>>
    tpu.wait_dma2 semaphore(%arg8 : memref<!tpu.dma_semaphore, #tpu.memory_space<semaphore_mem>>) src(%dma_wait3A_1077 : memref<125x16xf32, #tpu.memory_space<hbm>>) dst(%arg6 : memref<125x16xf32, #tpu.memory_space<vmem>>)
    %dma_wait3A_1078 = arith.constant 0 : i32
    %dma_wait3A_1079 = arith.constant 0 : i32
    %dma_wait3A_1080 = arith.constant 0 : i32
    %dma_wait3A_1081 = tpu.memref_slice %arg4[%dma_wait3A_1078, %dma_wait3A_1079, %dma_wait3A_1080] : memref<2x10240x16xf32, #tpu.memory_space<hbm>> -> memref<1x125x16xf32, #tpu.memory_space<hbm>>
    %dma_wait3A_1082 = tpu.memref_squeeze %dma_wait3A_1081 : memref<1x125x16xf32, #tpu.memory_space<hbm>> -> memref<125x16xf32, #tpu.memory_space<hbm>>
    %dma_wait3A_1083 = arith.constant 0 : i32
    %dma_wait3A_1084 = arith.constant 0 : i32
    %dma_wait3A_1085 = tpu.memref_slice %arg4[%dma_wait3A_1078, %dma_wait3A_1083, %dma_wait3A_1084] : memref<2x10240x16xf32, #tpu.memory_space<hbm>> -> memref<1x125x16xf32, #tpu.memory_space<hbm>>
    %dma_wait3A_1086 = tpu.memref_squeeze %dma_wait3A_1085 : memref<1x125x16xf32, #tpu.memory_space<hbm>> -> memref<125x16xf32, #tpu.memory_space<hbm>>
    tpu.wait_dma2 semaphore(%arg8 : memref<!tpu.dma_semaphore, #tpu.memory_space<semaphore_mem>>) src(%dma_wait3A_1086 : memref<125x16xf32, #tpu.memory_space<hbm>>) dst(%arg6 : memref<125x16xf32, #tpu.memory_space<vmem>>)
    %dma_wait3A_1087 = arith.constant 0 : i32
    %dma_wait3A_1088 = arith.constant 0 : i32
    %dma_wait3A_1089 = arith.constant 0 : i32
    %dma_wait3A_1090 = tpu.memref_slice %arg4[%dma_wait3A_1087, %dma_wait3A_1088, %dma_wait3A_1089] : memref<2x10240x16xf32, #tpu.memory_space<hbm>> -> memref<1x125x16xf32, #tpu.memory_space<hbm>>
    %dma_wait3A_1091 = tpu.memref_squeeze %dma_wait3A_1090 : memref<1x125x16xf32, #tpu.memory_space<hbm>> -> memref<125x16xf32, #tpu.memory_space<hbm>>
    %dma_wait3A_1092 = arith.constant 0 : i32
    %dma_wait3A_1093 = arith.constant 0 : i32
    %dma_wait3A_1094 = tpu.memref_slice %arg4[%dma_wait3A_1087, %dma_wait3A_1092, %dma_wait3A_1093] : memref<2x10240x16xf32, #tpu.memory_space<hbm>> -> memref<1x125x16xf32, #tpu.memory_space<hbm>>
    %dma_wait3A_1095 = tpu.memref_squeeze %dma_wait3A_1094 : memref<1x125x16xf32, #tpu.memory_space<hbm>> -> memref<125x16xf32, #tpu.memory_space<hbm>>
    tpu.wait_dma2 semaphore(%arg8 : memref<!tpu.dma_semaphore, #tpu.memory_space<semaphore_mem>>) src(%dma_wait3A_1095 : memref<125x16xf32, #tpu.memory_space<hbm>>) dst(%arg6 : memref<125x16xf32, #tpu.memory_space<vmem>>)
    %dma_wait3A_1096 = arith.constant 0 : i32
    %dma_wait3A_1097 = arith.constant 0 : i32
    %dma_wait3A_1098 = arith.constant 0 : i32
    %dma_wait3A_1099 = tpu.memref_slice %arg4[%dma_wait3A_1096, %dma_wait3A_1097, %dma_wait3A_1098] : memref<2x10240x16xf32, #tpu.memory_space<hbm>> -> memref<1x125x16xf32, #tpu.memory_space<hbm>>
    %dma_wait3A_1100 = tpu.memref_squeeze %dma_wait3A_1099 : memref<1x125x16xf32, #tpu.memory_space<hbm>> -> memref<125x16xf32, #tpu.memory_space<hbm>>
    %dma_wait3A_1101 = arith.constant 0 : i32
    %dma_wait3A_1102 = arith.constant 0 : i32
    %dma_wait3A_1103 = tpu.memref_slice %arg4[%dma_wait3A_1096, %dma_wait3A_1101, %dma_wait3A_1102] : memref<2x10240x16xf32, #tpu.memory_space<hbm>> -> memref<1x125x16xf32, #tpu.memory_space<hbm>>
    %dma_wait3A_1104 = tpu.memref_squeeze %dma_wait3A_1103 : memref<1x125x16xf32, #tpu.memory_space<hbm>> -> memref<125x16xf32, #tpu.memory_space<hbm>>
    tpu.wait_dma2 semaphore(%arg8 : memref<!tpu.dma_semaphore, #tpu.memory_space<semaphore_mem>>) src(%dma_wait3A_1104 : memref<125x16xf32, #tpu.memory_space<hbm>>) dst(%arg6 : memref<125x16xf32, #tpu.memory_space<vmem>>)
    %dma_wait3A_1105 = arith.constant 0 : i32
    %dma_wait3A_1106 = arith.constant 0 : i32
    %dma_wait3A_1107 = arith.constant 0 : i32
    %dma_wait3A_1108 = tpu.memref_slice %arg4[%dma_wait3A_1105, %dma_wait3A_1106, %dma_wait3A_1107] : memref<2x10240x16xf32, #tpu.memory_space<hbm>> -> memref<1x125x16xf32, #tpu.memory_space<hbm>>
    %dma_wait3A_1109 = tpu.memref_squeeze %dma_wait3A_1108 : memref<1x125x16xf32, #tpu.memory_space<hbm>> -> memref<125x16xf32, #tpu.memory_space<hbm>>
    %dma_wait3A_1110 = arith.constant 0 : i32
    %dma_wait3A_1111 = arith.constant 0 : i32
    %dma_wait3A_1112 = tpu.memref_slice %arg4[%dma_wait3A_1105, %dma_wait3A_1110, %dma_wait3A_1111] : memref<2x10240x16xf32, #tpu.memory_space<hbm>> -> memref<1x125x16xf32, #tpu.memory_space<hbm>>
    %dma_wait3A_1113 = tpu.memref_squeeze %dma_wait3A_1112 : memref<1x125x16xf32, #tpu.memory_space<hbm>> -> memref<125x16xf32, #tpu.memory_space<hbm>>
    tpu.wait_dma2 semaphore(%arg8 : memref<!tpu.dma_semaphore, #tpu.memory_space<semaphore_mem>>) src(%dma_wait3A_1113 : memref<125x16xf32, #tpu.memory_space<hbm>>) dst(%arg6 : memref<125x16xf32, #tpu.memory_space<vmem>>)
    %dma_wait3A_1114 = arith.constant 0 : i32
    %dma_wait3A_1115 = arith.constant 0 : i32
    %dma_wait3A_1116 = arith.constant 0 : i32
    %dma_wait3A_1117 = tpu.memref_slice %arg4[%dma_wait3A_1114, %dma_wait3A_1115, %dma_wait3A_1116] : memref<2x10240x16xf32, #tpu.memory_space<hbm>> -> memref<1x125x16xf32, #tpu.memory_space<hbm>>
    %dma_wait3A_1118 = tpu.memref_squeeze %dma_wait3A_1117 : memref<1x125x16xf32, #tpu.memory_space<hbm>> -> memref<125x16xf32, #tpu.memory_space<hbm>>
    %dma_wait3A_1119 = arith.constant 0 : i32
    %dma_wait3A_1120 = arith.constant 0 : i32
    %dma_wait3A_1121 = tpu.memref_slice %arg4[%dma_wait3A_1114, %dma_wait3A_1119, %dma_wait3A_1120] : memref<2x10240x16xf32, #tpu.memory_space<hbm>> -> memref<1x125x16xf32, #tpu.memory_space<hbm>>
    %dma_wait3A_1122 = tpu.memref_squeeze %dma_wait3A_1121 : memref<1x125x16xf32, #tpu.memory_space<hbm>> -> memref<125x16xf32, #tpu.memory_space<hbm>>
    tpu.wait_dma2 semaphore(%arg8 : memref<!tpu.dma_semaphore, #tpu.memory_space<semaphore_mem>>) src(%dma_wait3A_1122 : memref<125x16xf32, #tpu.memory_space<hbm>>) dst(%arg6 : memref<125x16xf32, #tpu.memory_space<vmem>>)
    %dma_wait3A_1123 = arith.constant 0 : i32
    %dma_wait3A_1124 = arith.constant 0 : i32
    %dma_wait3A_1125 = arith.constant 0 : i32
    %dma_wait3A_1126 = tpu.memref_slice %arg4[%dma_wait3A_1123, %dma_wait3A_1124, %dma_wait3A_1125] : memref<2x10240x16xf32, #tpu.memory_space<hbm>> -> memref<1x125x16xf32, #tpu.memory_space<hbm>>
    %dma_wait3A_1127 = tpu.memref_squeeze %dma_wait3A_1126 : memref<1x125x16xf32, #tpu.memory_space<hbm>> -> memref<125x16xf32, #tpu.memory_space<hbm>>
    %dma_wait3A_1128 = arith.constant 0 : i32
    %dma_wait3A_1129 = arith.constant 0 : i32
    %dma_wait3A_1130 = tpu.memref_slice %arg4[%dma_wait3A_1123, %dma_wait3A_1128, %dma_wait3A_1129] : memref<2x10240x16xf32, #tpu.memory_space<hbm>> -> memref<1x125x16xf32, #tpu.memory_space<hbm>>
    %dma_wait3A_1131 = tpu.memref_squeeze %dma_wait3A_1130 : memref<1x125x16xf32, #tpu.memory_space<hbm>> -> memref<125x16xf32, #tpu.memory_space<hbm>>
    tpu.wait_dma2 semaphore(%arg8 : memref<!tpu.dma_semaphore, #tpu.memory_space<semaphore_mem>>) src(%dma_wait3A_1131 : memref<125x16xf32, #tpu.memory_space<hbm>>) dst(%arg6 : memref<125x16xf32, #tpu.memory_space<vmem>>)
    %dma_wait3A_1132 = arith.constant 0 : i32
    %dma_wait3A_1133 = arith.constant 0 : i32
    %dma_wait3A_1134 = arith.constant 0 : i32
    %dma_wait3A_1135 = tpu.memref_slice %arg4[%dma_wait3A_1132, %dma_wait3A_1133, %dma_wait3A_1134] : memref<2x10240x16xf32, #tpu.memory_space<hbm>> -> memref<1x125x16xf32, #tpu.memory_space<hbm>>
    %dma_wait3A_1136 = tpu.memref_squeeze %dma_wait3A_1135 : memref<1x125x16xf32, #tpu.memory_space<hbm>> -> memref<125x16xf32, #tpu.memory_space<hbm>>
    %dma_wait3A_1137 = arith.constant 0 : i32
    %dma_wait3A_1138 = arith.constant 0 : i32
    %dma_wait3A_1139 = tpu.memref_slice %arg4[%dma_wait3A_1132, %dma_wait3A_1137, %dma_wait3A_1138] : memref<2x10240x16xf32, #tpu.memory_space<hbm>> -> memref<1x125x16xf32, #tpu.memory_space<hbm>>
    %dma_wait3A_1140 = tpu.memref_squeeze %dma_wait3A_1139 : memref<1x125x16xf32, #tpu.memory_space<hbm>> -> memref<125x16xf32, #tpu.memory_space<hbm>>
    tpu.wait_dma2 semaphore(%arg8 : memref<!tpu.dma_semaphore, #tpu.memory_space<semaphore_mem>>) src(%dma_wait3A_1140 : memref<125x16xf32, #tpu.memory_space<hbm>>) dst(%arg6 : memref<125x16xf32, #tpu.memory_space<vmem>>)
    %dma_wait3A_1141 = arith.constant 0 : i32
    %dma_wait3A_1142 = arith.constant 0 : i32
    %dma_wait3A_1143 = arith.constant 0 : i32
    %dma_wait3A_1144 = tpu.memref_slice %arg4[%dma_wait3A_1141, %dma_wait3A_1142, %dma_wait3A_1143] : memref<2x10240x16xf32, #tpu.memory_space<hbm>> -> memref<1x125x16xf32, #tpu.memory_space<hbm>>
    %dma_wait3A_1145 = tpu.memref_squeeze %dma_wait3A_1144 : memref<1x125x16xf32, #tpu.memory_space<hbm>> -> memref<125x16xf32, #tpu.memory_space<hbm>>
    %dma_wait3A_1146 = arith.constant 0 : i32
    %dma_wait3A_1147 = arith.constant 0 : i32
    %dma_wait3A_1148 = tpu.memref_slice %arg4[%dma_wait3A_1141, %dma_wait3A_1146, %dma_wait3A_1147] : memref<2x10240x16xf32, #tpu.memory_space<hbm>> -> memref<1x125x16xf32, #tpu.memory_space<hbm>>
    %dma_wait3A_1149 = tpu.memref_squeeze %dma_wait3A_1148 : memref<1x125x16xf32, #tpu.memory_space<hbm>> -> memref<125x16xf32, #tpu.memory_space<hbm>>
    tpu.wait_dma2 semaphore(%arg8 : memref<!tpu.dma_semaphore, #tpu.memory_space<semaphore_mem>>) src(%dma_wait3A_1149 : memref<125x16xf32, #tpu.memory_space<hbm>>) dst(%arg6 : memref<125x16xf32, #tpu.memory_space<vmem>>)
    %barrier3A_1150 = arith.constant 0 : index
    tpu.barrier barrier_id(%barrier3A_1150)
    "tpu.region"() ({
      %run_scoped3A_1151 = tpu.sem_alloc : memref<!tpu.dma_semaphore, #tpu.memory_space<semaphore_mem>>
      %dma_start3A = arith.constant 0 : i32
      %dma_start3A_1152 = tpu.memref_slice %arg4[%arg0, %mul3A_2, %dma_start3A] : memref<2x10240x16xf32, #tpu.memory_space<hbm>> -> memref<1x640x16xf32, #tpu.memory_space<hbm>>
      %dma_start3A_1153 = tpu.memref_squeeze %dma_start3A_1152 : memref<1x640x16xf32, #tpu.memory_space<hbm>> -> memref<640x16xf32, #tpu.memory_space<hbm>>
      %dma_start3A_1154 = arith.constant 0 : i32
      %dma_start3A_1155 = tpu.memref_slice %arg7[%mul3A_2, %dma_start3A_1154] : memref<10240x16xf32, #tpu.memory_space<vmem_shared>> -> memref<640x16xf32, #tpu.memory_space<vmem_shared>>
      tpu.enqueue_dma source(%dma_start3A_1155 : memref<640x16xf32, #tpu.memory_space<vmem_shared>>) target(%dma_start3A_1153 : memref<640x16xf32, #tpu.memory_space<hbm>>) target_semaphore(%run_scoped3A_1151 : memref<!tpu.dma_semaphore, #tpu.memory_space<semaphore_mem>>)
      %dma_wait3A_1156 = arith.constant 0 : i32
      %dma_wait3A_1157 = tpu.memref_slice %arg4[%arg0, %mul3A_2, %dma_wait3A_1156] : memref<2x10240x16xf32, #tpu.memory_space<hbm>> -> memref<1x640x16xf32, #tpu.memory_space<hbm>>
      %dma_wait3A_1158 = tpu.memref_squeeze %dma_wait3A_1157 : memref<1x640x16xf32, #tpu.memory_space<hbm>> -> memref<640x16xf32, #tpu.memory_space<hbm>>
      %dma_wait3A_1159 = arith.constant 0 : i32
      %dma_wait3A_1160 = tpu.memref_slice %arg7[%mul3A_2, %dma_wait3A_1159] : memref<10240x16xf32, #tpu.memory_space<vmem_shared>> -> memref<640x16xf32, #tpu.memory_space<vmem_shared>>
      tpu.wait_dma2 semaphore(%run_scoped3A_1151 : memref<!tpu.dma_semaphore, #tpu.memory_space<semaphore_mem>>) src(%dma_wait3A_1160 : memref<640x16xf32, #tpu.memory_space<vmem_shared>>) dst(%dma_wait3A_1158 : memref<640x16xf32, #tpu.memory_space<hbm>>)
      tpu.yield
    }) : () -> ()
    return
  }
}

module attributes {stable_mosaic.version = 14 : i64} {
  func.func @_mm1_body(%arg0: memref<10000x128xf32, #tpu.memory_space<vmem>>, %arg1: memref<128x16xf32, #tpu.memory_space<vmem>>, %arg2: memref<10240x16xf32, #tpu.memory_space<vmem>>) attributes {dimension_semantics = [], scalar_prefetch = 0 : i64, scratch_operands = 0 : i64, tpu.core_type = #tpu.core_type<tc>} {
    %get3A = arith.constant 0 : index
    %get3A_0 = arith.constant 0 : index
    %get3A_1 = vector.load %arg0[%get3A, %get3A_0] : memref<10000x128xf32, #tpu.memory_space<vmem>>, vector<10000x128xf32>
    %get3A_2 = arith.constant 0 : index
    %get3A_3 = arith.constant 0 : index
    %get3A_4 = vector.load %arg1[%get3A_2, %get3A_3] : memref<128x16xf32, #tpu.memory_space<vmem>>, vector<128x16xf32>
    %dot_general3A = arith.constant dense<0.000000e+00> : vector<10000x16xf32>
    %dot_general3A_5 = tpu.matmul %get3A_1, %get3A_4, %dot_general3A {dimension_numbers = #tpu.dot_dimension_numbers<[1], [0], [0], [1], [0, 0, 1, 1], [], []>, transpose_lhs_hint = false} : vector<10000x128xf32>, vector<128x16xf32>, vector<10000x16xf32> -> vector<10000x16xf32>
    %broadcast_in_dim3A = arith.constant 0.000000e+00 : f32
    %broadcast_in_dim3A_6 = vector.broadcast %broadcast_in_dim3A : f32 to vector<240x16xf32>
    %concatenate3A = tpu.concatenate %dot_general3A_5, %broadcast_in_dim3A_6 in 0 : vector<10000x16xf32>, vector<240x16xf32> -> vector<10240x16xf32>
    %swap3A = arith.constant 0 : index
    %swap3A_7 = arith.constant 0 : index
    %swap3A_8 = vector.load %arg2[%swap3A, %swap3A_7] : memref<10240x16xf32, #tpu.memory_space<vmem>>, vector<10240x16xf32>
    tpu.vector_store %arg2[%swap3A, %swap3A_7], %concatenate3A {strides = array<i32>} : memref<10240x16xf32, #tpu.memory_space<vmem>>, vector<10240x16xf32>,
    return
  }
}

module attributes {stable_mosaic.version = 14 : i64} {
  func.func @_dense2_body(%arg0: memref<2x10240x16xf32, #tpu.memory_space<vmem>>, %arg1: memref<10240x16xf32, #tpu.memory_space<vmem>>, %arg2: memref<1x16xf32, #tpu.memory_space<vmem>>, %arg3: memref<16x40xf32, #tpu.memory_space<vmem>>, %arg4: memref<10000x40xf32, #tpu.memory_space<vmem>>) attributes {dimension_semantics = [], scalar_prefetch = 0 : i64, scratch_operands = 0 : i64, tpu.core_type = #tpu.core_type<tc>} {
    %get3A = arith.constant 0 : index
    %get3A_0 = arith.constant 0 : index
    %get3A_1 = vector.load %arg1[%get3A, %get3A_0] : memref<10240x16xf32, #tpu.memory_space<vmem>>, vector<10000x1xf32>
    %get3A_2 = arith.constant 0 : index
    %get3A_3 = arith.constant 0 : index
    %get3A_4 = arith.constant 0 : index
    %get3A_5 = vector.load %arg0[%get3A_2, %get3A_3, %get3A_4] : memref<2x10240x16xf32, #tpu.memory_space<vmem>>, vector<1x10000x16xf32>
    %get3A_6 = vector.shape_cast %get3A_5 : vector<1x10000x16xf32> to vector<10000x16xf32>
    %get3A_7 = arith.constant 1 : index
    %get3A_8 = arith.constant 0 : index
    %get3A_9 = arith.constant 0 : index
    %get3A_10 = vector.load %arg0[%get3A_7, %get3A_8, %get3A_9] : memref<2x10240x16xf32, #tpu.memory_space<vmem>>, vector<1x10000x16xf32>
    %get3A_11 = vector.shape_cast %get3A_10 : vector<1x10000x16xf32> to vector<10000x16xf32>
    %add3A = arith.addf %get3A_6, %get3A_11 : vector<10000x16xf32>
    %mul3A = vector.broadcast %get3A_1 : vector<10000x1xf32> to vector<10000x16xf32>
    %mul3A_12 = arith.mulf %mul3A, %add3A : vector<10000x16xf32>
    %get3A_13 = arith.constant 0 : index
    %get3A_14 = arith.constant 0 : index
    %get3A_15 = vector.load %arg2[%get3A_13, %get3A_14] : memref<1x16xf32, #tpu.memory_space<vmem>>, vector<1x16xf32>
    %add3A_16 = vector.broadcast %get3A_15 : vector<1x16xf32> to vector<10000x16xf32>
    %add3A_17 = arith.addf %mul3A_12, %add3A_16 : vector<10000x16xf32>
    %max3A = arith.constant 0.000000e+00 : f32
    %max3A_18 = vector.broadcast %max3A : f32 to vector<10000x16xf32>
    %max3A_19 = arith.maximumf %add3A_17, %max3A_18 : vector<10000x16xf32>
    %get3A_20 = arith.constant 0 : index
    %get3A_21 = arith.constant 0 : index
    %get3A_22 = vector.load %arg3[%get3A_20, %get3A_21] : memref<16x40xf32, #tpu.memory_space<vmem>>, vector<16x40xf32>
    %dot_general3A = arith.constant dense<0.000000e+00> : vector<10000x40xf32>
    %dot_general3A_23 = tpu.matmul %max3A_19, %get3A_22, %dot_general3A {dimension_numbers = #tpu.dot_dimension_numbers<[1], [0], [0], [1], [0, 0, 1, 1], [], []>, transpose_lhs_hint = false} : vector<10000x16xf32>, vector<16x40xf32>, vector<10000x40xf32> -> vector<10000x40xf32>
    %mul3A_24 = vector.broadcast %get3A_1 : vector<10000x1xf32> to vector<10000x40xf32>
    %mul3A_25 = arith.mulf %mul3A_24, %dot_general3A_23 : vector<10000x40xf32>
    %swap3A = arith.constant 0 : index
    %swap3A_26 = arith.constant 0 : index
    %swap3A_27 = vector.load %arg4[%swap3A, %swap3A_26] : memref<10000x40xf32, #tpu.memory_space<vmem>>, vector<10000x40xf32>
    tpu.vector_store %arg4[%swap3A, %swap3A_26], %mul3A_25 {strides = array<i32>} : memref<10000x40xf32, #tpu.memory_space<vmem>>, vector<10000x40xf32>,
    return
  }
}

module attributes {stable_mosaic.version = 14 : i64} {
  func.func @_dense3_body(%arg0: memref<2x10240x40xf32, #tpu.memory_space<vmem>>, %arg1: memref<10000x40xf32, #tpu.memory_space<vmem>>, %arg2: memref<10240x16xf32, #tpu.memory_space<vmem>>, %arg3: memref<1x40xf32, #tpu.memory_space<vmem>>, %arg4: memref<10000x40xf32, #tpu.memory_space<vmem>>) attributes {dimension_semantics = [], scalar_prefetch = 0 : i64, scratch_operands = 0 : i64, tpu.core_type = #tpu.core_type<tc>} {
    %get3A = arith.constant 0 : index
    %get3A_0 = arith.constant 0 : index
    %get3A_1 = vector.load %arg2[%get3A, %get3A_0] : memref<10240x16xf32, #tpu.memory_space<vmem>>, vector<10000x1xf32>
    %get3A_2 = arith.constant 0 : index
    %get3A_3 = arith.constant 0 : index
    %get3A_4 = arith.constant 0 : index
    %get3A_5 = vector.load %arg0[%get3A_2, %get3A_3, %get3A_4] : memref<2x10240x40xf32, #tpu.memory_space<vmem>>, vector<1x10000x40xf32>
    %get3A_6 = vector.shape_cast %get3A_5 : vector<1x10000x40xf32> to vector<10000x40xf32>
    %get3A_7 = arith.constant 1 : index
    %get3A_8 = arith.constant 0 : index
    %get3A_9 = arith.constant 0 : index
    %get3A_10 = vector.load %arg0[%get3A_7, %get3A_8, %get3A_9] : memref<2x10240x40xf32, #tpu.memory_space<vmem>>, vector<1x10000x40xf32>
    %get3A_11 = vector.shape_cast %get3A_10 : vector<1x10000x40xf32> to vector<10000x40xf32>
    %add3A = arith.addf %get3A_6, %get3A_11 : vector<10000x40xf32>
    %get3A_12 = arith.constant 0 : index
    %get3A_13 = arith.constant 0 : index
    %get3A_14 = vector.load %arg1[%get3A_12, %get3A_13] : memref<10000x40xf32, #tpu.memory_space<vmem>>, vector<10000x40xf32>
    %add3A_15 = arith.addf %add3A, %get3A_14 : vector<10000x40xf32>
    %mul3A = vector.broadcast %get3A_1 : vector<10000x1xf32> to vector<10000x40xf32>
    %mul3A_16 = arith.mulf %mul3A, %add3A_15 : vector<10000x40xf32>
    %get3A_17 = arith.constant 0 : index
    %get3A_18 = arith.constant 0 : index
    %get3A_19 = vector.load %arg3[%get3A_17, %get3A_18] : memref<1x40xf32, #tpu.memory_space<vmem>>, vector<1x40xf32>
    %add3A_20 = vector.broadcast %get3A_19 : vector<1x40xf32> to vector<10000x40xf32>
    %add3A_21 = arith.addf %mul3A_16, %add3A_20 : vector<10000x40xf32>
    %reduce_max3A = arith.constant dense<0xFF800000> : vector<10000xf32>
    %reduce_max3A_22 = vector.multi_reduction <maximumf>, %add3A_21, %reduce_max3A [1] : vector<10000x40xf32> to vector<10000xf32>
    %broadcast_in_dim3A = vector.shape_cast %reduce_max3A_22 : vector<10000xf32> to vector<10000x1xf32>
    %sub3A = vector.broadcast %broadcast_in_dim3A : vector<10000x1xf32> to vector<10000x40xf32>
    %sub3A_23 = arith.subf %add3A_21, %sub3A : vector<10000x40xf32>
    %exp3A = math.exp %sub3A_23 : vector<10000x40xf32>
    %reduce_sum3A = arith.constant dense<0.000000e+00> : vector<10000xf32>
    %reduce_sum3A_24 = vector.multi_reduction <add>, %exp3A, %reduce_sum3A [1] : vector<10000x40xf32> to vector<10000xf32>
    %broadcast_in_dim3A_25 = vector.shape_cast %reduce_sum3A_24 : vector<10000xf32> to vector<10000x1xf32>
    %log3A = math.log %broadcast_in_dim3A_25 : vector<10000x1xf32>
    %add3A_26 = arith.addf %log3A, %broadcast_in_dim3A : vector<10000x1xf32>
    %sub3A_27 = vector.broadcast %add3A_26 : vector<10000x1xf32> to vector<10000x40xf32>
    %sub3A_28 = arith.subf %add3A_21, %sub3A_27 : vector<10000x40xf32>
    %swap3A = arith.constant 0 : index
    %swap3A_29 = arith.constant 0 : index
    %swap3A_30 = vector.load %arg4[%swap3A, %swap3A_29] : memref<10000x40xf32, #tpu.memory_space<vmem>>, vector<10000x40xf32>
    tpu.vector_store %arg4[%swap3A, %swap3A_29], %sub3A_28 {strides = array<i32>} : memref<10000x40xf32, #tpu.memory_space<vmem>>, vector<10000x40xf32>,
    return
  }
}

</mosaic_0001>

<sc_bundles>
// kernel: kernel.11.cloned.1.call-start
scs
__scs_entry_jumppad:
0x0: {  	(pc) =	sbr.rel $0x88, $3  }
0x1: {  	(tag) =	ssettag $0x0;
	lr =	simm.s32 $0x1  }
0x2: {  	[smem:$0x3F9B] =	sst lr;
	_ =	strace $0xD0000000  }
0x3: {  	_ = 	snop  }
0x4: {  	_ = 	snop  }
0x5: {  	_ = 	snop  }
0x6: {  	_ = 	snop  }
0x7: {  	_ = 	snop  }
__scs_overlays_trampoline_lowered:
0x8: {  	[smem:$0x3FAA] =	sst s0  }
0x9: {  	[smem:$0x3FAB] =	sst s1  }
0xa: {  	[smem:$0x3FAC] =	sst s2  }
0xb: {  	[smem:$0x3FAD] =	sst s3  }
0xc: {  	[smem:$0x3FAE] =	sst s4  }
0xd: {  	[smem:$0x3FAF] =	sst s5  }
0xe: {  	[smem:$0x3FB0] =	sst s6  }
0xf: {  	[smem:$0x3FB1] =	sst s7  }
0x10: {  	[smem:$0x3FB2] =	sst s8  }
0x11: {  	[smem:$0x3FB3] =	sst s9;
	s0 =	simm.s32 @!p0 $0x0  }
0x12: {  	s1 =	sld [smem:$0x3F99];
	s0 =	simm.s32 @p0 $0x1  }
0x13: {  	[smem:$0x3FB4] =	sst s0;
	s0 =	simm.s32 @!p1 $0x0  }
0x14: {  	s2 =	sld [smem:$0x3F98];
	s0 =	simm.s32 @p1 $0x1  }
0x15: {  	[smem:$0x3FB5] =	sst s0;
	s0 =	simm.s32 @!p2 $0x0  }
0x16: {  	s3 =	sld [smem:$0x3FDB];
	s0 =	simm.s32 @p2 $0x1  }
0x17: {  	s4 =	simm.s32 $0x1BF5;
	[smem:$0x3FB7] =	sst s0  }
0x18: {  	s0 =	sld [smem:$0x3F9A];
	_ =	swait.ge [sflag:s4], $0x0  }
0x19: {  	s7 =	sld [smem:$0x3F9B]  }
0x1a: {  	s8 =	sadd.s32 $0xFFFFE003, lr  }
0x1b: {  	s9 =	sadd.s32 $0xFFFFFEF7, lr;
	s5 =	simm.s32 $0xFFFFFFFF;
	p2 =	slt.u32 s8, $0xFFFFF086  }
0x1c: {  	p1 =	slt.u32 s9, $0xF7A;
	s5 =	simm.s32 @!p2 $0x0  }
0x1d: {  	s5 =	simm.s32 @p1 $0x1;
	p0 =	seq.s32 s7, s2  }
0x1e: {  	s7 =	smul.u32 @!p0 $0xF7A, s2;
	p2 =	seq.s32 @!p0 s5, $0x0  }
0x1f: {  	s9 =	smul.u32 $0xF7A, s1;
	s8 =	simm.s32 @!p0 $0x1BF5;
	p2 =	por !p2, p0  }
0x20: {  	[sflag:s8] =	ssyncset.s32 @!p0 $0xFFFFF086;
	s6 =	sadd.s32 @!p0 s3, s7;
	s7 =	simm.s32 @!p0 $0x108  }
0x21: {  	s3 =	sadd.s32 s3, s9;
	s6 =	sadd.s32 @!p0 $0x88, s6;
	s7 =	simm.s32 @p2 $0x1082  }
0x22: {  	[simem:s7], [sflag:s8] =	dma.local @!p0 [hbm:s6], $0xF7A  }
0x23: {  	s9 =	sor.u32 $0xD0000000, s2;
	s6 =	simm.s32 $0x108;
	_ =	swait.ge @!p0 [sflag:s8], $0x0  }
0x24: {  	s3 =	sadd.s32 $0x88, s3;
	s6 =	simm.s32 @!p1 $0x1082;
	[sflag:s4] =	ssyncset.s32 $0xFFFFF086  }
0x25: {  	[simem:s6], [sflag:s4] =	dma.local [hbm:s3], $0xF7A  }
0x26: {  	[smem:$0x3F9B] =	sst s1;
	(tag) =	ssettag s2;
	_ =	strace s9  }
0x27: {  	s1 =	sld [smem:$0x3FAB]  }
0x28: {  	s2 =	sld [smem:$0x3FAC]  }
0x29: {  	s4 =	sld [smem:$0x3FAE]  }
0x2a: {  	p0 =	seq.s32 s5, $0x0;
	s5 =	sld [smem:$0x3FAF]  }
0x2b: {  	s6 =	sld [smem:$0x3FB0]  }
0x2c: {  	s7 =	sld [smem:$0x3FB1]  }
0x2d: {  	s3 =	simm.s32 $0x108;
	s8 =	sld [smem:$0x3FB2]  }
0x2e: {  	s3 =	simm.s32 @!p0 $0x1082;
	s9 =	sld [smem:$0x3FB3]  }
0x2f: {  	lr =	sadd.s32 s0, s3;
	s0 =	sld [smem:$0x3FAA]  }
0x30: {  	s3 =	sld [smem:$0x3FAD]  }
0x31: {  	[smem:$0x3FB6] =	sst s10  }
0x32: {  	s10 =	sld [smem:$0x3FB4];
	_ =	sdelay $0x3  }
0x33: {  	p0 =	seq.s32 s10, $0x1;
	s10 =	sld [smem:$0x3FB6];
	_ =	sdelay $0x3  }
0x34: {  	[smem:$0x3FB6] =	sst s10  }
0x35: {  	s10 =	sld [smem:$0x3FB5];
	_ =	sdelay $0x3  }
0x36: {  	p1 =	seq.s32 s10, $0x1;
	s10 =	sld [smem:$0x3FB6];
	_ =	sdelay $0x3  }
0x37: {  	[smem:$0x3FB6] =	sst s10  }
0x38: {  	s10 =	sld [smem:$0x3FB7]  }
0x39: {  	_ = 	snop;
	(pc) =	sbr.ind lr, $3  }
0x3a: {  	_ = 	snop  }
0x3b: {  	_ = 	snop  }
0x3c: {  	p2 =	seq.s32 s10, $0x1;
	s10 =	sld [smem:$0x3FB6]  }
0x3d: {  	_ =	shalt  }
0x3e: {  	_ =	shalt  }
0x3f: {  	_ =	shalt  }
0x40: {  	_ =	shalt  }
0x41: {  	_ =	shalt  }
0x42: {  	_ =	shalt  }
0x43: {  	_ =	shalt  }
0x44: {  	_ =	shalt  }
0x45: {  	_ =	shalt  }
0x46: {  	_ =	shalt  }
0x47: {  	_ =	shalt  }
0x48: {  	_ =	shalt  }
0x49: {  	_ =	shalt  }
0x4a: {  	_ =	shalt  }
0x4b: {  	_ =	shalt  }
0x4c: {  	_ =	shalt  }
0x4d: {  	_ =	shalt  }
0x4e: {  	_ =	shalt  }
0x4f: {  	_ =	shalt  }
0x50: {  	_ =	shalt  }
0x51: {  	_ =	shalt  }
0x52: {  	_ =	shalt  }
0x53: {  	_ =	shalt  }
0x54: {  	_ =	shalt  }
0x55: {  	_ =	shalt  }
0x56: {  	_ =	shalt  }
0x57: {  	_ =	shalt  }
0x58: {  	_ =	shalt  }
0x59: {  	_ =	shalt  }
0x5a: {  	_ =	shalt  }
0x5b: {  	_ =	shalt  }
0x5c: {  	_ =	shalt  }
0x5d: {  	_ =	shalt  }
0x5e: {  	_ =	shalt  }
0x5f: {  	_ =	shalt  }
0x60: {  	_ =	shalt  }
0x61: {  	_ =	shalt  }
0x62: {  	_ =	shalt  }
0x63: {  	_ =	shalt  }
0x64: {  	_ =	shalt  }
0x65: {  	_ =	shalt  }
0x66: {  	_ =	shalt  }
0x67: {  	_ =	shalt  }
0x68: {  	_ =	shalt  }
0x69: {  	_ =	shalt  }
0x6a: {  	_ =	shalt  }
0x6b: {  	_ =	shalt  }
0x6c: {  	_ =	shalt  }
0x6d: {  	_ =	shalt  }
0x6e: {  	_ =	shalt  }
0x6f: {  	_ =	shalt  }
0x70: {  	_ =	shalt  }
0x71: {  	_ =	shalt  }
0x72: {  	_ =	shalt  }
0x73: {  	_ =	shalt  }
0x74: {  	_ =	shalt  }
0x75: {  	_ =	shalt  }
0x76: {  	_ =	shalt  }
0x77: {  	_ =	shalt  }
0x78: {  	_ =	shalt  }
0x79: {  	_ =	shalt  }
0x7a: {  	_ =	shalt  }
0x7b: {  	_ =	shalt  }
0x7c: {  	_ =	shalt  }
0x7d: {  	_ =	shalt  }
0x7e: {  	_ =	shalt  }
0x7f: {  	_ =	shalt  }
0x80: {  	_ =	shalt  }
0x81: {  	_ =	shalt  }
0x82: {  	_ =	shalt  }
0x83: {  	_ =	shalt  }
0x84: {  	_ =	shalt  }
0x85: {  	_ =	shalt  }
0x86: {  	_ =	shalt  }
0x87: {  	_ =	shalt  }
.Lfunc_end0:
.L_simem_size_0:
called_computation.1_lowered:
.L_overlay_start_0:
0x88: {  	s2 =	sld [smem:$0x3FD9]  }
0x89: {  	s3 =	sld [smem:$0x3FFE];
	_ =	sdelay $0x1  }
0x8a: {  	s1 =	srdreg.scid  }
0x8b: {  	s0 =	sand.u32 $0x1, s1  }
0x8c: {  	s17 =	sshll.u32 s0, $0xA;
	s2 =	sadd.s32 s3, s2  }
0x8d: {  	s2 =	sadd.s32 s2, s17  }
0x8e: {  	[smem:$0x3FC2] =	sst s2  }
0x8f: {  	_ = 	snop  }
0x90: {  	s2 =	sld [smem:$0x3FD0];
	(tm) =	ssettm $0x1  }
0x91: {  	s18 =	sld [smem:$0x3FFB];
	_ =	sdelay $0x3  }
0x92: {  	_ =	strace s18  }
0x93: {  	s3 =	sld [smem:$0x3FFC];
	_ =	sdelay $0x3  }
0x94: {  	_ =	strace s3  }
0x95: {  	s3 =	sld [smem:$0x3FFD];
	_ =	sdelay $0x3  }
0x96: {  	_ =	strace s3  }
0x97: {  	_ =	strace $0x8FFFFFFF  }
0x98: {  	s19 =	sld [smem:$0x3FDB];
	_ =	sdelay $0x1  }
0x99: {  	s4 =	simm.s32 $_scs_section_size  }
0x9a: {  	s5 =	simm.s32 $_size__tile_overlayer_lowered;
	s6 =	simm.s32 $_tile_overlayer_lowered  }
0x9b: {  	s22 =	simm.s32 $0x1BFF;
	s21 =	sshll.u32 s6, $0x1;
	s3 =	sadd.s32 s4, s19  }
0x9c: {  	s7 =	simm.s32 $0x0;
	s20 =	sshll.u32 s5, $0x1;
	s5 =	sadd.s32 s21, s3  }
0x9d: {  	[timem:s7], [sflag:s22] =	dma.local [hbm:s5], s20  }
0x9e: {  	_ =	swait.ge [sflag:s22], s20  }
0x9f: {  	s4 =	ssub.s32 $0x0, s20;
	[sflag:s22] =	ssyncset.done $0x0  }
0xa0: {  	[sflag:s22] =	ssyncadd.s32 s4;
	_ =	sdelay $0x1  }
0xa1: {  	s23 =	simm.s32 $0x1B8B  }
0xa2: {  	_ =	swait.ge [sflag:s23], $0x1  }
0xa3: {  	[sflag:s23] =	ssyncset.done $0x0  }
0xa4: {  	s25 =	simm.s32 $0x1B8E;
	s24 =	sld [smem:$0x3FFE];
	[sflag:s23] =	ssyncadd.s32 $0xFFFFFFFF  }
0xa5: {  	s26 =	simm.s32 $execute0_lowered;
	[smem:$0x3FD2] =	sst s25  }
0xa6: {  	s5 =	sshll.u32 s26, $0x1;
	_ =	strace $0x80000049;
	[dreg:$0x1] =	wrdreg $0xFFFFFFFF  }
0xa7: {  	s28 =	simm.s32 $_size_execute0_lowered;
	s3 =	sadd.s32 s3, s5;
	[dreg:$0x0] =	wrdreg $0x0  }
0xa8: {  	s5 =	sshll.u32 s28, $0x1;
	[dreg:$0x2] =	wrdreg s3  }
0xa9: {  	[dreg:$0x3] =	wrdreg s5  }
0xaa: {  	[dreg:$0x4] =	wrdreg $0xC0  }
0xab: {  	_ =	task [dreg:s7], $0x5FFFF  }
0xac: {  	[dreg:$0x1] =	wrdreg $0xFFFFFFFF  }
0xad: {  	[dreg:$0x0] =	wrdreg $0x60  }
0xae: {  	[dreg:$0x2] =	wrdreg s24  }
0xaf: {  	[dreg:$0x3] =	wrdreg s2  }
0xb0: {  	[dreg:$0x4] =	wrdreg $0x166200  }
0xb1: {  	[dreg:$0x5] =	wrdreg $0x13E200  }
0xb2: {  	[dreg:$0x6] =	wrdreg $0x9  }
0xb3: {  	_ =	task.clear_ibuf [dreg:s7], $0x7FFFF;
	_ =	strace $0x90000049  }
0xb4: {  	s29 =	simm.s32 $0x9;
	_ =	strace $0x8000004B  }
0xb5: {  	_ =	swait.ge [sflag:s29], $0x1  }
0xb6: {  	[sflag:s29] =	ssyncadd.s32 $0xFFFFFFFF  }
0xb7: {  	_ =	strace $0x9000004B  }
0xb8: {  	_ =	sfence  }
0xb9: {  	s30 =	sld [smem:$0x0];
	_ =	sdelay $0x2  }
0xba: {  	s31 =	sshll.u32 s1, $0xD;
	s1 =	sshrl.u32 s1, $0x2  }
0xbb: {  	s3 =	sand.u32 $0x4000, s31;
	s1 =	sadd.s32 s1, s30  }
0xbc: {  	s0 =	sor.u32 s3, s0;
	s1 =	sshll.u32 s1, $0x11  }
0xbd: {  	s0 =	sor.u32 s1, s0  }
0xbe: {  	s0 =	sadd.s32 $0x8F2B, s0  }
0xbf: {  	[sflag:s0] =	ssyncadd.remote.s32 $0x1  }
0xc0: {  	_ =	sfence.sel $0xFFFF  }
0xc1: {  	[dreg:$0x0] =	wrdreg $0xFFFFFFFF;
	(pc) =	sbr.abs _section_cstart, $3  }
0xc2: {  	[dreg:$0x1] =	wrdreg $0xFFFFFFFF  }
0xc3: {  	_ =	task.clear_ibuf [dreg:s7], $0x2FFFF;
	_ =	strace $0x9FFFFFFF  }
0xc4: {  	(tm) =	ssettm $0x7FFFFFFF  }
0xc5: {  	_ =	shalt  }
tec
execute0_lowered:
.L_overlay_start_1:
0x0: {  	(tag) =	ssettag $0x1  }
0x1: {  	s0 =	rddreg [dreg:$0x0]  }
0x2: {  	s5 =	rddreg [dreg:$0x1]  }
0x3: {  	s1 =	srdreg.scid;
	s2 =	rddreg [dreg:$0x2]  }
0x4: {  	s10 =	stileid.u32;
	s3 =	rddreg [dreg:$0x3]  }
0x5: {  	s15 =	simm.s32 $0x2800;
	s29 =	simm.s32 $0x5FA0;
	s31 =	simm.s32 $0x6770  }
0x6: {  	s30 =	simm.s32 $0x7710;
	s28 =	simm.s32 $0x7EE0;
	s1 =	sand.u32 $0x1, s1  }
0x7: {  	s7 =	smul.u32 $0x2800, s10;
	s11 =	sadd.s32 $0x16200, s0;
	s4 =	sshll.u32 s1, $0x4  }
0x8: {  	s9 =	ssub.s32 $0x2, s1;
	s18 =	smul.u32 $0x28000, s1;
	p0 =	seq.s32 s1, $0x1  }
0x9: {  	s1 =	simm.s32 $0x86B0;
	s6 =	sor.u32 s10, s4;
	s4 =	simm.s32 $0x0  }
0xa: {  	s8 =	sshrl.u32 s7, $0x3;
	s16 =	sshrl.u32 s9, $0x1;
	s22 =	sadd.s32 s7, s2  }
0xb: {  	s12 =	sadd.s32 s7, s3;
	s6 =	smul.u32 $0x2800, s6;
	[smem:$0x7FF] =	sst s4  }
0xc: {  	s23 =	sadd.s32 s7, s18;
	_ =	strace $0x8000004A;
	[dreg:$0x5] =	wrdreg s11  }
0xd: {  	s7 =	simm.s32 $0x2;
	s18 =	simm.s32 $0x0;
	[dreg:$0xb] =	wrdreg s22  }
0xe: {  	s24 =	sshrl.u32 s23, $0x3;
	s22 =	sshrl.u32 @p0 s12, $0x3;
	s6 =	sshrl.u32 s6, $0x3  }
0xf: {  	s23 =	simm.s32 $0x7D;
	s25 =	sadd.s32 s5, s24;
	s6 =	sadd.s32 s6, s0  }
0x10: {  	s24 =	simm.s32 $0x5000;
	[dreg:$0xd] =	wrdreg s25;
	s17 =	sadd.s32 $0x2200, s6  }
0x11: {  	s0 =	sadd.s32 s8, s0;
	s6 =	sadd.s32 $0xC200, s6;
	[dreg:$0x6] =	wrdreg s17  }
0x12: {  	s5 =	simm.s32 $0x9650;
	s19 =	sadd.s32 $0x20800, s0;
	[dreg:$0x7] =	wrdreg s6  }
0x13: {  	s8 =	ssub.s32 s9, s16;
	s20 =	sadd.s32 $0x16800, s0;
	[dreg:$0x8] =	wrdreg s19  }
0x14: {  	s16 =	simm.s32 $0x5;
	s21 =	sadd.s32 $0x1B800, s0;
	[dreg:$0x9] =	wrdreg s20  }
0x15: {  	s25 =	simm.s32 $0x6F40;
	s0 =	sadd.s32 $0x25800, s0;
	[dreg:$0xa] =	wrdreg s21  }
0x16: {  	s26 =	smax.u32 s8, $0x1;
	s8 =	simm.s32 $0x4;
	[dreg:$0xc] =	wrdreg s0  }
0x17: {  	[dreg:$0xe] =	wrdreg s26;
	s19 =	simm.s32 $0xC620;
	s20 =	simm.s32 $0xEE20  }
0x18: {  	v0 =	vlaneseq.u32;
	s0 =	sshll.u32 @p0 s10, $0x6;
	s26 =	simm.s32 $0x57D0;
	s6 =	simm.s32 $0x1  }
0x19: {  	v0 =	vmul.u32 $0x10, v0;
	s17 =	simm.s32 $0x3;
	s21 =	sor.u32 @p0 $0x1C05, s0;
	s0 =	simm.s32 $0x8E80  }
.LBB2_1:
0x1a: {  	s9 =	rddreg [dreg:$0x6]  }
0x1b: {  	[tilespmem:s4], [sflag:$0x5] =	stream.linear.gather [hbm4b:s9+s4], $0x2800, $0x38;
	[tilespmem:$0x18E20] =	vst v63  }
0x1c: {  	_ =	swait.ge [sflag:s16], $0x2800  }
0x1d: {  	[sflag:s16] =	ssyncset.done $0x0  }
0x1e: {  	s10 =	rddreg [dreg:$0x7];
	[sflag:s16] =	ssyncadd.s32 $0xFFFFD800  }
0x1f: {  	[tilespmem:s15], [sflag:$0x5] =	stream.linear.gather [hbm4b:s10+s4], $0x2800, $0x38;
	[tilespmem:$0x18E20] =	vst v63  }
0x20: {  	_ =	swait.ge [sflag:s16], $0x2800  }
0x21: {  	[sflag:s16] =	ssyncset.done $0x0  }
0x22: {  	s10 =	simm.s32 $0x9E20;
	s11 =	rddreg [dreg:$0x8];
	[sflag:s16] =	ssyncadd.s32 $0xFFFFD800  }
0x23: {  	[tilespmem:s10], [sflag:$0x5] =	stream.linear.gather [hbm4b:s11+s4], $0x2800, $0x38;
	[tilespmem:$0x18E20] =	vst v63  }
0x24: {  	_ =	swait.ge [sflag:s16], $0x2800  }
0x25: {  	[sflag:s16] =	ssyncset.done $0x0  }
0x26: {  	s13 =	rddreg [dreg:$0x9];
	[sflag:s16] =	ssyncadd.s32 $0xFFFFD800  }
0x27: {  	[tilespmem:s19], [sflag:$0x5] =	stream.linear.gather [hbm4b:s13+s4], $0x2800, $0x38;
	[tilespmem:$0x18E20] =	vst v63  }
0x28: {  	v1 =	vmov s4;
	_ =	swait.ge [sflag:s16], $0x2800  }
0x29: {  	v1 =	vshll.u32 v1, $0x4;
	[sflag:s16] =	ssyncset.done $0x0  }
0x2a: {  	v1 =	vor.u32 v0, v1;
	s14 =	rddreg [dreg:$0xa];
	[sflag:s16] =	ssyncadd.s32 $0xFFFFD800  }
0x2b: {  	[tilespmem:s20], [sflag:$0x5] =	stream.linear.gather [hbm4b:s14+s4], $0x2800, $0x38;
	[tilespmem:$0x18E20] =	vst v63  }
0x2c: {  	_ =	swait.ge [sflag:s16], $0x2800  }
0x2d: {  	[sflag:s16] =	ssyncset.done $0x0  }
0x2e: {  	[sflag:s16] =	ssyncadd.s32 $0xFFFFD800  }
0x2f: {  	v2 =	vld.idx.msk [tilespmem:v1+s19+$0x0], $0xffff;
	_ =	sdelay $0x1  }
0x30: {  	v1 =	vld.idx.msk [tilespmem:v1+s20+$0x0], $0xffff;
	_ =	sdelay $0x2  }
0x31: {  	v2 =	vadd.f32 $1.000000000e+00, v2;
	_ =	sdelay $0x1  }
0x32: {  	v1 =	vadd.f32 v1, v2;
	_ =	sdelay $0x1  }
0x33: {  	v2 =	vshra.s32 v1, $0x1;
	v1 =	vmul.f32 $5.000000000e-01, v1  }
0x34: {  	v2 =	vsub.s32 $0x5F3759DF, v2  }
0x35: {  	v3 =	vmul.f32 v2, v1;
	_ =	sdelay $0x1  }
0x36: {  	v3 =	vmul.f32 v2, v3;
	_ =	sdelay $0x1  }
0x37: {  	v3 =	vsub.f32 $1.500000000e+00, v3;
	_ =	sdelay $0x1  }
0x38: {  	v2 =	vmul.f32 v2, v3;
	_ =	sdelay $0x1  }
0x39: {  	v3 =	vmul.f32 v2, v1;
	_ =	sdelay $0x1  }
0x3a: {  	v3 =	vmul.f32 v3, v2;
	_ =	sdelay $0x1  }
0x3b: {  	v3 =	vsub.f32 $1.500000000e+00, v3;
	_ =	sdelay $0x1  }
0x3c: {  	v2 =	vmul.f32 v3, v2;
	_ =	sdelay $0x1  }
0x3d: {  	v1 =	vmul.f32 v2, v1;
	_ =	sdelay $0x1  }
0x3e: {  	v1 =	vmul.f32 v1, v2;
	_ =	sdelay $0x1  }
0x3f: {  	s10 =	simm.s32 $0x9EA0;
	v1 =	vsub.f32 $1.500000000e+00, v1  }
0x40: {  	v3 =	vld [tilespmem:s10+$0xFFFFFF80]  }
0x41: {  	v1 =	vmul.f32 v1, v2;
	_ =	sdelay $0x1  }
0x42: {  	v2 =	vbroadcast v1, $0x0;
	_ =	sdelay $0x1  }
0x43: {  	v3 =	vmul.f32 v2, v3  }
0x44: {  	v2 =	vadd.f32 $0.0e+00, v2  }
0x45: {  	s9 =	simm.s32 $0x116A0;
	[tilespmem:s10+$0xFFFFFF80] =	vst v3  }
0x46: {  	[tilespmem:s9+$0xFFFFFF80] =	vst v2  }
0x47: {  	v2 =	vld [tilespmem:s10+$0xFFFFFF90];
	_ =	sdelay $0x2  }
0x48: {  	v3 =	vbroadcast v1, $0x1;
	_ =	sdelay $0x1  }
0x49: {  	v2 =	vmul.f32 v3, v2  }
0x4a: {  	v3 =	vadd.f32 $0.0e+00, v3  }
0x4b: {  	[tilespmem:s10+$0xFFFFFF90] =	vst v2  }
0x4c: {  	[tilespmem:s9+$0xFFFFFF90] =	vst v3  }
0x4d: {  	v2 =	vld [tilespmem:s10+$0xFFFFFFA0];
	_ =	sdelay $0x2  }
0x4e: {  	v3 =	vbroadcast v1, $0x2;
	_ =	sdelay $0x1  }
0x4f: {  	v2 =	vmul.f32 v3, v2  }
0x50: {  	v3 =	vadd.f32 $0.0e+00, v3  }
0x51: {  	[tilespmem:s10+$0xFFFFFFA0] =	vst v2  }
0x52: {  	[tilespmem:s9+$0xFFFFFFA0] =	vst v3  }
0x53: {  	v2 =	vld [tilespmem:s10+$0xFFFFFFB0];
	_ =	sdelay $0x2  }
0x54: {  	v3 =	vbroadcast v1, $0x3;
	_ =	sdelay $0x1  }
0x55: {  	v2 =	vmul.f32 v3, v2  }
0x56: {  	v3 =	vadd.f32 $0.0e+00, v3  }
0x57: {  	[tilespmem:s10+$0xFFFFFFB0] =	vst v2  }
0x58: {  	[tilespmem:s9+$0xFFFFFFB0] =	vst v3  }
0x59: {  	v2 =	vld [tilespmem:s10+$0xFFFFFFC0];
	_ =	sdelay $0x2  }
0x5a: {  	v3 =	vbroadcast v1, $0x4;
	_ =	sdelay $0x1  }
0x5b: {  	v2 =	vmul.f32 v3, v2  }
0x5c: {  	v3 =	vadd.f32 $0.0e+00, v3  }
0x5d: {  	[tilespmem:s10+$0xFFFFFFC0] =	vst v2  }
0x5e: {  	[tilespmem:s9+$0xFFFFFFC0] =	vst v3  }
0x5f: {  	v2 =	vld [tilespmem:s10+$0xFFFFFFD0];
	_ =	sdelay $0x2  }
0x60: {  	v3 =	vbroadcast v1, $0x5;
	_ =	sdelay $0x1  }
0x61: {  	v2 =	vmul.f32 v3, v2  }
0x62: {  	v3 =	vadd.f32 $0.0e+00, v3  }
0x63: {  	[tilespmem:s10+$0xFFFFFFD0] =	vst v2  }
0x64: {  	[tilespmem:s9+$0xFFFFFFD0] =	vst v3  }
0x65: {  	v2 =	vld [tilespmem:s10+$0xFFFFFFE0];
	_ =	sdelay $0x2  }
0x66: {  	v3 =	vbroadcast v1, $0x6;
	_ =	sdelay $0x1  }
0x67: {  	v2 =	vmul.f32 v2, v3  }
0x68: {  	v3 =	vadd.f32 $0.0e+00, v3  }
0x69: {  	[tilespmem:s10+$0xFFFFFFE0] =	vst v2  }
0x6a: {  	[tilespmem:s9+$0xFFFFFFE0] =	vst v3  }
0x6b: {  	v2 =	vld [tilespmem:s10+$0xFFFFFFF0];
	_ =	sdelay $0x2  }
0x6c: {  	v3 =	vbroadcast v1, $0x7;
	_ =	sdelay $0x1  }
0x6d: {  	v2 =	vmul.f32 v2, v3  }
0x6e: {  	v3 =	vadd.f32 $0.0e+00, v3  }
0x6f: {  	[tilespmem:s10+$0xFFFFFFF0] =	vst v2  }
0x70: {  	[tilespmem:s9+$0xFFFFFFF0] =	vst v3  }
0x71: {  	v2 =	vld [tilespmem:s10+$0x0];
	_ =	sdelay $0x2  }
0x72: {  	v3 =	vbroadcast v1, $0x8;
	_ =	sdelay $0x1  }
0x73: {  	v2 =	vmul.f32 v2, v3  }
0x74: {  	v3 =	vadd.f32 $0.0e+00, v3  }
0x75: {  	[tilespmem:s10+$0x0] =	vst v2  }
0x76: {  	[tilespmem:s9+$0x0] =	vst v3  }
0x77: {  	v2 =	vld [tilespmem:s10+$0x10];
	_ =	sdelay $0x2  }
0x78: {  	v3 =	vbroadcast v1, $0x9;
	_ =	sdelay $0x1  }
0x79: {  	v2 =	vmul.f32 v2, v3  }
0x7a: {  	v3 =	vadd.f32 $0.0e+00, v3  }
0x7b: {  	[tilespmem:s10+$0x10] =	vst v2  }
0x7c: {  	[tilespmem:s9+$0x10] =	vst v3  }
0x7d: {  	v2 =	vld [tilespmem:s10+$0x20];
	_ =	sdelay $0x2  }
0x7e: {  	v3 =	vbroadcast v1, $0xA;
	_ =	sdelay $0x1  }
0x7f: {  	v2 =	vmul.f32 v2, v3  }
0x80: {  	v3 =	vadd.f32 $0.0e+00, v3  }
0x81: {  	[tilespmem:s10+$0x20] =	vst v2  }
0x82: {  	[tilespmem:s9+$0x20] =	vst v3  }
0x83: {  	v2 =	vld [tilespmem:s10+$0x30];
	_ =	sdelay $0x2  }
0x84: {  	v3 =	vbroadcast v1, $0xB;
	_ =	sdelay $0x1  }
0x85: {  	v2 =	vmul.f32 v2, v3  }
0x86: {  	v3 =	vadd.f32 $0.0e+00, v3  }
0x87: {  	[tilespmem:s10+$0x30] =	vst v2  }
0x88: {  	[tilespmem:s9+$0x30] =	vst v3  }
0x89: {  	v2 =	vld [tilespmem:s10+$0x40];
	_ =	sdelay $0x2  }
0x8a: {  	v3 =	vbroadcast v1, $0xC;
	_ =	sdelay $0x1  }
0x8b: {  	v2 =	vmul.f32 v2, v3  }
0x8c: {  	v3 =	vadd.f32 $0.0e+00, v3  }
0x8d: {  	[tilespmem:s10+$0x40] =	vst v2  }
0x8e: {  	[tilespmem:s9+$0x40] =	vst v3  }
0x8f: {  	v2 =	vld [tilespmem:s10+$0x50];
	_ =	sdelay $0x2  }
0x90: {  	v3 =	vbroadcast v1, $0xD;
	_ =	sdelay $0x1  }
0x91: {  	v2 =	vmul.f32 v2, v3  }
0x92: {  	v3 =	vadd.f32 $0.0e+00, v3  }
0x93: {  	[tilespmem:s10+$0x50] =	vst v2  }
0x94: {  	[tilespmem:s9+$0x50] =	vst v3  }
0x95: {  	v2 =	vld [tilespmem:s10+$0x60];
	_ =	sdelay $0x2  }
0x96: {  	v3 =	vbroadcast v1, $0xE;
	_ =	sdelay $0x1  }
0x97: {  	v2 =	vmul.f32 v2, v3  }
0x98: {  	v3 =	vadd.f32 $0.0e+00, v3  }
0x99: {  	[tilespmem:s10+$0x60] =	vst v2  }
0x9a: {  	[tilespmem:s9+$0x60] =	vst v3  }
0x9b: {  	v2 =	vld [tilespmem:s10+$0x70];
	_ =	sdelay $0x1  }
0x9c: {  	s11 =	simm.s32 $0x10  }
0x9d: {  	v3 =	vbroadcast v1, $0xF;
	v1 =	vmov s11  }
0x9e: {  	v1 =	vshll.u32 v1, $0x4  }
0x9f: {  	v1 =	vor.u32 v0, v1;
	v4 =	vmul.f32 v2, v3;
	_ =	sdelay $0x1  }
0xa0: {  	s11 =	simm.s32 $0x20;
	v2 =	vadd.f32 $0.0e+00, v3;
	[tilespmem:s10+$0x70] =	vst v4  }
.LBB2_2:
0xa1: {  	s10 =	sadd.s32 $0x100, s10  }
0xa2: {  	[tilespmem:s9+$0x70] =	vst v2;
	s9 =	sadd.s32 $0x100, s9;
	s13 =	smov.u32 s11;
	s14 =	sadd.s32 $0x10, s11  }
0xa3: {  	p1 =	sne.s32 s11, $0x270;
	v2 =	vld.idx.msk [tilespmem:v1+s19+$0x0], $0xffff;
	_ =	sdelay $0x1  }
0xa4: {  	v1 =	vld.idx.msk [tilespmem:v1+s20+$0x0], $0xffff;
	_ =	sdelay $0x3  }
0xa5: {  	v2 =	vadd.f32 $1.000000000e+00, v2;
	_ =	sdelay $0x1  }
0xa6: {  	v1 =	vadd.f32 v1, v2;
	_ =	sdelay $0x1  }
0xa7: {  	v2 =	vshra.s32 v1, $0x1;
	v1 =	vmul.f32 $5.000000000e-01, v1  }
0xa8: {  	v2 =	vsub.s32 $0x5F3759DF, v2  }
0xa9: {  	v3 =	vmul.f32 v2, v1;
	_ =	sdelay $0x1  }
0xaa: {  	v3 =	vmul.f32 v2, v3;
	_ =	sdelay $0x1  }
0xab: {  	v3 =	vsub.f32 $1.500000000e+00, v3;
	_ =	sdelay $0x1  }
0xac: {  	v2 =	vmul.f32 v2, v3;
	_ =	sdelay $0x1  }
0xad: {  	v3 =	vmul.f32 v2, v1;
	_ =	sdelay $0x1  }
0xae: {  	v3 =	vmul.f32 v3, v2;
	_ =	sdelay $0x1  }
0xaf: {  	v3 =	vsub.f32 $1.500000000e+00, v3;
	_ =	sdelay $0x1  }
0xb0: {  	v2 =	vmul.f32 v3, v2;
	_ =	sdelay $0x1  }
0xb1: {  	v1 =	vmul.f32 v2, v1;
	_ =	sdelay $0x1  }
0xb2: {  	v1 =	vmul.f32 v1, v2;
	_ =	sdelay $0x1  }
0xb3: {  	v1 =	vsub.f32 $1.500000000e+00, v1  }
0xb4: {  	v3 =	vld [tilespmem:s10+$0xFFFFFF80]  }
0xb5: {  	v1 =	vmul.f32 v1, v2;
	_ =	sdelay $0x1  }
0xb6: {  	v2 =	vbroadcast v1, $0x0;
	_ =	sdelay $0x1  }
0xb7: {  	v3 =	vmul.f32 v2, v3  }
0xb8: {  	v2 =	vadd.f32 $0.0e+00, v2  }
0xb9: {  	[tilespmem:s10+$0xFFFFFF80] =	vst v3  }
0xba: {  	[tilespmem:s9+$0xFFFFFF80] =	vst v2  }
0xbb: {  	v2 =	vld [tilespmem:s10+$0xFFFFFF90];
	_ =	sdelay $0x2  }
0xbc: {  	v3 =	vbroadcast v1, $0x1;
	_ =	sdelay $0x1  }
0xbd: {  	v2 =	vmul.f32 v3, v2  }
0xbe: {  	v3 =	vadd.f32 $0.0e+00, v3  }
0xbf: {  	[tilespmem:s10+$0xFFFFFF90] =	vst v2  }
0xc0: {  	[tilespmem:s9+$0xFFFFFF90] =	vst v3  }
0xc1: {  	v2 =	vld [tilespmem:s10+$0xFFFFFFA0];
	_ =	sdelay $0x2  }
0xc2: {  	v3 =	vbroadcast v1, $0x2;
	_ =	sdelay $0x1  }
0xc3: {  	v2 =	vmul.f32 v3, v2  }
0xc4: {  	v3 =	vadd.f32 $0.0e+00, v3  }
0xc5: {  	[tilespmem:s10+$0xFFFFFFA0] =	vst v2  }
0xc6: {  	[tilespmem:s9+$0xFFFFFFA0] =	vst v3  }
0xc7: {  	v2 =	vld [tilespmem:s10+$0xFFFFFFB0];
	_ =	sdelay $0x2  }
0xc8: {  	v3 =	vbroadcast v1, $0x3;
	_ =	sdelay $0x1  }
0xc9: {  	v2 =	vmul.f32 v3, v2  }
0xca: {  	v3 =	vadd.f32 $0.0e+00, v3  }
0xcb: {  	[tilespmem:s10+$0xFFFFFFB0] =	vst v2  }
0xcc: {  	[tilespmem:s9+$0xFFFFFFB0] =	vst v3  }
0xcd: {  	v2 =	vld [tilespmem:s10+$0xFFFFFFC0];
	_ =	sdelay $0x2  }
0xce: {  	v3 =	vbroadcast v1, $0x4;
	_ =	sdelay $0x1  }
0xcf: {  	v2 =	vmul.f32 v3, v2  }
0xd0: {  	v3 =	vadd.f32 $0.0e+00, v3  }
0xd1: {  	[tilespmem:s10+$0xFFFFFFC0] =	vst v2  }
0xd2: {  	[tilespmem:s9+$0xFFFFFFC0] =	vst v3  }
0xd3: {  	v2 =	vld [tilespmem:s10+$0xFFFFFFD0];
	_ =	sdelay $0x2  }
0xd4: {  	v3 =	vbroadcast v1, $0x5;
	_ =	sdelay $0x1  }
0xd5: {  	v2 =	vmul.f32 v3, v2  }
0xd6: {  	v3 =	vadd.f32 $0.0e+00, v3  }
0xd7: {  	[tilespmem:s10+$0xFFFFFFD0] =	vst v2  }
0xd8: {  	[tilespmem:s9+$0xFFFFFFD0] =	vst v3  }
0xd9: {  	v2 =	vld [tilespmem:s10+$0xFFFFFFE0];
	_ =	sdelay $0x2  }
0xda: {  	v3 =	vbroadcast v1, $0x6;
	_ =	sdelay $0x1  }
0xdb: {  	v2 =	vmul.f32 v2, v3  }
0xdc: {  	v3 =	vadd.f32 $0.0e+00, v3  }
0xdd: {  	[tilespmem:s10+$0xFFFFFFE0] =	vst v2  }
0xde: {  	[tilespmem:s9+$0xFFFFFFE0] =	vst v3  }
0xdf: {  	v2 =	vld [tilespmem:s10+$0xFFFFFFF0];
	_ =	sdelay $0x2  }
0xe0: {  	v3 =	vbroadcast v1, $0x7;
	_ =	sdelay $0x1  }
0xe1: {  	v2 =	vmul.f32 v2, v3  }
0xe2: {  	v3 =	vadd.f32 $0.0e+00, v3  }
0xe3: {  	[tilespmem:s10+$0xFFFFFFF0] =	vst v2  }
0xe4: {  	[tilespmem:s9+$0xFFFFFFF0] =	vst v3  }
0xe5: {  	v2 =	vld [tilespmem:s10+$0x0];
	_ =	sdelay $0x2  }
0xe6: {  	v3 =	vbroadcast v1, $0x8;
	_ =	sdelay $0x1  }
0xe7: {  	v2 =	vmul.f32 v2, v3  }
0xe8: {  	v3 =	vadd.f32 $0.0e+00, v3  }
0xe9: {  	[tilespmem:s10+$0x0] =	vst v2  }
0xea: {  	[tilespmem:s9+$0x0] =	vst v3  }
0xeb: {  	v2 =	vld [tilespmem:s10+$0x10];
	_ =	sdelay $0x2  }
0xec: {  	v3 =	vbroadcast v1, $0x9;
	_ =	sdelay $0x1  }
0xed: {  	v2 =	vmul.f32 v2, v3  }
0xee: {  	v3 =	vadd.f32 $0.0e+00, v3  }
0xef: {  	[tilespmem:s10+$0x10] =	vst v2  }
0xf0: {  	[tilespmem:s9+$0x10] =	vst v3  }
0xf1: {  	v2 =	vld [tilespmem:s10+$0x20];
	_ =	sdelay $0x2  }
0xf2: {  	v3 =	vbroadcast v1, $0xA;
	_ =	sdelay $0x1  }
0xf3: {  	v2 =	vmul.f32 v2, v3  }
0xf4: {  	v3 =	vadd.f32 $0.0e+00, v3  }
0xf5: {  	[tilespmem:s10+$0x20] =	vst v2  }
0xf6: {  	[tilespmem:s9+$0x20] =	vst v3  }
0xf7: {  	v2 =	vld [tilespmem:s10+$0x30];
	_ =	sdelay $0x2  }
0xf8: {  	v3 =	vbroadcast v1, $0xB;
	_ =	sdelay $0x1  }
0xf9: {  	v2 =	vmul.f32 v2, v3  }
0xfa: {  	v3 =	vadd.f32 $0.0e+00, v3  }
0xfb: {  	[tilespmem:s10+$0x30] =	vst v2  }
0xfc: {  	[tilespmem:s9+$0x30] =	vst v3  }
0xfd: {  	v2 =	vld [tilespmem:s10+$0x40];
	_ =	sdelay $0x2  }
0xfe: {  	v3 =	vbroadcast v1, $0xC;
	_ =	sdelay $0x1  }
0xff: {  	v2 =	vmul.f32 v2, v3  }
0x100: {  	v3 =	vadd.f32 $0.0e+00, v3  }
0x101: {  	[tilespmem:s10+$0x40] =	vst v2  }
0x102: {  	[tilespmem:s9+$0x40] =	vst v3  }
0x103: {  	v2 =	vld [tilespmem:s10+$0x50];
	_ =	sdelay $0x2  }
0x104: {  	v3 =	vbroadcast v1, $0xD;
	_ =	sdelay $0x1  }
0x105: {  	v2 =	vmul.f32 v2, v3  }
0x106: {  	v3 =	vadd.f32 $0.0e+00, v3  }
0x107: {  	[tilespmem:s10+$0x50] =	vst v2  }
0x108: {  	[tilespmem:s9+$0x50] =	vst v3  }
0x109: {  	v2 =	vld [tilespmem:s10+$0x60];
	_ =	sdelay $0x2  }
0x10a: {  	v3 =	vbroadcast v1, $0xE;
	_ =	sdelay $0x1  }
0x10b: {  	v2 =	vmul.f32 v2, v3  }
0x10c: {  	v3 =	vadd.f32 $0.0e+00, v3  }
0x10d: {  	[tilespmem:s10+$0x60] =	vst v2  }
0x10e: {  	[tilespmem:s9+$0x60] =	vst v3  }
0x10f: {  	v2 =	vld [tilespmem:s10+$0x70];
	_ =	sdelay $0x1  }
0x110: {  	v3 =	vmov s13  }
.Ltmp0:
0x111: {  	v4 =	vbroadcast v1, $0xF;
	v3 =	vshll.u32 v3, $0x4;
	(pc) =	sbr.rel @p1 .LBB2_2-.Ltmp0, $4  }
0x112: {  	v1 =	vor.u32 v0, v3  }
0x113: {  	v3 =	vmul.f32 v2, v4  }
0x114: {  	v2 =	vadd.f32 $0.0e+00, v4  }
0x115: {  	s11 =	smov.u32 s14;
	[tilespmem:s10+$0x70] =	vst v3  }
0x116: {  	_ =	sdelay $0x2  }
0x117: {  	[tilespmem:s9+$0x70] =	vst v2  }
0x118: {  	v2 =	vld.idx.msk [tilespmem:v1+s19+$0x0], $0xffff;
	_ =	sdelay $0x1  }
0x119: {  	v1 =	vld.idx.msk [tilespmem:v1+s20+$0x0], $0xffff;
	_ =	sdelay $0x2  }
0x11a: {  	v2 =	vadd.f32 $1.000000000e+00, v2;
	_ =	sdelay $0x1  }
0x11b: {  	v1 =	vadd.f32 v1, v2;
	_ =	sdelay $0x1  }
0x11c: {  	v2 =	vshra.s32 v1, $0x1;
	v1 =	vmul.f32 $5.000000000e-01, v1  }
0x11d: {  	v2 =	vsub.s32 $0x5F3759DF, v2  }
0x11e: {  	v3 =	vmul.f32 v2, v1;
	_ =	sdelay $0x1  }
0x11f: {  	v3 =	vmul.f32 v2, v3;
	_ =	sdelay $0x1  }
0x120: {  	v3 =	vsub.f32 $1.500000000e+00, v3;
	_ =	sdelay $0x1  }
0x121: {  	v2 =	vmul.f32 v2, v3;
	_ =	sdelay $0x1  }
0x122: {  	v3 =	vmul.f32 v2, v1;
	_ =	sdelay $0x1  }
0x123: {  	v3 =	vmul.f32 v3, v2;
	_ =	sdelay $0x1  }
0x124: {  	v3 =	vsub.f32 $1.500000000e+00, v3;
	_ =	sdelay $0x1  }
0x125: {  	v2 =	vmul.f32 v3, v2;
	_ =	sdelay $0x1  }
0x126: {  	v1 =	vmul.f32 v2, v1;
	_ =	sdelay $0x1  }
0x127: {  	v1 =	vmul.f32 v1, v2;
	_ =	sdelay $0x1  }
0x128: {  	s10 =	sadd.s32 $0x100, s10;
	v1 =	vsub.f32 $1.500000000e+00, v1  }
0x129: {  	v3 =	vld [tilespmem:s10+$0xFFFFFF80]  }
0x12a: {  	v1 =	vmul.f32 v1, v2;
	_ =	sdelay $0x1  }
0x12b: {  	v2 =	vbroadcast v1, $0x0;
	_ =	sdelay $0x1  }
0x12c: {  	v3 =	vmul.f32 v2, v3  }
0x12d: {  	v2 =	vadd.f32 $0.0e+00, v2  }
0x12e: {  	s11 =	sadd.s32 $0x100, s9;
	[tilespmem:s10+$0xFFFFFF80] =	vst v3  }
0x12f: {  	[tilespmem:s11+$0xFFFFFF80] =	vst v2  }
0x130: {  	v2 =	vld [tilespmem:s10+$0xFFFFFF90];
	_ =	sdelay $0x2  }
0x131: {  	v3 =	vbroadcast v1, $0x1;
	_ =	sdelay $0x1  }
0x132: {  	v2 =	vmul.f32 v3, v2  }
0x133: {  	v3 =	vadd.f32 $0.0e+00, v3  }
0x134: {  	[tilespmem:s10+$0xFFFFFF90] =	vst v2  }
0x135: {  	[tilespmem:s11+$0xFFFFFF90] =	vst v3  }
0x136: {  	v2 =	vld [tilespmem:s10+$0xFFFFFFA0];
	_ =	sdelay $0x2  }
0x137: {  	v3 =	vbroadcast v1, $0x2;
	_ =	sdelay $0x1  }
0x138: {  	v2 =	vmul.f32 v3, v2  }
0x139: {  	v3 =	vadd.f32 $0.0e+00, v3  }
0x13a: {  	[tilespmem:s10+$0xFFFFFFA0] =	vst v2  }
0x13b: {  	[tilespmem:s11+$0xFFFFFFA0] =	vst v3  }
0x13c: {  	v2 =	vld [tilespmem:s10+$0xFFFFFFB0];
	_ =	sdelay $0x2  }
0x13d: {  	v3 =	vbroadcast v1, $0x3;
	_ =	sdelay $0x1  }
0x13e: {  	v2 =	vmul.f32 v3, v2  }
0x13f: {  	v3 =	vadd.f32 $0.0e+00, v3  }
0x140: {  	[tilespmem:s10+$0xFFFFFFB0] =	vst v2  }
0x141: {  	[tilespmem:s11+$0xFFFFFFB0] =	vst v3  }
0x142: {  	v2 =	vld [tilespmem:s10+$0xFFFFFFC0];
	_ =	sdelay $0x2  }
0x143: {  	v3 =	vbroadcast v1, $0x4;
	_ =	sdelay $0x1  }
0x144: {  	v2 =	vmul.f32 v3, v2  }
0x145: {  	v3 =	vadd.f32 $0.0e+00, v3  }
0x146: {  	[tilespmem:s10+$0xFFFFFFC0] =	vst v2  }
0x147: {  	[tilespmem:s11+$0xFFFFFFC0] =	vst v3  }
0x148: {  	v2 =	vld [tilespmem:s10+$0xFFFFFFD0];
	_ =	sdelay $0x2  }
0x149: {  	v3 =	vbroadcast v1, $0x5;
	_ =	sdelay $0x1  }
0x14a: {  	v2 =	vmul.f32 v3, v2  }
0x14b: {  	v3 =	vadd.f32 $0.0e+00, v3  }
0x14c: {  	[tilespmem:s10+$0xFFFFFFD0] =	vst v2  }
0x14d: {  	[tilespmem:s11+$0xFFFFFFD0] =	vst v3  }
0x14e: {  	v2 =	vld [tilespmem:s10+$0xFFFFFFE0];
	_ =	sdelay $0x2  }
0x14f: {  	v3 =	vbroadcast v1, $0x6;
	_ =	sdelay $0x1  }
0x150: {  	v2 =	vmul.f32 v2, v3  }
0x151: {  	v3 =	vadd.f32 $0.0e+00, v3  }
0x152: {  	[tilespmem:s10+$0xFFFFFFE0] =	vst v2  }
0x153: {  	[tilespmem:s11+$0xFFFFFFE0] =	vst v3  }
0x154: {  	v2 =	vld [tilespmem:s10+$0xFFFFFFF0];
	_ =	sdelay $0x2  }
0x155: {  	v3 =	vbroadcast v1, $0x7;
	_ =	sdelay $0x1  }
0x156: {  	v2 =	vmul.f32 v2, v3  }
0x157: {  	v3 =	vadd.f32 $0.0e+00, v3  }
0x158: {  	[tilespmem:s10+$0xFFFFFFF0] =	vst v2  }
0x159: {  	[tilespmem:s11+$0xFFFFFFF0] =	vst v3  }
0x15a: {  	v2 =	vld [tilespmem:s10+$0x0];
	_ =	sdelay $0x2  }
0x15b: {  	v3 =	vbroadcast v1, $0x8;
	_ =	sdelay $0x1  }
0x15c: {  	v2 =	vmul.f32 v2, v3  }
0x15d: {  	v3 =	vadd.f32 $0.0e+00, v3  }
0x15e: {  	[tilespmem:s10+$0x0] =	vst v2  }
0x15f: {  	[tilespmem:s11+$0x0] =	vst v3  }
0x160: {  	v2 =	vld [tilespmem:s10+$0x10];
	_ =	sdelay $0x2  }
0x161: {  	v3 =	vbroadcast v1, $0x9;
	_ =	sdelay $0x1  }
0x162: {  	v2 =	vmul.f32 v2, v3  }
0x163: {  	v3 =	vadd.f32 $0.0e+00, v3  }
0x164: {  	[tilespmem:s10+$0x10] =	vst v2  }
0x165: {  	[tilespmem:s11+$0x10] =	vst v3  }
0x166: {  	v2 =	vld [tilespmem:s10+$0x20];
	_ =	sdelay $0x2  }
0x167: {  	v3 =	vbroadcast v1, $0xA;
	_ =	sdelay $0x1  }
0x168: {  	v2 =	vmul.f32 v2, v3  }
0x169: {  	v3 =	vadd.f32 $0.0e+00, v3  }
0x16a: {  	[tilespmem:s10+$0x20] =	vst v2  }
0x16b: {  	[tilespmem:s11+$0x20] =	vst v3  }
0x16c: {  	v2 =	vld [tilespmem:s10+$0x30];
	_ =	sdelay $0x2  }
0x16d: {  	v3 =	vbroadcast v1, $0xB;
	_ =	sdelay $0x1  }
0x16e: {  	v2 =	vmul.f32 v2, v3  }
0x16f: {  	v3 =	vadd.f32 $0.0e+00, v3  }
0x170: {  	[tilespmem:s10+$0x30] =	vst v2  }
0x171: {  	[tilespmem:s11+$0x30] =	vst v3  }
0x172: {  	v2 =	vld [tilespmem:s10+$0x40];
	_ =	sdelay $0x2  }
0x173: {  	v3 =	vbroadcast v1, $0xC;
	_ =	sdelay $0x1  }
0x174: {  	v2 =	vmul.f32 v2, v3  }
0x175: {  	v3 =	vadd.f32 $0.0e+00, v3  }
0x176: {  	[tilespmem:s10+$0x40] =	vst v2  }
0x177: {  	[tilespmem:s11+$0x40] =	vst v3  }
0x178: {  	v2 =	vld [tilespmem:s10+$0x50];
	_ =	sdelay $0x2  }
0x179: {  	v3 =	vbroadcast v1, $0xD;
	_ =	sdelay $0x1  }
0x17a: {  	v2 =	vmul.f32 v2, v3  }
0x17b: {  	v3 =	vadd.f32 $0.0e+00, v3  }
0x17c: {  	[tilespmem:s10+$0x50] =	vst v2  }
0x17d: {  	[tilespmem:s11+$0x50] =	vst v3  }
0x17e: {  	v2 =	vld [tilespmem:s10+$0x60];
	_ =	sdelay $0x2  }
0x17f: {  	v3 =	vbroadcast v1, $0xE;
	_ =	sdelay $0x1  }
0x180: {  	v2 =	vmul.f32 v2, v3  }
0x181: {  	v3 =	vadd.f32 $0.0e+00, v3  }
0x182: {  	[tilespmem:s10+$0x60] =	vst v2  }
0x183: {  	[tilespmem:s11+$0x60] =	vst v3  }
0x184: {  	v2 =	vld [tilespmem:s10+$0x70];
	_ =	sdelay $0x2  }
0x185: {  	v1 =	vbroadcast v1, $0xF;
	_ =	sdelay $0x1  }
0x186: {  	v2 =	vmul.f32 v2, v1  }
0x187: {  	v1 =	vadd.f32 $0.0e+00, v1  }
0x188: {  	[tilespmem:s10+$0x70] =	vst v2  }
0x189: {  	s13 =	rddreg [dreg:$0xb];
	s14 =	simm.s32 $0x9E20;
	[tilespmem:s11+$0x70] =	vst v1  }
0x18a: {  	[spmem:s13] =	stream.linear.scatter [tilespmem:s14], [sflag:$0x5], $0x2800, $0x38;
	[tilespmem:$0x18E20] =	vst v63  }
0x18b: {  	_ =	swait.ge [sflag:s16], $0x2800  }
0x18c: {  	[sflag:s16] =	ssyncset.done $0x0  }
0x18d: {  	s9 =	rddreg [dreg:$0x5];
	[sflag:s16] =	ssyncadd.s32 $0xFFFFD800  }
0x18e: {  	[spmem:s22], [sflag:s21] =	dma.local @p0 [hbm:s9], $0x500  }
0x18f: {  	s9 =	simm.s32 @p0 $0x5  }
0x190: {  	_ =	swait.ge @p0 [sflag:s9], $0x500  }
0x191: {  	[sflag:s9] =	ssyncset.done @p0 $0x0  }
0x192: {  	[sflag:s9] =	ssyncadd.s32 @p0 $0xFFFFFB00;
	s9 =	simm.s32 @!p0 $0x9E20  }
0x193: {  	[spmem:s12] =	stream.linear.scatter @!p0 [tilespmem:s9], [sflag:$0x5], $0x2800, $0x38;
	[tilespmem:$0x18E20] =	vst v63  }
0x194: {  	s9 =	simm.s32 @!p0 $0x5  }
0x195: {  	_ =	swait.ge @!p0 [sflag:s9], $0x2800  }
0x196: {  	s10 =	simm.s32 @!p0 $0x0;
	[sflag:s9] =	ssyncset.done @!p0 $0x0  }
0x197: {  	s11 =	simm.s32 @!p0 $0x11620;
	s13 =	rddreg [dreg:$0xc];
	[sflag:s9] =	ssyncadd.s32 @!p0 $0xFFFFD800  }
0x198: {  	[hbm4b:s13+s10] =	stream.linear.scatter @!p0 [tilespmem:s11], [sflag:$0x5], $0x2800, $0x38;
	[tilespmem:$0x18E20] =	vst v63  }
0x199: {  	_ =	swait.ge @!p0 [sflag:s9], $0x2800  }
0x19a: {  	[sflag:s9] =	ssyncset.done @!p0 $0x0  }
0x19b: {  	[sflag:s9] =	ssyncadd.s32 @!p0 $0xFFFFD800  }
0x19c: {  	s9 =	simm.s32 $0x0;
	[bflag:$0x0] =	sbarrier.arrive $0xFFFF  }
0x19d: {  	[tilespmem:s24], [sflag:$0x1] =	stream.indirect.gather [spmem:s2], $0x10, s9, s23, $0xb8;
	[tilespmem:$0x18E20] =	vst v63  }
0x19e: {  	s11 =	simm.s32 $0x80  }
0x19f: {  	[tilespmem:s26], [sflag:$0x1] =	stream.indirect.gather [spmem:s2], $0x10, s11, s23, $0xb8;
	[tilespmem:$0x18E20] =	vst v63  }
0x1a0: {  	s13 =	simm.s32 $0x100  }
0x1a1: {  	[tilespmem:s29], [sflag:$0x1] =	stream.indirect.gather [spmem:s2], $0x10, s13, s23, $0xb8;
	[tilespmem:$0x18E20] =	vst v63  }
0x1a2: {  	s14 =	simm.s32 $0x180  }
0x1a3: {  	[tilespmem:s31], [sflag:$0x1] =	stream.indirect.gather [spmem:s2], $0x10, s14, s23, $0xb8;
	[tilespmem:$0x18E20] =	vst v63  }
0x1a4: {  	s11 =	simm.s32 $0x200  }
0x1a5: {  	[tilespmem:s25], [sflag:$0x1] =	stream.indirect.gather [spmem:s2], $0x10, s11, s23, $0xb8;
	[tilespmem:$0x18E20] =	vst v63  }
0x1a6: {  	s13 =	simm.s32 $0x280  }
0x1a7: {  	[tilespmem:s30], [sflag:$0x2] =	stream.indirect.gather [spmem:s2], $0x10, s13, s23, $0xb8;
	[tilespmem:$0x18E20] =	vst v63  }
0x1a8: {  	s14 =	simm.s32 $0x300  }
0x1a9: {  	[tilespmem:s28], [sflag:$0x2] =	stream.indirect.gather [spmem:s2], $0x10, s14, s23, $0xb8;
	[tilespmem:$0x18E20] =	vst v63  }
0x1aa: {  	s11 =	simm.s32 $0x380  }
0x1ab: {  	[tilespmem:s1], [sflag:$0x2] =	stream.indirect.gather [spmem:s2], $0x10, s11, s23, $0xb8;
	[tilespmem:$0x18E20] =	vst v63  }
0x1ac: {  	s13 =	simm.s32 $0x400  }
0x1ad: {  	[tilespmem:s0], [sflag:$0x2] =	stream.indirect.gather [spmem:s2], $0x10, s13, s23, $0xb8;
	[tilespmem:$0x18E20] =	vst v63  }
0x1ae: {  	s14 =	simm.s32 $0x480  }
0x1af: {  	[tilespmem:s5], [sflag:$0x2] =	stream.indirect.gather [spmem:s2], $0x10, s14, s23, $0xb8;
	[tilespmem:$0x18E20] =	vst v63  }
0x1b0: {  	_ =	swait.ge [sflag:s6], $0x2710  }
0x1b1: {  	[sflag:s6] =	ssyncset.done $0x0  }
0x1b2: {  	[sflag:s6] =	ssyncadd.s32 $0xFFFFD8F0  }
0x1b3: {  	[spmem:s3] =	stream.indirect.scatter.add.f32 [tilespmem:s24], [sflag:$0x3], $0x10, s15, s23, $0xb8;
	[tilespmem:$0x18E20] =	vst v63  }
0x1b4: {  	s11 =	simm.s32 $0x2880  }
0x1b5: {  	[spmem:s3] =	stream.indirect.scatter.add.f32 [tilespmem:s26], [sflag:$0x3], $0x10, s11, s23, $0xb8;
	[tilespmem:$0x18E20] =	vst v63  }
0x1b6: {  	s13 =	simm.s32 $0x2900  }
0x1b7: {  	[spmem:s3] =	stream.indirect.scatter.add.f32 [tilespmem:s29], [sflag:$0x3], $0x10, s13, s23, $0xb8;
	[tilespmem:$0x18E20] =	vst v63  }
0x1b8: {  	s14 =	simm.s32 $0x2980  }
0x1b9: {  	[spmem:s3] =	stream.indirect.scatter.add.f32 [tilespmem:s31], [sflag:$0x3], $0x10, s14, s23, $0xb8;
	[tilespmem:$0x18E20] =	vst v63  }
0x1ba: {  	s10 =	simm.s32 $0x2;
	s15 =	simm.s32 $0x2A00  }
0x1bb: {  	[spmem:s3] =	stream.indirect.scatter.add.f32 [tilespmem:s25], [sflag:$0x3], $0x10, s15, s23, $0xb8;
	[tilespmem:$0x18E20] =	vst v63  }
.LBB2_4:
0x1bc: {  	s11 =	sand.u32 $0x1, s10  }
0x1bd: {  	p1 =	seq.s32 s11, $0x1  }
0x1be: {  	s11 =	simm.s32 @!p1 $0x3  }
0x1bf: {  	_ =	swait.ge @!p1 [sflag:s11], $0x2710  }
0x1c0: {  	[sflag:s11] =	ssyncset.done @!p1 $0x0  }
0x1c1: {  	[sflag:s11] =	ssyncadd.s32 @!p1 $0xFFFFD8F0;
	s11 =	sshra.s32 @!p1 s9, $0x2  }
0x1c2: {  	s14 =	simm.s32 @!p1 $0x7D;
	s15 =	simm.s32 @!p1 $0x5000;
	s13 =	sadd.s32 @!p1 $0x500, s11  }
0x1c3: {  	[tilespmem:s15], [sflag:$0x1] =	stream.indirect.gather @!p1 [spmem:s2], $0x10, s13, s14, $0xb8;
	[tilespmem:$0x18E20] =	vst v63  }
0x1c4: {  	s13 =	sadd.s32 @!p1 $0x580, s11;
	s15 =	simm.s32 @!p1 $0x57D0  }
0x1c5: {  	[tilespmem:s15], [sflag:$0x1] =	stream.indirect.gather @!p1 [spmem:s2], $0x10, s13, s14, $0xb8;
	[tilespmem:$0x18E20] =	vst v63  }
0x1c6: {  	s13 =	sadd.s32 @!p1 $0x600, s11;
	s15 =	simm.s32 @!p1 $0x5FA0  }
0x1c7: {  	[tilespmem:s15], [sflag:$0x1] =	stream.indirect.gather @!p1 [spmem:s2], $0x10, s13, s14, $0xb8;
	[tilespmem:$0x18E20] =	vst v63  }
0x1c8: {  	s13 =	sadd.s32 @!p1 $0x680, s11;
	s15 =	simm.s32 @!p1 $0x6770  }
0x1c9: {  	[tilespmem:s15], [sflag:$0x1] =	stream.indirect.gather @!p1 [spmem:s2], $0x10, s13, s14, $0xb8;
	[tilespmem:$0x18E20] =	vst v63  }
0x1ca: {  	s13 =	sadd.s32 @!p1 $0x700, s11;
	s15 =	simm.s32 @!p1 $0x6F40  }
0x1cb: {  	[tilespmem:s15], [sflag:$0x1] =	stream.indirect.gather @!p1 [spmem:s2], $0x10, s13, s14, $0xb8;
	[tilespmem:$0x18E20] =	vst v63  }
0x1cc: {  	s13 =	simm.s32 @!p1 $0x2  }
0x1cd: {  	_ =	swait.ge @!p1 [sflag:s13], $0x2710  }
0x1ce: {  	[sflag:s13] =	ssyncset.done @!p1 $0x0  }
0x1cf: {  	s15 =	simm.s32 @!p1 $0x7710;
	[sflag:s13] =	ssyncadd.s32 @!p1 $0xFFFFD8F0;
	s13 =	sadd.s32 @!p1 $0x2A80, s11  }
0x1d0: {  	[spmem:s3] =	stream.indirect.scatter.add.f32 @!p1 [tilespmem:s15], [sflag:$0x4], $0x10, s13, s14, $0xb8;
	[tilespmem:$0x18E20] =	vst v63  }
0x1d1: {  	s13 =	sadd.s32 @!p1 $0x2B00, s11;
	s15 =	simm.s32 @!p1 $0x7EE0  }
0x1d2: {  	[spmem:s3] =	stream.indirect.scatter.add.f32 @!p1 [tilespmem:s15], [sflag:$0x4], $0x10, s13, s14, $0xb8;
	[tilespmem:$0x18E20] =	vst v63  }
0x1d3: {  	s13 =	sadd.s32 @!p1 $0x2B80, s11;
	s15 =	simm.s32 @!p1 $0x86B0  }
0x1d4: {  	[spmem:s3] =	stream.indirect.scatter.add.f32 @!p1 [tilespmem:s15], [sflag:$0x4], $0x10, s13, s14, $0xb8;
	[tilespmem:$0x18E20] =	vst v63  }
0x1d5: {  	s13 =	sadd.s32 @!p1 $0x2C00, s11;
	s15 =	simm.s32 @!p1 $0x8E80  }
0x1d6: {  	[spmem:s3] =	stream.indirect.scatter.add.f32 @!p1 [tilespmem:s15], [sflag:$0x4], $0x10, s13, s14, $0xb8;
	[tilespmem:$0x18E20] =	vst v63  }
0x1d7: {  	s11 =	sadd.s32 @!p1 $0x2C80, s11;
	s13 =	simm.s32 @!p1 $0x9650  }
0x1d8: {  	[spmem:s3] =	stream.indirect.scatter.add.f32 @!p1 [tilespmem:s13], [sflag:$0x4], $0x10, s11, s14, $0xb8;
	[tilespmem:$0x18E20] =	vst v63  }
0x1d9: {  	s11 =	sand.u32 @!p1 $0x1, s10  }
0x1da: {  	p2 =	seq.s32 @!p1 s11, $0x0  }
0x1db: {  	p1 =	por p1, !p2  }
0x1dc: {  	_ =	swait.ge @p1 [sflag:s8], $0x2710  }
0x1dd: {  	s11 =	sshra.s32 @p1 s9, $0x2;
	[sflag:s8] =	ssyncset.done @p1 $0x0  }
0x1de: {  	s13 =	sadd.s32 @p1 $0x500, s11;
	[sflag:s8] =	ssyncadd.s32 @p1 $0xFFFFD8F0  }
0x1df: {  	[tilespmem:s30], [sflag:$0x2] =	stream.indirect.gather @p1 [spmem:s2], $0x10, s13, s23, $0xb8;
	[tilespmem:$0x18E20] =	vst v63  }
0x1e0: {  	s13 =	sadd.s32 @p1 $0x580, s11  }
0x1e1: {  	[tilespmem:s28], [sflag:$0x2] =	stream.indirect.gather @p1 [spmem:s2], $0x10, s13, s23, $0xb8;
	[tilespmem:$0x18E20] =	vst v63  }
0x1e2: {  	s13 =	sadd.s32 @p1 $0x600, s11  }
0x1e3: {  	[tilespmem:s1], [sflag:$0x2] =	stream.indirect.gather @p1 [spmem:s2], $0x10, s13, s23, $0xb8;
	[tilespmem:$0x18E20] =	vst v63  }
0x1e4: {  	s13 =	sadd.s32 @p1 $0x680, s11  }
0x1e5: {  	[tilespmem:s0], [sflag:$0x2] =	stream.indirect.gather @p1 [spmem:s2], $0x10, s13, s23, $0xb8;
	[tilespmem:$0x18E20] =	vst v63  }
0x1e6: {  	s13 =	sadd.s32 @p1 $0x700, s11  }
0x1e7: {  	[tilespmem:s5], [sflag:$0x2] =	stream.indirect.gather @p1 [spmem:s2], $0x10, s13, s23, $0xb8;
	[tilespmem:$0x18E20] =	vst v63  }
0x1e8: {  	_ =	swait.ge @p1 [sflag:s6], $0x2710  }
0x1e9: {  	[sflag:s6] =	ssyncset.done @p1 $0x0  }
0x1ea: {  	s13 =	sadd.s32 @p1 $0x2A80, s11;
	[sflag:s6] =	ssyncadd.s32 @p1 $0xFFFFD8F0  }
0x1eb: {  	[spmem:s3] =	stream.indirect.scatter.add.f32 @p1 [tilespmem:s24], [sflag:$0x3], $0x10, s13, s23, $0xb8;
	[tilespmem:$0x18E20] =	vst v63  }
0x1ec: {  	s13 =	sadd.s32 @p1 $0x2B00, s11  }
0x1ed: {  	[spmem:s3] =	stream.indirect.scatter.add.f32 @p1 [tilespmem:s26], [sflag:$0x3], $0x10, s13, s23, $0xb8;
	[tilespmem:$0x18E20] =	vst v63  }
0x1ee: {  	s13 =	sadd.s32 @p1 $0x2B80, s11  }
0x1ef: {  	[spmem:s3] =	stream.indirect.scatter.add.f32 @p1 [tilespmem:s29], [sflag:$0x3], $0x10, s13, s23, $0xb8;
	[tilespmem:$0x18E20] =	vst v63  }
0x1f0: {  	s13 =	sadd.s32 @p1 $0x2C00, s11  }
0x1f1: {  	[spmem:s3] =	stream.indirect.scatter.add.f32 @p1 [tilespmem:s31], [sflag:$0x3], $0x10, s13, s23, $0xb8;
	[tilespmem:$0x18E20] =	vst v63  }
0x1f2: {  	s9 =	sadd.s32 $0xA00, s9;
	s11 =	sadd.s32 @p1 $0x2C80, s11  }
0x1f3: {  	[spmem:s3] =	stream.indirect.scatter.add.f32 @p1 [tilespmem:s25], [sflag:$0x3], $0x10, s11, s23, $0xb8;
	[tilespmem:$0x18E20] =	vst v63  }
0x1f4: {  	p1 =	sne.s32 s9, $0x8C00  }
.Ltmp1:
0x1f5: {  	_ = 	snop;
	(pc) =	sbr.rel @p1 .LBB2_4-.Ltmp1, $2  }
0x1f6: {  	_ =	sdelay $0x2  }
0x1f7: {  	s10 =	sadd.s32 $0x1, s10  }
0x1f8: {  	_ =	swait.ge [sflag:s7], $0x2710  }
0x1f9: {  	[sflag:s7] =	ssyncset.done $0x0  }
0x1fa: {  	s9 =	simm.s32 $0x4D80;
	[sflag:s7] =	ssyncadd.s32 $0xFFFFD8F0  }
0x1fb: {  	[spmem:s3] =	stream.indirect.scatter.add.f32 [tilespmem:s30], [sflag:$0x4], $0x10, s9, s23, $0xb8;
	[tilespmem:$0x18E20] =	vst v63  }
0x1fc: {  	s15 =	simm.s32 $0x4E00  }
0x1fd: {  	[spmem:s3] =	stream.indirect.scatter.add.f32 [tilespmem:s28], [sflag:$0x4], $0x10, s15, s23, $0xb8;
	[tilespmem:$0x18E20] =	vst v63  }
0x1fe: {  	s10 =	simm.s32 $0x4E80  }
0x1ff: {  	[spmem:s3] =	stream.indirect.scatter.add.f32 [tilespmem:s1], [sflag:$0x4], $0x10, s10, s23, $0xb8;
	[tilespmem:$0x18E20] =	vst v63  }
0x200: {  	s11 =	simm.s32 $0x4F00  }
0x201: {  	[spmem:s3] =	stream.indirect.scatter.add.f32 [tilespmem:s0], [sflag:$0x4], $0x10, s11, s23, $0xb8;
	[tilespmem:$0x18E20] =	vst v63  }
0x202: {  	s13 =	simm.s32 $0x4F80  }
0x203: {  	[spmem:s3] =	stream.indirect.scatter.add.f32 [tilespmem:s5], [sflag:$0x4], $0x10, s13, s23, $0xb8;
	[tilespmem:$0x18E20] =	vst v63  }
0x204: {  	_ =	swait.ge [sflag:s17], $0x2710  }
0x205: {  	[sflag:s17] =	ssyncset.done $0x0  }
0x206: {  	[sflag:s17] =	ssyncadd.s32 $0xFFFFD8F0  }
0x207: {  	_ =	swait.ge [sflag:s8], $0x2710  }
0x208: {  	[sflag:s8] =	ssyncset.done $0x0  }
0x209: {  	s14 =	stileid.u32;
	[sflag:s8] =	ssyncadd.s32 $0xFFFFD8F0  }
0x20a: {  	s9 =	sshll.u32 s14, $0x6;
	[bflag:$0x0] =	sbarrier.arrive $0xFFFF  }
0x20b: {  	s9 =	sor.u32 $0x1C05, s9;
	s10 =	sshrl.u32 s12, $0x3;
	s11 =	rddreg [dreg:$0xd]  }
0x20c: {  	[hbm:s11], [sflag:s9] =	dma.local [spmem:s10], $0x500  }
0x20d: {  	_ =	swait.ge [sflag:s16], $0x500  }
0x20e: {  	s18 =	sadd.s32 $0x1, s18;
	s15 =	rddreg [dreg:$0xe]  }
0x20f: {  	p1 =	sne.s32 s18, s15  }
.Ltmp2:
0x210: {  	_ = 	snop;
	(pc) =	sbr.rel @p1 .LBB2_1-.Ltmp2, $3  }
0x211: {  	_ =	sdelay $0x1  }
0x212: {  	[sflag:s16] =	ssyncset.done $0x0  }
0x213: {  	[sflag:s16] =	ssyncadd.s32 $0xFFFFFB00;
	s15 =	simm.s32 $0x2800  }
0x214: {  	_ =	sfence.sel $0x180000  }
0x215: {  	[bflag:$0x0] =	sbarrier.arrive $0xFFFF  }
0x216: {  	_ =	strace $0x9000004A  }
0x217: {  	s0 =	stileid.u32;
	[bflag:$0x2] =	sbarrier.arrive $0xFFFF  }
0x218: {  	p0 =	sne.s32 s0, $0x0;
	s0 =	rddreg [dreg:$0x4]  }
0x219: {  	s0 =	sadd.s32 @!p0 $0x100000, s0  }
0x21a: {  	[sflag:s0] =	ssyncadd.tile.s32 @!p0 $0x1;
	_ =	shalt  }
.Lfunc_end2:
_tile_overlayer_lowered:
.L_overlay_start_2:
0x21b: {  	(tag) =	ssettag $0x2  }
0x21c: {  	s0 =	rddreg [dreg:$0x0];
	s2 =	stileid.u32  }
0x21d: {  	s1 =	rddreg [dreg:$0x1];
	p0 =	sne.s32 s2, $0x0  }
0x21e: {  	s3 =	rddreg [dreg:$0x2];
	[bflag:$0x3] =	sbarrier.arrive $0xFFFF;
	s2 =	simm.s32 @!p0 $0x1C05  }
0x21f: {  	[timem:s3], [sflag:s2] =	dma.local @!p0 [hbm:s0], s1  }
0x220: {  	s0 =	simm.s32 @!p0 $0x5  }
0x221: {  	_ =	swait.ge @!p0 [sflag:s0], s1  }
0x222: {  	s1 =	ssub.s32 @!p0 $0x0, s1;
	[sflag:s0] =	ssyncset.done @!p0 $0x0  }
0x223: {  	[sflag:s0] =	ssyncadd.s32 @!p0 s1  }
0x224: {  	[bflag:$0x3] =	sbarrier.arrive $0xFFFF  }
0x225: {  	_ =	shalt  }

// kernel: kernel.14.cloned.1.call-start
scs
__scs_entry_jumppad:
0x0: {  	(pc) =	sbr.rel $0x88, $3  }
0x1: {  	(tag) =	ssettag $0x0;
	lr =	simm.s32 $0x1  }
0x2: {  	[smem:$0x3F9B] =	sst lr;
	_ =	strace $0xD0000000  }
0x3: {  	_ = 	snop  }
0x4: {  	_ = 	snop  }
0x5: {  	_ = 	snop  }
0x6: {  	_ = 	snop  }
0x7: {  	_ = 	snop  }
__scs_overlays_trampoline_lowered:
0x8: {  	[smem:$0x3FAA] =	sst s0  }
0x9: {  	[smem:$0x3FAB] =	sst s1  }
0xa: {  	[smem:$0x3FAC] =	sst s2  }
0xb: {  	[smem:$0x3FAD] =	sst s3  }
0xc: {  	[smem:$0x3FAE] =	sst s4  }
0xd: {  	[smem:$0x3FAF] =	sst s5  }
0xe: {  	[smem:$0x3FB0] =	sst s6  }
0xf: {  	[smem:$0x3FB1] =	sst s7  }
0x10: {  	[smem:$0x3FB2] =	sst s8  }
0x11: {  	[smem:$0x3FB3] =	sst s9;
	s0 =	simm.s32 @!p0 $0x0  }
0x12: {  	s1 =	sld [smem:$0x3F99];
	s0 =	simm.s32 @p0 $0x1  }
0x13: {  	[smem:$0x3FB4] =	sst s0;
	s0 =	simm.s32 @!p1 $0x0  }
0x14: {  	s2 =	sld [smem:$0x3F98];
	s0 =	simm.s32 @p1 $0x1  }
0x15: {  	[smem:$0x3FB5] =	sst s0;
	s0 =	simm.s32 @!p2 $0x0  }
0x16: {  	s3 =	sld [smem:$0x3FDB];
	s0 =	simm.s32 @p2 $0x1  }
0x17: {  	s4 =	simm.s32 $0x1BF5;
	[smem:$0x3FB7] =	sst s0  }
0x18: {  	s0 =	sld [smem:$0x3F9A];
	_ =	swait.ge [sflag:s4], $0x0  }
0x19: {  	s7 =	sld [smem:$0x3F9B]  }
0x1a: {  	s8 =	sadd.s32 $0xFFFFE003, lr  }
0x1b: {  	s9 =	sadd.s32 $0xFFFFFEF7, lr;
	s5 =	simm.s32 $0xFFFFFFFF;
	p2 =	slt.u32 s8, $0xFFFFF086  }
0x1c: {  	p1 =	slt.u32 s9, $0xF7A;
	s5 =	simm.s32 @!p2 $0x0  }
0x1d: {  	s5 =	simm.s32 @p1 $0x1;
	p0 =	seq.s32 s7, s2  }
0x1e: {  	s7 =	smul.u32 @!p0 $0xF7A, s2;
	p2 =	seq.s32 @!p0 s5, $0x0  }
0x1f: {  	s9 =	smul.u32 $0xF7A, s1;
	s8 =	simm.s32 @!p0 $0x1BF5;
	p2 =	por !p2, p0  }
0x20: {  	[sflag:s8] =	ssyncset.s32 @!p0 $0xFFFFF086;
	s6 =	sadd.s32 @!p0 s3, s7;
	s7 =	simm.s32 @!p0 $0x108  }
0x21: {  	s3 =	sadd.s32 s3, s9;
	s6 =	sadd.s32 @!p0 $0x88, s6;
	s7 =	simm.s32 @p2 $0x1082  }
0x22: {  	[simem:s7], [sflag:s8] =	dma.local @!p0 [hbm:s6], $0xF7A  }
0x23: {  	s9 =	sor.u32 $0xD0000000, s2;
	s6 =	simm.s32 $0x108;
	_ =	swait.ge @!p0 [sflag:s8], $0x0  }
0x24: {  	s3 =	sadd.s32 $0x88, s3;
	s6 =	simm.s32 @!p1 $0x1082;
	[sflag:s4] =	ssyncset.s32 $0xFFFFF086  }
0x25: {  	[simem:s6], [sflag:s4] =	dma.local [hbm:s3], $0xF7A  }
0x26: {  	[smem:$0x3F9B] =	sst s1;
	(tag) =	ssettag s2;
	_ =	strace s9  }
0x27: {  	s1 =	sld [smem:$0x3FAB]  }
0x28: {  	s2 =	sld [smem:$0x3FAC]  }
0x29: {  	s4 =	sld [smem:$0x3FAE]  }
0x2a: {  	p0 =	seq.s32 s5, $0x0;
	s5 =	sld [smem:$0x3FAF]  }
0x2b: {  	s6 =	sld [smem:$0x3FB0]  }
0x2c: {  	s7 =	sld [smem:$0x3FB1]  }
0x2d: {  	s3 =	simm.s32 $0x108;
	s8 =	sld [smem:$0x3FB2]  }
0x2e: {  	s3 =	simm.s32 @!p0 $0x1082;
	s9 =	sld [smem:$0x3FB3]  }
0x2f: {  	lr =	sadd.s32 s0, s3;
	s0 =	sld [smem:$0x3FAA]  }
0x30: {  	s3 =	sld [smem:$0x3FAD]  }
0x31: {  	[smem:$0x3FB6] =	sst s10  }
0x32: {  	s10 =	sld [smem:$0x3FB4];
	_ =	sdelay $0x3  }
0x33: {  	p0 =	seq.s32 s10, $0x1;
	s10 =	sld [smem:$0x3FB6];
	_ =	sdelay $0x3  }
0x34: {  	[smem:$0x3FB6] =	sst s10  }
0x35: {  	s10 =	sld [smem:$0x3FB5];
	_ =	sdelay $0x3  }
0x36: {  	p1 =	seq.s32 s10, $0x1;
	s10 =	sld [smem:$0x3FB6];
	_ =	sdelay $0x3  }
0x37: {  	[smem:$0x3FB6] =	sst s10  }
0x38: {  	s10 =	sld [smem:$0x3FB7]  }
0x39: {  	_ = 	snop;
	(pc) =	sbr.ind lr, $3  }
0x3a: {  	_ = 	snop  }
0x3b: {  	_ = 	snop  }
0x3c: {  	p2 =	seq.s32 s10, $0x1;
	s10 =	sld [smem:$0x3FB6]  }
0x3d: {  	_ =	shalt  }
0x3e: {  	_ =	shalt  }
0x3f: {  	_ =	shalt  }
0x40: {  	_ =	shalt  }
0x41: {  	_ =	shalt  }
0x42: {  	_ =	shalt  }
0x43: {  	_ =	shalt  }
0x44: {  	_ =	shalt  }
0x45: {  	_ =	shalt  }
0x46: {  	_ =	shalt  }
0x47: {  	_ =	shalt  }
0x48: {  	_ =	shalt  }
0x49: {  	_ =	shalt  }
0x4a: {  	_ =	shalt  }
0x4b: {  	_ =	shalt  }
0x4c: {  	_ =	shalt  }
0x4d: {  	_ =	shalt  }
0x4e: {  	_ =	shalt  }
0x4f: {  	_ =	shalt  }
0x50: {  	_ =	shalt  }
0x51: {  	_ =	shalt  }
0x52: {  	_ =	shalt  }
0x53: {  	_ =	shalt  }
0x54: {  	_ =	shalt  }
0x55: {  	_ =	shalt  }
0x56: {  	_ =	shalt  }
0x57: {  	_ =	shalt  }
0x58: {  	_ =	shalt  }
0x59: {  	_ =	shalt  }
0x5a: {  	_ =	shalt  }
0x5b: {  	_ =	shalt  }
0x5c: {  	_ =	shalt  }
0x5d: {  	_ =	shalt  }
0x5e: {  	_ =	shalt  }
0x5f: {  	_ =	shalt  }
0x60: {  	_ =	shalt  }
0x61: {  	_ =	shalt  }
0x62: {  	_ =	shalt  }
0x63: {  	_ =	shalt  }
0x64: {  	_ =	shalt  }
0x65: {  	_ =	shalt  }
0x66: {  	_ =	shalt  }
0x67: {  	_ =	shalt  }
0x68: {  	_ =	shalt  }
0x69: {  	_ =	shalt  }
0x6a: {  	_ =	shalt  }
0x6b: {  	_ =	shalt  }
0x6c: {  	_ =	shalt  }
0x6d: {  	_ =	shalt  }
0x6e: {  	_ =	shalt  }
0x6f: {  	_ =	shalt  }
0x70: {  	_ =	shalt  }
0x71: {  	_ =	shalt  }
0x72: {  	_ =	shalt  }
0x73: {  	_ =	shalt  }
0x74: {  	_ =	shalt  }
0x75: {  	_ =	shalt  }
0x76: {  	_ =	shalt  }
0x77: {  	_ =	shalt  }
0x78: {  	_ =	shalt  }
0x79: {  	_ =	shalt  }
0x7a: {  	_ =	shalt  }
0x7b: {  	_ =	shalt  }
0x7c: {  	_ =	shalt  }
0x7d: {  	_ =	shalt  }
0x7e: {  	_ =	shalt  }
0x7f: {  	_ =	shalt  }
0x80: {  	_ =	shalt  }
0x81: {  	_ =	shalt  }
0x82: {  	_ =	shalt  }
0x83: {  	_ =	shalt  }
0x84: {  	_ =	shalt  }
0x85: {  	_ =	shalt  }
0x86: {  	_ =	shalt  }
0x87: {  	_ =	shalt  }
.Lfunc_end0:
.L_simem_size_0:
called_computation.2_lowered:
.L_overlay_start_0:
0x88: {  	s2 =	sld [smem:$0x3FD9]  }
0x89: {  	s3 =	sld [smem:$0x3FFE];
	_ =	sdelay $0x1  }
0x8a: {  	s1 =	srdreg.scid  }
0x8b: {  	s0 =	sand.u32 $0x1, s1  }
0x8c: {  	s17 =	sshll.u32 s0, $0xA;
	s2 =	sadd.s32 s3, s2  }
0x8d: {  	s2 =	sadd.s32 s2, s17  }
0x8e: {  	[smem:$0x3FC2] =	sst s2  }
0x8f: {  	_ = 	snop  }
0x90: {  	s2 =	sld [smem:$0x3FD0];
	(tm) =	ssettm $0x1  }
0x91: {  	s18 =	sld [smem:$0x3FFB];
	_ =	sdelay $0x3  }
0x92: {  	_ =	strace s18  }
0x93: {  	s3 =	sld [smem:$0x3FFC];
	_ =	sdelay $0x3  }
0x94: {  	_ =	strace s3  }
0x95: {  	s3 =	sld [smem:$0x3FFD];
	_ =	sdelay $0x3  }
0x96: {  	_ =	strace s3  }
0x97: {  	_ =	strace $0x8FFFFFFF  }
0x98: {  	s19 =	sld [smem:$0x3FDB];
	_ =	sdelay $0x1  }
0x99: {  	s4 =	simm.s32 $_scs_section_size  }
0x9a: {  	s5 =	simm.s32 $_size__tile_overlayer_lowered;
	s6 =	simm.s32 $_tile_overlayer_lowered  }
0x9b: {  	s22 =	simm.s32 $0x1BFF;
	s21 =	sshll.u32 s6, $0x1;
	s3 =	sadd.s32 s4, s19  }
0x9c: {  	s7 =	simm.s32 $0x0;
	s20 =	sshll.u32 s5, $0x1;
	s5 =	sadd.s32 s21, s3  }
0x9d: {  	[timem:s7], [sflag:s22] =	dma.local [hbm:s5], s20  }
0x9e: {  	_ =	swait.ge [sflag:s22], s20  }
0x9f: {  	s4 =	ssub.s32 $0x0, s20;
	[sflag:s22] =	ssyncset.done $0x0  }
0xa0: {  	[sflag:s22] =	ssyncadd.s32 s4;
	_ =	sdelay $0x1  }
0xa1: {  	s23 =	simm.s32 $0x1B8B  }
0xa2: {  	_ =	swait.ge [sflag:s23], $0x1  }
0xa3: {  	[sflag:s23] =	ssyncset.done $0x0  }
0xa4: {  	s25 =	simm.s32 $0x1B8E;
	s24 =	sld [smem:$0x3FFE];
	[sflag:s23] =	ssyncadd.s32 $0xFFFFFFFF  }
0xa5: {  	s26 =	simm.s32 $execute0_lowered;
	[smem:$0x3FD2] =	sst s25  }
0xa6: {  	s5 =	sshll.u32 s26, $0x1;
	_ =	strace $0x8000004C;
	[dreg:$0x1] =	wrdreg $0xFFFFFFFF  }
0xa7: {  	s28 =	simm.s32 $_size_execute0_lowered;
	s3 =	sadd.s32 s3, s5;
	[dreg:$0x0] =	wrdreg $0x0  }
0xa8: {  	s5 =	sshll.u32 s28, $0x1;
	[dreg:$0x2] =	wrdreg s3  }
0xa9: {  	[dreg:$0x3] =	wrdreg s5  }
0xaa: {  	[dreg:$0x4] =	wrdreg $0xC0  }
0xab: {  	_ =	task [dreg:s7], $0x5FFFF  }
0xac: {  	[dreg:$0x1] =	wrdreg $0xFFFFFFFF  }
0xad: {  	[dreg:$0x0] =	wrdreg $0x60  }
0xae: {  	[dreg:$0x2] =	wrdreg s2  }
0xaf: {  	[dreg:$0x3] =	wrdreg s24  }
0xb0: {  	[dreg:$0x4] =	wrdreg $0x113500  }
0xb1: {  	[dreg:$0x5] =	wrdreg $0x9  }
0xb2: {  	_ =	task.clear_ibuf [dreg:s7], $0x6FFFF;
	_ =	strace $0x9000004C  }
0xb3: {  	s29 =	simm.s32 $0x9;
	_ =	strace $0x8000004E  }
0xb4: {  	_ =	swait.ge [sflag:s29], $0x1  }
0xb5: {  	[sflag:s29] =	ssyncadd.s32 $0xFFFFFFFF  }
0xb6: {  	_ =	strace $0x9000004E  }
0xb7: {  	_ =	sfence  }
0xb8: {  	s30 =	sld [smem:$0x0];
	_ =	sdelay $0x2  }
0xb9: {  	s31 =	sshll.u32 s1, $0xD;
	s1 =	sshrl.u32 s1, $0x2  }
0xba: {  	s3 =	sand.u32 $0x4000, s31;
	s1 =	sadd.s32 s1, s30  }
0xbb: {  	s0 =	sor.u32 s3, s0;
	s1 =	sshll.u32 s1, $0x11  }
0xbc: {  	s0 =	sor.u32 s1, s0  }
0xbd: {  	s0 =	sadd.s32 $0x8F2B, s0  }
0xbe: {  	[sflag:s0] =	ssyncadd.remote.s32 $0x1  }
0xbf: {  	_ =	sfence.sel $0xFFFF  }
0xc0: {  	[dreg:$0x0] =	wrdreg $0xFFFFFFFF;
	(pc) =	sbr.abs _section_cstart, $3  }
0xc1: {  	[dreg:$0x1] =	wrdreg $0xFFFFFFFF  }
0xc2: {  	_ =	task.clear_ibuf [dreg:s7], $0x2FFFF;
	_ =	strace $0x9FFFFFFF  }
0xc3: {  	(tm) =	ssettm $0x7FFFFFFF  }
tec
execute0_lowered:
.L_overlay_start_1:
0x0: {  	(tag) =	ssettag $0x1  }
0x1: {  	s0 =	srdreg.scid;
	s2 =	rddreg [dreg:$0x0]  }
0x2: {  	s12 =	stileid.u32;
	s6 =	rddreg [dreg:$0x1]  }
0x3: {  	s3 =	rddreg [dreg:$0x2];
	s4 =	simm.s32 $0x0;
	s10 =	simm.s32 $0x5  }
0x4: {  	s11 =	simm.s32 $0x2800;
	s14 =	simm.s32 $0x7D;
	s15 =	simm.s32 $0x5000  }
0x5: {  	s17 =	simm.s32 $0x6388;
	s19 =	simm.s32 $0x7710;
	s21 =	simm.s32 $0x8A98  }
0x6: {  	s28 =	simm.s32 $0xC530;
	s30 =	simm.s32 $0xD8B8;
	s16 =	simm.s32 $0xFFC8  }
0x7: {  	s18 =	simm.s32 $0x1;
	s29 =	simm.s32 $0x2;
	s31 =	simm.s32 $0x4  }
0x8: {  	s0 =	sand.u32 $0x1, s0;
	s8 =	smul.u32 $0x6400, s12;
	[smem:$0x7FF] =	sst s4  }
0x9: {  	s22 =	sadd.s32 $0x16200, s6;
	s26 =	sshll.u32 s12, $0x6;
	s1 =	sshll.u32 s0, $0x4  }
0xa: {  	s5 =	smul.u32 $0x64000, s0;
	_ =	strace $0x8000004D;
	s0 =	ssub.s32 $0x2, s0  }
0xb: {  	[dreg:$0x4] =	wrdreg s22;
	s1 =	sor.u32 s12, s1;
	s23 =	sshrl.u32 s0, $0x1  }
0xc: {  	s25 =	sadd.s32 s8, s3;
	s12 =	sor.u32 $0x1C05, s26;
	s1 =	smul.u32 $0x2800, s1  }
0xd: {  	s26 =	simm.s32 $0x3;
	s5 =	sadd.s32 s8, s5;
	s0 =	ssub.s32 s0, s23  }
0xe: {  	s13 =	sshrl.u32 s25, $0x3;
	s7 =	sshrl.u32 s5, $0x3;
	s1 =	sshrl.u32 s1, $0x3  }
0xf: {  	s23 =	simm.s32 $0x9E20;
	s9 =	sadd.s32 s7, s6;
	s1 =	sadd.s32 s1, s6  }
0x10: {  	s25 =	simm.s32 $0xB1A8;
	s8 =	sadd.s32 $0x17000, s9;
	s24 =	sadd.s32 $0x2200, s1  }
0x11: {  	s9 =	smax.u32 s0, $0x1;
	s1 =	sadd.s32 $0xC200, s1;
	[dreg:$0x5] =	wrdreg s24  }
0x12: {  	s0 =	simm.s32 $0x0;
	[dreg:$0x6] =	wrdreg s1;
	s1 =	simm.s32 $0xEC40  }
.LBB2_1:
0x13: {  	s5 =	rddreg [dreg:$0x5]  }
0x14: {  	[tilespmem:s4], [sflag:$0x5] =	stream.linear.gather [hbm4b:s5+s4], $0x2800, $0x38;
	[tilespmem:$0x17750] =	vst v63  }
0x15: {  	_ =	swait.ge [sflag:s10], $0x2800  }
0x16: {  	[sflag:s10] =	ssyncset.done $0x0  }
0x17: {  	s6 =	rddreg [dreg:$0x6];
	[sflag:s10] =	ssyncadd.s32 $0xFFFFD800  }
0x18: {  	[tilespmem:s11], [sflag:$0x5] =	stream.linear.gather [hbm4b:s6+s4], $0x2800, $0x38;
	[tilespmem:$0x17750] =	vst v63  }
0x19: {  	_ =	swait.ge [sflag:s10], $0x2800  }
0x1a: {  	[sflag:s10] =	ssyncset.done $0x0  }
0x1b: {  	s7 =	rddreg [dreg:$0x4];
	[sflag:s10] =	ssyncadd.s32 $0xFFFFD800  }
0x1c: {  	[spmem:s13], [sflag:s12] =	dma.local [hbm:s7], $0xC80  }
0x1d: {  	_ =	swait.ge [sflag:s10], $0xC80  }
0x1e: {  	[sflag:s10] =	ssyncset.done $0x0  }
0x1f: {  	[sflag:s10] =	ssyncadd.s32 $0xFFFFF380  }
0x20: {  	[bflag:$0x0] =	sbarrier.arrive $0xFFFF  }
0x21: {  	[tilespmem:s15], [sflag:$0x1] =	stream.indirect.gather [hbm4b:s2+s14], $0x28, s4, s14, $0xb8;
	[tilespmem:$0x17750] =	vst v63  }
0x22: {  	s20 =	simm.s32 $0x80  }
0x23: {  	[tilespmem:s17], [sflag:$0x1] =	stream.indirect.gather [hbm4b:s2+s14], $0x28, s20, s14, $0xb8;
	[tilespmem:$0x17750] =	vst v63  }
0x24: {  	s22 =	simm.s32 $0x100  }
0x25: {  	[tilespmem:s19], [sflag:$0x1] =	stream.indirect.gather [hbm4b:s2+s14], $0x28, s22, s14, $0xb8;
	[tilespmem:$0x17750] =	vst v63  }
0x26: {  	s24 =	simm.s32 $0x180  }
0x27: {  	[tilespmem:s21], [sflag:$0x1] =	stream.indirect.gather [hbm4b:s2+s14], $0x28, s24, s14, $0xb8;
	[tilespmem:$0x17750] =	vst v63  }
0x28: {  	s6 =	simm.s32 $0x200  }
0x29: {  	[tilespmem:s23], [sflag:$0x1] =	stream.indirect.gather [hbm4b:s2+s14], $0x28, s6, s14, $0xb8;
	[tilespmem:$0x17750] =	vst v63  }
0x2a: {  	s7 =	simm.s32 $0x280  }
0x2b: {  	[tilespmem:s25], [sflag:$0x2] =	stream.indirect.gather [hbm4b:s2+s14], $0x28, s7, s14, $0xb8;
	[tilespmem:$0x17750] =	vst v63  }
0x2c: {  	s20 =	simm.s32 $0x300  }
0x2d: {  	[tilespmem:s28], [sflag:$0x2] =	stream.indirect.gather [hbm4b:s2+s14], $0x28, s20, s14, $0xb8;
	[tilespmem:$0x17750] =	vst v63  }
0x2e: {  	s22 =	simm.s32 $0x380  }
0x2f: {  	[tilespmem:s30], [sflag:$0x2] =	stream.indirect.gather [hbm4b:s2+s14], $0x28, s22, s14, $0xb8;
	[tilespmem:$0x17750] =	vst v63  }
0x30: {  	s24 =	simm.s32 $0x400  }
0x31: {  	[tilespmem:s1], [sflag:$0x2] =	stream.indirect.gather [hbm4b:s2+s14], $0x28, s24, s14, $0xb8;
	[tilespmem:$0x17750] =	vst v63  }
0x32: {  	s6 =	simm.s32 $0x480  }
0x33: {  	[tilespmem:s16], [sflag:$0x2] =	stream.indirect.gather [hbm4b:s2+s14], $0x28, s6, s14, $0xb8;
	[tilespmem:$0x17750] =	vst v63  }
0x34: {  	_ =	swait.ge [sflag:s18], $0x61A8  }
0x35: {  	[sflag:s18] =	ssyncset.done $0x0  }
0x36: {  	[sflag:s18] =	ssyncadd.s32 $0xFFFF9E58  }
0x37: {  	[spmem:s3] =	stream.indirect.scatter.add.f32 [tilespmem:s15], [sflag:$0x3], $0x28, s11, s14, $0xb8;
	[tilespmem:$0x17750] =	vst v63  }
0x38: {  	s7 =	simm.s32 $0x2880  }
0x39: {  	[spmem:s3] =	stream.indirect.scatter.add.f32 [tilespmem:s17], [sflag:$0x3], $0x28, s7, s14, $0xb8;
	[tilespmem:$0x17750] =	vst v63  }
0x3a: {  	s20 =	simm.s32 $0x2900  }
0x3b: {  	[spmem:s3] =	stream.indirect.scatter.add.f32 [tilespmem:s19], [sflag:$0x3], $0x28, s20, s14, $0xb8;
	[tilespmem:$0x17750] =	vst v63  }
0x3c: {  	s22 =	simm.s32 $0x2980  }
0x3d: {  	[spmem:s3] =	stream.indirect.scatter.add.f32 [tilespmem:s21], [sflag:$0x3], $0x28, s22, s14, $0xb8;
	[tilespmem:$0x17750] =	vst v63  }
0x3e: {  	s24 =	simm.s32 $0x2A00;
	s20 =	simm.s32 $0x0;
	s22 =	simm.s32 $0x2  }
0x3f: {  	[spmem:s3] =	stream.indirect.scatter.add.f32 [tilespmem:s23], [sflag:$0x3], $0x28, s24, s14, $0xb8;
	[tilespmem:$0x17750] =	vst v63  }
.LBB2_2:
0x40: {  	s24 =	sand.u32 $0x1, s22  }
0x41: {  	p0 =	seq.s32 s24, $0x1  }
0x42: {  	s24 =	simm.s32 @!p0 $0x3  }
0x43: {  	_ =	swait.ge @!p0 [sflag:s24], $0x61A8  }
0x44: {  	[sflag:s24] =	ssyncset.done @!p0 $0x0  }
0x45: {  	[sflag:s24] =	ssyncadd.s32 @!p0 $0xFFFF9E58;
	s24 =	sshra.s32 @!p0 s20, $0x2  }
0x46: {  	s6 =	simm.s32 @!p0 $0x7D;
	s7 =	simm.s32 @!p0 $0x5000;
	s5 =	sadd.s32 @!p0 $0x500, s24  }
0x47: {  	[tilespmem:s7], [sflag:$0x1] =	stream.indirect.gather @!p0 [hbm4b:s2+s6], $0x28, s5, s6, $0xb8;
	[tilespmem:$0x17750] =	vst v63  }
0x48: {  	s5 =	sadd.s32 @!p0 $0x580, s24;
	s7 =	simm.s32 @!p0 $0x6388  }
0x49: {  	[tilespmem:s7], [sflag:$0x1] =	stream.indirect.gather @!p0 [hbm4b:s2+s6], $0x28, s5, s6, $0xb8;
	[tilespmem:$0x17750] =	vst v63  }
0x4a: {  	s5 =	sadd.s32 @!p0 $0x600, s24;
	s7 =	simm.s32 @!p0 $0x7710  }
0x4b: {  	[tilespmem:s7], [sflag:$0x1] =	stream.indirect.gather @!p0 [hbm4b:s2+s6], $0x28, s5, s6, $0xb8;
	[tilespmem:$0x17750] =	vst v63  }
0x4c: {  	s5 =	sadd.s32 @!p0 $0x680, s24;
	s7 =	simm.s32 @!p0 $0x8A98  }
0x4d: {  	[tilespmem:s7], [sflag:$0x1] =	stream.indirect.gather @!p0 [hbm4b:s2+s6], $0x28, s5, s6, $0xb8;
	[tilespmem:$0x17750] =	vst v63  }
0x4e: {  	s5 =	sadd.s32 @!p0 $0x700, s24;
	s7 =	simm.s32 @!p0 $0x9E20  }
0x4f: {  	[tilespmem:s7], [sflag:$0x1] =	stream.indirect.gather @!p0 [hbm4b:s2+s6], $0x28, s5, s6, $0xb8;
	[tilespmem:$0x17750] =	vst v63  }
0x50: {  	s5 =	simm.s32 @!p0 $0x2  }
0x51: {  	_ =	swait.ge @!p0 [sflag:s5], $0x61A8  }
0x52: {  	[sflag:s5] =	ssyncset.done @!p0 $0x0  }
0x53: {  	s7 =	simm.s32 @!p0 $0xB1A8;
	[sflag:s5] =	ssyncadd.s32 @!p0 $0xFFFF9E58;
	s5 =	sadd.s32 @!p0 $0x2A80, s24  }
0x54: {  	[spmem:s3] =	stream.indirect.scatter.add.f32 @!p0 [tilespmem:s7], [sflag:$0x4], $0x28, s5, s6, $0xb8;
	[tilespmem:$0x17750] =	vst v63  }
0x55: {  	s5 =	sadd.s32 @!p0 $0x2B00, s24;
	s7 =	simm.s32 @!p0 $0xC530  }
0x56: {  	[spmem:s3] =	stream.indirect.scatter.add.f32 @!p0 [tilespmem:s7], [sflag:$0x4], $0x28, s5, s6, $0xb8;
	[tilespmem:$0x17750] =	vst v63  }
0x57: {  	s5 =	sadd.s32 @!p0 $0x2B80, s24;
	s7 =	simm.s32 @!p0 $0xD8B8  }
0x58: {  	[spmem:s3] =	stream.indirect.scatter.add.f32 @!p0 [tilespmem:s7], [sflag:$0x4], $0x28, s5, s6, $0xb8;
	[tilespmem:$0x17750] =	vst v63  }
0x59: {  	s5 =	sadd.s32 @!p0 $0x2C00, s24;
	s7 =	simm.s32 @!p0 $0xEC40  }
0x5a: {  	[spmem:s3] =	stream.indirect.scatter.add.f32 @!p0 [tilespmem:s7], [sflag:$0x4], $0x28, s5, s6, $0xb8;
	[tilespmem:$0x17750] =	vst v63  }
0x5b: {  	s5 =	sadd.s32 @!p0 $0x2C80, s24;
	s7 =	simm.s32 @!p0 $0xFFC8  }
0x5c: {  	[spmem:s3] =	stream.indirect.scatter.add.f32 @!p0 [tilespmem:s7], [sflag:$0x4], $0x28, s5, s6, $0xb8;
	[tilespmem:$0x17750] =	vst v63  }
0x5d: {  	s5 =	sand.u32 @!p0 $0x1, s22  }
0x5e: {  	p1 =	seq.s32 @!p0 s5, $0x0  }
0x5f: {  	p0 =	por p0, !p1  }
0x60: {  	_ =	swait.ge @p0 [sflag:s31], $0x61A8  }
0x61: {  	s5 =	sshra.s32 @p0 s20, $0x2;
	[sflag:s31] =	ssyncset.done @p0 $0x0  }
0x62: {  	s6 =	sadd.s32 @p0 $0x500, s5;
	[sflag:s31] =	ssyncadd.s32 @p0 $0xFFFF9E58  }
0x63: {  	[tilespmem:s25], [sflag:$0x2] =	stream.indirect.gather @p0 [hbm4b:s2+s14], $0x28, s6, s14, $0xb8;
	[tilespmem:$0x17750] =	vst v63  }
0x64: {  	s6 =	sadd.s32 @p0 $0x580, s5  }
0x65: {  	[tilespmem:s28], [sflag:$0x2] =	stream.indirect.gather @p0 [hbm4b:s2+s14], $0x28, s6, s14, $0xb8;
	[tilespmem:$0x17750] =	vst v63  }
0x66: {  	s6 =	sadd.s32 @p0 $0x600, s5  }
0x67: {  	[tilespmem:s30], [sflag:$0x2] =	stream.indirect.gather @p0 [hbm4b:s2+s14], $0x28, s6, s14, $0xb8;
	[tilespmem:$0x17750] =	vst v63  }
0x68: {  	s6 =	sadd.s32 @p0 $0x680, s5  }
0x69: {  	[tilespmem:s1], [sflag:$0x2] =	stream.indirect.gather @p0 [hbm4b:s2+s14], $0x28, s6, s14, $0xb8;
	[tilespmem:$0x17750] =	vst v63  }
0x6a: {  	s6 =	sadd.s32 @p0 $0x700, s5  }
0x6b: {  	[tilespmem:s16], [sflag:$0x2] =	stream.indirect.gather @p0 [hbm4b:s2+s14], $0x28, s6, s14, $0xb8;
	[tilespmem:$0x17750] =	vst v63  }
0x6c: {  	_ =	swait.ge @p0 [sflag:s18], $0x61A8  }
0x6d: {  	[sflag:s18] =	ssyncset.done @p0 $0x0  }
0x6e: {  	s6 =	sadd.s32 @p0 $0x2A80, s5;
	[sflag:s18] =	ssyncadd.s32 @p0 $0xFFFF9E58  }
0x6f: {  	[spmem:s3] =	stream.indirect.scatter.add.f32 @p0 [tilespmem:s15], [sflag:$0x3], $0x28, s6, s14, $0xb8;
	[tilespmem:$0x17750] =	vst v63  }
0x70: {  	s6 =	sadd.s32 @p0 $0x2B00, s5  }
0x71: {  	[spmem:s3] =	stream.indirect.scatter.add.f32 @p0 [tilespmem:s17], [sflag:$0x3], $0x28, s6, s14, $0xb8;
	[tilespmem:$0x17750] =	vst v63  }
0x72: {  	s6 =	sadd.s32 @p0 $0x2B80, s5  }
0x73: {  	[spmem:s3] =	stream.indirect.scatter.add.f32 @p0 [tilespmem:s19], [sflag:$0x3], $0x28, s6, s14, $0xb8;
	[tilespmem:$0x17750] =	vst v63  }
0x74: {  	s6 =	sadd.s32 @p0 $0x2C00, s5  }
0x75: {  	[spmem:s3] =	stream.indirect.scatter.add.f32 @p0 [tilespmem:s21], [sflag:$0x3], $0x28, s6, s14, $0xb8;
	[tilespmem:$0x17750] =	vst v63  }
0x76: {  	s20 =	sadd.s32 $0xA00, s20;
	s5 =	sadd.s32 @p0 $0x2C80, s5  }
0x77: {  	[spmem:s3] =	stream.indirect.scatter.add.f32 @p0 [tilespmem:s23], [sflag:$0x3], $0x28, s5, s14, $0xb8;
	[tilespmem:$0x17750] =	vst v63  }
0x78: {  	p0 =	sne.s32 s20, $0x8C00  }
.Ltmp0:
0x79: {  	_ = 	snop;
	(pc) =	sbr.rel @p0 .LBB2_2-.Ltmp0, $2  }
0x7a: {  	_ =	sdelay $0x2  }
0x7b: {  	s22 =	sadd.s32 $0x1, s22  }
0x7c: {  	_ =	swait.ge [sflag:s29], $0x61A8  }
0x7d: {  	[sflag:s29] =	ssyncset.done $0x0  }
0x7e: {  	s5 =	simm.s32 $0x4D80;
	[sflag:s29] =	ssyncadd.s32 $0xFFFF9E58  }
0x7f: {  	[spmem:s3] =	stream.indirect.scatter.add.f32 [tilespmem:s25], [sflag:$0x4], $0x28, s5, s14, $0xb8;
	[tilespmem:$0x17750] =	vst v63  }
0x80: {  	s7 =	simm.s32 $0x4E00  }
0x81: {  	[spmem:s3] =	stream.indirect.scatter.add.f32 [tilespmem:s28], [sflag:$0x4], $0x28, s7, s14, $0xb8;
	[tilespmem:$0x17750] =	vst v63  }
0x82: {  	s20 =	simm.s32 $0x4E80  }
0x83: {  	[spmem:s3] =	stream.indirect.scatter.add.f32 [tilespmem:s30], [sflag:$0x4], $0x28, s20, s14, $0xb8;
	[tilespmem:$0x17750] =	vst v63  }
0x84: {  	s22 =	simm.s32 $0x4F00  }
0x85: {  	[spmem:s3] =	stream.indirect.scatter.add.f32 [tilespmem:s1], [sflag:$0x4], $0x28, s22, s14, $0xb8;
	[tilespmem:$0x17750] =	vst v63  }
0x86: {  	s24 =	simm.s32 $0x4F80  }
0x87: {  	[spmem:s3] =	stream.indirect.scatter.add.f32 [tilespmem:s16], [sflag:$0x4], $0x28, s24, s14, $0xb8;
	[tilespmem:$0x17750] =	vst v63  }
0x88: {  	_ =	swait.ge [sflag:s26], $0x61A8  }
0x89: {  	[sflag:s26] =	ssyncset.done $0x0  }
0x8a: {  	[sflag:s26] =	ssyncadd.s32 $0xFFFF9E58  }
0x8b: {  	_ =	swait.ge [sflag:s31], $0x61A8  }
0x8c: {  	s0 =	sadd.s32 $0x1, s0;
	[sflag:s31] =	ssyncset.done $0x0  }
0x8d: {  	p0 =	sne.s32 s0, s9;
	[sflag:s31] =	ssyncadd.s32 $0xFFFF9E58  }
.Ltmp1:
0x8e: {  	[bflag:$0x0] =	sbarrier.arrive $0xFFFF;
	(pc) =	sbr.rel @p0 .LBB2_1-.Ltmp1, $4  }
0x8f: {  	[hbm:s8], [sflag:s12] =	dma.local [spmem:s13], $0xC80  }
0x90: {  	_ =	swait.ge [sflag:s10], $0xC80  }
0x91: {  	[sflag:s10] =	ssyncset.done $0x0  }
0x92: {  	[sflag:s10] =	ssyncadd.s32 $0xFFFFF380  }
0x93: {  	_ =	sfence.sel $0x180000  }
0x94: {  	[bflag:$0x0] =	sbarrier.arrive $0xFFFF  }
0x95: {  	_ =	strace $0x9000004D  }
0x96: {  	s0 =	stileid.u32;
	[bflag:$0x2] =	sbarrier.arrive $0xFFFF  }
0x97: {  	p0 =	sne.s32 s0, $0x0;
	s0 =	rddreg [dreg:$0x3]  }
0x98: {  	s0 =	sadd.s32 @!p0 $0x100000, s0  }
0x99: {  	[sflag:s0] =	ssyncadd.tile.s32 @!p0 $0x1;
	_ =	shalt  }
.Lfunc_end2:
_tile_overlayer_lowered:
.L_overlay_start_2:
0x9a: {  	(tag) =	ssettag $0x2  }
0x9b: {  	s0 =	rddreg [dreg:$0x0];
	s2 =	stileid.u32  }
0x9c: {  	s1 =	rddreg [dreg:$0x1];
	p0 =	sne.s32 s2, $0x0  }
0x9d: {  	s3 =	rddreg [dreg:$0x2];
	[bflag:$0x3] =	sbarrier.arrive $0xFFFF;
	s2 =	simm.s32 @!p0 $0x1C05  }
0x9e: {  	[timem:s3], [sflag:s2] =	dma.local @!p0 [hbm:s0], s1  }
0x9f: {  	s0 =	simm.s32 @!p0 $0x5  }
0xa0: {  	_ =	swait.ge @!p0 [sflag:s0], s1  }
0xa1: {  	s1 =	ssub.s32 @!p0 $0x0, s1;
	[sflag:s0] =	ssyncset.done @!p0 $0x0  }
0xa2: {  	[sflag:s0] =	ssyncadd.s32 @!p0 s1  }
0xa3: {  	[bflag:$0x3] =	sbarrier.arrive $0xFFFF  }
0xa4: {  	_ =	shalt  }

// kernel: kernel.8.cloned.1.call-start
scs
__scs_entry_jumppad:
0x0: {  	(pc) =	sbr.rel $0x88, $3  }
0x1: {  	(tag) =	ssettag $0x0;
	lr =	simm.s32 $0x1  }
0x2: {  	[smem:$0x3F9B] =	sst lr;
	_ =	strace $0xD0000000  }
0x3: {  	_ = 	snop  }
0x4: {  	_ = 	snop  }
0x5: {  	_ = 	snop  }
0x6: {  	_ = 	snop  }
0x7: {  	_ = 	snop  }
__scs_overlays_trampoline_lowered:
0x8: {  	[smem:$0x3FAA] =	sst s0  }
0x9: {  	[smem:$0x3FAB] =	sst s1  }
0xa: {  	[smem:$0x3FAC] =	sst s2  }
0xb: {  	[smem:$0x3FAD] =	sst s3  }
0xc: {  	[smem:$0x3FAE] =	sst s4  }
0xd: {  	[smem:$0x3FAF] =	sst s5  }
0xe: {  	[smem:$0x3FB0] =	sst s6  }
0xf: {  	[smem:$0x3FB1] =	sst s7  }
0x10: {  	[smem:$0x3FB2] =	sst s8  }
0x11: {  	[smem:$0x3FB3] =	sst s9;
	s0 =	simm.s32 @!p0 $0x0  }
0x12: {  	s1 =	sld [smem:$0x3F99];
	s0 =	simm.s32 @p0 $0x1  }
0x13: {  	[smem:$0x3FB4] =	sst s0;
	s0 =	simm.s32 @!p1 $0x0  }
0x14: {  	s2 =	sld [smem:$0x3F98];
	s0 =	simm.s32 @p1 $0x1  }
0x15: {  	[smem:$0x3FB5] =	sst s0;
	s0 =	simm.s32 @!p2 $0x0  }
0x16: {  	s3 =	sld [smem:$0x3FDB];
	s0 =	simm.s32 @p2 $0x1  }
0x17: {  	s4 =	simm.s32 $0x1BF5;
	[smem:$0x3FB7] =	sst s0  }
0x18: {  	s0 =	sld [smem:$0x3F9A];
	_ =	swait.ge [sflag:s4], $0x0  }
0x19: {  	s7 =	sld [smem:$0x3F9B]  }
0x1a: {  	s8 =	sadd.s32 $0xFFFFE003, lr  }
0x1b: {  	s9 =	sadd.s32 $0xFFFFFEF7, lr;
	s5 =	simm.s32 $0xFFFFFFFF;
	p2 =	slt.u32 s8, $0xFFFFF086  }
0x1c: {  	p1 =	slt.u32 s9, $0xF7A;
	s5 =	simm.s32 @!p2 $0x0  }
0x1d: {  	s5 =	simm.s32 @p1 $0x1;
	p0 =	seq.s32 s7, s2  }
0x1e: {  	s7 =	smul.u32 @!p0 $0xF7A, s2;
	p2 =	seq.s32 @!p0 s5, $0x0  }
0x1f: {  	s9 =	smul.u32 $0xF7A, s1;
	s8 =	simm.s32 @!p0 $0x1BF5;
	p2 =	por !p2, p0  }
0x20: {  	[sflag:s8] =	ssyncset.s32 @!p0 $0xFFFFF086;
	s6 =	sadd.s32 @!p0 s3, s7;
	s7 =	simm.s32 @!p0 $0x108  }
0x21: {  	s3 =	sadd.s32 s3, s9;
	s6 =	sadd.s32 @!p0 $0x88, s6;
	s7 =	simm.s32 @p2 $0x1082  }
0x22: {  	[simem:s7], [sflag:s8] =	dma.local @!p0 [hbm:s6], $0xF7A  }
0x23: {  	s9 =	sor.u32 $0xD0000000, s2;
	s6 =	simm.s32 $0x108;
	_ =	swait.ge @!p0 [sflag:s8], $0x0  }
0x24: {  	s3 =	sadd.s32 $0x88, s3;
	s6 =	simm.s32 @!p1 $0x1082;
	[sflag:s4] =	ssyncset.s32 $0xFFFFF086  }
0x25: {  	[simem:s6], [sflag:s4] =	dma.local [hbm:s3], $0xF7A  }
0x26: {  	[smem:$0x3F9B] =	sst s1;
	(tag) =	ssettag s2;
	_ =	strace s9  }
0x27: {  	s1 =	sld [smem:$0x3FAB]  }
0x28: {  	s2 =	sld [smem:$0x3FAC]  }
0x29: {  	s4 =	sld [smem:$0x3FAE]  }
0x2a: {  	p0 =	seq.s32 s5, $0x0;
	s5 =	sld [smem:$0x3FAF]  }
0x2b: {  	s6 =	sld [smem:$0x3FB0]  }
0x2c: {  	s7 =	sld [smem:$0x3FB1]  }
0x2d: {  	s3 =	simm.s32 $0x108;
	s8 =	sld [smem:$0x3FB2]  }
0x2e: {  	s3 =	simm.s32 @!p0 $0x1082;
	s9 =	sld [smem:$0x3FB3]  }
0x2f: {  	lr =	sadd.s32 s0, s3;
	s0 =	sld [smem:$0x3FAA]  }
0x30: {  	s3 =	sld [smem:$0x3FAD]  }
0x31: {  	[smem:$0x3FB6] =	sst s10  }
0x32: {  	s10 =	sld [smem:$0x3FB4];
	_ =	sdelay $0x3  }
0x33: {  	p0 =	seq.s32 s10, $0x1;
	s10 =	sld [smem:$0x3FB6];
	_ =	sdelay $0x3  }
0x34: {  	[smem:$0x3FB6] =	sst s10  }
0x35: {  	s10 =	sld [smem:$0x3FB5];
	_ =	sdelay $0x3  }
0x36: {  	p1 =	seq.s32 s10, $0x1;
	s10 =	sld [smem:$0x3FB6];
	_ =	sdelay $0x3  }
0x37: {  	[smem:$0x3FB6] =	sst s10  }
0x38: {  	s10 =	sld [smem:$0x3FB7]  }
0x39: {  	_ = 	snop;
	(pc) =	sbr.ind lr, $3  }
0x3a: {  	_ = 	snop  }
0x3b: {  	_ = 	snop  }
0x3c: {  	p2 =	seq.s32 s10, $0x1;
	s10 =	sld [smem:$0x3FB6]  }
0x3d: {  	_ =	shalt  }
0x3e: {  	_ =	shalt  }
0x3f: {  	_ =	shalt  }
0x40: {  	_ =	shalt  }
0x41: {  	_ =	shalt  }
0x42: {  	_ =	shalt  }
0x43: {  	_ =	shalt  }
0x44: {  	_ =	shalt  }
0x45: {  	_ =	shalt  }
0x46: {  	_ =	shalt  }
0x47: {  	_ =	shalt  }
0x48: {  	_ =	shalt  }
0x49: {  	_ =	shalt  }
0x4a: {  	_ =	shalt  }
0x4b: {  	_ =	shalt  }
0x4c: {  	_ =	shalt  }
0x4d: {  	_ =	shalt  }
0x4e: {  	_ =	shalt  }
0x4f: {  	_ =	shalt  }
0x50: {  	_ =	shalt  }
0x51: {  	_ =	shalt  }
0x52: {  	_ =	shalt  }
0x53: {  	_ =	shalt  }
0x54: {  	_ =	shalt  }
0x55: {  	_ =	shalt  }
0x56: {  	_ =	shalt  }
0x57: {  	_ =	shalt  }
0x58: {  	_ =	shalt  }
0x59: {  	_ =	shalt  }
0x5a: {  	_ =	shalt  }
0x5b: {  	_ =	shalt  }
0x5c: {  	_ =	shalt  }
0x5d: {  	_ =	shalt  }
0x5e: {  	_ =	shalt  }
0x5f: {  	_ =	shalt  }
0x60: {  	_ =	shalt  }
0x61: {  	_ =	shalt  }
0x62: {  	_ =	shalt  }
0x63: {  	_ =	shalt  }
0x64: {  	_ =	shalt  }
0x65: {  	_ =	shalt  }
0x66: {  	_ =	shalt  }
0x67: {  	_ =	shalt  }
0x68: {  	_ =	shalt  }
0x69: {  	_ =	shalt  }
0x6a: {  	_ =	shalt  }
0x6b: {  	_ =	shalt  }
0x6c: {  	_ =	shalt  }
0x6d: {  	_ =	shalt  }
0x6e: {  	_ =	shalt  }
0x6f: {  	_ =	shalt  }
0x70: {  	_ =	shalt  }
0x71: {  	_ =	shalt  }
0x72: {  	_ =	shalt  }
0x73: {  	_ =	shalt  }
0x74: {  	_ =	shalt  }
0x75: {  	_ =	shalt  }
0x76: {  	_ =	shalt  }
0x77: {  	_ =	shalt  }
0x78: {  	_ =	shalt  }
0x79: {  	_ =	shalt  }
0x7a: {  	_ =	shalt  }
0x7b: {  	_ =	shalt  }
0x7c: {  	_ =	shalt  }
0x7d: {  	_ =	shalt  }
0x7e: {  	_ =	shalt  }
0x7f: {  	_ =	shalt  }
0x80: {  	_ =	shalt  }
0x81: {  	_ =	shalt  }
0x82: {  	_ =	shalt  }
0x83: {  	_ =	shalt  }
0x84: {  	_ =	shalt  }
0x85: {  	_ =	shalt  }
0x86: {  	_ =	shalt  }
0x87: {  	_ =	shalt  }
.Lfunc_end0:
.L_simem_size_0:
called_computation_lowered:
.L_overlay_start_0:
0x88: {  	s2 =	sld [smem:$0x3FD9]  }
0x89: {  	s3 =	sld [smem:$0x3FFE];
	_ =	sdelay $0x1  }
0x8a: {  	s1 =	srdreg.scid  }
0x8b: {  	s0 =	sand.u32 $0x1, s1  }
0x8c: {  	s16 =	sshll.u32 s0, $0xA;
	s2 =	sadd.s32 s3, s2  }
0x8d: {  	s2 =	sadd.s32 s2, s16  }
0x8e: {  	[smem:$0x3FC2] =	sst s2  }
0x8f: {  	_ = 	snop  }
0x90: {  	(tm) =	ssettm $0x1  }
0x91: {  	s17 =	sld [smem:$0x3FFB];
	_ =	sdelay $0x3  }
0x92: {  	_ =	strace s17  }
0x93: {  	s2 =	sld [smem:$0x3FFC];
	_ =	sdelay $0x3  }
0x94: {  	_ =	strace s2  }
0x95: {  	s2 =	sld [smem:$0x3FFD];
	_ =	sdelay $0x3  }
0x96: {  	_ =	strace s2  }
0x97: {  	_ =	strace $0x8FFFFFFF  }
0x98: {  	s18 =	sld [smem:$0x3FDB];
	_ =	sdelay $0x1  }
0x99: {  	s19 =	simm.s32 $_scs_section_size  }
0x9a: {  	s4 =	simm.s32 $_size__tile_overlayer_lowered;
	s5 =	simm.s32 $_tile_overlayer_lowered  }
0x9b: {  	s22 =	simm.s32 $0x1BFF;
	s21 =	sshll.u32 s5, $0x1;
	s2 =	sadd.s32 s19, s18  }
0x9c: {  	s6 =	simm.s32 $0x0;
	s20 =	sshll.u32 s4, $0x1;
	s4 =	sadd.s32 s21, s2  }
0x9d: {  	[timem:s6], [sflag:s22] =	dma.local [hbm:s4], s20  }
0x9e: {  	_ =	swait.ge [sflag:s22], s20  }
0x9f: {  	s3 =	ssub.s32 $0x0, s20;
	[sflag:s22] =	ssyncset.done $0x0  }
0xa0: {  	[sflag:s22] =	ssyncadd.s32 s3;
	_ =	sdelay $0x1  }
0xa1: {  	s23 =	simm.s32 $0x1B8B  }
0xa2: {  	_ =	swait.ge [sflag:s23], $0x1  }
0xa3: {  	[sflag:s23] =	ssyncset.done $0x0  }
0xa4: {  	s25 =	simm.s32 $0x1B8E;
	s24 =	sld [smem:$0x3FFE];
	[sflag:s23] =	ssyncadd.s32 $0xFFFFFFFF  }
0xa5: {  	s26 =	simm.s32 $execute0_lowered;
	[smem:$0x3FD2] =	sst s25  }
0xa6: {  	s4 =	sshll.u32 s26, $0x1;
	_ =	strace $0x80000046;
	[dreg:$0x1] =	wrdreg $0xFFFFFFFF  }
0xa7: {  	s28 =	simm.s32 $_size_execute0_lowered;
	s2 =	sadd.s32 s2, s4;
	[dreg:$0x0] =	wrdreg $0x0  }
0xa8: {  	s4 =	sshll.u32 s28, $0x1;
	[dreg:$0x2] =	wrdreg s2  }
0xa9: {  	[dreg:$0x3] =	wrdreg s4  }
0xaa: {  	[dreg:$0x4] =	wrdreg $0xC0  }
0xab: {  	_ =	task [dreg:s6], $0x5FFFF  }
0xac: {  	[dreg:$0x1] =	wrdreg $0xFFFFFFFF  }
0xad: {  	[dreg:$0x0] =	wrdreg $0x60  }
0xae: {  	[dreg:$0x2] =	wrdreg s24  }
0xaf: {  	[dreg:$0x3] =	wrdreg $0x2FD00  }
0xb0: {  	[dreg:$0x4] =	wrdreg $0x9  }
0xb1: {  	_ =	task.clear_ibuf [dreg:s6], $0x5FFFF;
	_ =	strace $0x90000046  }
0xb2: {  	s29 =	simm.s32 $0x9;
	_ =	strace $0x80000048  }
0xb3: {  	_ =	swait.ge [sflag:s29], $0x1  }
0xb4: {  	[sflag:s29] =	ssyncadd.s32 $0xFFFFFFFF  }
0xb5: {  	_ =	strace $0x90000048  }
0xb6: {  	_ =	sfence  }
0xb7: {  	s30 =	sld [smem:$0x0];
	_ =	sdelay $0x2  }
0xb8: {  	s31 =	sshll.u32 s1, $0xD;
	s1 =	sshrl.u32 s1, $0x2  }
0xb9: {  	s3 =	sand.u32 $0x4000, s31;
	s1 =	sadd.s32 s1, s30  }
0xba: {  	s0 =	sor.u32 s3, s0;
	s1 =	sshll.u32 s1, $0x11  }
0xbb: {  	s0 =	sor.u32 s1, s0  }
0xbc: {  	s0 =	sadd.s32 $0x8F2B, s0  }
0xbd: {  	[sflag:s0] =	ssyncadd.remote.s32 $0x1  }
0xbe: {  	_ =	sfence.sel $0xFFFF  }
0xbf: {  	[dreg:$0x0] =	wrdreg $0xFFFFFFFF;
	(pc) =	sbr.abs _section_cstart, $3  }
0xc0: {  	[dreg:$0x1] =	wrdreg $0xFFFFFFFF  }
0xc1: {  	_ =	task.clear_ibuf [dreg:s6], $0x2FFFF;
	_ =	strace $0x9FFFFFFF  }
0xc2: {  	(tm) =	ssettm $0x7FFFFFFF  }
0xc3: {  	_ =	shalt  }
tec
execute0_lowered:
.L_overlay_start_1:
0x0: {  	(tag) =	ssettag $0x1  }
0x1: {  	s5 =	rddreg [dreg:$0x0]  }
0x2: {  	s2 =	rddreg [dreg:$0x1];
	s3 =	srdreg.scid  }
0x3: {  	s0 =	rddreg [dreg:$0x2];
	s1 =	stileid.u32  }
0x4: {  	s12 =	simm.s32 $0x2800;
	s13 =	simm.s32 $0x1;
	s14 =	simm.s32 $0x0  }
0x5: {  	s6 =	sand.u32 $0x1, s3;
	s3 =	simm.s32 $0x0;
	s7 =	smul.u32 $0x2800, s1  }
0x6: {  	s31 =	sshll.u32 s1, $0x6;
	s4 =	sshll.u32 s6, $0x4;
	[smem:$0x7FF] =	sst s3  }
0x7: {  	s8 =	smul.u32 $0x28000, s6;
	s6 =	ssub.s32 $0x2, s6;
	s4 =	sor.u32 s1, s4  }
0x8: {  	_ =	strace $0x80000047;
	s10 =	sshrl.u32 s6, $0x1;
	s11 =	sadd.s32 s7, s2  }
0x9: {  	s9 =	smul.u32 $0x2800, s4;
	s8 =	sadd.s32 s7, s8;
	s10 =	ssub.s32 s6, s10  }
0xa: {  	s4 =	sadd.s32 $0x16200, s5;
	s8 =	sshrl.u32 s8, $0x3;
	s7 =	smax.u32 s10, $0x1  }
0xb: {  	s10 =	sshrl.u32 s11, $0x3;
	s9 =	sshrl.u32 s9, $0x3;
	s8 =	sadd.s32 s8, s5  }
0xc: {  	s11 =	simm.s32 $0x7D;
	s5 =	sadd.s32 s5, s9;
	s6 =	sadd.s32 $0x16800, s8  }
0xd: {  	v0 =	vimm.f32 $1.000000000e+00;
	s8 =	simm.s32 $0x2;
	s9 =	sor.u32 $0x1C02, s31;
	s5 =	sadd.s32 $0xC200, s5  }
.LBB2_1:
0xe: {  	[tilespmem:s3], [sflag:$0x2] =	stream.linear.gather [hbm4b:s5+s3], $0x2800, $0x38;
	[tilespmem:$0x57D0] =	vst v63  }
0xf: {  	_ =	swait.ge [sflag:s8], $0x2800  }
0x10: {  	[sflag:s8] =	ssyncset.done $0x0  }
0x11: {  	[sflag:s8] =	ssyncadd.s32 $0xFFFFD800  }
0x12: {  	[spmem:s10], [sflag:s9] =	dma.local [hbm:s4], $0x500  }
0x13: {  	_ =	swait.ge [sflag:s8], $0x500  }
0x14: {  	[sflag:s8] =	ssyncset.done $0x0  }
0x15: {  	[sflag:s8] =	ssyncadd.s32 $0xFFFFFB00  }
0x16: {  	[tilespmem:$0x2800] =	vst v0  }
0x17: {  	[tilespmem:$0x2810] =	vst v0  }
0x18: {  	[tilespmem:$0x2820] =	vst v0  }
0x19: {  	[tilespmem:$0x2830] =	vst v0  }
0x1a: {  	[tilespmem:$0x2840] =	vst v0  }
0x1b: {  	[tilespmem:$0x2850] =	vst v0  }
0x1c: {  	[tilespmem:$0x2860] =	vst v0  }
0x1d: {  	[tilespmem:$0x2870] =	vst v0  }
0x1e: {  	[tilespmem:$0x2880] =	vst v0  }
0x1f: {  	[tilespmem:$0x2890] =	vst v0  }
0x20: {  	[tilespmem:$0x28A0] =	vst v0  }
0x21: {  	[tilespmem:$0x28B0] =	vst v0  }
0x22: {  	[tilespmem:$0x28C0] =	vst v0  }
0x23: {  	[tilespmem:$0x28D0] =	vst v0  }
0x24: {  	[tilespmem:$0x28E0] =	vst v0  }
0x25: {  	[tilespmem:$0x28F0] =	vst v0  }
0x26: {  	[tilespmem:$0x2900] =	vst v0  }
0x27: {  	[tilespmem:$0x2910] =	vst v0  }
0x28: {  	[tilespmem:$0x2920] =	vst v0  }
0x29: {  	[tilespmem:$0x2930] =	vst v0  }
0x2a: {  	[tilespmem:$0x2940] =	vst v0  }
0x2b: {  	[tilespmem:$0x2950] =	vst v0  }
0x2c: {  	[tilespmem:$0x2960] =	vst v0  }
0x2d: {  	[tilespmem:$0x2970] =	vst v0  }
0x2e: {  	[tilespmem:$0x2980] =	vst v0  }
0x2f: {  	[tilespmem:$0x2990] =	vst v0  }
0x30: {  	[tilespmem:$0x29A0] =	vst v0  }
0x31: {  	[tilespmem:$0x29B0] =	vst v0  }
0x32: {  	[tilespmem:$0x29C0] =	vst v0  }
0x33: {  	[tilespmem:$0x29D0] =	vst v0  }
0x34: {  	[tilespmem:$0x29E0] =	vst v0  }
0x35: {  	[tilespmem:$0x29F0] =	vst v0  }
0x36: {  	[tilespmem:$0x2A00] =	vst v0  }
0x37: {  	[tilespmem:$0x2A10] =	vst v0  }
0x38: {  	[tilespmem:$0x2A20] =	vst v0  }
0x39: {  	[tilespmem:$0x2A30] =	vst v0  }
0x3a: {  	[tilespmem:$0x2A40] =	vst v0  }
0x3b: {  	[tilespmem:$0x2A50] =	vst v0  }
0x3c: {  	[tilespmem:$0x2A60] =	vst v0  }
0x3d: {  	[tilespmem:$0x2A70] =	vst v0  }
0x3e: {  	[tilespmem:$0x2A80] =	vst v0  }
0x3f: {  	[tilespmem:$0x2A90] =	vst v0  }
0x40: {  	[tilespmem:$0x2AA0] =	vst v0  }
0x41: {  	[tilespmem:$0x2AB0] =	vst v0  }
0x42: {  	[tilespmem:$0x2AC0] =	vst v0  }
0x43: {  	[tilespmem:$0x2AD0] =	vst v0  }
0x44: {  	[tilespmem:$0x2AE0] =	vst v0  }
0x45: {  	[tilespmem:$0x2AF0] =	vst v0  }
0x46: {  	[tilespmem:$0x2B00] =	vst v0  }
0x47: {  	[tilespmem:$0x2B10] =	vst v0  }
0x48: {  	[tilespmem:$0x2B20] =	vst v0  }
0x49: {  	[tilespmem:$0x2B30] =	vst v0  }
0x4a: {  	[tilespmem:$0x2B40] =	vst v0  }
0x4b: {  	[tilespmem:$0x2B50] =	vst v0  }
0x4c: {  	[tilespmem:$0x2B60] =	vst v0  }
0x4d: {  	[tilespmem:$0x2B70] =	vst v0  }
0x4e: {  	[tilespmem:$0x2B80] =	vst v0  }
0x4f: {  	[tilespmem:$0x2B90] =	vst v0  }
0x50: {  	[tilespmem:$0x2BA0] =	vst v0  }
0x51: {  	[tilespmem:$0x2BB0] =	vst v0  }
0x52: {  	[tilespmem:$0x2BC0] =	vst v0  }
0x53: {  	[tilespmem:$0x2BD0] =	vst v0  }
0x54: {  	[tilespmem:$0x2BE0] =	vst v0  }
0x55: {  	[tilespmem:$0x2BF0] =	vst v0  }
0x56: {  	[tilespmem:$0x2C00] =	vst v0  }
0x57: {  	[tilespmem:$0x2C10] =	vst v0  }
0x58: {  	[tilespmem:$0x2C20] =	vst v0  }
0x59: {  	[tilespmem:$0x2C30] =	vst v0  }
0x5a: {  	[tilespmem:$0x2C40] =	vst v0  }
0x5b: {  	[tilespmem:$0x2C50] =	vst v0  }
0x5c: {  	[tilespmem:$0x2C60] =	vst v0  }
0x5d: {  	[tilespmem:$0x2C70] =	vst v0  }
0x5e: {  	[tilespmem:$0x2C80] =	vst v0  }
0x5f: {  	[tilespmem:$0x2C90] =	vst v0  }
0x60: {  	[tilespmem:$0x2CA0] =	vst v0  }
0x61: {  	[tilespmem:$0x2CB0] =	vst v0  }
0x62: {  	[tilespmem:$0x2CC0] =	vst v0  }
0x63: {  	[tilespmem:$0x2CD0] =	vst v0  }
0x64: {  	[tilespmem:$0x2CE0] =	vst v0  }
0x65: {  	[tilespmem:$0x2CF0] =	vst v0  }
0x66: {  	[tilespmem:$0x2D00] =	vst v0  }
0x67: {  	[tilespmem:$0x2D10] =	vst v0  }
0x68: {  	[tilespmem:$0x2D20] =	vst v0  }
0x69: {  	[tilespmem:$0x2D30] =	vst v0  }
0x6a: {  	[tilespmem:$0x2D40] =	vst v0  }
0x6b: {  	[tilespmem:$0x2D50] =	vst v0  }
0x6c: {  	[tilespmem:$0x2D60] =	vst v0  }
0x6d: {  	[tilespmem:$0x2D70] =	vst v0  }
0x6e: {  	[tilespmem:$0x2D80] =	vst v0  }
0x6f: {  	[tilespmem:$0x2D90] =	vst v0  }
0x70: {  	[tilespmem:$0x2DA0] =	vst v0  }
0x71: {  	[tilespmem:$0x2DB0] =	vst v0  }
0x72: {  	[tilespmem:$0x2DC0] =	vst v0  }
0x73: {  	[tilespmem:$0x2DD0] =	vst v0  }
0x74: {  	[tilespmem:$0x2DE0] =	vst v0  }
0x75: {  	[tilespmem:$0x2DF0] =	vst v0  }
0x76: {  	[tilespmem:$0x2E00] =	vst v0  }
0x77: {  	[tilespmem:$0x2E10] =	vst v0  }
0x78: {  	[tilespmem:$0x2E20] =	vst v0  }
0x79: {  	[tilespmem:$0x2E30] =	vst v0  }
0x7a: {  	[tilespmem:$0x2E40] =	vst v0  }
0x7b: {  	[tilespmem:$0x2E50] =	vst v0  }
0x7c: {  	[tilespmem:$0x2E60] =	vst v0  }
0x7d: {  	[tilespmem:$0x2E70] =	vst v0  }
0x7e: {  	[tilespmem:$0x2E80] =	vst v0  }
0x7f: {  	[tilespmem:$0x2E90] =	vst v0  }
0x80: {  	[tilespmem:$0x2EA0] =	vst v0  }
0x81: {  	[tilespmem:$0x2EB0] =	vst v0  }
0x82: {  	[tilespmem:$0x2EC0] =	vst v0  }
0x83: {  	[tilespmem:$0x2ED0] =	vst v0  }
0x84: {  	[tilespmem:$0x2EE0] =	vst v0  }
0x85: {  	[tilespmem:$0x2EF0] =	vst v0  }
0x86: {  	[tilespmem:$0x2F00] =	vst v0  }
0x87: {  	[tilespmem:$0x2F10] =	vst v0  }
0x88: {  	[tilespmem:$0x2F20] =	vst v0  }
0x89: {  	[tilespmem:$0x2F30] =	vst v0  }
0x8a: {  	[tilespmem:$0x2F40] =	vst v0  }
0x8b: {  	[tilespmem:$0x2F50] =	vst v0  }
0x8c: {  	[tilespmem:$0x2F60] =	vst v0  }
0x8d: {  	[tilespmem:$0x2F70] =	vst v0  }
0x8e: {  	[tilespmem:$0x2F80] =	vst v0  }
0x8f: {  	[tilespmem:$0x2F90] =	vst v0  }
0x90: {  	[tilespmem:$0x2FA0] =	vst v0  }
0x91: {  	[tilespmem:$0x2FB0] =	vst v0  }
0x92: {  	p0 =	por $0x1, $0x1;
	[tilespmem:$0x2FC0] =	vst v0  }
0x93: {  	s17 =	simm.s32 @!p0 $0x1;
	[bflag:$0x0] =	sbarrier.arrive $0xFFFF  }
0x94: {  	[spmem:s2] =	stream.indirect.scatter.add.f32 [tilespmem:s12], [sflag:$0x1], $0x10, s3, s11, $0xb8;
	[tilespmem:$0x57D0] =	vst v63  }
0x95: {  	_ =	swait.ge @!p0 [sflag:s17], $0x7D0  }
0x96: {  	s15 =	simm.s32 $0x1;
	s16 =	simm.s32 $0x0;
	[sflag:s17] =	ssyncset.done @!p0 $0x0  }
.LBB2_2:
0x97: {  	[sflag:s17] =	ssyncadd.s32 @!p0 $0xFFFFF830  }
0x98: {  	s16 =	sadd.s32 $0x80, s16;
	s17 =	smov.u32 s15;
	s15 =	sadd.s32 $0x1, s15  }
0x99: {  	p1 =	sne.s32 s15, $0x50  }
0x9a: {  	[spmem:s2] =	stream.indirect.scatter.add.f32 [tilespmem:s12], [sflag:$0x1], $0x10, s16, s11, $0xb8;
	[tilespmem:$0x57D0] =	vst v63  }
.Ltmp0:
0x9b: {  	_ = 	snop;
	(pc) =	sbr.rel @p1 .LBB2_2-.Ltmp0, $4  }
0x9c: {  	p0 =	slt.u32 s17, $0x10  }
0x9d: {  	s17 =	simm.s32 @!p0 $0x1  }
0x9e: {  	_ =	swait.ge @!p0 [sflag:s17], $0x7D0  }
0x9f: {  	[sflag:s17] =	ssyncset.done @!p0 $0x0  }
0xa0: {  	[sflag:s17] =	ssyncadd.s32 @!p0 $0xFFFFF830  }
0xa1: {  	_ =	swait.ge [sflag:s13], $0x7D0  }
0xa2: {  	[sflag:s13] =	ssyncset.done $0x0  }
0xa3: {  	[sflag:s13] =	ssyncadd.s32 $0xFFFFF830  }
0xa4: {  	_ =	swait.ge [sflag:s13], $0x7D0  }
0xa5: {  	[sflag:s13] =	ssyncset.done $0x0  }
0xa6: {  	[sflag:s13] =	ssyncadd.s32 $0xFFFFF830  }
0xa7: {  	_ =	swait.ge [sflag:s13], $0x7D0  }
0xa8: {  	[sflag:s13] =	ssyncset.done $0x0  }
0xa9: {  	[sflag:s13] =	ssyncadd.s32 $0xFFFFF830  }
0xaa: {  	_ =	swait.ge [sflag:s13], $0x7D0  }
0xab: {  	[sflag:s13] =	ssyncset.done $0x0  }
0xac: {  	[sflag:s13] =	ssyncadd.s32 $0xFFFFF830  }
0xad: {  	_ =	swait.ge [sflag:s13], $0x7D0  }
0xae: {  	[sflag:s13] =	ssyncset.done $0x0  }
0xaf: {  	[sflag:s13] =	ssyncadd.s32 $0xFFFFF830  }
0xb0: {  	_ =	swait.ge [sflag:s13], $0x7D0  }
0xb1: {  	[sflag:s13] =	ssyncset.done $0x0  }
0xb2: {  	[sflag:s13] =	ssyncadd.s32 $0xFFFFF830  }
0xb3: {  	_ =	swait.ge [sflag:s13], $0x7D0  }
0xb4: {  	[sflag:s13] =	ssyncset.done $0x0  }
0xb5: {  	[sflag:s13] =	ssyncadd.s32 $0xFFFFF830  }
0xb6: {  	_ =	swait.ge [sflag:s13], $0x7D0  }
0xb7: {  	[sflag:s13] =	ssyncset.done $0x0  }
0xb8: {  	[sflag:s13] =	ssyncadd.s32 $0xFFFFF830  }
0xb9: {  	_ =	swait.ge [sflag:s13], $0x7D0  }
0xba: {  	[sflag:s13] =	ssyncset.done $0x0  }
0xbb: {  	[sflag:s13] =	ssyncadd.s32 $0xFFFFF830  }
0xbc: {  	_ =	swait.ge [sflag:s13], $0x7D0  }
0xbd: {  	[sflag:s13] =	ssyncset.done $0x0  }
0xbe: {  	[sflag:s13] =	ssyncadd.s32 $0xFFFFF830  }
0xbf: {  	_ =	swait.ge [sflag:s13], $0x7D0  }
0xc0: {  	[sflag:s13] =	ssyncset.done $0x0  }
0xc1: {  	[sflag:s13] =	ssyncadd.s32 $0xFFFFF830  }
0xc2: {  	_ =	swait.ge [sflag:s13], $0x7D0  }
0xc3: {  	[sflag:s13] =	ssyncset.done $0x0  }
0xc4: {  	[sflag:s13] =	ssyncadd.s32 $0xFFFFF830  }
0xc5: {  	_ =	swait.ge [sflag:s13], $0x7D0  }
0xc6: {  	[sflag:s13] =	ssyncset.done $0x0  }
0xc7: {  	[sflag:s13] =	ssyncadd.s32 $0xFFFFF830  }
0xc8: {  	_ =	swait.ge [sflag:s13], $0x7D0  }
0xc9: {  	[sflag:s13] =	ssyncset.done $0x0  }
0xca: {  	[sflag:s13] =	ssyncadd.s32 $0xFFFFF830  }
0xcb: {  	_ =	swait.ge [sflag:s13], $0x7D0  }
0xcc: {  	[sflag:s13] =	ssyncset.done $0x0  }
0xcd: {  	[sflag:s13] =	ssyncadd.s32 $0xFFFFF830  }
0xce: {  	_ =	swait.ge [sflag:s13], $0x7D0  }
0xcf: {  	s14 =	sadd.s32 $0x1, s14;
	[sflag:s13] =	ssyncset.done $0x0  }
0xd0: {  	p0 =	sne.s32 s14, s7;
	[sflag:s13] =	ssyncadd.s32 $0xFFFFF830  }
.Ltmp1:
0xd1: {  	[bflag:$0x0] =	sbarrier.arrive $0xFFFF;
	(pc) =	sbr.rel @p0 .LBB2_1-.Ltmp1, $4  }
0xd2: {  	[hbm:s6], [sflag:s9] =	dma.local [spmem:s10], $0x500  }
0xd3: {  	_ =	swait.ge [sflag:s8], $0x500  }
0xd4: {  	[sflag:s8] =	ssyncset.done $0x0  }
0xd5: {  	[sflag:s8] =	ssyncadd.s32 $0xFFFFFB00  }
0xd6: {  	_ =	sfence.sel $0x180000  }
0xd7: {  	[bflag:$0x0] =	sbarrier.arrive $0xFFFF  }
0xd8: {  	p0 =	sne.s32 s1, $0x0;
	_ =	strace $0x90000047  }
0xd9: {  	s0 =	sadd.s32 @!p0 $0x100000, s0;
	[bflag:$0x2] =	sbarrier.arrive $0xFFFF  }
0xda: {  	[sflag:s0] =	ssyncadd.tile.s32 @!p0 $0x1;
	_ =	shalt  }
.Lfunc_end2:
_tile_overlayer_lowered:
.L_overlay_start_2:
0xdb: {  	(tag) =	ssettag $0x2  }
0xdc: {  	s0 =	rddreg [dreg:$0x0];
	s2 =	stileid.u32  }
0xdd: {  	s1 =	rddreg [dreg:$0x1];
	p0 =	sne.s32 s2, $0x0  }
0xde: {  	s3 =	rddreg [dreg:$0x2];
	[bflag:$0x3] =	sbarrier.arrive $0xFFFF;
	s2 =	simm.s32 @!p0 $0x1C02  }
0xdf: {  	[timem:s3], [sflag:s2] =	dma.local @!p0 [hbm:s0], s1  }
0xe0: {  	s0 =	simm.s32 @!p0 $0x2  }
0xe1: {  	_ =	swait.ge @!p0 [sflag:s0], s1  }
0xe2: {  	s1 =	ssub.s32 @!p0 $0x0, s1;
	[sflag:s0] =	ssyncset.done @!p0 $0x0  }
0xe3: {  	[sflag:s0] =	ssyncadd.s32 @!p0 s1  }
0xe4: {  	[bflag:$0x3] =	sbarrier.arrive $0xFFFF  }
0xe5: {  	_ =	shalt  }

</sc_bundles>
